<compile_context>
chip_gen: v7x
topology: tpu7x:2x2x1
jax: 0.10.2.dev20260603
libtpu: 0.0.44.dev20260713+nightly
codegen_flags: <defaults>
</compile_context>

<pallas_src>
import functools

import jax
import jax.numpy as jnp
from jax import lax
from jax.experimental import pallas as pl
from jax.experimental.pallas import tpu as pltpu
from jax.experimental.pallas import tpu_sc as plsc

N = 100000
E = 1600000
B = 128
HIDDEN = 32
HALF = 16
NUM_CLASSES = 2

ROWS = 1024
GRID1 = 98
NPAD = GRID1 * ROWS

NS = 16
ROWS_PER_TILE = NPAD // NS
CHUNK = 128
IB = 5
NBLK = 168
CHUNKS_PER_TILE = IB * NBLK
EDGES_PER_TILE = CHUNKS_PER_TILE * CHUNK
EPAD = NS * EDGES_PER_TILE


def _enc_body(xb_ref, bt_ref, xg_ref, wl_ref, bl_ref, wg_ref, bg_ref,
              wm_ref, bm_ref, wmsg_ref, bmsg_ref, wself_ref, bself_ref,
              m_ref):
    f32 = jnp.float32
    g = jnp.maximum(
        jnp.dot(xg_ref[...], wg_ref[...], preferred_element_type=f32) + bg_ref[...], 0.0)
    hl = jnp.maximum(
        jnp.dot(xb_ref[...], wl_ref[...], preferred_element_type=f32) + bl_ref[...], 0.0)
    bt = bt_ref[0, 0, :]
    oh = (bt[:, None] == lax.broadcasted_iota(jnp.int32, (ROWS, B), 1)).astype(f32)
    hg = jnp.dot(oh, g, preferred_element_type=f32)
    hcat = jnp.concatenate([hl, hg, hl * hg], axis=1)
    h0 = jnp.maximum(
        jnp.dot(hcat, wm_ref[...], preferred_element_type=f32) + bm_ref[...], 0.0)
    m0 = jnp.maximum(
        jnp.dot(h0, wmsg_ref[...], preferred_element_type=f32) + bmsg_ref[...], 0.0)
    t0 = m0 + jnp.dot(h0, wself_ref[...], preferred_element_type=f32) + bself_ref[...]
    m_ref[...] = jnp.concatenate(
        [m0, t0, jnp.zeros((ROWS, 128 - 2 * HIDDEN), f32)], axis=1)


def _whole(shape):
    nd = len(shape)
    return pl.BlockSpec(shape, lambda i: (0,) * nd)


def _encoder(x_local, batch3, x_global, wl, bl, wg, bg, wm, bm, wmsg, bmsg,
             wself, bself):
    return pl.pallas_call(
        _enc_body,
        grid=(GRID1,),
        in_specs=[
            pl.BlockSpec((ROWS, 128), lambda i: (i, 0)),
            pl.BlockSpec((1, 1, ROWS), lambda i: (i, 0, 0)),
            _whole((B, 64)),
            _whole((128, HIDDEN)), _whole((1, HIDDEN)),
            _whole((64, HIDDEN)), _whole((1, HIDDEN)),
            _whole((3 * HIDDEN, HIDDEN)), _whole((1, HIDDEN)),
            _whole((HIDDEN, HIDDEN)), _whole((1, HIDDEN)),
            _whole((HIDDEN, HIDDEN)), _whole((1, HIDDEN)),
        ],
        out_specs=pl.BlockSpec((ROWS, 128), lambda i: (i, 0)),
        out_shape=jax.ShapeDtypeStruct((NPAD, 128), jnp.float32),
    )(x_local, batch3, x_global, wl, bl, wg, bg, wm, bm, wmsg, bmsg, wself, bself)


def _sc_body(flat, zeros, srca2d, srcb2d, dst2d, outa, outb,
             sidx, didx, rows, acc, semg0, semg1, sems0, sems1):
    c = lax.axis_index("c")
    s = lax.axis_index("s")
    semg = (semg0, semg1)
    sems = (sems0, sems1)

    def run(src2d, out):
        r0 = s * ROWS_PER_TILE
        pltpu.sync_copy(zeros.at[pl.ds(r0, ROWS_PER_TILE)],
                        acc.at[pl.ds(r0, ROWS_PER_TILE)])
        plsc.subcore_barrier()
        row_base = s * CHUNKS_PER_TILE

        def load_idx(b, p):
            pltpu.sync_copy(src2d.at[pl.ds(row_base + b * IB, IB)], sidx.at[p])
            pltpu.sync_copy(dst2d.at[pl.ds(row_base + b * IB, IB)], didx.at[p])

        def fire_gathers(p):
            for jj in range(IB):
                pltpu.async_copy(
                    flat.at[sidx.at[p, jj]], rows.at[p, jj], semg[p])

        def drain_gathers(p):
            for jj in range(IB):
                pltpu.make_async_copy(
                    flat.at[sidx.at[p, jj]], rows.at[p, jj], semg[p]).wait()

        def fire_scatters(p):
            for jj in range(IB):
                pltpu.async_copy(rows.at[p, jj], acc.at[didx.at[p, jj]],
                                 sems[p], add=True)

        def drain_scatters(p):
            for jj in range(IB):
                pltpu.make_async_copy(
                    rows.at[p, jj], acc.at[didx.at[p, jj]], sems[p]).wait()

        load_idx(jnp.int32(0), 0)
        fire_gathers(0)

        def pair2(bb, carry):
            b0 = 2 * bb
            @pl.when(bb > 0)
            def _():
                drain_scatters(1)
            load_idx(b0 + 1, 1)
            fire_gathers(1)
            drain_gathers(0)
            fire_scatters(0)
            drain_scatters(0)
            load_idx(b0 + 2, 0)
            fire_gathers(0)
            drain_gathers(1)
            fire_scatters(1)
            return carry

        npair = NBLK // 2 - 1
        lax.fori_loop(0, npair, pair2, 0)
        drain_scatters(1)
        load_idx(jnp.int32(NBLK - 1), 1)
        fire_gathers(1)
        drain_gathers(0)
        fire_scatters(0)
        drain_scatters(0)
        drain_gathers(1)
        fire_scatters(1)
        drain_scatters(1)
        plsc.subcore_barrier()
        pltpu.sync_copy(acc.at[pl.ds(r0, ROWS_PER_TILE)],
                        out.at[pl.ds(r0, ROWS_PER_TILE)])

    @pl.when(c == 0)
    def _():
        run(srca2d, outa)

    @pl.when(c == 1)
    def _():
        run(srcb2d, outb)


@functools.partial(
    pl.kernel,
    out_type=(jax.ShapeDtypeStruct((NPAD, HALF), jnp.float32),) * 2,
    mesh=plsc.VectorSubcoreMesh(core_axis_name="c", subcore_axis_name="s"),
    scratch_types=[
        pltpu.VMEM((2, IB, CHUNK), jnp.int32),
        pltpu.VMEM((2, IB, CHUNK), jnp.int32),
        pltpu.VMEM((2, IB, CHUNK, HALF), jnp.float32),
        pltpu.VMEM_SHARED((NPAD, HALF), jnp.float32),
        pltpu.SemaphoreType.DMA,
        pltpu.SemaphoreType.DMA,
        pltpu.SemaphoreType.DMA,
        pltpu.SemaphoreType.DMA,
    ],
    compiler_params=pltpu.CompilerParams(use_tc_tiling_on_sc=False),
)
def _sc_edge(flat, zeros, srca2d, srcb2d, dst2d, outa, outb,
             sidx, didx, rows, acc, semg0, semg1, sems0, sems1):
    _sc_body(flat, zeros, srca2d, srcb2d, dst2d, outa, outb,
             sidx, didx, rows, acc, semg0, semg1, sems0, sems1)


def _head_body(a_ref, b_ref, wa_ref, wb_ref, bo_ref, out_ref):
    ha = jnp.maximum(a_ref[...], 0.0)
    hb = jnp.maximum(b_ref[...], 0.0)
    out_ref[...] = (jnp.dot(ha, wa_ref[...], preferred_element_type=jnp.float32)
                    + jnp.dot(hb, wb_ref[...], preferred_element_type=jnp.float32)
                    + bo_ref[...])


HROWS = 784


def _head(pa, pb, wbig_a, wbig_b, bbig):
    return pl.pallas_call(
        _head_body,
        grid=(NPAD // 8 // HROWS,),
        in_specs=[
            pl.BlockSpec((HROWS, 128), lambda i: (i, 0)),
            pl.BlockSpec((HROWS, 128), lambda i: (i, 0)),
            _whole((128, 8 * NUM_CLASSES)),
            _whole((128, 8 * NUM_CLASSES)),
            _whole((1, 8 * NUM_CLASSES)),
        ],
        out_specs=pl.BlockSpec((HROWS, 8 * NUM_CLASSES), lambda i: (i, 0)),
        out_shape=jax.ShapeDtypeStruct((N * NUM_CLASSES // 16, 8 * NUM_CLASSES),
                                       jnp.float32),
    )(pa, pb, wbig_a, wbig_b, bbig)


@jax.jit
def kernel(x_local, x_global, edge_index, batch, W_local, b_local, W_global,
           b_global, W_mix, b_mix, W_msg, b_msg, W_self, b_self, W_out, b_out):
    batch3 = jnp.pad(batch, (0, NPAD - N)).reshape(GRID1, 1, ROWS)
    npadearr = EPAD - E - NPAD
    pad_e = jnp.full((npadearr,), N, jnp.int32)
    nodes = jnp.arange(NPAD, dtype=jnp.int32)
    srca = jnp.concatenate([edge_index[0] * 8, nodes * 8 + 2, pad_e * 8])
    srca2d = srca.reshape(EPAD // CHUNK, CHUNK)
    srcb2d = (srca + 1).reshape(EPAD // CHUNK, CHUNK)
    dst2d = jnp.concatenate([edge_index[1], nodes, pad_e]).reshape(
        EPAD // CHUNK, CHUNK)
    zeros = jnp.zeros((NPAD, HALF), jnp.float32)
    row = lambda v: v.reshape(1, -1)

    m0w = _encoder(
        x_local, batch3, x_global, W_local, row(b_local), W_global, row(b_global),
        W_mix, row(b_mix), W_msg, row(b_msg), W_self, row(b_self))
    flat = m0w.reshape(8 * NPAD, HALF)
    outa, outb = _sc_edge(flat, zeros, srca2d, srcb2d, dst2d)

    eye8 = jnp.eye(8, dtype=jnp.float32)
    wbig_a = jnp.kron(eye8, W_out[:HALF])
    wbig_b = jnp.kron(eye8, W_out[HALF:])
    bbig = jnp.tile(b_out, 8).reshape(1, 8 * NUM_CLASSES)
    pa = outa.reshape(NPAD // 8, 128)
    pb = outb.reshape(NPAD // 8, 128)
    packed = _head(pa, pb, wbig_a, wbig_b, bbig)
    return packed.reshape(N, NUM_CLASSES)

# --- scband reference (transcript-rebuilt; emitter-appended) ---
"""Pipeline reference for scband-mixed-gnn-11974368821437 (READ-ONLY COPY).

The authoritative reference and input builder live on the scoring server;
editing this copy changes nothing except your own understanding.
"""

import jax, jax.numpy as jnp
import numpy as np

N = 100000
E = 1600000
B = 128
IN_LOCAL = 128
IN_GLOBAL = 64
HIDDEN = 32
NUM_CLASSES = 2


def setup_inputs(seed: int = 0) -> dict:
    key = jax.random.key(seed)
    ks = jax.random.split(key, 16)
    x_local = jax.random.normal(ks[0], (N, IN_LOCAL), dtype=jnp.float32)
    x_global = jax.random.normal(ks[1], (B, IN_GLOBAL), dtype=jnp.float32)
    edge_index = jax.random.randint(ks[2], (2, E), 0, N, dtype=jnp.int32)
    batch = jnp.sort(jax.random.randint(ks[3], (N,), 0, B, dtype=jnp.int32))
    W_local = jax.random.normal(ks[4], (IN_LOCAL, HIDDEN), dtype=jnp.float32) / np.sqrt(IN_LOCAL)
    b_local = jnp.zeros((HIDDEN,), dtype=jnp.float32)
    W_global = jax.random.normal(ks[5], (IN_GLOBAL, HIDDEN), dtype=jnp.float32) / np.sqrt(IN_GLOBAL)
    b_global = jnp.zeros((HIDDEN,), dtype=jnp.float32)
    W_mix = jax.random.normal(ks[6], (3 * HIDDEN, HIDDEN), dtype=jnp.float32) / np.sqrt(3 * HIDDEN)
    b_mix = jnp.zeros((HIDDEN,), dtype=jnp.float32)
    W_msg = jax.random.normal(ks[7], (HIDDEN, HIDDEN), dtype=jnp.float32) / np.sqrt(HIDDEN)
    b_msg = jnp.zeros((HIDDEN,), dtype=jnp.float32)
    W_self = jax.random.normal(ks[8], (HIDDEN, HIDDEN), dtype=jnp.float32) / np.sqrt(HIDDEN)
    b_self = jnp.zeros((HIDDEN,), dtype=jnp.float32)
    W_out = jax.random.normal(ks[9], (HIDDEN, NUM_CLASSES), dtype=jnp.float32) / np.sqrt(HIDDEN)
    b_out = jnp.zeros((NUM_CLASSES,), dtype=jnp.float32)
    return {
        'x_local': x_local, 'x_global': x_global, 'edge_index': edge_index, 'batch': batch,
        'W_local': W_local, 'b_local': b_local, 'W_global': W_global, 'b_global': b_global,
        'W_mix': W_mix, 'b_mix': b_mix, 'W_msg': W_msg, 'b_msg': b_msg,
        'W_self': W_self, 'b_self': b_self, 'W_out': W_out, 'b_out': b_out,
    }


def reference(x_local, x_global, edge_index, batch, W_local, b_local, W_global, b_global,
              W_mix, b_mix, W_msg, b_msg, W_self, b_self, W_out, b_out):
    # --- MixedSelectivityNodeEncoder ---
    h_local = jax.nn.relu(x_local @ W_local + b_local)
    h_global_graph = jax.nn.relu(x_global @ W_global + b_global)
    h_global = jnp.take(h_global_graph, batch, axis=0)  # broadcast per-graph global to nodes
    h_int = h_local * h_global
    h_cat = jnp.concatenate([h_local, h_global, h_int], axis=-1)
    h0 = jax.nn.relu(h_cat @ W_mix + b_mix)
    # --- MixedSelectivityGNNLayer (aggr='add', add_self_loops) ---
    n = h0.shape[0]
    loops = jnp.arange(n, dtype=edge_index.dtype)
    src = jnp.concatenate([edge_index[0], loops])
    dst = jnp.concatenate([edge_index[1], loops])
    x_j = jnp.take(h0, src, axis=0)
    msg = jax.nn.relu(x_j @ W_msg + b_msg)
    aggr_out = jax.ops.segment_sum(msg, dst, num_segments=n)
    h = jax.nn.relu(aggr_out + h0 @ W_self + b_self)
    # --- output head ---
    logits = h @ W_out + b_out
    return logits

if __name__ == "__main__":
    import jax
    _d = setup_inputs()
    print(jax.jit(kernel)(*tuple(_d.values())))

</pallas_src>

<mosaic_0001>
#map = affine_map<(d0, d1) -> (0, 0)>
module attributes {stable_mosaic.version = 14 : i64} {
  func.func @_sc_edge(%arg0: i32, %arg1: i32, %arg2: memref<802816x16xf32, #tpu.memory_space<hbm>>, %arg3: memref<100352x16xf32, #tpu.memory_space<hbm>>, %arg4: memref<13440x128xi32, #tpu.memory_space<hbm>>, %arg5: memref<13440x128xi32, #tpu.memory_space<hbm>>, %arg6: memref<13440x128xi32, #tpu.memory_space<hbm>>, %arg7: memref<100352x16xf32, #tpu.memory_space<hbm>>, %arg8: memref<100352x16xf32, #tpu.memory_space<hbm>>, %arg9: memref<2x5x128xi32, #tpu.memory_space<vmem>>, %arg10: memref<2x5x128xi32, #tpu.memory_space<vmem>>, %arg11: memref<2x5x128x16xf32, #tpu.memory_space<vmem>>, %arg12: memref<100352x16xf32, #tpu.memory_space<vmem_shared>>, %arg13: memref<!tpu.dma_semaphore, #tpu.memory_space<semaphore_mem>>, %arg14: memref<!tpu.dma_semaphore, #tpu.memory_space<semaphore_mem>>, %arg15: memref<!tpu.dma_semaphore, #tpu.memory_space<semaphore_mem>>, %arg16: memref<!tpu.dma_semaphore, #tpu.memory_space<semaphore_mem>>) attributes {dimension_semantics = [#tpu.dimension_semantics<core_parallel>, #tpu.dimension_semantics<subcore_parallel>], iteration_bounds = array<i64: 2, 16>, scalar_prefetch = 0 : i64, scratch_operands = 8 : i64, tpu.core_type = #tpu.core_type<sc_vector_subcore>, window_params = [{transform_indices = #map}, {transform_indices = #map}, {transform_indices = #map}, {transform_indices = #map}, {transform_indices = #map}, {transform_indices = #map}, {transform_indices = #map}]} {
    %eq3A = arith.constant 0 : i32
    %eq3A_0 = arith.cmpi eq, %arg0, %eq3A : i32
    %convert_element_type3A = arith.extui %eq3A_0 : i1 to i32
    %cond3A = arith.constant 0 : i32
    %cond3A_1 = arith.cmpi ne, %convert_element_type3A, %cond3A : i32
    scf.if %cond3A_1 {
      %mul3A = arith.constant 6272 : i32
      %mul3A_7 = arith.muli %arg1, %mul3A : i32
      "tpu.region"() ({
        %run_scoped3A_662 = tpu.sem_alloc : memref<!tpu.dma_semaphore, #tpu.memory_space<semaphore_mem>>
        %dma_start3A_663 = arith.constant 0 : i32
        %dma_start3A_664 = tpu.memref_slice %arg12[%mul3A_7, %dma_start3A_663] : memref<100352x16xf32, #tpu.memory_space<vmem_shared>> -> memref<6272x16xf32, #tpu.memory_space<vmem_shared>>
        %dma_start3A_665 = arith.constant 0 : i32
        %dma_start3A_666 = tpu.memref_slice %arg3[%mul3A_7, %dma_start3A_665] : memref<100352x16xf32, #tpu.memory_space<hbm>> -> memref<6272x16xf32, #tpu.memory_space<hbm>>
        tpu.enqueue_dma source(%dma_start3A_666 : memref<6272x16xf32, #tpu.memory_space<hbm>>) target(%dma_start3A_664 : memref<6272x16xf32, #tpu.memory_space<vmem_shared>>) target_semaphore(%run_scoped3A_662 : memref<!tpu.dma_semaphore, #tpu.memory_space<semaphore_mem>>)
        %dma_wait3A_667 = arith.constant 0 : i32
        %dma_wait3A_668 = tpu.memref_slice %arg12[%mul3A_7, %dma_wait3A_667] : memref<100352x16xf32, #tpu.memory_space<vmem_shared>> -> memref<6272x16xf32, #tpu.memory_space<vmem_shared>>
        %dma_wait3A_669 = arith.constant 0 : i32
        %dma_wait3A_670 = tpu.memref_slice %arg3[%mul3A_7, %dma_wait3A_669] : memref<100352x16xf32, #tpu.memory_space<hbm>> -> memref<6272x16xf32, #tpu.memory_space<hbm>>
        tpu.wait_dma2 semaphore(%run_scoped3A_662 : memref<!tpu.dma_semaphore, #tpu.memory_space<semaphore_mem>>) src(%dma_wait3A_670 : memref<6272x16xf32, #tpu.memory_space<hbm>>) dst(%dma_wait3A_668 : memref<6272x16xf32, #tpu.memory_space<vmem_shared>>)
        tpu.yield
      }) : () -> ()
      %barrier3A = arith.constant 0 : index
      tpu.barrier barrier_id(%barrier3A)
      %mul3A_8 = arith.constant 840 : i32
      %mul3A_9 = arith.muli %arg1, %mul3A_8 : i32
      %mul3A_10 = arith.constant 0 : i32
      %mul3A_11 = arith.constant 5 : i32
      %mul3A_12 = arith.muli %mul3A_10, %mul3A_11 : i32
      %add3A = arith.addi %mul3A_9, %mul3A_12 : i32
      %run_scoped3A = arith.constant 0 : i32
      "tpu.region"() ({
        %run_scoped3A_662 = tpu.sem_alloc : memref<!tpu.dma_semaphore, #tpu.memory_space<semaphore_mem>>
        %dma_start3A_663 = arith.constant 0 : i32
        %dma_start3A_664 = arith.constant 0 : i32
        %dma_start3A_665 = tpu.memref_slice %arg9[%run_scoped3A, %dma_start3A_663, %dma_start3A_664] : memref<2x5x128xi32, #tpu.memory_space<vmem>> -> memref<1x5x128xi32, #tpu.memory_space<vmem>>
        %dma_start3A_666 = tpu.memref_squeeze %dma_start3A_665 : memref<1x5x128xi32, #tpu.memory_space<vmem>> -> memref<5x128xi32, #tpu.memory_space<vmem>>
        %dma_start3A_667 = arith.constant 0 : i32
        %dma_start3A_668 = tpu.memref_slice %arg4[%add3A, %dma_start3A_667] : memref<13440x128xi32, #tpu.memory_space<hbm>> -> memref<5x128xi32, #tpu.memory_space<hbm>>
        %dma_start3A_669 = arith.constant 0 : i32
        %dma_start3A_670 = arith.constant 0 : i32
        %dma_start3A_671 = tpu.memref_slice %arg9[%run_scoped3A, %dma_start3A_669, %dma_start3A_670] : memref<2x5x128xi32, #tpu.memory_space<vmem>> -> memref<1x5x128xi32, #tpu.memory_space<vmem>>
        %dma_start3A_672 = tpu.memref_squeeze %dma_start3A_671 : memref<1x5x128xi32, #tpu.memory_space<vmem>> -> memref<5x128xi32, #tpu.memory_space<vmem>>
        %dma_start3A_673 = arith.constant 0 : i32
        %dma_start3A_674 = tpu.memref_slice %arg4[%add3A, %dma_start3A_673] : memref<13440x128xi32, #tpu.memory_space<hbm>> -> memref<5x128xi32, #tpu.memory_space<hbm>>
        tpu.enqueue_dma source(%dma_start3A_674 : memref<5x128xi32, #tpu.memory_space<hbm>>) target(%dma_start3A_672 : memref<5x128xi32, #tpu.memory_space<vmem>>) target_semaphore(%run_scoped3A_662 : memref<!tpu.dma_semaphore, #tpu.memory_space<semaphore_mem>>)
        %dma_wait3A_675 = arith.constant 0 : i32
        %dma_wait3A_676 = arith.constant 0 : i32
        %dma_wait3A_677 = tpu.memref_slice %arg9[%run_scoped3A, %dma_wait3A_675, %dma_wait3A_676] : memref<2x5x128xi32, #tpu.memory_space<vmem>> -> memref<1x5x128xi32, #tpu.memory_space<vmem>>
        %dma_wait3A_678 = tpu.memref_squeeze %dma_wait3A_677 : memref<1x5x128xi32, #tpu.memory_space<vmem>> -> memref<5x128xi32, #tpu.memory_space<vmem>>
        %dma_wait3A_679 = arith.constant 0 : i32
        %dma_wait3A_680 = tpu.memref_slice %arg4[%add3A, %dma_wait3A_679] : memref<13440x128xi32, #tpu.memory_space<hbm>> -> memref<5x128xi32, #tpu.memory_space<hbm>>
        %dma_wait3A_681 = arith.constant 0 : i32
        %dma_wait3A_682 = arith.constant 0 : i32
        %dma_wait3A_683 = tpu.memref_slice %arg9[%run_scoped3A, %dma_wait3A_681, %dma_wait3A_682] : memref<2x5x128xi32, #tpu.memory_space<vmem>> -> memref<1x5x128xi32, #tpu.memory_space<vmem>>
        %dma_wait3A_684 = tpu.memref_squeeze %dma_wait3A_683 : memref<1x5x128xi32, #tpu.memory_space<vmem>> -> memref<5x128xi32, #tpu.memory_space<vmem>>
        %dma_wait3A_685 = arith.constant 0 : i32
        %dma_wait3A_686 = tpu.memref_slice %arg4[%add3A, %dma_wait3A_685] : memref<13440x128xi32, #tpu.memory_space<hbm>> -> memref<5x128xi32, #tpu.memory_space<hbm>>
        tpu.wait_dma2 semaphore(%run_scoped3A_662 : memref<!tpu.dma_semaphore, #tpu.memory_space<semaphore_mem>>) src(%dma_wait3A_686 : memref<5x128xi32, #tpu.memory_space<hbm>>) dst(%dma_wait3A_684 : memref<5x128xi32, #tpu.memory_space<vmem>>)
        tpu.yield
      }) : () -> ()
      %mul3A_13 = arith.constant 0 : i32
      %mul3A_14 = arith.constant 5 : i32
      %mul3A_15 = arith.muli %mul3A_13, %mul3A_14 : i32
      %add3A_16 = arith.addi %mul3A_9, %mul3A_15 : i32
      %run_scoped3A_17 = arith.constant 0 : i32
      "tpu.region"() ({
        %run_scoped3A_662 = tpu.sem_alloc : memref<!tpu.dma_semaphore, #tpu.memory_space<semaphore_mem>>
        %dma_start3A_663 = arith.constant 0 : i32
        %dma_start3A_664 = arith.constant 0 : i32
        %dma_start3A_665 = tpu.memref_slice %arg10[%run_scoped3A_17, %dma_start3A_663, %dma_start3A_664] : memref<2x5x128xi32, #tpu.memory_space<vmem>> -> memref<1x5x128xi32, #tpu.memory_space<vmem>>
        %dma_start3A_666 = tpu.memref_squeeze %dma_start3A_665 : memref<1x5x128xi32, #tpu.memory_space<vmem>> -> memref<5x128xi32, #tpu.memory_space<vmem>>
        %dma_start3A_667 = arith.constant 0 : i32
        %dma_start3A_668 = tpu.memref_slice %arg6[%add3A_16, %dma_start3A_667] : memref<13440x128xi32, #tpu.memory_space<hbm>> -> memref<5x128xi32, #tpu.memory_space<hbm>>
        %dma_start3A_669 = arith.constant 0 : i32
        %dma_start3A_670 = arith.constant 0 : i32
        %dma_start3A_671 = tpu.memref_slice %arg10[%run_scoped3A_17, %dma_start3A_669, %dma_start3A_670] : memref<2x5x128xi32, #tpu.memory_space<vmem>> -> memref<1x5x128xi32, #tpu.memory_space<vmem>>
        %dma_start3A_672 = tpu.memref_squeeze %dma_start3A_671 : memref<1x5x128xi32, #tpu.memory_space<vmem>> -> memref<5x128xi32, #tpu.memory_space<vmem>>
        %dma_start3A_673 = arith.constant 0 : i32
        %dma_start3A_674 = tpu.memref_slice %arg6[%add3A_16, %dma_start3A_673] : memref<13440x128xi32, #tpu.memory_space<hbm>> -> memref<5x128xi32, #tpu.memory_space<hbm>>
        tpu.enqueue_dma source(%dma_start3A_674 : memref<5x128xi32, #tpu.memory_space<hbm>>) target(%dma_start3A_672 : memref<5x128xi32, #tpu.memory_space<vmem>>) target_semaphore(%run_scoped3A_662 : memref<!tpu.dma_semaphore, #tpu.memory_space<semaphore_mem>>)
        %dma_wait3A_675 = arith.constant 0 : i32
        %dma_wait3A_676 = arith.constant 0 : i32
        %dma_wait3A_677 = tpu.memref_slice %arg10[%run_scoped3A_17, %dma_wait3A_675, %dma_wait3A_676] : memref<2x5x128xi32, #tpu.memory_space<vmem>> -> memref<1x5x128xi32, #tpu.memory_space<vmem>>
        %dma_wait3A_678 = tpu.memref_squeeze %dma_wait3A_677 : memref<1x5x128xi32, #tpu.memory_space<vmem>> -> memref<5x128xi32, #tpu.memory_space<vmem>>
        %dma_wait3A_679 = arith.constant 0 : i32
        %dma_wait3A_680 = tpu.memref_slice %arg6[%add3A_16, %dma_wait3A_679] : memref<13440x128xi32, #tpu.memory_space<hbm>> -> memref<5x128xi32, #tpu.memory_space<hbm>>
        %dma_wait3A_681 = arith.constant 0 : i32
        %dma_wait3A_682 = arith.constant 0 : i32
        %dma_wait3A_683 = tpu.memref_slice %arg10[%run_scoped3A_17, %dma_wait3A_681, %dma_wait3A_682] : memref<2x5x128xi32, #tpu.memory_space<vmem>> -> memref<1x5x128xi32, #tpu.memory_space<vmem>>
        %dma_wait3A_684 = tpu.memref_squeeze %dma_wait3A_683 : memref<1x5x128xi32, #tpu.memory_space<vmem>> -> memref<5x128xi32, #tpu.memory_space<vmem>>
        %dma_wait3A_685 = arith.constant 0 : i32
        %dma_wait3A_686 = tpu.memref_slice %arg6[%add3A_16, %dma_wait3A_685] : memref<13440x128xi32, #tpu.memory_space<hbm>> -> memref<5x128xi32, #tpu.memory_space<hbm>>
        tpu.wait_dma2 semaphore(%run_scoped3A_662 : memref<!tpu.dma_semaphore, #tpu.memory_space<semaphore_mem>>) src(%dma_wait3A_686 : memref<5x128xi32, #tpu.memory_space<hbm>>) dst(%dma_wait3A_684 : memref<5x128xi32, #tpu.memory_space<vmem>>)
        tpu.yield
      }) : () -> ()
      %dma_start3A = arith.constant 0 : i32
      %dma_start3A_18 = arith.constant 0 : i32
      %dma_start3A_19 = arith.constant 0 : i32
      %dma_start3A_20 = arith.constant 0 : i32
      %dma_start3A_21 = arith.constant 0 : i32
      %dma_start3A_22 = arith.constant 0 : i32
      %dma_start3A_23 = tpu.memref_slice %arg11[%dma_start3A_19, %dma_start3A_20, %dma_start3A_21, %dma_start3A_22] : memref<2x5x128x16xf32, #tpu.memory_space<vmem>> -> memref<1x1x128x16xf32, #tpu.memory_space<vmem>>
      %dma_start3A_24 = tpu.memref_squeeze %dma_start3A_23 : memref<1x1x128x16xf32, #tpu.memory_space<vmem>> -> memref<128x16xf32, #tpu.memory_space<vmem>>
      %dma_start3A_25 = arith.constant 0 : i32
      %dma_start3A_26 = tpu.memref_slice %arg9[%dma_start3A, %dma_start3A_18, %dma_start3A_25] : memref<2x5x128xi32, #tpu.memory_space<vmem>> -> memref<1x1x128xi32, #tpu.memory_space<vmem>>
      %dma_start3A_27 = tpu.memref_squeeze %dma_start3A_26 : memref<1x1x128xi32, #tpu.memory_space<vmem>> -> memref<128xi32, #tpu.memory_space<vmem>>
      %dma_start3A_28 = arith.constant 0 : i32
      %dma_start3A_29 = arith.constant 0 : i32
      %dma_start3A_30 = tpu.memref_slice %arg2[%dma_start3A_28, %dma_start3A_29] : memref<802816x16xf32, #tpu.memory_space<hbm>> -> memref<802816x16xf32, #tpu.memory_space<hbm>>
      tpu.enqueue_indirect_dma source(%dma_start3A_30 : memref<802816x16xf32, #tpu.memory_space<hbm>>) target(%dma_start3A_24 : memref<128x16xf32, #tpu.memory_space<vmem>>) offsets(%dma_start3A_27 : memref<128xi32, #tpu.memory_space<vmem>>) semaphore(%arg13 : memref<!tpu.dma_semaphore, #tpu.memory_space<semaphore_mem>>)
      %dma_start3A_31 = arith.constant 0 : i32
      %dma_start3A_32 = arith.constant 1 : i32
      %dma_start3A_33 = arith.constant 0 : i32
      %dma_start3A_34 = arith.constant 1 : i32
      %dma_start3A_35 = arith.constant 0 : i32
      %dma_start3A_36 = arith.constant 0 : i32
      %dma_start3A_37 = tpu.memref_slice %arg11[%dma_start3A_33, %dma_start3A_34, %dma_start3A_35, %dma_start3A_36] : memref<2x5x128x16xf32, #tpu.memory_space<vmem>> -> memref<1x1x128x16xf32, #tpu.memory_space<vmem>>
      %dma_start3A_38 = tpu.memref_squeeze %dma_start3A_37 : memref<1x1x128x16xf32, #tpu.memory_space<vmem>> -> memref<128x16xf32, #tpu.memory_space<vmem>>
      %dma_start3A_39 = arith.constant 0 : i32
      %dma_start3A_40 = tpu.memref_slice %arg9[%dma_start3A_31, %dma_start3A_32, %dma_start3A_39] : memref<2x5x128xi32, #tpu.memory_space<vmem>> -> memref<1x1x128xi32, #tpu.memory_space<vmem>>
      %dma_start3A_41 = tpu.memref_squeeze %dma_start3A_40 : memref<1x1x128xi32, #tpu.memory_space<vmem>> -> memref<128xi32, #tpu.memory_space<vmem>>
      %dma_start3A_42 = arith.constant 0 : i32
      %dma_start3A_43 = arith.constant 0 : i32
      %dma_start3A_44 = tpu.memref_slice %arg2[%dma_start3A_42, %dma_start3A_43] : memref<802816x16xf32, #tpu.memory_space<hbm>> -> memref<802816x16xf32, #tpu.memory_space<hbm>>
      tpu.enqueue_indirect_dma source(%dma_start3A_44 : memref<802816x16xf32, #tpu.memory_space<hbm>>) target(%dma_start3A_38 : memref<128x16xf32, #tpu.memory_space<vmem>>) offsets(%dma_start3A_41 : memref<128xi32, #tpu.memory_space<vmem>>) semaphore(%arg13 : memref<!tpu.dma_semaphore, #tpu.memory_space<semaphore_mem>>)
      %dma_start3A_45 = arith.constant 0 : i32
      %dma_start3A_46 = arith.constant 2 : i32
      %dma_start3A_47 = arith.constant 0 : i32
      %dma_start3A_48 = arith.constant 2 : i32
      %dma_start3A_49 = arith.constant 0 : i32
      %dma_start3A_50 = arith.constant 0 : i32
      %dma_start3A_51 = tpu.memref_slice %arg11[%dma_start3A_47, %dma_start3A_48, %dma_start3A_49, %dma_start3A_50] : memref<2x5x128x16xf32, #tpu.memory_space<vmem>> -> memref<1x1x128x16xf32, #tpu.memory_space<vmem>>
      %dma_start3A_52 = tpu.memref_squeeze %dma_start3A_51 : memref<1x1x128x16xf32, #tpu.memory_space<vmem>> -> memref<128x16xf32, #tpu.memory_space<vmem>>
      %dma_start3A_53 = arith.constant 0 : i32
      %dma_start3A_54 = tpu.memref_slice %arg9[%dma_start3A_45, %dma_start3A_46, %dma_start3A_53] : memref<2x5x128xi32, #tpu.memory_space<vmem>> -> memref<1x1x128xi32, #tpu.memory_space<vmem>>
      %dma_start3A_55 = tpu.memref_squeeze %dma_start3A_54 : memref<1x1x128xi32, #tpu.memory_space<vmem>> -> memref<128xi32, #tpu.memory_space<vmem>>
      %dma_start3A_56 = arith.constant 0 : i32
      %dma_start3A_57 = arith.constant 0 : i32
      %dma_start3A_58 = tpu.memref_slice %arg2[%dma_start3A_56, %dma_start3A_57] : memref<802816x16xf32, #tpu.memory_space<hbm>> -> memref<802816x16xf32, #tpu.memory_space<hbm>>
      tpu.enqueue_indirect_dma source(%dma_start3A_58 : memref<802816x16xf32, #tpu.memory_space<hbm>>) target(%dma_start3A_52 : memref<128x16xf32, #tpu.memory_space<vmem>>) offsets(%dma_start3A_55 : memref<128xi32, #tpu.memory_space<vmem>>) semaphore(%arg13 : memref<!tpu.dma_semaphore, #tpu.memory_space<semaphore_mem>>)
      %dma_start3A_59 = arith.constant 0 : i32
      %dma_start3A_60 = arith.constant 3 : i32
      %dma_start3A_61 = arith.constant 0 : i32
      %dma_start3A_62 = arith.constant 3 : i32
      %dma_start3A_63 = arith.constant 0 : i32
      %dma_start3A_64 = arith.constant 0 : i32
      %dma_start3A_65 = tpu.memref_slice %arg11[%dma_start3A_61, %dma_start3A_62, %dma_start3A_63, %dma_start3A_64] : memref<2x5x128x16xf32, #tpu.memory_space<vmem>> -> memref<1x1x128x16xf32, #tpu.memory_space<vmem>>
      %dma_start3A_66 = tpu.memref_squeeze %dma_start3A_65 : memref<1x1x128x16xf32, #tpu.memory_space<vmem>> -> memref<128x16xf32, #tpu.memory_space<vmem>>
      %dma_start3A_67 = arith.constant 0 : i32
      %dma_start3A_68 = tpu.memref_slice %arg9[%dma_start3A_59, %dma_start3A_60, %dma_start3A_67] : memref<2x5x128xi32, #tpu.memory_space<vmem>> -> memref<1x1x128xi32, #tpu.memory_space<vmem>>
      %dma_start3A_69 = tpu.memref_squeeze %dma_start3A_68 : memref<1x1x128xi32, #tpu.memory_space<vmem>> -> memref<128xi32, #tpu.memory_space<vmem>>
      %dma_start3A_70 = arith.constant 0 : i32
      %dma_start3A_71 = arith.constant 0 : i32
      %dma_start3A_72 = tpu.memref_slice %arg2[%dma_start3A_70, %dma_start3A_71] : memref<802816x16xf32, #tpu.memory_space<hbm>> -> memref<802816x16xf32, #tpu.memory_space<hbm>>
      tpu.enqueue_indirect_dma source(%dma_start3A_72 : memref<802816x16xf32, #tpu.memory_space<hbm>>) target(%dma_start3A_66 : memref<128x16xf32, #tpu.memory_space<vmem>>) offsets(%dma_start3A_69 : memref<128xi32, #tpu.memory_space<vmem>>) semaphore(%arg13 : memref<!tpu.dma_semaphore, #tpu.memory_space<semaphore_mem>>)
      %dma_start3A_73 = arith.constant 0 : i32
      %dma_start3A_74 = arith.constant 4 : i32
      %dma_start3A_75 = arith.constant 0 : i32
      %dma_start3A_76 = arith.constant 4 : i32
      %dma_start3A_77 = arith.constant 0 : i32
      %dma_start3A_78 = arith.constant 0 : i32
      %dma_start3A_79 = tpu.memref_slice %arg11[%dma_start3A_75, %dma_start3A_76, %dma_start3A_77, %dma_start3A_78] : memref<2x5x128x16xf32, #tpu.memory_space<vmem>> -> memref<1x1x128x16xf32, #tpu.memory_space<vmem>>
      %dma_start3A_80 = tpu.memref_squeeze %dma_start3A_79 : memref<1x1x128x16xf32, #tpu.memory_space<vmem>> -> memref<128x16xf32, #tpu.memory_space<vmem>>
      %dma_start3A_81 = arith.constant 0 : i32
      %dma_start3A_82 = tpu.memref_slice %arg9[%dma_start3A_73, %dma_start3A_74, %dma_start3A_81] : memref<2x5x128xi32, #tpu.memory_space<vmem>> -> memref<1x1x128xi32, #tpu.memory_space<vmem>>
      %dma_start3A_83 = tpu.memref_squeeze %dma_start3A_82 : memref<1x1x128xi32, #tpu.memory_space<vmem>> -> memref<128xi32, #tpu.memory_space<vmem>>
      %dma_start3A_84 = arith.constant 0 : i32
      %dma_start3A_85 = arith.constant 0 : i32
      %dma_start3A_86 = tpu.memref_slice %arg2[%dma_start3A_84, %dma_start3A_85] : memref<802816x16xf32, #tpu.memory_space<hbm>> -> memref<802816x16xf32, #tpu.memory_space<hbm>>
      tpu.enqueue_indirect_dma source(%dma_start3A_86 : memref<802816x16xf32, #tpu.memory_space<hbm>>) target(%dma_start3A_80 : memref<128x16xf32, #tpu.memory_space<vmem>>) offsets(%dma_start3A_83 : memref<128xi32, #tpu.memory_space<vmem>>) semaphore(%arg13 : memref<!tpu.dma_semaphore, #tpu.memory_space<semaphore_mem>>)
      %scan3A = arith.constant 0 : i32
      %scan3A_87 = arith.constant 0 : i32
      %scan3A_88 = arith.constant 83 : i32
      %scan3A_89 = arith.addi %scan3A_87, %scan3A_88 : i32
      %scan3A_90 = arith.constant 1 : i32
      scf.for %scan3A_662 = %scan3A_87 to %scan3A_89 step %scan3A_90  : i32 {
        %mul3A_663 = arith.constant 2 : i32
        %mul3A_664 = arith.muli %mul3A_663, %scan3A_662 : i32
        %gt3A = arith.constant 0 : i32
        %gt3A_665 = arith.cmpi sgt, %scan3A_662, %gt3A : i32
        %convert_element_type3A_666 = arith.extui %gt3A_665 : i1 to i32
        %cond3A_667 = arith.constant 0 : i32
        %cond3A_668 = arith.cmpi ne, %convert_element_type3A_666, %cond3A_667 : i32
        scf.if %cond3A_668 {
          %dma_wait3A_1179 = arith.constant 1 : i32
          %dma_wait3A_1180 = arith.constant 0 : i32
          %dma_wait3A_1181 = arith.constant 1 : i32
          %dma_wait3A_1182 = arith.constant 0 : i32
          %dma_wait3A_1183 = arith.constant 0 : i32
          %dma_wait3A_1184 = arith.constant 0 : i32
          %dma_wait3A_1185 = tpu.memref_slice %arg11[%dma_wait3A_1179, %dma_wait3A_1180, %dma_wait3A_1183, %dma_wait3A_1184] : memref<2x5x128x16xf32, #tpu.memory_space<vmem>> -> memref<1x1x128x16xf32, #tpu.memory_space<vmem>>
          %dma_wait3A_1186 = tpu.memref_squeeze %dma_wait3A_1185 : memref<1x1x128x16xf32, #tpu.memory_space<vmem>> -> memref<128x16xf32, #tpu.memory_space<vmem>>
          %dma_wait3A_1187 = arith.constant 0 : i32
          %dma_wait3A_1188 = tpu.memref_slice %arg10[%dma_wait3A_1181, %dma_wait3A_1182, %dma_wait3A_1187] : memref<2x5x128xi32, #tpu.memory_space<vmem>> -> memref<1x1x128xi32, #tpu.memory_space<vmem>>
          %dma_wait3A_1189 = tpu.memref_squeeze %dma_wait3A_1188 : memref<1x1x128xi32, #tpu.memory_space<vmem>> -> memref<128xi32, #tpu.memory_space<vmem>>
          %dma_wait3A_1190 = arith.constant 0 : i32
          %dma_wait3A_1191 = arith.constant 0 : i32
          %dma_wait3A_1192 = tpu.memref_slice %arg12[%dma_wait3A_1190, %dma_wait3A_1191] : memref<100352x16xf32, #tpu.memory_space<vmem_shared>> -> memref<100352x16xf32, #tpu.memory_space<vmem_shared>>
          tpu.wait_indirect_dma semaphore(%arg16 : memref<!tpu.dma_semaphore, #tpu.memory_space<semaphore_mem>>) src(%dma_wait3A_1186 : memref<128x16xf32, #tpu.memory_space<vmem>>) dst(%dma_wait3A_1192 : memref<100352x16xf32, #tpu.memory_space<vmem_shared>>)
          %dma_wait3A_1193 = arith.constant 1 : i32
          %dma_wait3A_1194 = arith.constant 1 : i32
          %dma_wait3A_1195 = arith.constant 1 : i32
          %dma_wait3A_1196 = arith.constant 1 : i32
          %dma_wait3A_1197 = arith.constant 0 : i32
          %dma_wait3A_1198 = arith.constant 0 : i32
          %dma_wait3A_1199 = tpu.memref_slice %arg11[%dma_wait3A_1193, %dma_wait3A_1194, %dma_wait3A_1197, %dma_wait3A_1198] : memref<2x5x128x16xf32, #tpu.memory_space<vmem>> -> memref<1x1x128x16xf32, #tpu.memory_space<vmem>>
          %dma_wait3A_1200 = tpu.memref_squeeze %dma_wait3A_1199 : memref<1x1x128x16xf32, #tpu.memory_space<vmem>> -> memref<128x16xf32, #tpu.memory_space<vmem>>
          %dma_wait3A_1201 = arith.constant 0 : i32
          %dma_wait3A_1202 = tpu.memref_slice %arg10[%dma_wait3A_1195, %dma_wait3A_1196, %dma_wait3A_1201] : memref<2x5x128xi32, #tpu.memory_space<vmem>> -> memref<1x1x128xi32, #tpu.memory_space<vmem>>
          %dma_wait3A_1203 = tpu.memref_squeeze %dma_wait3A_1202 : memref<1x1x128xi32, #tpu.memory_space<vmem>> -> memref<128xi32, #tpu.memory_space<vmem>>
          %dma_wait3A_1204 = arith.constant 0 : i32
          %dma_wait3A_1205 = arith.constant 0 : i32
          %dma_wait3A_1206 = tpu.memref_slice %arg12[%dma_wait3A_1204, %dma_wait3A_1205] : memref<100352x16xf32, #tpu.memory_space<vmem_shared>> -> memref<100352x16xf32, #tpu.memory_space<vmem_shared>>
          tpu.wait_indirect_dma semaphore(%arg16 : memref<!tpu.dma_semaphore, #tpu.memory_space<semaphore_mem>>) src(%dma_wait3A_1200 : memref<128x16xf32, #tpu.memory_space<vmem>>) dst(%dma_wait3A_1206 : memref<100352x16xf32, #tpu.memory_space<vmem_shared>>)
          %dma_wait3A_1207 = arith.constant 1 : i32
          %dma_wait3A_1208 = arith.constant 2 : i32
          %dma_wait3A_1209 = arith.constant 1 : i32
          %dma_wait3A_1210 = arith.constant 2 : i32
          %dma_wait3A_1211 = arith.constant 0 : i32
          %dma_wait3A_1212 = arith.constant 0 : i32
          %dma_wait3A_1213 = tpu.memref_slice %arg11[%dma_wait3A_1207, %dma_wait3A_1208, %dma_wait3A_1211, %dma_wait3A_1212] : memref<2x5x128x16xf32, #tpu.memory_space<vmem>> -> memref<1x1x128x16xf32, #tpu.memory_space<vmem>>
          %dma_wait3A_1214 = tpu.memref_squeeze %dma_wait3A_1213 : memref<1x1x128x16xf32, #tpu.memory_space<vmem>> -> memref<128x16xf32, #tpu.memory_space<vmem>>
          %dma_wait3A_1215 = arith.constant 0 : i32
          %dma_wait3A_1216 = tpu.memref_slice %arg10[%dma_wait3A_1209, %dma_wait3A_1210, %dma_wait3A_1215] : memref<2x5x128xi32, #tpu.memory_space<vmem>> -> memref<1x1x128xi32, #tpu.memory_space<vmem>>
          %dma_wait3A_1217 = tpu.memref_squeeze %dma_wait3A_1216 : memref<1x1x128xi32, #tpu.memory_space<vmem>> -> memref<128xi32, #tpu.memory_space<vmem>>
          %dma_wait3A_1218 = arith.constant 0 : i32
          %dma_wait3A_1219 = arith.constant 0 : i32
          %dma_wait3A_1220 = tpu.memref_slice %arg12[%dma_wait3A_1218, %dma_wait3A_1219] : memref<100352x16xf32, #tpu.memory_space<vmem_shared>> -> memref<100352x16xf32, #tpu.memory_space<vmem_shared>>
          tpu.wait_indirect_dma semaphore(%arg16 : memref<!tpu.dma_semaphore, #tpu.memory_space<semaphore_mem>>) src(%dma_wait3A_1214 : memref<128x16xf32, #tpu.memory_space<vmem>>) dst(%dma_wait3A_1220 : memref<100352x16xf32, #tpu.memory_space<vmem_shared>>)
          %dma_wait3A_1221 = arith.constant 1 : i32
          %dma_wait3A_1222 = arith.constant 3 : i32
          %dma_wait3A_1223 = arith.constant 1 : i32
          %dma_wait3A_1224 = arith.constant 3 : i32
          %dma_wait3A_1225 = arith.constant 0 : i32
          %dma_wait3A_1226 = arith.constant 0 : i32
          %dma_wait3A_1227 = tpu.memref_slice %arg11[%dma_wait3A_1221, %dma_wait3A_1222, %dma_wait3A_1225, %dma_wait3A_1226] : memref<2x5x128x16xf32, #tpu.memory_space<vmem>> -> memref<1x1x128x16xf32, #tpu.memory_space<vmem>>
          %dma_wait3A_1228 = tpu.memref_squeeze %dma_wait3A_1227 : memref<1x1x128x16xf32, #tpu.memory_space<vmem>> -> memref<128x16xf32, #tpu.memory_space<vmem>>
          %dma_wait3A_1229 = arith.constant 0 : i32
          %dma_wait3A_1230 = tpu.memref_slice %arg10[%dma_wait3A_1223, %dma_wait3A_1224, %dma_wait3A_1229] : memref<2x5x128xi32, #tpu.memory_space<vmem>> -> memref<1x1x128xi32, #tpu.memory_space<vmem>>
          %dma_wait3A_1231 = tpu.memref_squeeze %dma_wait3A_1230 : memref<1x1x128xi32, #tpu.memory_space<vmem>> -> memref<128xi32, #tpu.memory_space<vmem>>
          %dma_wait3A_1232 = arith.constant 0 : i32
          %dma_wait3A_1233 = arith.constant 0 : i32
          %dma_wait3A_1234 = tpu.memref_slice %arg12[%dma_wait3A_1232, %dma_wait3A_1233] : memref<100352x16xf32, #tpu.memory_space<vmem_shared>> -> memref<100352x16xf32, #tpu.memory_space<vmem_shared>>
          tpu.wait_indirect_dma semaphore(%arg16 : memref<!tpu.dma_semaphore, #tpu.memory_space<semaphore_mem>>) src(%dma_wait3A_1228 : memref<128x16xf32, #tpu.memory_space<vmem>>) dst(%dma_wait3A_1234 : memref<100352x16xf32, #tpu.memory_space<vmem_shared>>)
          %dma_wait3A_1235 = arith.constant 1 : i32
          %dma_wait3A_1236 = arith.constant 4 : i32
          %dma_wait3A_1237 = arith.constant 1 : i32
          %dma_wait3A_1238 = arith.constant 4 : i32
          %dma_wait3A_1239 = arith.constant 0 : i32
          %dma_wait3A_1240 = arith.constant 0 : i32
          %dma_wait3A_1241 = tpu.memref_slice %arg11[%dma_wait3A_1235, %dma_wait3A_1236, %dma_wait3A_1239, %dma_wait3A_1240] : memref<2x5x128x16xf32, #tpu.memory_space<vmem>> -> memref<1x1x128x16xf32, #tpu.memory_space<vmem>>
          %dma_wait3A_1242 = tpu.memref_squeeze %dma_wait3A_1241 : memref<1x1x128x16xf32, #tpu.memory_space<vmem>> -> memref<128x16xf32, #tpu.memory_space<vmem>>
          %dma_wait3A_1243 = arith.constant 0 : i32
          %dma_wait3A_1244 = tpu.memref_slice %arg10[%dma_wait3A_1237, %dma_wait3A_1238, %dma_wait3A_1243] : memref<2x5x128xi32, #tpu.memory_space<vmem>> -> memref<1x1x128xi32, #tpu.memory_space<vmem>>
          %dma_wait3A_1245 = tpu.memref_squeeze %dma_wait3A_1244 : memref<1x1x128xi32, #tpu.memory_space<vmem>> -> memref<128xi32, #tpu.memory_space<vmem>>
          %dma_wait3A_1246 = arith.constant 0 : i32
          %dma_wait3A_1247 = arith.constant 0 : i32
          %dma_wait3A_1248 = tpu.memref_slice %arg12[%dma_wait3A_1246, %dma_wait3A_1247] : memref<100352x16xf32, #tpu.memory_space<vmem_shared>> -> memref<100352x16xf32, #tpu.memory_space<vmem_shared>>
          tpu.wait_indirect_dma semaphore(%arg16 : memref<!tpu.dma_semaphore, #tpu.memory_space<semaphore_mem>>) src(%dma_wait3A_1242 : memref<128x16xf32, #tpu.memory_space<vmem>>) dst(%dma_wait3A_1248 : memref<100352x16xf32, #tpu.memory_space<vmem_shared>>)
        } else {
        }
        %add3A_669 = arith.constant 1 : i32
        %add3A_670 = arith.addi %mul3A_664, %add3A_669 : i32
        %mul3A_671 = arith.constant 5 : i32
        %mul3A_672 = arith.muli %add3A_670, %mul3A_671 : i32
        %add3A_673 = arith.addi %mul3A_9, %mul3A_672 : i32
        %run_scoped3A_674 = arith.constant 1 : i32
        "tpu.region"() ({
          %run_scoped3A_1179 = tpu.sem_alloc : memref<!tpu.dma_semaphore, #tpu.memory_space<semaphore_mem>>
          %dma_start3A_1180 = arith.constant 0 : i32
          %dma_start3A_1181 = arith.constant 0 : i32
          %dma_start3A_1182 = tpu.memref_slice %arg9[%run_scoped3A_674, %dma_start3A_1180, %dma_start3A_1181] : memref<2x5x128xi32, #tpu.memory_space<vmem>> -> memref<1x5x128xi32, #tpu.memory_space<vmem>>
          %dma_start3A_1183 = tpu.memref_squeeze %dma_start3A_1182 : memref<1x5x128xi32, #tpu.memory_space<vmem>> -> memref<5x128xi32, #tpu.memory_space<vmem>>
          %dma_start3A_1184 = arith.constant 0 : i32
          %dma_start3A_1185 = tpu.memref_slice %arg4[%add3A_673, %dma_start3A_1184] : memref<13440x128xi32, #tpu.memory_space<hbm>> -> memref<5x128xi32, #tpu.memory_space<hbm>>
          %dma_start3A_1186 = arith.constant 0 : i32
          %dma_start3A_1187 = arith.constant 0 : i32
          %dma_start3A_1188 = tpu.memref_slice %arg9[%run_scoped3A_674, %dma_start3A_1186, %dma_start3A_1187] : memref<2x5x128xi32, #tpu.memory_space<vmem>> -> memref<1x5x128xi32, #tpu.memory_space<vmem>>
          %dma_start3A_1189 = tpu.memref_squeeze %dma_start3A_1188 : memref<1x5x128xi32, #tpu.memory_space<vmem>> -> memref<5x128xi32, #tpu.memory_space<vmem>>
          %dma_start3A_1190 = arith.constant 0 : i32
          %dma_start3A_1191 = tpu.memref_slice %arg4[%add3A_673, %dma_start3A_1190] : memref<13440x128xi32, #tpu.memory_space<hbm>> -> memref<5x128xi32, #tpu.memory_space<hbm>>
          tpu.enqueue_dma source(%dma_start3A_1191 : memref<5x128xi32, #tpu.memory_space<hbm>>) target(%dma_start3A_1189 : memref<5x128xi32, #tpu.memory_space<vmem>>) target_semaphore(%run_scoped3A_1179 : memref<!tpu.dma_semaphore, #tpu.memory_space<semaphore_mem>>)
          %dma_wait3A_1192 = arith.constant 0 : i32
          %dma_wait3A_1193 = arith.constant 0 : i32
          %dma_wait3A_1194 = tpu.memref_slice %arg9[%run_scoped3A_674, %dma_wait3A_1192, %dma_wait3A_1193] : memref<2x5x128xi32, #tpu.memory_space<vmem>> -> memref<1x5x128xi32, #tpu.memory_space<vmem>>
          %dma_wait3A_1195 = tpu.memref_squeeze %dma_wait3A_1194 : memref<1x5x128xi32, #tpu.memory_space<vmem>> -> memref<5x128xi32, #tpu.memory_space<vmem>>
          %dma_wait3A_1196 = arith.constant 0 : i32
          %dma_wait3A_1197 = tpu.memref_slice %arg4[%add3A_673, %dma_wait3A_1196] : memref<13440x128xi32, #tpu.memory_space<hbm>> -> memref<5x128xi32, #tpu.memory_space<hbm>>
          %dma_wait3A_1198 = arith.constant 0 : i32
          %dma_wait3A_1199 = arith.constant 0 : i32
          %dma_wait3A_1200 = tpu.memref_slice %arg9[%run_scoped3A_674, %dma_wait3A_1198, %dma_wait3A_1199] : memref<2x5x128xi32, #tpu.memory_space<vmem>> -> memref<1x5x128xi32, #tpu.memory_space<vmem>>
          %dma_wait3A_1201 = tpu.memref_squeeze %dma_wait3A_1200 : memref<1x5x128xi32, #tpu.memory_space<vmem>> -> memref<5x128xi32, #tpu.memory_space<vmem>>
          %dma_wait3A_1202 = arith.constant 0 : i32
          %dma_wait3A_1203 = tpu.memref_slice %arg4[%add3A_673, %dma_wait3A_1202] : memref<13440x128xi32, #tpu.memory_space<hbm>> -> memref<5x128xi32, #tpu.memory_space<hbm>>
          tpu.wait_dma2 semaphore(%run_scoped3A_1179 : memref<!tpu.dma_semaphore, #tpu.memory_space<semaphore_mem>>) src(%dma_wait3A_1203 : memref<5x128xi32, #tpu.memory_space<hbm>>) dst(%dma_wait3A_1201 : memref<5x128xi32, #tpu.memory_space<vmem>>)
          tpu.yield
        }) : () -> ()
        %mul3A_675 = arith.constant 5 : i32
        %mul3A_676 = arith.muli %add3A_670, %mul3A_675 : i32
        %add3A_677 = arith.addi %mul3A_9, %mul3A_676 : i32
        %run_scoped3A_678 = arith.constant 1 : i32
        "tpu.region"() ({
          %run_scoped3A_1179 = tpu.sem_alloc : memref<!tpu.dma_semaphore, #tpu.memory_space<semaphore_mem>>
          %dma_start3A_1180 = arith.constant 0 : i32
          %dma_start3A_1181 = arith.constant 0 : i32
          %dma_start3A_1182 = tpu.memref_slice %arg10[%run_scoped3A_678, %dma_start3A_1180, %dma_start3A_1181] : memref<2x5x128xi32, #tpu.memory_space<vmem>> -> memref<1x5x128xi32, #tpu.memory_space<vmem>>
          %dma_start3A_1183 = tpu.memref_squeeze %dma_start3A_1182 : memref<1x5x128xi32, #tpu.memory_space<vmem>> -> memref<5x128xi32, #tpu.memory_space<vmem>>
          %dma_start3A_1184 = arith.constant 0 : i32
          %dma_start3A_1185 = tpu.memref_slice %arg6[%add3A_677, %dma_start3A_1184] : memref<13440x128xi32, #tpu.memory_space<hbm>> -> memref<5x128xi32, #tpu.memory_space<hbm>>
          %dma_start3A_1186 = arith.constant 0 : i32
          %dma_start3A_1187 = arith.constant 0 : i32
          %dma_start3A_1188 = tpu.memref_slice %arg10[%run_scoped3A_678, %dma_start3A_1186, %dma_start3A_1187] : memref<2x5x128xi32, #tpu.memory_space<vmem>> -> memref<1x5x128xi32, #tpu.memory_space<vmem>>
          %dma_start3A_1189 = tpu.memref_squeeze %dma_start3A_1188 : memref<1x5x128xi32, #tpu.memory_space<vmem>> -> memref<5x128xi32, #tpu.memory_space<vmem>>
          %dma_start3A_1190 = arith.constant 0 : i32
          %dma_start3A_1191 = tpu.memref_slice %arg6[%add3A_677, %dma_start3A_1190] : memref<13440x128xi32, #tpu.memory_space<hbm>> -> memref<5x128xi32, #tpu.memory_space<hbm>>
          tpu.enqueue_dma source(%dma_start3A_1191 : memref<5x128xi32, #tpu.memory_space<hbm>>) target(%dma_start3A_1189 : memref<5x128xi32, #tpu.memory_space<vmem>>) target_semaphore(%run_scoped3A_1179 : memref<!tpu.dma_semaphore, #tpu.memory_space<semaphore_mem>>)
          %dma_wait3A_1192 = arith.constant 0 : i32
          %dma_wait3A_1193 = arith.constant 0 : i32
          %dma_wait3A_1194 = tpu.memref_slice %arg10[%run_scoped3A_678, %dma_wait3A_1192, %dma_wait3A_1193] : memref<2x5x128xi32, #tpu.memory_space<vmem>> -> memref<1x5x128xi32, #tpu.memory_space<vmem>>
          %dma_wait3A_1195 = tpu.memref_squeeze %dma_wait3A_1194 : memref<1x5x128xi32, #tpu.memory_space<vmem>> -> memref<5x128xi32, #tpu.memory_space<vmem>>
          %dma_wait3A_1196 = arith.constant 0 : i32
          %dma_wait3A_1197 = tpu.memref_slice %arg6[%add3A_677, %dma_wait3A_1196] : memref<13440x128xi32, #tpu.memory_space<hbm>> -> memref<5x128xi32, #tpu.memory_space<hbm>>
          %dma_wait3A_1198 = arith.constant 0 : i32
          %dma_wait3A_1199 = arith.constant 0 : i32
          %dma_wait3A_1200 = tpu.memref_slice %arg10[%run_scoped3A_678, %dma_wait3A_1198, %dma_wait3A_1199] : memref<2x5x128xi32, #tpu.memory_space<vmem>> -> memref<1x5x128xi32, #tpu.memory_space<vmem>>
          %dma_wait3A_1201 = tpu.memref_squeeze %dma_wait3A_1200 : memref<1x5x128xi32, #tpu.memory_space<vmem>> -> memref<5x128xi32, #tpu.memory_space<vmem>>
          %dma_wait3A_1202 = arith.constant 0 : i32
          %dma_wait3A_1203 = tpu.memref_slice %arg6[%add3A_677, %dma_wait3A_1202] : memref<13440x128xi32, #tpu.memory_space<hbm>> -> memref<5x128xi32, #tpu.memory_space<hbm>>
          tpu.wait_dma2 semaphore(%run_scoped3A_1179 : memref<!tpu.dma_semaphore, #tpu.memory_space<semaphore_mem>>) src(%dma_wait3A_1203 : memref<5x128xi32, #tpu.memory_space<hbm>>) dst(%dma_wait3A_1201 : memref<5x128xi32, #tpu.memory_space<vmem>>)
          tpu.yield
        }) : () -> ()
        %dma_start3A_679 = arith.constant 1 : i32
        %dma_start3A_680 = arith.constant 0 : i32
        %dma_start3A_681 = arith.constant 1 : i32
        %dma_start3A_682 = arith.constant 0 : i32
        %dma_start3A_683 = arith.constant 0 : i32
        %dma_start3A_684 = arith.constant 0 : i32
        %dma_start3A_685 = tpu.memref_slice %arg11[%dma_start3A_681, %dma_start3A_682, %dma_start3A_683, %dma_start3A_684] : memref<2x5x128x16xf32, #tpu.memory_space<vmem>> -> memref<1x1x128x16xf32, #tpu.memory_space<vmem>>
        %dma_start3A_686 = tpu.memref_squeeze %dma_start3A_685 : memref<1x1x128x16xf32, #tpu.memory_space<vmem>> -> memref<128x16xf32, #tpu.memory_space<vmem>>
        %dma_start3A_687 = arith.constant 0 : i32
        %dma_start3A_688 = tpu.memref_slice %arg9[%dma_start3A_679, %dma_start3A_680, %dma_start3A_687] : memref<2x5x128xi32, #tpu.memory_space<vmem>> -> memref<1x1x128xi32, #tpu.memory_space<vmem>>
        %dma_start3A_689 = tpu.memref_squeeze %dma_start3A_688 : memref<1x1x128xi32, #tpu.memory_space<vmem>> -> memref<128xi32, #tpu.memory_space<vmem>>
        %dma_start3A_690 = arith.constant 0 : i32
        %dma_start3A_691 = arith.constant 0 : i32
        %dma_start3A_692 = tpu.memref_slice %arg2[%dma_start3A_690, %dma_start3A_691] : memref<802816x16xf32, #tpu.memory_space<hbm>> -> memref<802816x16xf32, #tpu.memory_space<hbm>>
        tpu.enqueue_indirect_dma source(%dma_start3A_692 : memref<802816x16xf32, #tpu.memory_space<hbm>>) target(%dma_start3A_686 : memref<128x16xf32, #tpu.memory_space<vmem>>) offsets(%dma_start3A_689 : memref<128xi32, #tpu.memory_space<vmem>>) semaphore(%arg14 : memref<!tpu.dma_semaphore, #tpu.memory_space<semaphore_mem>>)
        %dma_start3A_693 = arith.constant 1 : i32
        %dma_start3A_694 = arith.constant 1 : i32
        %dma_start3A_695 = arith.constant 1 : i32
        %dma_start3A_696 = arith.constant 1 : i32
        %dma_start3A_697 = arith.constant 0 : i32
        %dma_start3A_698 = arith.constant 0 : i32
        %dma_start3A_699 = tpu.memref_slice %arg11[%dma_start3A_695, %dma_start3A_696, %dma_start3A_697, %dma_start3A_698] : memref<2x5x128x16xf32, #tpu.memory_space<vmem>> -> memref<1x1x128x16xf32, #tpu.memory_space<vmem>>
        %dma_start3A_700 = tpu.memref_squeeze %dma_start3A_699 : memref<1x1x128x16xf32, #tpu.memory_space<vmem>> -> memref<128x16xf32, #tpu.memory_space<vmem>>
        %dma_start3A_701 = arith.constant 0 : i32
        %dma_start3A_702 = tpu.memref_slice %arg9[%dma_start3A_693, %dma_start3A_694, %dma_start3A_701] : memref<2x5x128xi32, #tpu.memory_space<vmem>> -> memref<1x1x128xi32, #tpu.memory_space<vmem>>
        %dma_start3A_703 = tpu.memref_squeeze %dma_start3A_702 : memref<1x1x128xi32, #tpu.memory_space<vmem>> -> memref<128xi32, #tpu.memory_space<vmem>>
        %dma_start3A_704 = arith.constant 0 : i32
        %dma_start3A_705 = arith.constant 0 : i32
        %dma_start3A_706 = tpu.memref_slice %arg2[%dma_start3A_704, %dma_start3A_705] : memref<802816x16xf32, #tpu.memory_space<hbm>> -> memref<802816x16xf32, #tpu.memory_space<hbm>>
        tpu.enqueue_indirect_dma source(%dma_start3A_706 : memref<802816x16xf32, #tpu.memory_space<hbm>>) target(%dma_start3A_700 : memref<128x16xf32, #tpu.memory_space<vmem>>) offsets(%dma_start3A_703 : memref<128xi32, #tpu.memory_space<vmem>>) semaphore(%arg14 : memref<!tpu.dma_semaphore, #tpu.memory_space<semaphore_mem>>)
        %dma_start3A_707 = arith.constant 1 : i32
        %dma_start3A_708 = arith.constant 2 : i32
        %dma_start3A_709 = arith.constant 1 : i32
        %dma_start3A_710 = arith.constant 2 : i32
        %dma_start3A_711 = arith.constant 0 : i32
        %dma_start3A_712 = arith.constant 0 : i32
        %dma_start3A_713 = tpu.memref_slice %arg11[%dma_start3A_709, %dma_start3A_710, %dma_start3A_711, %dma_start3A_712] : memref<2x5x128x16xf32, #tpu.memory_space<vmem>> -> memref<1x1x128x16xf32, #tpu.memory_space<vmem>>
        %dma_start3A_714 = tpu.memref_squeeze %dma_start3A_713 : memref<1x1x128x16xf32, #tpu.memory_space<vmem>> -> memref<128x16xf32, #tpu.memory_space<vmem>>
        %dma_start3A_715 = arith.constant 0 : i32
        %dma_start3A_716 = tpu.memref_slice %arg9[%dma_start3A_707, %dma_start3A_708, %dma_start3A_715] : memref<2x5x128xi32, #tpu.memory_space<vmem>> -> memref<1x1x128xi32, #tpu.memory_space<vmem>>
        %dma_start3A_717 = tpu.memref_squeeze %dma_start3A_716 : memref<1x1x128xi32, #tpu.memory_space<vmem>> -> memref<128xi32, #tpu.memory_space<vmem>>
        %dma_start3A_718 = arith.constant 0 : i32
        %dma_start3A_719 = arith.constant 0 : i32
        %dma_start3A_720 = tpu.memref_slice %arg2[%dma_start3A_718, %dma_start3A_719] : memref<802816x16xf32, #tpu.memory_space<hbm>> -> memref<802816x16xf32, #tpu.memory_space<hbm>>
        tpu.enqueue_indirect_dma source(%dma_start3A_720 : memref<802816x16xf32, #tpu.memory_space<hbm>>) target(%dma_start3A_714 : memref<128x16xf32, #tpu.memory_space<vmem>>) offsets(%dma_start3A_717 : memref<128xi32, #tpu.memory_space<vmem>>) semaphore(%arg14 : memref<!tpu.dma_semaphore, #tpu.memory_space<semaphore_mem>>)
        %dma_start3A_721 = arith.constant 1 : i32
        %dma_start3A_722 = arith.constant 3 : i32
        %dma_start3A_723 = arith.constant 1 : i32
        %dma_start3A_724 = arith.constant 3 : i32
        %dma_start3A_725 = arith.constant 0 : i32
        %dma_start3A_726 = arith.constant 0 : i32
        %dma_start3A_727 = tpu.memref_slice %arg11[%dma_start3A_723, %dma_start3A_724, %dma_start3A_725, %dma_start3A_726] : memref<2x5x128x16xf32, #tpu.memory_space<vmem>> -> memref<1x1x128x16xf32, #tpu.memory_space<vmem>>
        %dma_start3A_728 = tpu.memref_squeeze %dma_start3A_727 : memref<1x1x128x16xf32, #tpu.memory_space<vmem>> -> memref<128x16xf32, #tpu.memory_space<vmem>>
        %dma_start3A_729 = arith.constant 0 : i32
        %dma_start3A_730 = tpu.memref_slice %arg9[%dma_start3A_721, %dma_start3A_722, %dma_start3A_729] : memref<2x5x128xi32, #tpu.memory_space<vmem>> -> memref<1x1x128xi32, #tpu.memory_space<vmem>>
        %dma_start3A_731 = tpu.memref_squeeze %dma_start3A_730 : memref<1x1x128xi32, #tpu.memory_space<vmem>> -> memref<128xi32, #tpu.memory_space<vmem>>
        %dma_start3A_732 = arith.constant 0 : i32
        %dma_start3A_733 = arith.constant 0 : i32
        %dma_start3A_734 = tpu.memref_slice %arg2[%dma_start3A_732, %dma_start3A_733] : memref<802816x16xf32, #tpu.memory_space<hbm>> -> memref<802816x16xf32, #tpu.memory_space<hbm>>
        tpu.enqueue_indirect_dma source(%dma_start3A_734 : memref<802816x16xf32, #tpu.memory_space<hbm>>) target(%dma_start3A_728 : memref<128x16xf32, #tpu.memory_space<vmem>>) offsets(%dma_start3A_731 : memref<128xi32, #tpu.memory_space<vmem>>) semaphore(%arg14 : memref<!tpu.dma_semaphore, #tpu.memory_space<semaphore_mem>>)
        %dma_start3A_735 = arith.constant 1 : i32
        %dma_start3A_736 = arith.constant 4 : i32
        %dma_start3A_737 = arith.constant 1 : i32
        %dma_start3A_738 = arith.constant 4 : i32
        %dma_start3A_739 = arith.constant 0 : i32
        %dma_start3A_740 = arith.constant 0 : i32
        %dma_start3A_741 = tpu.memref_slice %arg11[%dma_start3A_737, %dma_start3A_738, %dma_start3A_739, %dma_start3A_740] : memref<2x5x128x16xf32, #tpu.memory_space<vmem>> -> memref<1x1x128x16xf32, #tpu.memory_space<vmem>>
        %dma_start3A_742 = tpu.memref_squeeze %dma_start3A_741 : memref<1x1x128x16xf32, #tpu.memory_space<vmem>> -> memref<128x16xf32, #tpu.memory_space<vmem>>
        %dma_start3A_743 = arith.constant 0 : i32
        %dma_start3A_744 = tpu.memref_slice %arg9[%dma_start3A_735, %dma_start3A_736, %dma_start3A_743] : memref<2x5x128xi32, #tpu.memory_space<vmem>> -> memref<1x1x128xi32, #tpu.memory_space<vmem>>
        %dma_start3A_745 = tpu.memref_squeeze %dma_start3A_744 : memref<1x1x128xi32, #tpu.memory_space<vmem>> -> memref<128xi32, #tpu.memory_space<vmem>>
        %dma_start3A_746 = arith.constant 0 : i32
        %dma_start3A_747 = arith.constant 0 : i32
        %dma_start3A_748 = tpu.memref_slice %arg2[%dma_start3A_746, %dma_start3A_747] : memref<802816x16xf32, #tpu.memory_space<hbm>> -> memref<802816x16xf32, #tpu.memory_space<hbm>>
        tpu.enqueue_indirect_dma source(%dma_start3A_748 : memref<802816x16xf32, #tpu.memory_space<hbm>>) target(%dma_start3A_742 : memref<128x16xf32, #tpu.memory_space<vmem>>) offsets(%dma_start3A_745 : memref<128xi32, #tpu.memory_space<vmem>>) semaphore(%arg14 : memref<!tpu.dma_semaphore, #tpu.memory_space<semaphore_mem>>)
        %dma_wait3A_749 = arith.constant 0 : i32
        %dma_wait3A_750 = arith.constant 0 : i32
        %dma_wait3A_751 = arith.constant 0 : i32
        %dma_wait3A_752 = arith.constant 0 : i32
        %dma_wait3A_753 = arith.constant 0 : i32
        %dma_wait3A_754 = arith.constant 0 : i32
        %dma_wait3A_755 = tpu.memref_slice %arg11[%dma_wait3A_751, %dma_wait3A_752, %dma_wait3A_753, %dma_wait3A_754] : memref<2x5x128x16xf32, #tpu.memory_space<vmem>> -> memref<1x1x128x16xf32, #tpu.memory_space<vmem>>
        %dma_wait3A_756 = tpu.memref_squeeze %dma_wait3A_755 : memref<1x1x128x16xf32, #tpu.memory_space<vmem>> -> memref<128x16xf32, #tpu.memory_space<vmem>>
        %dma_wait3A_757 = arith.constant 0 : i32
        %dma_wait3A_758 = tpu.memref_slice %arg9[%dma_wait3A_749, %dma_wait3A_750, %dma_wait3A_757] : memref<2x5x128xi32, #tpu.memory_space<vmem>> -> memref<1x1x128xi32, #tpu.memory_space<vmem>>
        %dma_wait3A_759 = tpu.memref_squeeze %dma_wait3A_758 : memref<1x1x128xi32, #tpu.memory_space<vmem>> -> memref<128xi32, #tpu.memory_space<vmem>>
        %dma_wait3A_760 = arith.constant 0 : i32
        %dma_wait3A_761 = arith.constant 0 : i32
        %dma_wait3A_762 = tpu.memref_slice %arg2[%dma_wait3A_760, %dma_wait3A_761] : memref<802816x16xf32, #tpu.memory_space<hbm>> -> memref<802816x16xf32, #tpu.memory_space<hbm>>
        tpu.wait_indirect_dma semaphore(%arg13 : memref<!tpu.dma_semaphore, #tpu.memory_space<semaphore_mem>>) src(%dma_wait3A_762 : memref<802816x16xf32, #tpu.memory_space<hbm>>) dst(%dma_wait3A_756 : memref<128x16xf32, #tpu.memory_space<vmem>>)
        %dma_wait3A_763 = arith.constant 0 : i32
        %dma_wait3A_764 = arith.constant 1 : i32
        %dma_wait3A_765 = arith.constant 0 : i32
        %dma_wait3A_766 = arith.constant 1 : i32
        %dma_wait3A_767 = arith.constant 0 : i32
        %dma_wait3A_768 = arith.constant 0 : i32
        %dma_wait3A_769 = tpu.memref_slice %arg11[%dma_wait3A_765, %dma_wait3A_766, %dma_wait3A_767, %dma_wait3A_768] : memref<2x5x128x16xf32, #tpu.memory_space<vmem>> -> memref<1x1x128x16xf32, #tpu.memory_space<vmem>>
        %dma_wait3A_770 = tpu.memref_squeeze %dma_wait3A_769 : memref<1x1x128x16xf32, #tpu.memory_space<vmem>> -> memref<128x16xf32, #tpu.memory_space<vmem>>
        %dma_wait3A_771 = arith.constant 0 : i32
        %dma_wait3A_772 = tpu.memref_slice %arg9[%dma_wait3A_763, %dma_wait3A_764, %dma_wait3A_771] : memref<2x5x128xi32, #tpu.memory_space<vmem>> -> memref<1x1x128xi32, #tpu.memory_space<vmem>>
        %dma_wait3A_773 = tpu.memref_squeeze %dma_wait3A_772 : memref<1x1x128xi32, #tpu.memory_space<vmem>> -> memref<128xi32, #tpu.memory_space<vmem>>
        %dma_wait3A_774 = arith.constant 0 : i32
        %dma_wait3A_775 = arith.constant 0 : i32
        %dma_wait3A_776 = tpu.memref_slice %arg2[%dma_wait3A_774, %dma_wait3A_775] : memref<802816x16xf32, #tpu.memory_space<hbm>> -> memref<802816x16xf32, #tpu.memory_space<hbm>>
        tpu.wait_indirect_dma semaphore(%arg13 : memref<!tpu.dma_semaphore, #tpu.memory_space<semaphore_mem>>) src(%dma_wait3A_776 : memref<802816x16xf32, #tpu.memory_space<hbm>>) dst(%dma_wait3A_770 : memref<128x16xf32, #tpu.memory_space<vmem>>)
        %dma_wait3A_777 = arith.constant 0 : i32
        %dma_wait3A_778 = arith.constant 2 : i32
        %dma_wait3A_779 = arith.constant 0 : i32
        %dma_wait3A_780 = arith.constant 2 : i32
        %dma_wait3A_781 = arith.constant 0 : i32
        %dma_wait3A_782 = arith.constant 0 : i32
        %dma_wait3A_783 = tpu.memref_slice %arg11[%dma_wait3A_779, %dma_wait3A_780, %dma_wait3A_781, %dma_wait3A_782] : memref<2x5x128x16xf32, #tpu.memory_space<vmem>> -> memref<1x1x128x16xf32, #tpu.memory_space<vmem>>
        %dma_wait3A_784 = tpu.memref_squeeze %dma_wait3A_783 : memref<1x1x128x16xf32, #tpu.memory_space<vmem>> -> memref<128x16xf32, #tpu.memory_space<vmem>>
        %dma_wait3A_785 = arith.constant 0 : i32
        %dma_wait3A_786 = tpu.memref_slice %arg9[%dma_wait3A_777, %dma_wait3A_778, %dma_wait3A_785] : memref<2x5x128xi32, #tpu.memory_space<vmem>> -> memref<1x1x128xi32, #tpu.memory_space<vmem>>
        %dma_wait3A_787 = tpu.memref_squeeze %dma_wait3A_786 : memref<1x1x128xi32, #tpu.memory_space<vmem>> -> memref<128xi32, #tpu.memory_space<vmem>>
        %dma_wait3A_788 = arith.constant 0 : i32
        %dma_wait3A_789 = arith.constant 0 : i32
        %dma_wait3A_790 = tpu.memref_slice %arg2[%dma_wait3A_788, %dma_wait3A_789] : memref<802816x16xf32, #tpu.memory_space<hbm>> -> memref<802816x16xf32, #tpu.memory_space<hbm>>
        tpu.wait_indirect_dma semaphore(%arg13 : memref<!tpu.dma_semaphore, #tpu.memory_space<semaphore_mem>>) src(%dma_wait3A_790 : memref<802816x16xf32, #tpu.memory_space<hbm>>) dst(%dma_wait3A_784 : memref<128x16xf32, #tpu.memory_space<vmem>>)
        %dma_wait3A_791 = arith.constant 0 : i32
        %dma_wait3A_792 = arith.constant 3 : i32
        %dma_wait3A_793 = arith.constant 0 : i32
        %dma_wait3A_794 = arith.constant 3 : i32
        %dma_wait3A_795 = arith.constant 0 : i32
        %dma_wait3A_796 = arith.constant 0 : i32
        %dma_wait3A_797 = tpu.memref_slice %arg11[%dma_wait3A_793, %dma_wait3A_794, %dma_wait3A_795, %dma_wait3A_796] : memref<2x5x128x16xf32, #tpu.memory_space<vmem>> -> memref<1x1x128x16xf32, #tpu.memory_space<vmem>>
        %dma_wait3A_798 = tpu.memref_squeeze %dma_wait3A_797 : memref<1x1x128x16xf32, #tpu.memory_space<vmem>> -> memref<128x16xf32, #tpu.memory_space<vmem>>
        %dma_wait3A_799 = arith.constant 0 : i32
        %dma_wait3A_800 = tpu.memref_slice %arg9[%dma_wait3A_791, %dma_wait3A_792, %dma_wait3A_799] : memref<2x5x128xi32, #tpu.memory_space<vmem>> -> memref<1x1x128xi32, #tpu.memory_space<vmem>>
        %dma_wait3A_801 = tpu.memref_squeeze %dma_wait3A_800 : memref<1x1x128xi32, #tpu.memory_space<vmem>> -> memref<128xi32, #tpu.memory_space<vmem>>
        %dma_wait3A_802 = arith.constant 0 : i32
        %dma_wait3A_803 = arith.constant 0 : i32
        %dma_wait3A_804 = tpu.memref_slice %arg2[%dma_wait3A_802, %dma_wait3A_803] : memref<802816x16xf32, #tpu.memory_space<hbm>> -> memref<802816x16xf32, #tpu.memory_space<hbm>>
        tpu.wait_indirect_dma semaphore(%arg13 : memref<!tpu.dma_semaphore, #tpu.memory_space<semaphore_mem>>) src(%dma_wait3A_804 : memref<802816x16xf32, #tpu.memory_space<hbm>>) dst(%dma_wait3A_798 : memref<128x16xf32, #tpu.memory_space<vmem>>)
        %dma_wait3A_805 = arith.constant 0 : i32
        %dma_wait3A_806 = arith.constant 4 : i32
        %dma_wait3A_807 = arith.constant 0 : i32
        %dma_wait3A_808 = arith.constant 4 : i32
        %dma_wait3A_809 = arith.constant 0 : i32
        %dma_wait3A_810 = arith.constant 0 : i32
        %dma_wait3A_811 = tpu.memref_slice %arg11[%dma_wait3A_807, %dma_wait3A_808, %dma_wait3A_809, %dma_wait3A_810] : memref<2x5x128x16xf32, #tpu.memory_space<vmem>> -> memref<1x1x128x16xf32, #tpu.memory_space<vmem>>
        %dma_wait3A_812 = tpu.memref_squeeze %dma_wait3A_811 : memref<1x1x128x16xf32, #tpu.memory_space<vmem>> -> memref<128x16xf32, #tpu.memory_space<vmem>>
        %dma_wait3A_813 = arith.constant 0 : i32
        %dma_wait3A_814 = tpu.memref_slice %arg9[%dma_wait3A_805, %dma_wait3A_806, %dma_wait3A_813] : memref<2x5x128xi32, #tpu.memory_space<vmem>> -> memref<1x1x128xi32, #tpu.memory_space<vmem>>
        %dma_wait3A_815 = tpu.memref_squeeze %dma_wait3A_814 : memref<1x1x128xi32, #tpu.memory_space<vmem>> -> memref<128xi32, #tpu.memory_space<vmem>>
        %dma_wait3A_816 = arith.constant 0 : i32
        %dma_wait3A_817 = arith.constant 0 : i32
        %dma_wait3A_818 = tpu.memref_slice %arg2[%dma_wait3A_816, %dma_wait3A_817] : memref<802816x16xf32, #tpu.memory_space<hbm>> -> memref<802816x16xf32, #tpu.memory_space<hbm>>
        tpu.wait_indirect_dma semaphore(%arg13 : memref<!tpu.dma_semaphore, #tpu.memory_space<semaphore_mem>>) src(%dma_wait3A_818 : memref<802816x16xf32, #tpu.memory_space<hbm>>) dst(%dma_wait3A_812 : memref<128x16xf32, #tpu.memory_space<vmem>>)
        %dma_start3A_819 = arith.constant 0 : i32
        %dma_start3A_820 = arith.constant 0 : i32
        %dma_start3A_821 = arith.constant 0 : i32
        %dma_start3A_822 = arith.constant 0 : i32
        %dma_start3A_823 = arith.constant 0 : i32
        %dma_start3A_824 = arith.constant 0 : i32
        %dma_start3A_825 = tpu.memref_slice %arg11[%dma_start3A_819, %dma_start3A_820, %dma_start3A_823, %dma_start3A_824] : memref<2x5x128x16xf32, #tpu.memory_space<vmem>> -> memref<1x1x128x16xf32, #tpu.memory_space<vmem>>
        %dma_start3A_826 = tpu.memref_squeeze %dma_start3A_825 : memref<1x1x128x16xf32, #tpu.memory_space<vmem>> -> memref<128x16xf32, #tpu.memory_space<vmem>>
        %dma_start3A_827 = arith.constant 0 : i32
        %dma_start3A_828 = tpu.memref_slice %arg10[%dma_start3A_821, %dma_start3A_822, %dma_start3A_827] : memref<2x5x128xi32, #tpu.memory_space<vmem>> -> memref<1x1x128xi32, #tpu.memory_space<vmem>>
        %dma_start3A_829 = tpu.memref_squeeze %dma_start3A_828 : memref<1x1x128xi32, #tpu.memory_space<vmem>> -> memref<128xi32, #tpu.memory_space<vmem>>
        %dma_start3A_830 = arith.constant 0 : i32
        %dma_start3A_831 = arith.constant 0 : i32
        %dma_start3A_832 = tpu.memref_slice %arg12[%dma_start3A_830, %dma_start3A_831] : memref<100352x16xf32, #tpu.memory_space<vmem_shared>> -> memref<100352x16xf32, #tpu.memory_space<vmem_shared>>
        tpu.enqueue_indirect_dma source(%dma_start3A_826 : memref<128x16xf32, #tpu.memory_space<vmem>>) target(%dma_start3A_832 : memref<100352x16xf32, #tpu.memory_space<vmem_shared>>) offsets(%dma_start3A_829 : memref<128xi32, #tpu.memory_space<vmem>>) semaphore(%arg15 : memref<!tpu.dma_semaphore, #tpu.memory_space<semaphore_mem>>) {add = true}
        %dma_start3A_833 = arith.constant 0 : i32
        %dma_start3A_834 = arith.constant 1 : i32
        %dma_start3A_835 = arith.constant 0 : i32
        %dma_start3A_836 = arith.constant 1 : i32
        %dma_start3A_837 = arith.constant 0 : i32
        %dma_start3A_838 = arith.constant 0 : i32
        %dma_start3A_839 = tpu.memref_slice %arg11[%dma_start3A_833, %dma_start3A_834, %dma_start3A_837, %dma_start3A_838] : memref<2x5x128x16xf32, #tpu.memory_space<vmem>> -> memref<1x1x128x16xf32, #tpu.memory_space<vmem>>
        %dma_start3A_840 = tpu.memref_squeeze %dma_start3A_839 : memref<1x1x128x16xf32, #tpu.memory_space<vmem>> -> memref<128x16xf32, #tpu.memory_space<vmem>>
        %dma_start3A_841 = arith.constant 0 : i32
        %dma_start3A_842 = tpu.memref_slice %arg10[%dma_start3A_835, %dma_start3A_836, %dma_start3A_841] : memref<2x5x128xi32, #tpu.memory_space<vmem>> -> memref<1x1x128xi32, #tpu.memory_space<vmem>>
        %dma_start3A_843 = tpu.memref_squeeze %dma_start3A_842 : memref<1x1x128xi32, #tpu.memory_space<vmem>> -> memref<128xi32, #tpu.memory_space<vmem>>
        %dma_start3A_844 = arith.constant 0 : i32
        %dma_start3A_845 = arith.constant 0 : i32
        %dma_start3A_846 = tpu.memref_slice %arg12[%dma_start3A_844, %dma_start3A_845] : memref<100352x16xf32, #tpu.memory_space<vmem_shared>> -> memref<100352x16xf32, #tpu.memory_space<vmem_shared>>
        tpu.enqueue_indirect_dma source(%dma_start3A_840 : memref<128x16xf32, #tpu.memory_space<vmem>>) target(%dma_start3A_846 : memref<100352x16xf32, #tpu.memory_space<vmem_shared>>) offsets(%dma_start3A_843 : memref<128xi32, #tpu.memory_space<vmem>>) semaphore(%arg15 : memref<!tpu.dma_semaphore, #tpu.memory_space<semaphore_mem>>) {add = true}
        %dma_start3A_847 = arith.constant 0 : i32
        %dma_start3A_848 = arith.constant 2 : i32
        %dma_start3A_849 = arith.constant 0 : i32
        %dma_start3A_850 = arith.constant 2 : i32
        %dma_start3A_851 = arith.constant 0 : i32
        %dma_start3A_852 = arith.constant 0 : i32
        %dma_start3A_853 = tpu.memref_slice %arg11[%dma_start3A_847, %dma_start3A_848, %dma_start3A_851, %dma_start3A_852] : memref<2x5x128x16xf32, #tpu.memory_space<vmem>> -> memref<1x1x128x16xf32, #tpu.memory_space<vmem>>
        %dma_start3A_854 = tpu.memref_squeeze %dma_start3A_853 : memref<1x1x128x16xf32, #tpu.memory_space<vmem>> -> memref<128x16xf32, #tpu.memory_space<vmem>>
        %dma_start3A_855 = arith.constant 0 : i32
        %dma_start3A_856 = tpu.memref_slice %arg10[%dma_start3A_849, %dma_start3A_850, %dma_start3A_855] : memref<2x5x128xi32, #tpu.memory_space<vmem>> -> memref<1x1x128xi32, #tpu.memory_space<vmem>>
        %dma_start3A_857 = tpu.memref_squeeze %dma_start3A_856 : memref<1x1x128xi32, #tpu.memory_space<vmem>> -> memref<128xi32, #tpu.memory_space<vmem>>
        %dma_start3A_858 = arith.constant 0 : i32
        %dma_start3A_859 = arith.constant 0 : i32
        %dma_start3A_860 = tpu.memref_slice %arg12[%dma_start3A_858, %dma_start3A_859] : memref<100352x16xf32, #tpu.memory_space<vmem_shared>> -> memref<100352x16xf32, #tpu.memory_space<vmem_shared>>
        tpu.enqueue_indirect_dma source(%dma_start3A_854 : memref<128x16xf32, #tpu.memory_space<vmem>>) target(%dma_start3A_860 : memref<100352x16xf32, #tpu.memory_space<vmem_shared>>) offsets(%dma_start3A_857 : memref<128xi32, #tpu.memory_space<vmem>>) semaphore(%arg15 : memref<!tpu.dma_semaphore, #tpu.memory_space<semaphore_mem>>) {add = true}
        %dma_start3A_861 = arith.constant 0 : i32
        %dma_start3A_862 = arith.constant 3 : i32
        %dma_start3A_863 = arith.constant 0 : i32
        %dma_start3A_864 = arith.constant 3 : i32
        %dma_start3A_865 = arith.constant 0 : i32
        %dma_start3A_866 = arith.constant 0 : i32
        %dma_start3A_867 = tpu.memref_slice %arg11[%dma_start3A_861, %dma_start3A_862, %dma_start3A_865, %dma_start3A_866] : memref<2x5x128x16xf32, #tpu.memory_space<vmem>> -> memref<1x1x128x16xf32, #tpu.memory_space<vmem>>
        %dma_start3A_868 = tpu.memref_squeeze %dma_start3A_867 : memref<1x1x128x16xf32, #tpu.memory_space<vmem>> -> memref<128x16xf32, #tpu.memory_space<vmem>>
        %dma_start3A_869 = arith.constant 0 : i32
        %dma_start3A_870 = tpu.memref_slice %arg10[%dma_start3A_863, %dma_start3A_864, %dma_start3A_869] : memref<2x5x128xi32, #tpu.memory_space<vmem>> -> memref<1x1x128xi32, #tpu.memory_space<vmem>>
        %dma_start3A_871 = tpu.memref_squeeze %dma_start3A_870 : memref<1x1x128xi32, #tpu.memory_space<vmem>> -> memref<128xi32, #tpu.memory_space<vmem>>
        %dma_start3A_872 = arith.constant 0 : i32
        %dma_start3A_873 = arith.constant 0 : i32
        %dma_start3A_874 = tpu.memref_slice %arg12[%dma_start3A_872, %dma_start3A_873] : memref<100352x16xf32, #tpu.memory_space<vmem_shared>> -> memref<100352x16xf32, #tpu.memory_space<vmem_shared>>
        tpu.enqueue_indirect_dma source(%dma_start3A_868 : memref<128x16xf32, #tpu.memory_space<vmem>>) target(%dma_start3A_874 : memref<100352x16xf32, #tpu.memory_space<vmem_shared>>) offsets(%dma_start3A_871 : memref<128xi32, #tpu.memory_space<vmem>>) semaphore(%arg15 : memref<!tpu.dma_semaphore, #tpu.memory_space<semaphore_mem>>) {add = true}
        %dma_start3A_875 = arith.constant 0 : i32
        %dma_start3A_876 = arith.constant 4 : i32
        %dma_start3A_877 = arith.constant 0 : i32
        %dma_start3A_878 = arith.constant 4 : i32
        %dma_start3A_879 = arith.constant 0 : i32
        %dma_start3A_880 = arith.constant 0 : i32
        %dma_start3A_881 = tpu.memref_slice %arg11[%dma_start3A_875, %dma_start3A_876, %dma_start3A_879, %dma_start3A_880] : memref<2x5x128x16xf32, #tpu.memory_space<vmem>> -> memref<1x1x128x16xf32, #tpu.memory_space<vmem>>
        %dma_start3A_882 = tpu.memref_squeeze %dma_start3A_881 : memref<1x1x128x16xf32, #tpu.memory_space<vmem>> -> memref<128x16xf32, #tpu.memory_space<vmem>>
        %dma_start3A_883 = arith.constant 0 : i32
        %dma_start3A_884 = tpu.memref_slice %arg10[%dma_start3A_877, %dma_start3A_878, %dma_start3A_883] : memref<2x5x128xi32, #tpu.memory_space<vmem>> -> memref<1x1x128xi32, #tpu.memory_space<vmem>>
        %dma_start3A_885 = tpu.memref_squeeze %dma_start3A_884 : memref<1x1x128xi32, #tpu.memory_space<vmem>> -> memref<128xi32, #tpu.memory_space<vmem>>
        %dma_start3A_886 = arith.constant 0 : i32
        %dma_start3A_887 = arith.constant 0 : i32
        %dma_start3A_888 = tpu.memref_slice %arg12[%dma_start3A_886, %dma_start3A_887] : memref<100352x16xf32, #tpu.memory_space<vmem_shared>> -> memref<100352x16xf32, #tpu.memory_space<vmem_shared>>
        tpu.enqueue_indirect_dma source(%dma_start3A_882 : memref<128x16xf32, #tpu.memory_space<vmem>>) target(%dma_start3A_888 : memref<100352x16xf32, #tpu.memory_space<vmem_shared>>) offsets(%dma_start3A_885 : memref<128xi32, #tpu.memory_space<vmem>>) semaphore(%arg15 : memref<!tpu.dma_semaphore, #tpu.memory_space<semaphore_mem>>) {add = true}
        %dma_wait3A_889 = arith.constant 0 : i32
        %dma_wait3A_890 = arith.constant 0 : i32
        %dma_wait3A_891 = arith.constant 0 : i32
        %dma_wait3A_892 = arith.constant 0 : i32
        %dma_wait3A_893 = arith.constant 0 : i32
        %dma_wait3A_894 = arith.constant 0 : i32
        %dma_wait3A_895 = tpu.memref_slice %arg11[%dma_wait3A_889, %dma_wait3A_890, %dma_wait3A_893, %dma_wait3A_894] : memref<2x5x128x16xf32, #tpu.memory_space<vmem>> -> memref<1x1x128x16xf32, #tpu.memory_space<vmem>>
        %dma_wait3A_896 = tpu.memref_squeeze %dma_wait3A_895 : memref<1x1x128x16xf32, #tpu.memory_space<vmem>> -> memref<128x16xf32, #tpu.memory_space<vmem>>
        %dma_wait3A_897 = arith.constant 0 : i32
        %dma_wait3A_898 = tpu.memref_slice %arg10[%dma_wait3A_891, %dma_wait3A_892, %dma_wait3A_897] : memref<2x5x128xi32, #tpu.memory_space<vmem>> -> memref<1x1x128xi32, #tpu.memory_space<vmem>>
        %dma_wait3A_899 = tpu.memref_squeeze %dma_wait3A_898 : memref<1x1x128xi32, #tpu.memory_space<vmem>> -> memref<128xi32, #tpu.memory_space<vmem>>
        %dma_wait3A_900 = arith.constant 0 : i32
        %dma_wait3A_901 = arith.constant 0 : i32
        %dma_wait3A_902 = tpu.memref_slice %arg12[%dma_wait3A_900, %dma_wait3A_901] : memref<100352x16xf32, #tpu.memory_space<vmem_shared>> -> memref<100352x16xf32, #tpu.memory_space<vmem_shared>>
        tpu.wait_indirect_dma semaphore(%arg15 : memref<!tpu.dma_semaphore, #tpu.memory_space<semaphore_mem>>) src(%dma_wait3A_896 : memref<128x16xf32, #tpu.memory_space<vmem>>) dst(%dma_wait3A_902 : memref<100352x16xf32, #tpu.memory_space<vmem_shared>>)
        %dma_wait3A_903 = arith.constant 0 : i32
        %dma_wait3A_904 = arith.constant 1 : i32
        %dma_wait3A_905 = arith.constant 0 : i32
        %dma_wait3A_906 = arith.constant 1 : i32
        %dma_wait3A_907 = arith.constant 0 : i32
        %dma_wait3A_908 = arith.constant 0 : i32
        %dma_wait3A_909 = tpu.memref_slice %arg11[%dma_wait3A_903, %dma_wait3A_904, %dma_wait3A_907, %dma_wait3A_908] : memref<2x5x128x16xf32, #tpu.memory_space<vmem>> -> memref<1x1x128x16xf32, #tpu.memory_space<vmem>>
        %dma_wait3A_910 = tpu.memref_squeeze %dma_wait3A_909 : memref<1x1x128x16xf32, #tpu.memory_space<vmem>> -> memref<128x16xf32, #tpu.memory_space<vmem>>
        %dma_wait3A_911 = arith.constant 0 : i32
        %dma_wait3A_912 = tpu.memref_slice %arg10[%dma_wait3A_905, %dma_wait3A_906, %dma_wait3A_911] : memref<2x5x128xi32, #tpu.memory_space<vmem>> -> memref<1x1x128xi32, #tpu.memory_space<vmem>>
        %dma_wait3A_913 = tpu.memref_squeeze %dma_wait3A_912 : memref<1x1x128xi32, #tpu.memory_space<vmem>> -> memref<128xi32, #tpu.memory_space<vmem>>
        %dma_wait3A_914 = arith.constant 0 : i32
        %dma_wait3A_915 = arith.constant 0 : i32
        %dma_wait3A_916 = tpu.memref_slice %arg12[%dma_wait3A_914, %dma_wait3A_915] : memref<100352x16xf32, #tpu.memory_space<vmem_shared>> -> memref<100352x16xf32, #tpu.memory_space<vmem_shared>>
        tpu.wait_indirect_dma semaphore(%arg15 : memref<!tpu.dma_semaphore, #tpu.memory_space<semaphore_mem>>) src(%dma_wait3A_910 : memref<128x16xf32, #tpu.memory_space<vmem>>) dst(%dma_wait3A_916 : memref<100352x16xf32, #tpu.memory_space<vmem_shared>>)
        %dma_wait3A_917 = arith.constant 0 : i32
        %dma_wait3A_918 = arith.constant 2 : i32
        %dma_wait3A_919 = arith.constant 0 : i32
        %dma_wait3A_920 = arith.constant 2 : i32
        %dma_wait3A_921 = arith.constant 0 : i32
        %dma_wait3A_922 = arith.constant 0 : i32
        %dma_wait3A_923 = tpu.memref_slice %arg11[%dma_wait3A_917, %dma_wait3A_918, %dma_wait3A_921, %dma_wait3A_922] : memref<2x5x128x16xf32, #tpu.memory_space<vmem>> -> memref<1x1x128x16xf32, #tpu.memory_space<vmem>>
        %dma_wait3A_924 = tpu.memref_squeeze %dma_wait3A_923 : memref<1x1x128x16xf32, #tpu.memory_space<vmem>> -> memref<128x16xf32, #tpu.memory_space<vmem>>
        %dma_wait3A_925 = arith.constant 0 : i32
        %dma_wait3A_926 = tpu.memref_slice %arg10[%dma_wait3A_919, %dma_wait3A_920, %dma_wait3A_925] : memref<2x5x128xi32, #tpu.memory_space<vmem>> -> memref<1x1x128xi32, #tpu.memory_space<vmem>>
        %dma_wait3A_927 = tpu.memref_squeeze %dma_wait3A_926 : memref<1x1x128xi32, #tpu.memory_space<vmem>> -> memref<128xi32, #tpu.memory_space<vmem>>
        %dma_wait3A_928 = arith.constant 0 : i32
        %dma_wait3A_929 = arith.constant 0 : i32
        %dma_wait3A_930 = tpu.memref_slice %arg12[%dma_wait3A_928, %dma_wait3A_929] : memref<100352x16xf32, #tpu.memory_space<vmem_shared>> -> memref<100352x16xf32, #tpu.memory_space<vmem_shared>>
        tpu.wait_indirect_dma semaphore(%arg15 : memref<!tpu.dma_semaphore, #tpu.memory_space<semaphore_mem>>) src(%dma_wait3A_924 : memref<128x16xf32, #tpu.memory_space<vmem>>) dst(%dma_wait3A_930 : memref<100352x16xf32, #tpu.memory_space<vmem_shared>>)
        %dma_wait3A_931 = arith.constant 0 : i32
        %dma_wait3A_932 = arith.constant 3 : i32
        %dma_wait3A_933 = arith.constant 0 : i32
        %dma_wait3A_934 = arith.constant 3 : i32
        %dma_wait3A_935 = arith.constant 0 : i32
        %dma_wait3A_936 = arith.constant 0 : i32
        %dma_wait3A_937 = tpu.memref_slice %arg11[%dma_wait3A_931, %dma_wait3A_932, %dma_wait3A_935, %dma_wait3A_936] : memref<2x5x128x16xf32, #tpu.memory_space<vmem>> -> memref<1x1x128x16xf32, #tpu.memory_space<vmem>>
        %dma_wait3A_938 = tpu.memref_squeeze %dma_wait3A_937 : memref<1x1x128x16xf32, #tpu.memory_space<vmem>> -> memref<128x16xf32, #tpu.memory_space<vmem>>
        %dma_wait3A_939 = arith.constant 0 : i32
        %dma_wait3A_940 = tpu.memref_slice %arg10[%dma_wait3A_933, %dma_wait3A_934, %dma_wait3A_939] : memref<2x5x128xi32, #tpu.memory_space<vmem>> -> memref<1x1x128xi32, #tpu.memory_space<vmem>>
        %dma_wait3A_941 = tpu.memref_squeeze %dma_wait3A_940 : memref<1x1x128xi32, #tpu.memory_space<vmem>> -> memref<128xi32, #tpu.memory_space<vmem>>
        %dma_wait3A_942 = arith.constant 0 : i32
        %dma_wait3A_943 = arith.constant 0 : i32
        %dma_wait3A_944 = tpu.memref_slice %arg12[%dma_wait3A_942, %dma_wait3A_943] : memref<100352x16xf32, #tpu.memory_space<vmem_shared>> -> memref<100352x16xf32, #tpu.memory_space<vmem_shared>>
        tpu.wait_indirect_dma semaphore(%arg15 : memref<!tpu.dma_semaphore, #tpu.memory_space<semaphore_mem>>) src(%dma_wait3A_938 : memref<128x16xf32, #tpu.memory_space<vmem>>) dst(%dma_wait3A_944 : memref<100352x16xf32, #tpu.memory_space<vmem_shared>>)
        %dma_wait3A_945 = arith.constant 0 : i32
        %dma_wait3A_946 = arith.constant 4 : i32
        %dma_wait3A_947 = arith.constant 0 : i32
        %dma_wait3A_948 = arith.constant 4 : i32
        %dma_wait3A_949 = arith.constant 0 : i32
        %dma_wait3A_950 = arith.constant 0 : i32
        %dma_wait3A_951 = tpu.memref_slice %arg11[%dma_wait3A_945, %dma_wait3A_946, %dma_wait3A_949, %dma_wait3A_950] : memref<2x5x128x16xf32, #tpu.memory_space<vmem>> -> memref<1x1x128x16xf32, #tpu.memory_space<vmem>>
        %dma_wait3A_952 = tpu.memref_squeeze %dma_wait3A_951 : memref<1x1x128x16xf32, #tpu.memory_space<vmem>> -> memref<128x16xf32, #tpu.memory_space<vmem>>
        %dma_wait3A_953 = arith.constant 0 : i32
        %dma_wait3A_954 = tpu.memref_slice %arg10[%dma_wait3A_947, %dma_wait3A_948, %dma_wait3A_953] : memref<2x5x128xi32, #tpu.memory_space<vmem>> -> memref<1x1x128xi32, #tpu.memory_space<vmem>>
        %dma_wait3A_955 = tpu.memref_squeeze %dma_wait3A_954 : memref<1x1x128xi32, #tpu.memory_space<vmem>> -> memref<128xi32, #tpu.memory_space<vmem>>
        %dma_wait3A_956 = arith.constant 0 : i32
        %dma_wait3A_957 = arith.constant 0 : i32
        %dma_wait3A_958 = tpu.memref_slice %arg12[%dma_wait3A_956, %dma_wait3A_957] : memref<100352x16xf32, #tpu.memory_space<vmem_shared>> -> memref<100352x16xf32, #tpu.memory_space<vmem_shared>>
        tpu.wait_indirect_dma semaphore(%arg15 : memref<!tpu.dma_semaphore, #tpu.memory_space<semaphore_mem>>) src(%dma_wait3A_952 : memref<128x16xf32, #tpu.memory_space<vmem>>) dst(%dma_wait3A_958 : memref<100352x16xf32, #tpu.memory_space<vmem_shared>>)
        %add3A_959 = arith.constant 2 : i32
        %add3A_960 = arith.addi %mul3A_664, %add3A_959 : i32
        %mul3A_961 = arith.constant 5 : i32
        %mul3A_962 = arith.muli %add3A_960, %mul3A_961 : i32
        %add3A_963 = arith.addi %mul3A_9, %mul3A_962 : i32
        %run_scoped3A_964 = arith.constant 0 : i32
        "tpu.region"() ({
          %run_scoped3A_1179 = tpu.sem_alloc : memref<!tpu.dma_semaphore, #tpu.memory_space<semaphore_mem>>
          %dma_start3A_1180 = arith.constant 0 : i32
          %dma_start3A_1181 = arith.constant 0 : i32
          %dma_start3A_1182 = tpu.memref_slice %arg9[%run_scoped3A_964, %dma_start3A_1180, %dma_start3A_1181] : memref<2x5x128xi32, #tpu.memory_space<vmem>> -> memref<1x5x128xi32, #tpu.memory_space<vmem>>
          %dma_start3A_1183 = tpu.memref_squeeze %dma_start3A_1182 : memref<1x5x128xi32, #tpu.memory_space<vmem>> -> memref<5x128xi32, #tpu.memory_space<vmem>>
          %dma_start3A_1184 = arith.constant 0 : i32
          %dma_start3A_1185 = tpu.memref_slice %arg4[%add3A_963, %dma_start3A_1184] : memref<13440x128xi32, #tpu.memory_space<hbm>> -> memref<5x128xi32, #tpu.memory_space<hbm>>
          %dma_start3A_1186 = arith.constant 0 : i32
          %dma_start3A_1187 = arith.constant 0 : i32
          %dma_start3A_1188 = tpu.memref_slice %arg9[%run_scoped3A_964, %dma_start3A_1186, %dma_start3A_1187] : memref<2x5x128xi32, #tpu.memory_space<vmem>> -> memref<1x5x128xi32, #tpu.memory_space<vmem>>
          %dma_start3A_1189 = tpu.memref_squeeze %dma_start3A_1188 : memref<1x5x128xi32, #tpu.memory_space<vmem>> -> memref<5x128xi32, #tpu.memory_space<vmem>>
          %dma_start3A_1190 = arith.constant 0 : i32
          %dma_start3A_1191 = tpu.memref_slice %arg4[%add3A_963, %dma_start3A_1190] : memref<13440x128xi32, #tpu.memory_space<hbm>> -> memref<5x128xi32, #tpu.memory_space<hbm>>
          tpu.enqueue_dma source(%dma_start3A_1191 : memref<5x128xi32, #tpu.memory_space<hbm>>) target(%dma_start3A_1189 : memref<5x128xi32, #tpu.memory_space<vmem>>) target_semaphore(%run_scoped3A_1179 : memref<!tpu.dma_semaphore, #tpu.memory_space<semaphore_mem>>)
          %dma_wait3A_1192 = arith.constant 0 : i32
          %dma_wait3A_1193 = arith.constant 0 : i32
          %dma_wait3A_1194 = tpu.memref_slice %arg9[%run_scoped3A_964, %dma_wait3A_1192, %dma_wait3A_1193] : memref<2x5x128xi32, #tpu.memory_space<vmem>> -> memref<1x5x128xi32, #tpu.memory_space<vmem>>
          %dma_wait3A_1195 = tpu.memref_squeeze %dma_wait3A_1194 : memref<1x5x128xi32, #tpu.memory_space<vmem>> -> memref<5x128xi32, #tpu.memory_space<vmem>>
          %dma_wait3A_1196 = arith.constant 0 : i32
          %dma_wait3A_1197 = tpu.memref_slice %arg4[%add3A_963, %dma_wait3A_1196] : memref<13440x128xi32, #tpu.memory_space<hbm>> -> memref<5x128xi32, #tpu.memory_space<hbm>>
          %dma_wait3A_1198 = arith.constant 0 : i32
          %dma_wait3A_1199 = arith.constant 0 : i32
          %dma_wait3A_1200 = tpu.memref_slice %arg9[%run_scoped3A_964, %dma_wait3A_1198, %dma_wait3A_1199] : memref<2x5x128xi32, #tpu.memory_space<vmem>> -> memref<1x5x128xi32, #tpu.memory_space<vmem>>
          %dma_wait3A_1201 = tpu.memref_squeeze %dma_wait3A_1200 : memref<1x5x128xi32, #tpu.memory_space<vmem>> -> memref<5x128xi32, #tpu.memory_space<vmem>>
          %dma_wait3A_1202 = arith.constant 0 : i32
          %dma_wait3A_1203 = tpu.memref_slice %arg4[%add3A_963, %dma_wait3A_1202] : memref<13440x128xi32, #tpu.memory_space<hbm>> -> memref<5x128xi32, #tpu.memory_space<hbm>>
          tpu.wait_dma2 semaphore(%run_scoped3A_1179 : memref<!tpu.dma_semaphore, #tpu.memory_space<semaphore_mem>>) src(%dma_wait3A_1203 : memref<5x128xi32, #tpu.memory_space<hbm>>) dst(%dma_wait3A_1201 : memref<5x128xi32, #tpu.memory_space<vmem>>)
          tpu.yield
        }) : () -> ()
        %mul3A_965 = arith.constant 5 : i32
        %mul3A_966 = arith.muli %add3A_960, %mul3A_965 : i32
        %add3A_967 = arith.addi %mul3A_9, %mul3A_966 : i32
        %run_scoped3A_968 = arith.constant 0 : i32
        "tpu.region"() ({
          %run_scoped3A_1179 = tpu.sem_alloc : memref<!tpu.dma_semaphore, #tpu.memory_space<semaphore_mem>>
          %dma_start3A_1180 = arith.constant 0 : i32
          %dma_start3A_1181 = arith.constant 0 : i32
          %dma_start3A_1182 = tpu.memref_slice %arg10[%run_scoped3A_968, %dma_start3A_1180, %dma_start3A_1181] : memref<2x5x128xi32, #tpu.memory_space<vmem>> -> memref<1x5x128xi32, #tpu.memory_space<vmem>>
          %dma_start3A_1183 = tpu.memref_squeeze %dma_start3A_1182 : memref<1x5x128xi32, #tpu.memory_space<vmem>> -> memref<5x128xi32, #tpu.memory_space<vmem>>
          %dma_start3A_1184 = arith.constant 0 : i32
          %dma_start3A_1185 = tpu.memref_slice %arg6[%add3A_967, %dma_start3A_1184] : memref<13440x128xi32, #tpu.memory_space<hbm>> -> memref<5x128xi32, #tpu.memory_space<hbm>>
          %dma_start3A_1186 = arith.constant 0 : i32
          %dma_start3A_1187 = arith.constant 0 : i32
          %dma_start3A_1188 = tpu.memref_slice %arg10[%run_scoped3A_968, %dma_start3A_1186, %dma_start3A_1187] : memref<2x5x128xi32, #tpu.memory_space<vmem>> -> memref<1x5x128xi32, #tpu.memory_space<vmem>>
          %dma_start3A_1189 = tpu.memref_squeeze %dma_start3A_1188 : memref<1x5x128xi32, #tpu.memory_space<vmem>> -> memref<5x128xi32, #tpu.memory_space<vmem>>
          %dma_start3A_1190 = arith.constant 0 : i32
          %dma_start3A_1191 = tpu.memref_slice %arg6[%add3A_967, %dma_start3A_1190] : memref<13440x128xi32, #tpu.memory_space<hbm>> -> memref<5x128xi32, #tpu.memory_space<hbm>>
          tpu.enqueue_dma source(%dma_start3A_1191 : memref<5x128xi32, #tpu.memory_space<hbm>>) target(%dma_start3A_1189 : memref<5x128xi32, #tpu.memory_space<vmem>>) target_semaphore(%run_scoped3A_1179 : memref<!tpu.dma_semaphore, #tpu.memory_space<semaphore_mem>>)
          %dma_wait3A_1192 = arith.constant 0 : i32
          %dma_wait3A_1193 = arith.constant 0 : i32
          %dma_wait3A_1194 = tpu.memref_slice %arg10[%run_scoped3A_968, %dma_wait3A_1192, %dma_wait3A_1193] : memref<2x5x128xi32, #tpu.memory_space<vmem>> -> memref<1x5x128xi32, #tpu.memory_space<vmem>>
          %dma_wait3A_1195 = tpu.memref_squeeze %dma_wait3A_1194 : memref<1x5x128xi32, #tpu.memory_space<vmem>> -> memref<5x128xi32, #tpu.memory_space<vmem>>
          %dma_wait3A_1196 = arith.constant 0 : i32
          %dma_wait3A_1197 = tpu.memref_slice %arg6[%add3A_967, %dma_wait3A_1196] : memref<13440x128xi32, #tpu.memory_space<hbm>> -> memref<5x128xi32, #tpu.memory_space<hbm>>
          %dma_wait3A_1198 = arith.constant 0 : i32
          %dma_wait3A_1199 = arith.constant 0 : i32
          %dma_wait3A_1200 = tpu.memref_slice %arg10[%run_scoped3A_968, %dma_wait3A_1198, %dma_wait3A_1199] : memref<2x5x128xi32, #tpu.memory_space<vmem>> -> memref<1x5x128xi32, #tpu.memory_space<vmem>>
          %dma_wait3A_1201 = tpu.memref_squeeze %dma_wait3A_1200 : memref<1x5x128xi32, #tpu.memory_space<vmem>> -> memref<5x128xi32, #tpu.memory_space<vmem>>
          %dma_wait3A_1202 = arith.constant 0 : i32
          %dma_wait3A_1203 = tpu.memref_slice %arg6[%add3A_967, %dma_wait3A_1202] : memref<13440x128xi32, #tpu.memory_space<hbm>> -> memref<5x128xi32, #tpu.memory_space<hbm>>
          tpu.wait_dma2 semaphore(%run_scoped3A_1179 : memref<!tpu.dma_semaphore, #tpu.memory_space<semaphore_mem>>) src(%dma_wait3A_1203 : memref<5x128xi32, #tpu.memory_space<hbm>>) dst(%dma_wait3A_1201 : memref<5x128xi32, #tpu.memory_space<vmem>>)
          tpu.yield
        }) : () -> ()
        %dma_start3A_969 = arith.constant 0 : i32
        %dma_start3A_970 = arith.constant 0 : i32
        %dma_start3A_971 = arith.constant 0 : i32
        %dma_start3A_972 = arith.constant 0 : i32
        %dma_start3A_973 = arith.constant 0 : i32
        %dma_start3A_974 = arith.constant 0 : i32
        %dma_start3A_975 = tpu.memref_slice %arg11[%dma_start3A_971, %dma_start3A_972, %dma_start3A_973, %dma_start3A_974] : memref<2x5x128x16xf32, #tpu.memory_space<vmem>> -> memref<1x1x128x16xf32, #tpu.memory_space<vmem>>
        %dma_start3A_976 = tpu.memref_squeeze %dma_start3A_975 : memref<1x1x128x16xf32, #tpu.memory_space<vmem>> -> memref<128x16xf32, #tpu.memory_space<vmem>>
        %dma_start3A_977 = arith.constant 0 : i32
        %dma_start3A_978 = tpu.memref_slice %arg9[%dma_start3A_969, %dma_start3A_970, %dma_start3A_977] : memref<2x5x128xi32, #tpu.memory_space<vmem>> -> memref<1x1x128xi32, #tpu.memory_space<vmem>>
        %dma_start3A_979 = tpu.memref_squeeze %dma_start3A_978 : memref<1x1x128xi32, #tpu.memory_space<vmem>> -> memref<128xi32, #tpu.memory_space<vmem>>
        %dma_start3A_980 = arith.constant 0 : i32
        %dma_start3A_981 = arith.constant 0 : i32
        %dma_start3A_982 = tpu.memref_slice %arg2[%dma_start3A_980, %dma_start3A_981] : memref<802816x16xf32, #tpu.memory_space<hbm>> -> memref<802816x16xf32, #tpu.memory_space<hbm>>
        tpu.enqueue_indirect_dma source(%dma_start3A_982 : memref<802816x16xf32, #tpu.memory_space<hbm>>) target(%dma_start3A_976 : memref<128x16xf32, #tpu.memory_space<vmem>>) offsets(%dma_start3A_979 : memref<128xi32, #tpu.memory_space<vmem>>) semaphore(%arg13 : memref<!tpu.dma_semaphore, #tpu.memory_space<semaphore_mem>>)
        %dma_start3A_983 = arith.constant 0 : i32
        %dma_start3A_984 = arith.constant 1 : i32
        %dma_start3A_985 = arith.constant 0 : i32
        %dma_start3A_986 = arith.constant 1 : i32
        %dma_start3A_987 = arith.constant 0 : i32
        %dma_start3A_988 = arith.constant 0 : i32
        %dma_start3A_989 = tpu.memref_slice %arg11[%dma_start3A_985, %dma_start3A_986, %dma_start3A_987, %dma_start3A_988] : memref<2x5x128x16xf32, #tpu.memory_space<vmem>> -> memref<1x1x128x16xf32, #tpu.memory_space<vmem>>
        %dma_start3A_990 = tpu.memref_squeeze %dma_start3A_989 : memref<1x1x128x16xf32, #tpu.memory_space<vmem>> -> memref<128x16xf32, #tpu.memory_space<vmem>>
        %dma_start3A_991 = arith.constant 0 : i32
        %dma_start3A_992 = tpu.memref_slice %arg9[%dma_start3A_983, %dma_start3A_984, %dma_start3A_991] : memref<2x5x128xi32, #tpu.memory_space<vmem>> -> memref<1x1x128xi32, #tpu.memory_space<vmem>>
        %dma_start3A_993 = tpu.memref_squeeze %dma_start3A_992 : memref<1x1x128xi32, #tpu.memory_space<vmem>> -> memref<128xi32, #tpu.memory_space<vmem>>
        %dma_start3A_994 = arith.constant 0 : i32
        %dma_start3A_995 = arith.constant 0 : i32
        %dma_start3A_996 = tpu.memref_slice %arg2[%dma_start3A_994, %dma_start3A_995] : memref<802816x16xf32, #tpu.memory_space<hbm>> -> memref<802816x16xf32, #tpu.memory_space<hbm>>
        tpu.enqueue_indirect_dma source(%dma_start3A_996 : memref<802816x16xf32, #tpu.memory_space<hbm>>) target(%dma_start3A_990 : memref<128x16xf32, #tpu.memory_space<vmem>>) offsets(%dma_start3A_993 : memref<128xi32, #tpu.memory_space<vmem>>) semaphore(%arg13 : memref<!tpu.dma_semaphore, #tpu.memory_space<semaphore_mem>>)
        %dma_start3A_997 = arith.constant 0 : i32
        %dma_start3A_998 = arith.constant 2 : i32
        %dma_start3A_999 = arith.constant 0 : i32
        %dma_start3A_1000 = arith.constant 2 : i32
        %dma_start3A_1001 = arith.constant 0 : i32
        %dma_start3A_1002 = arith.constant 0 : i32
        %dma_start3A_1003 = tpu.memref_slice %arg11[%dma_start3A_999, %dma_start3A_1000, %dma_start3A_1001, %dma_start3A_1002] : memref<2x5x128x16xf32, #tpu.memory_space<vmem>> -> memref<1x1x128x16xf32, #tpu.memory_space<vmem>>
        %dma_start3A_1004 = tpu.memref_squeeze %dma_start3A_1003 : memref<1x1x128x16xf32, #tpu.memory_space<vmem>> -> memref<128x16xf32, #tpu.memory_space<vmem>>
        %dma_start3A_1005 = arith.constant 0 : i32
        %dma_start3A_1006 = tpu.memref_slice %arg9[%dma_start3A_997, %dma_start3A_998, %dma_start3A_1005] : memref<2x5x128xi32, #tpu.memory_space<vmem>> -> memref<1x1x128xi32, #tpu.memory_space<vmem>>
        %dma_start3A_1007 = tpu.memref_squeeze %dma_start3A_1006 : memref<1x1x128xi32, #tpu.memory_space<vmem>> -> memref<128xi32, #tpu.memory_space<vmem>>
        %dma_start3A_1008 = arith.constant 0 : i32
        %dma_start3A_1009 = arith.constant 0 : i32
        %dma_start3A_1010 = tpu.memref_slice %arg2[%dma_start3A_1008, %dma_start3A_1009] : memref<802816x16xf32, #tpu.memory_space<hbm>> -> memref<802816x16xf32, #tpu.memory_space<hbm>>
        tpu.enqueue_indirect_dma source(%dma_start3A_1010 : memref<802816x16xf32, #tpu.memory_space<hbm>>) target(%dma_start3A_1004 : memref<128x16xf32, #tpu.memory_space<vmem>>) offsets(%dma_start3A_1007 : memref<128xi32, #tpu.memory_space<vmem>>) semaphore(%arg13 : memref<!tpu.dma_semaphore, #tpu.memory_space<semaphore_mem>>)
        %dma_start3A_1011 = arith.constant 0 : i32
        %dma_start3A_1012 = arith.constant 3 : i32
        %dma_start3A_1013 = arith.constant 0 : i32
        %dma_start3A_1014 = arith.constant 3 : i32
        %dma_start3A_1015 = arith.constant 0 : i32
        %dma_start3A_1016 = arith.constant 0 : i32
        %dma_start3A_1017 = tpu.memref_slice %arg11[%dma_start3A_1013, %dma_start3A_1014, %dma_start3A_1015, %dma_start3A_1016] : memref<2x5x128x16xf32, #tpu.memory_space<vmem>> -> memref<1x1x128x16xf32, #tpu.memory_space<vmem>>
        %dma_start3A_1018 = tpu.memref_squeeze %dma_start3A_1017 : memref<1x1x128x16xf32, #tpu.memory_space<vmem>> -> memref<128x16xf32, #tpu.memory_space<vmem>>
        %dma_start3A_1019 = arith.constant 0 : i32
        %dma_start3A_1020 = tpu.memref_slice %arg9[%dma_start3A_1011, %dma_start3A_1012, %dma_start3A_1019] : memref<2x5x128xi32, #tpu.memory_space<vmem>> -> memref<1x1x128xi32, #tpu.memory_space<vmem>>
        %dma_start3A_1021 = tpu.memref_squeeze %dma_start3A_1020 : memref<1x1x128xi32, #tpu.memory_space<vmem>> -> memref<128xi32, #tpu.memory_space<vmem>>
        %dma_start3A_1022 = arith.constant 0 : i32
        %dma_start3A_1023 = arith.constant 0 : i32
        %dma_start3A_1024 = tpu.memref_slice %arg2[%dma_start3A_1022, %dma_start3A_1023] : memref<802816x16xf32, #tpu.memory_space<hbm>> -> memref<802816x16xf32, #tpu.memory_space<hbm>>
        tpu.enqueue_indirect_dma source(%dma_start3A_1024 : memref<802816x16xf32, #tpu.memory_space<hbm>>) target(%dma_start3A_1018 : memref<128x16xf32, #tpu.memory_space<vmem>>) offsets(%dma_start3A_1021 : memref<128xi32, #tpu.memory_space<vmem>>) semaphore(%arg13 : memref<!tpu.dma_semaphore, #tpu.memory_space<semaphore_mem>>)
        %dma_start3A_1025 = arith.constant 0 : i32
        %dma_start3A_1026 = arith.constant 4 : i32
        %dma_start3A_1027 = arith.constant 0 : i32
        %dma_start3A_1028 = arith.constant 4 : i32
        %dma_start3A_1029 = arith.constant 0 : i32
        %dma_start3A_1030 = arith.constant 0 : i32
        %dma_start3A_1031 = tpu.memref_slice %arg11[%dma_start3A_1027, %dma_start3A_1028, %dma_start3A_1029, %dma_start3A_1030] : memref<2x5x128x16xf32, #tpu.memory_space<vmem>> -> memref<1x1x128x16xf32, #tpu.memory_space<vmem>>
        %dma_start3A_1032 = tpu.memref_squeeze %dma_start3A_1031 : memref<1x1x128x16xf32, #tpu.memory_space<vmem>> -> memref<128x16xf32, #tpu.memory_space<vmem>>
        %dma_start3A_1033 = arith.constant 0 : i32
        %dma_start3A_1034 = tpu.memref_slice %arg9[%dma_start3A_1025, %dma_start3A_1026, %dma_start3A_1033] : memref<2x5x128xi32, #tpu.memory_space<vmem>> -> memref<1x1x128xi32, #tpu.memory_space<vmem>>
        %dma_start3A_1035 = tpu.memref_squeeze %dma_start3A_1034 : memref<1x1x128xi32, #tpu.memory_space<vmem>> -> memref<128xi32, #tpu.memory_space<vmem>>
        %dma_start3A_1036 = arith.constant 0 : i32
        %dma_start3A_1037 = arith.constant 0 : i32
        %dma_start3A_1038 = tpu.memref_slice %arg2[%dma_start3A_1036, %dma_start3A_1037] : memref<802816x16xf32, #tpu.memory_space<hbm>> -> memref<802816x16xf32, #tpu.memory_space<hbm>>
        tpu.enqueue_indirect_dma source(%dma_start3A_1038 : memref<802816x16xf32, #tpu.memory_space<hbm>>) target(%dma_start3A_1032 : memref<128x16xf32, #tpu.memory_space<vmem>>) offsets(%dma_start3A_1035 : memref<128xi32, #tpu.memory_space<vmem>>) semaphore(%arg13 : memref<!tpu.dma_semaphore, #tpu.memory_space<semaphore_mem>>)
        %dma_wait3A_1039 = arith.constant 1 : i32
        %dma_wait3A_1040 = arith.constant 0 : i32
        %dma_wait3A_1041 = arith.constant 1 : i32
        %dma_wait3A_1042 = arith.constant 0 : i32
        %dma_wait3A_1043 = arith.constant 0 : i32
        %dma_wait3A_1044 = arith.constant 0 : i32
        %dma_wait3A_1045 = tpu.memref_slice %arg11[%dma_wait3A_1041, %dma_wait3A_1042, %dma_wait3A_1043, %dma_wait3A_1044] : memref<2x5x128x16xf32, #tpu.memory_space<vmem>> -> memref<1x1x128x16xf32, #tpu.memory_space<vmem>>
        %dma_wait3A_1046 = tpu.memref_squeeze %dma_wait3A_1045 : memref<1x1x128x16xf32, #tpu.memory_space<vmem>> -> memref<128x16xf32, #tpu.memory_space<vmem>>
        %dma_wait3A_1047 = arith.constant 0 : i32
        %dma_wait3A_1048 = tpu.memref_slice %arg9[%dma_wait3A_1039, %dma_wait3A_1040, %dma_wait3A_1047] : memref<2x5x128xi32, #tpu.memory_space<vmem>> -> memref<1x1x128xi32, #tpu.memory_space<vmem>>
        %dma_wait3A_1049 = tpu.memref_squeeze %dma_wait3A_1048 : memref<1x1x128xi32, #tpu.memory_space<vmem>> -> memref<128xi32, #tpu.memory_space<vmem>>
        %dma_wait3A_1050 = arith.constant 0 : i32
        %dma_wait3A_1051 = arith.constant 0 : i32
        %dma_wait3A_1052 = tpu.memref_slice %arg2[%dma_wait3A_1050, %dma_wait3A_1051] : memref<802816x16xf32, #tpu.memory_space<hbm>> -> memref<802816x16xf32, #tpu.memory_space<hbm>>
        tpu.wait_indirect_dma semaphore(%arg14 : memref<!tpu.dma_semaphore, #tpu.memory_space<semaphore_mem>>) src(%dma_wait3A_1052 : memref<802816x16xf32, #tpu.memory_space<hbm>>) dst(%dma_wait3A_1046 : memref<128x16xf32, #tpu.memory_space<vmem>>)
        %dma_wait3A_1053 = arith.constant 1 : i32
        %dma_wait3A_1054 = arith.constant 1 : i32
        %dma_wait3A_1055 = arith.constant 1 : i32
        %dma_wait3A_1056 = arith.constant 1 : i32
        %dma_wait3A_1057 = arith.constant 0 : i32
        %dma_wait3A_1058 = arith.constant 0 : i32
        %dma_wait3A_1059 = tpu.memref_slice %arg11[%dma_wait3A_1055, %dma_wait3A_1056, %dma_wait3A_1057, %dma_wait3A_1058] : memref<2x5x128x16xf32, #tpu.memory_space<vmem>> -> memref<1x1x128x16xf32, #tpu.memory_space<vmem>>
        %dma_wait3A_1060 = tpu.memref_squeeze %dma_wait3A_1059 : memref<1x1x128x16xf32, #tpu.memory_space<vmem>> -> memref<128x16xf32, #tpu.memory_space<vmem>>
        %dma_wait3A_1061 = arith.constant 0 : i32
        %dma_wait3A_1062 = tpu.memref_slice %arg9[%dma_wait3A_1053, %dma_wait3A_1054, %dma_wait3A_1061] : memref<2x5x128xi32, #tpu.memory_space<vmem>> -> memref<1x1x128xi32, #tpu.memory_space<vmem>>
        %dma_wait3A_1063 = tpu.memref_squeeze %dma_wait3A_1062 : memref<1x1x128xi32, #tpu.memory_space<vmem>> -> memref<128xi32, #tpu.memory_space<vmem>>
        %dma_wait3A_1064 = arith.constant 0 : i32
        %dma_wait3A_1065 = arith.constant 0 : i32
        %dma_wait3A_1066 = tpu.memref_slice %arg2[%dma_wait3A_1064, %dma_wait3A_1065] : memref<802816x16xf32, #tpu.memory_space<hbm>> -> memref<802816x16xf32, #tpu.memory_space<hbm>>
        tpu.wait_indirect_dma semaphore(%arg14 : memref<!tpu.dma_semaphore, #tpu.memory_space<semaphore_mem>>) src(%dma_wait3A_1066 : memref<802816x16xf32, #tpu.memory_space<hbm>>) dst(%dma_wait3A_1060 : memref<128x16xf32, #tpu.memory_space<vmem>>)
        %dma_wait3A_1067 = arith.constant 1 : i32
        %dma_wait3A_1068 = arith.constant 2 : i32
        %dma_wait3A_1069 = arith.constant 1 : i32
        %dma_wait3A_1070 = arith.constant 2 : i32
        %dma_wait3A_1071 = arith.constant 0 : i32
        %dma_wait3A_1072 = arith.constant 0 : i32
        %dma_wait3A_1073 = tpu.memref_slice %arg11[%dma_wait3A_1069, %dma_wait3A_1070, %dma_wait3A_1071, %dma_wait3A_1072] : memref<2x5x128x16xf32, #tpu.memory_space<vmem>> -> memref<1x1x128x16xf32, #tpu.memory_space<vmem>>
        %dma_wait3A_1074 = tpu.memref_squeeze %dma_wait3A_1073 : memref<1x1x128x16xf32, #tpu.memory_space<vmem>> -> memref<128x16xf32, #tpu.memory_space<vmem>>
        %dma_wait3A_1075 = arith.constant 0 : i32
        %dma_wait3A_1076 = tpu.memref_slice %arg9[%dma_wait3A_1067, %dma_wait3A_1068, %dma_wait3A_1075] : memref<2x5x128xi32, #tpu.memory_space<vmem>> -> memref<1x1x128xi32, #tpu.memory_space<vmem>>
        %dma_wait3A_1077 = tpu.memref_squeeze %dma_wait3A_1076 : memref<1x1x128xi32, #tpu.memory_space<vmem>> -> memref<128xi32, #tpu.memory_space<vmem>>
        %dma_wait3A_1078 = arith.constant 0 : i32
        %dma_wait3A_1079 = arith.constant 0 : i32
        %dma_wait3A_1080 = tpu.memref_slice %arg2[%dma_wait3A_1078, %dma_wait3A_1079] : memref<802816x16xf32, #tpu.memory_space<hbm>> -> memref<802816x16xf32, #tpu.memory_space<hbm>>
        tpu.wait_indirect_dma semaphore(%arg14 : memref<!tpu.dma_semaphore, #tpu.memory_space<semaphore_mem>>) src(%dma_wait3A_1080 : memref<802816x16xf32, #tpu.memory_space<hbm>>) dst(%dma_wait3A_1074 : memref<128x16xf32, #tpu.memory_space<vmem>>)
        %dma_wait3A_1081 = arith.constant 1 : i32
        %dma_wait3A_1082 = arith.constant 3 : i32
        %dma_wait3A_1083 = arith.constant 1 : i32
        %dma_wait3A_1084 = arith.constant 3 : i32
        %dma_wait3A_1085 = arith.constant 0 : i32
        %dma_wait3A_1086 = arith.constant 0 : i32
        %dma_wait3A_1087 = tpu.memref_slice %arg11[%dma_wait3A_1083, %dma_wait3A_1084, %dma_wait3A_1085, %dma_wait3A_1086] : memref<2x5x128x16xf32, #tpu.memory_space<vmem>> -> memref<1x1x128x16xf32, #tpu.memory_space<vmem>>
        %dma_wait3A_1088 = tpu.memref_squeeze %dma_wait3A_1087 : memref<1x1x128x16xf32, #tpu.memory_space<vmem>> -> memref<128x16xf32, #tpu.memory_space<vmem>>
        %dma_wait3A_1089 = arith.constant 0 : i32
        %dma_wait3A_1090 = tpu.memref_slice %arg9[%dma_wait3A_1081, %dma_wait3A_1082, %dma_wait3A_1089] : memref<2x5x128xi32, #tpu.memory_space<vmem>> -> memref<1x1x128xi32, #tpu.memory_space<vmem>>
        %dma_wait3A_1091 = tpu.memref_squeeze %dma_wait3A_1090 : memref<1x1x128xi32, #tpu.memory_space<vmem>> -> memref<128xi32, #tpu.memory_space<vmem>>
        %dma_wait3A_1092 = arith.constant 0 : i32
        %dma_wait3A_1093 = arith.constant 0 : i32
        %dma_wait3A_1094 = tpu.memref_slice %arg2[%dma_wait3A_1092, %dma_wait3A_1093] : memref<802816x16xf32, #tpu.memory_space<hbm>> -> memref<802816x16xf32, #tpu.memory_space<hbm>>
        tpu.wait_indirect_dma semaphore(%arg14 : memref<!tpu.dma_semaphore, #tpu.memory_space<semaphore_mem>>) src(%dma_wait3A_1094 : memref<802816x16xf32, #tpu.memory_space<hbm>>) dst(%dma_wait3A_1088 : memref<128x16xf32, #tpu.memory_space<vmem>>)
        %dma_wait3A_1095 = arith.constant 1 : i32
        %dma_wait3A_1096 = arith.constant 4 : i32
        %dma_wait3A_1097 = arith.constant 1 : i32
        %dma_wait3A_1098 = arith.constant 4 : i32
        %dma_wait3A_1099 = arith.constant 0 : i32
        %dma_wait3A_1100 = arith.constant 0 : i32
        %dma_wait3A_1101 = tpu.memref_slice %arg11[%dma_wait3A_1097, %dma_wait3A_1098, %dma_wait3A_1099, %dma_wait3A_1100] : memref<2x5x128x16xf32, #tpu.memory_space<vmem>> -> memref<1x1x128x16xf32, #tpu.memory_space<vmem>>
        %dma_wait3A_1102 = tpu.memref_squeeze %dma_wait3A_1101 : memref<1x1x128x16xf32, #tpu.memory_space<vmem>> -> memref<128x16xf32, #tpu.memory_space<vmem>>
        %dma_wait3A_1103 = arith.constant 0 : i32
        %dma_wait3A_1104 = tpu.memref_slice %arg9[%dma_wait3A_1095, %dma_wait3A_1096, %dma_wait3A_1103] : memref<2x5x128xi32, #tpu.memory_space<vmem>> -> memref<1x1x128xi32, #tpu.memory_space<vmem>>
        %dma_wait3A_1105 = tpu.memref_squeeze %dma_wait3A_1104 : memref<1x1x128xi32, #tpu.memory_space<vmem>> -> memref<128xi32, #tpu.memory_space<vmem>>
        %dma_wait3A_1106 = arith.constant 0 : i32
        %dma_wait3A_1107 = arith.constant 0 : i32
        %dma_wait3A_1108 = tpu.memref_slice %arg2[%dma_wait3A_1106, %dma_wait3A_1107] : memref<802816x16xf32, #tpu.memory_space<hbm>> -> memref<802816x16xf32, #tpu.memory_space<hbm>>
        tpu.wait_indirect_dma semaphore(%arg14 : memref<!tpu.dma_semaphore, #tpu.memory_space<semaphore_mem>>) src(%dma_wait3A_1108 : memref<802816x16xf32, #tpu.memory_space<hbm>>) dst(%dma_wait3A_1102 : memref<128x16xf32, #tpu.memory_space<vmem>>)
        %dma_start3A_1109 = arith.constant 1 : i32
        %dma_start3A_1110 = arith.constant 0 : i32
        %dma_start3A_1111 = arith.constant 1 : i32
        %dma_start3A_1112 = arith.constant 0 : i32
        %dma_start3A_1113 = arith.constant 0 : i32
        %dma_start3A_1114 = arith.constant 0 : i32
        %dma_start3A_1115 = tpu.memref_slice %arg11[%dma_start3A_1109, %dma_start3A_1110, %dma_start3A_1113, %dma_start3A_1114] : memref<2x5x128x16xf32, #tpu.memory_space<vmem>> -> memref<1x1x128x16xf32, #tpu.memory_space<vmem>>
        %dma_start3A_1116 = tpu.memref_squeeze %dma_start3A_1115 : memref<1x1x128x16xf32, #tpu.memory_space<vmem>> -> memref<128x16xf32, #tpu.memory_space<vmem>>
        %dma_start3A_1117 = arith.constant 0 : i32
        %dma_start3A_1118 = tpu.memref_slice %arg10[%dma_start3A_1111, %dma_start3A_1112, %dma_start3A_1117] : memref<2x5x128xi32, #tpu.memory_space<vmem>> -> memref<1x1x128xi32, #tpu.memory_space<vmem>>
        %dma_start3A_1119 = tpu.memref_squeeze %dma_start3A_1118 : memref<1x1x128xi32, #tpu.memory_space<vmem>> -> memref<128xi32, #tpu.memory_space<vmem>>
        %dma_start3A_1120 = arith.constant 0 : i32
        %dma_start3A_1121 = arith.constant 0 : i32
        %dma_start3A_1122 = tpu.memref_slice %arg12[%dma_start3A_1120, %dma_start3A_1121] : memref<100352x16xf32, #tpu.memory_space<vmem_shared>> -> memref<100352x16xf32, #tpu.memory_space<vmem_shared>>
        tpu.enqueue_indirect_dma source(%dma_start3A_1116 : memref<128x16xf32, #tpu.memory_space<vmem>>) target(%dma_start3A_1122 : memref<100352x16xf32, #tpu.memory_space<vmem_shared>>) offsets(%dma_start3A_1119 : memref<128xi32, #tpu.memory_space<vmem>>) semaphore(%arg16 : memref<!tpu.dma_semaphore, #tpu.memory_space<semaphore_mem>>) {add = true}
        %dma_start3A_1123 = arith.constant 1 : i32
        %dma_start3A_1124 = arith.constant 1 : i32
        %dma_start3A_1125 = arith.constant 1 : i32
        %dma_start3A_1126 = arith.constant 1 : i32
        %dma_start3A_1127 = arith.constant 0 : i32
        %dma_start3A_1128 = arith.constant 0 : i32
        %dma_start3A_1129 = tpu.memref_slice %arg11[%dma_start3A_1123, %dma_start3A_1124, %dma_start3A_1127, %dma_start3A_1128] : memref<2x5x128x16xf32, #tpu.memory_space<vmem>> -> memref<1x1x128x16xf32, #tpu.memory_space<vmem>>
        %dma_start3A_1130 = tpu.memref_squeeze %dma_start3A_1129 : memref<1x1x128x16xf32, #tpu.memory_space<vmem>> -> memref<128x16xf32, #tpu.memory_space<vmem>>
        %dma_start3A_1131 = arith.constant 0 : i32
        %dma_start3A_1132 = tpu.memref_slice %arg10[%dma_start3A_1125, %dma_start3A_1126, %dma_start3A_1131] : memref<2x5x128xi32, #tpu.memory_space<vmem>> -> memref<1x1x128xi32, #tpu.memory_space<vmem>>
        %dma_start3A_1133 = tpu.memref_squeeze %dma_start3A_1132 : memref<1x1x128xi32, #tpu.memory_space<vmem>> -> memref<128xi32, #tpu.memory_space<vmem>>
        %dma_start3A_1134 = arith.constant 0 : i32
        %dma_start3A_1135 = arith.constant 0 : i32
        %dma_start3A_1136 = tpu.memref_slice %arg12[%dma_start3A_1134, %dma_start3A_1135] : memref<100352x16xf32, #tpu.memory_space<vmem_shared>> -> memref<100352x16xf32, #tpu.memory_space<vmem_shared>>
        tpu.enqueue_indirect_dma source(%dma_start3A_1130 : memref<128x16xf32, #tpu.memory_space<vmem>>) target(%dma_start3A_1136 : memref<100352x16xf32, #tpu.memory_space<vmem_shared>>) offsets(%dma_start3A_1133 : memref<128xi32, #tpu.memory_space<vmem>>) semaphore(%arg16 : memref<!tpu.dma_semaphore, #tpu.memory_space<semaphore_mem>>) {add = true}
        %dma_start3A_1137 = arith.constant 1 : i32
        %dma_start3A_1138 = arith.constant 2 : i32
        %dma_start3A_1139 = arith.constant 1 : i32
        %dma_start3A_1140 = arith.constant 2 : i32
        %dma_start3A_1141 = arith.constant 0 : i32
        %dma_start3A_1142 = arith.constant 0 : i32
        %dma_start3A_1143 = tpu.memref_slice %arg11[%dma_start3A_1137, %dma_start3A_1138, %dma_start3A_1141, %dma_start3A_1142] : memref<2x5x128x16xf32, #tpu.memory_space<vmem>> -> memref<1x1x128x16xf32, #tpu.memory_space<vmem>>
        %dma_start3A_1144 = tpu.memref_squeeze %dma_start3A_1143 : memref<1x1x128x16xf32, #tpu.memory_space<vmem>> -> memref<128x16xf32, #tpu.memory_space<vmem>>
        %dma_start3A_1145 = arith.constant 0 : i32
        %dma_start3A_1146 = tpu.memref_slice %arg10[%dma_start3A_1139, %dma_start3A_1140, %dma_start3A_1145] : memref<2x5x128xi32, #tpu.memory_space<vmem>> -> memref<1x1x128xi32, #tpu.memory_space<vmem>>
        %dma_start3A_1147 = tpu.memref_squeeze %dma_start3A_1146 : memref<1x1x128xi32, #tpu.memory_space<vmem>> -> memref<128xi32, #tpu.memory_space<vmem>>
        %dma_start3A_1148 = arith.constant 0 : i32
        %dma_start3A_1149 = arith.constant 0 : i32
        %dma_start3A_1150 = tpu.memref_slice %arg12[%dma_start3A_1148, %dma_start3A_1149] : memref<100352x16xf32, #tpu.memory_space<vmem_shared>> -> memref<100352x16xf32, #tpu.memory_space<vmem_shared>>
        tpu.enqueue_indirect_dma source(%dma_start3A_1144 : memref<128x16xf32, #tpu.memory_space<vmem>>) target(%dma_start3A_1150 : memref<100352x16xf32, #tpu.memory_space<vmem_shared>>) offsets(%dma_start3A_1147 : memref<128xi32, #tpu.memory_space<vmem>>) semaphore(%arg16 : memref<!tpu.dma_semaphore, #tpu.memory_space<semaphore_mem>>) {add = true}
        %dma_start3A_1151 = arith.constant 1 : i32
        %dma_start3A_1152 = arith.constant 3 : i32
        %dma_start3A_1153 = arith.constant 1 : i32
        %dma_start3A_1154 = arith.constant 3 : i32
        %dma_start3A_1155 = arith.constant 0 : i32
        %dma_start3A_1156 = arith.constant 0 : i32
        %dma_start3A_1157 = tpu.memref_slice %arg11[%dma_start3A_1151, %dma_start3A_1152, %dma_start3A_1155, %dma_start3A_1156] : memref<2x5x128x16xf32, #tpu.memory_space<vmem>> -> memref<1x1x128x16xf32, #tpu.memory_space<vmem>>
        %dma_start3A_1158 = tpu.memref_squeeze %dma_start3A_1157 : memref<1x1x128x16xf32, #tpu.memory_space<vmem>> -> memref<128x16xf32, #tpu.memory_space<vmem>>
        %dma_start3A_1159 = arith.constant 0 : i32
        %dma_start3A_1160 = tpu.memref_slice %arg10[%dma_start3A_1153, %dma_start3A_1154, %dma_start3A_1159] : memref<2x5x128xi32, #tpu.memory_space<vmem>> -> memref<1x1x128xi32, #tpu.memory_space<vmem>>
        %dma_start3A_1161 = tpu.memref_squeeze %dma_start3A_1160 : memref<1x1x128xi32, #tpu.memory_space<vmem>> -> memref<128xi32, #tpu.memory_space<vmem>>
        %dma_start3A_1162 = arith.constant 0 : i32
        %dma_start3A_1163 = arith.constant 0 : i32
        %dma_start3A_1164 = tpu.memref_slice %arg12[%dma_start3A_1162, %dma_start3A_1163] : memref<100352x16xf32, #tpu.memory_space<vmem_shared>> -> memref<100352x16xf32, #tpu.memory_space<vmem_shared>>
        tpu.enqueue_indirect_dma source(%dma_start3A_1158 : memref<128x16xf32, #tpu.memory_space<vmem>>) target(%dma_start3A_1164 : memref<100352x16xf32, #tpu.memory_space<vmem_shared>>) offsets(%dma_start3A_1161 : memref<128xi32, #tpu.memory_space<vmem>>) semaphore(%arg16 : memref<!tpu.dma_semaphore, #tpu.memory_space<semaphore_mem>>) {add = true}
        %dma_start3A_1165 = arith.constant 1 : i32
        %dma_start3A_1166 = arith.constant 4 : i32
        %dma_start3A_1167 = arith.constant 1 : i32
        %dma_start3A_1168 = arith.constant 4 : i32
        %dma_start3A_1169 = arith.constant 0 : i32
        %dma_start3A_1170 = arith.constant 0 : i32
        %dma_start3A_1171 = tpu.memref_slice %arg11[%dma_start3A_1165, %dma_start3A_1166, %dma_start3A_1169, %dma_start3A_1170] : memref<2x5x128x16xf32, #tpu.memory_space<vmem>> -> memref<1x1x128x16xf32, #tpu.memory_space<vmem>>
        %dma_start3A_1172 = tpu.memref_squeeze %dma_start3A_1171 : memref<1x1x128x16xf32, #tpu.memory_space<vmem>> -> memref<128x16xf32, #tpu.memory_space<vmem>>
        %dma_start3A_1173 = arith.constant 0 : i32
        %dma_start3A_1174 = tpu.memref_slice %arg10[%dma_start3A_1167, %dma_start3A_1168, %dma_start3A_1173] : memref<2x5x128xi32, #tpu.memory_space<vmem>> -> memref<1x1x128xi32, #tpu.memory_space<vmem>>
        %dma_start3A_1175 = tpu.memref_squeeze %dma_start3A_1174 : memref<1x1x128xi32, #tpu.memory_space<vmem>> -> memref<128xi32, #tpu.memory_space<vmem>>
        %dma_start3A_1176 = arith.constant 0 : i32
        %dma_start3A_1177 = arith.constant 0 : i32
        %dma_start3A_1178 = tpu.memref_slice %arg12[%dma_start3A_1176, %dma_start3A_1177] : memref<100352x16xf32, #tpu.memory_space<vmem_shared>> -> memref<100352x16xf32, #tpu.memory_space<vmem_shared>>
        tpu.enqueue_indirect_dma source(%dma_start3A_1172 : memref<128x16xf32, #tpu.memory_space<vmem>>) target(%dma_start3A_1178 : memref<100352x16xf32, #tpu.memory_space<vmem_shared>>) offsets(%dma_start3A_1175 : memref<128xi32, #tpu.memory_space<vmem>>) semaphore(%arg16 : memref<!tpu.dma_semaphore, #tpu.memory_space<semaphore_mem>>) {add = true}
      }
      %scan3A_91 = arith.constant 83 : i32
      %dma_wait3A = arith.constant 1 : i32
      %dma_wait3A_92 = arith.constant 0 : i32
      %dma_wait3A_93 = arith.constant 1 : i32
      %dma_wait3A_94 = arith.constant 0 : i32
      %dma_wait3A_95 = arith.constant 0 : i32
      %dma_wait3A_96 = arith.constant 0 : i32
      %dma_wait3A_97 = tpu.memref_slice %arg11[%dma_wait3A, %dma_wait3A_92, %dma_wait3A_95, %dma_wait3A_96] : memref<2x5x128x16xf32, #tpu.memory_space<vmem>> -> memref<1x1x128x16xf32, #tpu.memory_space<vmem>>
      %dma_wait3A_98 = tpu.memref_squeeze %dma_wait3A_97 : memref<1x1x128x16xf32, #tpu.memory_space<vmem>> -> memref<128x16xf32, #tpu.memory_space<vmem>>
      %dma_wait3A_99 = arith.constant 0 : i32
      %dma_wait3A_100 = tpu.memref_slice %arg10[%dma_wait3A_93, %dma_wait3A_94, %dma_wait3A_99] : memref<2x5x128xi32, #tpu.memory_space<vmem>> -> memref<1x1x128xi32, #tpu.memory_space<vmem>>
      %dma_wait3A_101 = tpu.memref_squeeze %dma_wait3A_100 : memref<1x1x128xi32, #tpu.memory_space<vmem>> -> memref<128xi32, #tpu.memory_space<vmem>>
      %dma_wait3A_102 = arith.constant 0 : i32
      %dma_wait3A_103 = arith.constant 0 : i32
      %dma_wait3A_104 = tpu.memref_slice %arg12[%dma_wait3A_102, %dma_wait3A_103] : memref<100352x16xf32, #tpu.memory_space<vmem_shared>> -> memref<100352x16xf32, #tpu.memory_space<vmem_shared>>
      tpu.wait_indirect_dma semaphore(%arg16 : memref<!tpu.dma_semaphore, #tpu.memory_space<semaphore_mem>>) src(%dma_wait3A_98 : memref<128x16xf32, #tpu.memory_space<vmem>>) dst(%dma_wait3A_104 : memref<100352x16xf32, #tpu.memory_space<vmem_shared>>)
      %dma_wait3A_105 = arith.constant 1 : i32
      %dma_wait3A_106 = arith.constant 1 : i32
      %dma_wait3A_107 = arith.constant 1 : i32
      %dma_wait3A_108 = arith.constant 1 : i32
      %dma_wait3A_109 = arith.constant 0 : i32
      %dma_wait3A_110 = arith.constant 0 : i32
      %dma_wait3A_111 = tpu.memref_slice %arg11[%dma_wait3A_105, %dma_wait3A_106, %dma_wait3A_109, %dma_wait3A_110] : memref<2x5x128x16xf32, #tpu.memory_space<vmem>> -> memref<1x1x128x16xf32, #tpu.memory_space<vmem>>
      %dma_wait3A_112 = tpu.memref_squeeze %dma_wait3A_111 : memref<1x1x128x16xf32, #tpu.memory_space<vmem>> -> memref<128x16xf32, #tpu.memory_space<vmem>>
      %dma_wait3A_113 = arith.constant 0 : i32
      %dma_wait3A_114 = tpu.memref_slice %arg10[%dma_wait3A_107, %dma_wait3A_108, %dma_wait3A_113] : memref<2x5x128xi32, #tpu.memory_space<vmem>> -> memref<1x1x128xi32, #tpu.memory_space<vmem>>
      %dma_wait3A_115 = tpu.memref_squeeze %dma_wait3A_114 : memref<1x1x128xi32, #tpu.memory_space<vmem>> -> memref<128xi32, #tpu.memory_space<vmem>>
      %dma_wait3A_116 = arith.constant 0 : i32
      %dma_wait3A_117 = arith.constant 0 : i32
      %dma_wait3A_118 = tpu.memref_slice %arg12[%dma_wait3A_116, %dma_wait3A_117] : memref<100352x16xf32, #tpu.memory_space<vmem_shared>> -> memref<100352x16xf32, #tpu.memory_space<vmem_shared>>
      tpu.wait_indirect_dma semaphore(%arg16 : memref<!tpu.dma_semaphore, #tpu.memory_space<semaphore_mem>>) src(%dma_wait3A_112 : memref<128x16xf32, #tpu.memory_space<vmem>>) dst(%dma_wait3A_118 : memref<100352x16xf32, #tpu.memory_space<vmem_shared>>)
      %dma_wait3A_119 = arith.constant 1 : i32
      %dma_wait3A_120 = arith.constant 2 : i32
      %dma_wait3A_121 = arith.constant 1 : i32
      %dma_wait3A_122 = arith.constant 2 : i32
      %dma_wait3A_123 = arith.constant 0 : i32
      %dma_wait3A_124 = arith.constant 0 : i32
      %dma_wait3A_125 = tpu.memref_slice %arg11[%dma_wait3A_119, %dma_wait3A_120, %dma_wait3A_123, %dma_wait3A_124] : memref<2x5x128x16xf32, #tpu.memory_space<vmem>> -> memref<1x1x128x16xf32, #tpu.memory_space<vmem>>
      %dma_wait3A_126 = tpu.memref_squeeze %dma_wait3A_125 : memref<1x1x128x16xf32, #tpu.memory_space<vmem>> -> memref<128x16xf32, #tpu.memory_space<vmem>>
      %dma_wait3A_127 = arith.constant 0 : i32
      %dma_wait3A_128 = tpu.memref_slice %arg10[%dma_wait3A_121, %dma_wait3A_122, %dma_wait3A_127] : memref<2x5x128xi32, #tpu.memory_space<vmem>> -> memref<1x1x128xi32, #tpu.memory_space<vmem>>
      %dma_wait3A_129 = tpu.memref_squeeze %dma_wait3A_128 : memref<1x1x128xi32, #tpu.memory_space<vmem>> -> memref<128xi32, #tpu.memory_space<vmem>>
      %dma_wait3A_130 = arith.constant 0 : i32
      %dma_wait3A_131 = arith.constant 0 : i32
      %dma_wait3A_132 = tpu.memref_slice %arg12[%dma_wait3A_130, %dma_wait3A_131] : memref<100352x16xf32, #tpu.memory_space<vmem_shared>> -> memref<100352x16xf32, #tpu.memory_space<vmem_shared>>
      tpu.wait_indirect_dma semaphore(%arg16 : memref<!tpu.dma_semaphore, #tpu.memory_space<semaphore_mem>>) src(%dma_wait3A_126 : memref<128x16xf32, #tpu.memory_space<vmem>>) dst(%dma_wait3A_132 : memref<100352x16xf32, #tpu.memory_space<vmem_shared>>)
      %dma_wait3A_133 = arith.constant 1 : i32
      %dma_wait3A_134 = arith.constant 3 : i32
      %dma_wait3A_135 = arith.constant 1 : i32
      %dma_wait3A_136 = arith.constant 3 : i32
      %dma_wait3A_137 = arith.constant 0 : i32
      %dma_wait3A_138 = arith.constant 0 : i32
      %dma_wait3A_139 = tpu.memref_slice %arg11[%dma_wait3A_133, %dma_wait3A_134, %dma_wait3A_137, %dma_wait3A_138] : memref<2x5x128x16xf32, #tpu.memory_space<vmem>> -> memref<1x1x128x16xf32, #tpu.memory_space<vmem>>
      %dma_wait3A_140 = tpu.memref_squeeze %dma_wait3A_139 : memref<1x1x128x16xf32, #tpu.memory_space<vmem>> -> memref<128x16xf32, #tpu.memory_space<vmem>>
      %dma_wait3A_141 = arith.constant 0 : i32
      %dma_wait3A_142 = tpu.memref_slice %arg10[%dma_wait3A_135, %dma_wait3A_136, %dma_wait3A_141] : memref<2x5x128xi32, #tpu.memory_space<vmem>> -> memref<1x1x128xi32, #tpu.memory_space<vmem>>
      %dma_wait3A_143 = tpu.memref_squeeze %dma_wait3A_142 : memref<1x1x128xi32, #tpu.memory_space<vmem>> -> memref<128xi32, #tpu.memory_space<vmem>>
      %dma_wait3A_144 = arith.constant 0 : i32
      %dma_wait3A_145 = arith.constant 0 : i32
      %dma_wait3A_146 = tpu.memref_slice %arg12[%dma_wait3A_144, %dma_wait3A_145] : memref<100352x16xf32, #tpu.memory_space<vmem_shared>> -> memref<100352x16xf32, #tpu.memory_space<vmem_shared>>
      tpu.wait_indirect_dma semaphore(%arg16 : memref<!tpu.dma_semaphore, #tpu.memory_space<semaphore_mem>>) src(%dma_wait3A_140 : memref<128x16xf32, #tpu.memory_space<vmem>>) dst(%dma_wait3A_146 : memref<100352x16xf32, #tpu.memory_space<vmem_shared>>)
      %dma_wait3A_147 = arith.constant 1 : i32
      %dma_wait3A_148 = arith.constant 4 : i32
      %dma_wait3A_149 = arith.constant 1 : i32
      %dma_wait3A_150 = arith.constant 4 : i32
      %dma_wait3A_151 = arith.constant 0 : i32
      %dma_wait3A_152 = arith.constant 0 : i32
      %dma_wait3A_153 = tpu.memref_slice %arg11[%dma_wait3A_147, %dma_wait3A_148, %dma_wait3A_151, %dma_wait3A_152] : memref<2x5x128x16xf32, #tpu.memory_space<vmem>> -> memref<1x1x128x16xf32, #tpu.memory_space<vmem>>
      %dma_wait3A_154 = tpu.memref_squeeze %dma_wait3A_153 : memref<1x1x128x16xf32, #tpu.memory_space<vmem>> -> memref<128x16xf32, #tpu.memory_space<vmem>>
      %dma_wait3A_155 = arith.constant 0 : i32
      %dma_wait3A_156 = tpu.memref_slice %arg10[%dma_wait3A_149, %dma_wait3A_150, %dma_wait3A_155] : memref<2x5x128xi32, #tpu.memory_space<vmem>> -> memref<1x1x128xi32, #tpu.memory_space<vmem>>
      %dma_wait3A_157 = tpu.memref_squeeze %dma_wait3A_156 : memref<1x1x128xi32, #tpu.memory_space<vmem>> -> memref<128xi32, #tpu.memory_space<vmem>>
      %dma_wait3A_158 = arith.constant 0 : i32
      %dma_wait3A_159 = arith.constant 0 : i32
      %dma_wait3A_160 = tpu.memref_slice %arg12[%dma_wait3A_158, %dma_wait3A_159] : memref<100352x16xf32, #tpu.memory_space<vmem_shared>> -> memref<100352x16xf32, #tpu.memory_space<vmem_shared>>
      tpu.wait_indirect_dma semaphore(%arg16 : memref<!tpu.dma_semaphore, #tpu.memory_space<semaphore_mem>>) src(%dma_wait3A_154 : memref<128x16xf32, #tpu.memory_space<vmem>>) dst(%dma_wait3A_160 : memref<100352x16xf32, #tpu.memory_space<vmem_shared>>)
      %mul3A_161 = arith.constant 167 : i32
      %mul3A_162 = arith.constant 5 : i32
      %mul3A_163 = arith.muli %mul3A_161, %mul3A_162 : i32
      %add3A_164 = arith.addi %mul3A_9, %mul3A_163 : i32
      %run_scoped3A_165 = arith.constant 1 : i32
      "tpu.region"() ({
        %run_scoped3A_662 = tpu.sem_alloc : memref<!tpu.dma_semaphore, #tpu.memory_space<semaphore_mem>>
        %dma_start3A_663 = arith.constant 0 : i32
        %dma_start3A_664 = arith.constant 0 : i32
        %dma_start3A_665 = tpu.memref_slice %arg9[%run_scoped3A_165, %dma_start3A_663, %dma_start3A_664] : memref<2x5x128xi32, #tpu.memory_space<vmem>> -> memref<1x5x128xi32, #tpu.memory_space<vmem>>
        %dma_start3A_666 = tpu.memref_squeeze %dma_start3A_665 : memref<1x5x128xi32, #tpu.memory_space<vmem>> -> memref<5x128xi32, #tpu.memory_space<vmem>>
        %dma_start3A_667 = arith.constant 0 : i32
        %dma_start3A_668 = tpu.memref_slice %arg4[%add3A_164, %dma_start3A_667] : memref<13440x128xi32, #tpu.memory_space<hbm>> -> memref<5x128xi32, #tpu.memory_space<hbm>>
        %dma_start3A_669 = arith.constant 0 : i32
        %dma_start3A_670 = arith.constant 0 : i32
        %dma_start3A_671 = tpu.memref_slice %arg9[%run_scoped3A_165, %dma_start3A_669, %dma_start3A_670] : memref<2x5x128xi32, #tpu.memory_space<vmem>> -> memref<1x5x128xi32, #tpu.memory_space<vmem>>
        %dma_start3A_672 = tpu.memref_squeeze %dma_start3A_671 : memref<1x5x128xi32, #tpu.memory_space<vmem>> -> memref<5x128xi32, #tpu.memory_space<vmem>>
        %dma_start3A_673 = arith.constant 0 : i32
        %dma_start3A_674 = tpu.memref_slice %arg4[%add3A_164, %dma_start3A_673] : memref<13440x128xi32, #tpu.memory_space<hbm>> -> memref<5x128xi32, #tpu.memory_space<hbm>>
        tpu.enqueue_dma source(%dma_start3A_674 : memref<5x128xi32, #tpu.memory_space<hbm>>) target(%dma_start3A_672 : memref<5x128xi32, #tpu.memory_space<vmem>>) target_semaphore(%run_scoped3A_662 : memref<!tpu.dma_semaphore, #tpu.memory_space<semaphore_mem>>)
        %dma_wait3A_675 = arith.constant 0 : i32
        %dma_wait3A_676 = arith.constant 0 : i32
        %dma_wait3A_677 = tpu.memref_slice %arg9[%run_scoped3A_165, %dma_wait3A_675, %dma_wait3A_676] : memref<2x5x128xi32, #tpu.memory_space<vmem>> -> memref<1x5x128xi32, #tpu.memory_space<vmem>>
        %dma_wait3A_678 = tpu.memref_squeeze %dma_wait3A_677 : memref<1x5x128xi32, #tpu.memory_space<vmem>> -> memref<5x128xi32, #tpu.memory_space<vmem>>
        %dma_wait3A_679 = arith.constant 0 : i32
        %dma_wait3A_680 = tpu.memref_slice %arg4[%add3A_164, %dma_wait3A_679] : memref<13440x128xi32, #tpu.memory_space<hbm>> -> memref<5x128xi32, #tpu.memory_space<hbm>>
        %dma_wait3A_681 = arith.constant 0 : i32
        %dma_wait3A_682 = arith.constant 0 : i32
        %dma_wait3A_683 = tpu.memref_slice %arg9[%run_scoped3A_165, %dma_wait3A_681, %dma_wait3A_682] : memref<2x5x128xi32, #tpu.memory_space<vmem>> -> memref<1x5x128xi32, #tpu.memory_space<vmem>>
        %dma_wait3A_684 = tpu.memref_squeeze %dma_wait3A_683 : memref<1x5x128xi32, #tpu.memory_space<vmem>> -> memref<5x128xi32, #tpu.memory_space<vmem>>
        %dma_wait3A_685 = arith.constant 0 : i32
        %dma_wait3A_686 = tpu.memref_slice %arg4[%add3A_164, %dma_wait3A_685] : memref<13440x128xi32, #tpu.memory_space<hbm>> -> memref<5x128xi32, #tpu.memory_space<hbm>>
        tpu.wait_dma2 semaphore(%run_scoped3A_662 : memref<!tpu.dma_semaphore, #tpu.memory_space<semaphore_mem>>) src(%dma_wait3A_686 : memref<5x128xi32, #tpu.memory_space<hbm>>) dst(%dma_wait3A_684 : memref<5x128xi32, #tpu.memory_space<vmem>>)
        tpu.yield
      }) : () -> ()
      %mul3A_166 = arith.constant 167 : i32
      %mul3A_167 = arith.constant 5 : i32
      %mul3A_168 = arith.muli %mul3A_166, %mul3A_167 : i32
      %add3A_169 = arith.addi %mul3A_9, %mul3A_168 : i32
      %run_scoped3A_170 = arith.constant 1 : i32
      "tpu.region"() ({
        %run_scoped3A_662 = tpu.sem_alloc : memref<!tpu.dma_semaphore, #tpu.memory_space<semaphore_mem>>
        %dma_start3A_663 = arith.constant 0 : i32
        %dma_start3A_664 = arith.constant 0 : i32
        %dma_start3A_665 = tpu.memref_slice %arg10[%run_scoped3A_170, %dma_start3A_663, %dma_start3A_664] : memref<2x5x128xi32, #tpu.memory_space<vmem>> -> memref<1x5x128xi32, #tpu.memory_space<vmem>>
        %dma_start3A_666 = tpu.memref_squeeze %dma_start3A_665 : memref<1x5x128xi32, #tpu.memory_space<vmem>> -> memref<5x128xi32, #tpu.memory_space<vmem>>
        %dma_start3A_667 = arith.constant 0 : i32
        %dma_start3A_668 = tpu.memref_slice %arg6[%add3A_169, %dma_start3A_667] : memref<13440x128xi32, #tpu.memory_space<hbm>> -> memref<5x128xi32, #tpu.memory_space<hbm>>
        %dma_start3A_669 = arith.constant 0 : i32
        %dma_start3A_670 = arith.constant 0 : i32
        %dma_start3A_671 = tpu.memref_slice %arg10[%run_scoped3A_170, %dma_start3A_669, %dma_start3A_670] : memref<2x5x128xi32, #tpu.memory_space<vmem>> -> memref<1x5x128xi32, #tpu.memory_space<vmem>>
        %dma_start3A_672 = tpu.memref_squeeze %dma_start3A_671 : memref<1x5x128xi32, #tpu.memory_space<vmem>> -> memref<5x128xi32, #tpu.memory_space<vmem>>
        %dma_start3A_673 = arith.constant 0 : i32
        %dma_start3A_674 = tpu.memref_slice %arg6[%add3A_169, %dma_start3A_673] : memref<13440x128xi32, #tpu.memory_space<hbm>> -> memref<5x128xi32, #tpu.memory_space<hbm>>
        tpu.enqueue_dma source(%dma_start3A_674 : memref<5x128xi32, #tpu.memory_space<hbm>>) target(%dma_start3A_672 : memref<5x128xi32, #tpu.memory_space<vmem>>) target_semaphore(%run_scoped3A_662 : memref<!tpu.dma_semaphore, #tpu.memory_space<semaphore_mem>>)
        %dma_wait3A_675 = arith.constant 0 : i32
        %dma_wait3A_676 = arith.constant 0 : i32
        %dma_wait3A_677 = tpu.memref_slice %arg10[%run_scoped3A_170, %dma_wait3A_675, %dma_wait3A_676] : memref<2x5x128xi32, #tpu.memory_space<vmem>> -> memref<1x5x128xi32, #tpu.memory_space<vmem>>
        %dma_wait3A_678 = tpu.memref_squeeze %dma_wait3A_677 : memref<1x5x128xi32, #tpu.memory_space<vmem>> -> memref<5x128xi32, #tpu.memory_space<vmem>>
        %dma_wait3A_679 = arith.constant 0 : i32
        %dma_wait3A_680 = tpu.memref_slice %arg6[%add3A_169, %dma_wait3A_679] : memref<13440x128xi32, #tpu.memory_space<hbm>> -> memref<5x128xi32, #tpu.memory_space<hbm>>
        %dma_wait3A_681 = arith.constant 0 : i32
        %dma_wait3A_682 = arith.constant 0 : i32
        %dma_wait3A_683 = tpu.memref_slice %arg10[%run_scoped3A_170, %dma_wait3A_681, %dma_wait3A_682] : memref<2x5x128xi32, #tpu.memory_space<vmem>> -> memref<1x5x128xi32, #tpu.memory_space<vmem>>
        %dma_wait3A_684 = tpu.memref_squeeze %dma_wait3A_683 : memref<1x5x128xi32, #tpu.memory_space<vmem>> -> memref<5x128xi32, #tpu.memory_space<vmem>>
        %dma_wait3A_685 = arith.constant 0 : i32
        %dma_wait3A_686 = tpu.memref_slice %arg6[%add3A_169, %dma_wait3A_685] : memref<13440x128xi32, #tpu.memory_space<hbm>> -> memref<5x128xi32, #tpu.memory_space<hbm>>
        tpu.wait_dma2 semaphore(%run_scoped3A_662 : memref<!tpu.dma_semaphore, #tpu.memory_space<semaphore_mem>>) src(%dma_wait3A_686 : memref<5x128xi32, #tpu.memory_space<hbm>>) dst(%dma_wait3A_684 : memref<5x128xi32, #tpu.memory_space<vmem>>)
        tpu.yield
      }) : () -> ()
      %dma_start3A_171 = arith.constant 1 : i32
      %dma_start3A_172 = arith.constant 0 : i32
      %dma_start3A_173 = arith.constant 1 : i32
      %dma_start3A_174 = arith.constant 0 : i32
      %dma_start3A_175 = arith.constant 0 : i32
      %dma_start3A_176 = arith.constant 0 : i32
      %dma_start3A_177 = tpu.memref_slice %arg11[%dma_start3A_173, %dma_start3A_174, %dma_start3A_175, %dma_start3A_176] : memref<2x5x128x16xf32, #tpu.memory_space<vmem>> -> memref<1x1x128x16xf32, #tpu.memory_space<vmem>>
      %dma_start3A_178 = tpu.memref_squeeze %dma_start3A_177 : memref<1x1x128x16xf32, #tpu.memory_space<vmem>> -> memref<128x16xf32, #tpu.memory_space<vmem>>
      %dma_start3A_179 = arith.constant 0 : i32
      %dma_start3A_180 = tpu.memref_slice %arg9[%dma_start3A_171, %dma_start3A_172, %dma_start3A_179] : memref<2x5x128xi32, #tpu.memory_space<vmem>> -> memref<1x1x128xi32, #tpu.memory_space<vmem>>
      %dma_start3A_181 = tpu.memref_squeeze %dma_start3A_180 : memref<1x1x128xi32, #tpu.memory_space<vmem>> -> memref<128xi32, #tpu.memory_space<vmem>>
      %dma_start3A_182 = arith.constant 0 : i32
      %dma_start3A_183 = arith.constant 0 : i32
      %dma_start3A_184 = tpu.memref_slice %arg2[%dma_start3A_182, %dma_start3A_183] : memref<802816x16xf32, #tpu.memory_space<hbm>> -> memref<802816x16xf32, #tpu.memory_space<hbm>>
      tpu.enqueue_indirect_dma source(%dma_start3A_184 : memref<802816x16xf32, #tpu.memory_space<hbm>>) target(%dma_start3A_178 : memref<128x16xf32, #tpu.memory_space<vmem>>) offsets(%dma_start3A_181 : memref<128xi32, #tpu.memory_space<vmem>>) semaphore(%arg14 : memref<!tpu.dma_semaphore, #tpu.memory_space<semaphore_mem>>)
      %dma_start3A_185 = arith.constant 1 : i32
      %dma_start3A_186 = arith.constant 1 : i32
      %dma_start3A_187 = arith.constant 1 : i32
      %dma_start3A_188 = arith.constant 1 : i32
      %dma_start3A_189 = arith.constant 0 : i32
      %dma_start3A_190 = arith.constant 0 : i32
      %dma_start3A_191 = tpu.memref_slice %arg11[%dma_start3A_187, %dma_start3A_188, %dma_start3A_189, %dma_start3A_190] : memref<2x5x128x16xf32, #tpu.memory_space<vmem>> -> memref<1x1x128x16xf32, #tpu.memory_space<vmem>>
      %dma_start3A_192 = tpu.memref_squeeze %dma_start3A_191 : memref<1x1x128x16xf32, #tpu.memory_space<vmem>> -> memref<128x16xf32, #tpu.memory_space<vmem>>
      %dma_start3A_193 = arith.constant 0 : i32
      %dma_start3A_194 = tpu.memref_slice %arg9[%dma_start3A_185, %dma_start3A_186, %dma_start3A_193] : memref<2x5x128xi32, #tpu.memory_space<vmem>> -> memref<1x1x128xi32, #tpu.memory_space<vmem>>
      %dma_start3A_195 = tpu.memref_squeeze %dma_start3A_194 : memref<1x1x128xi32, #tpu.memory_space<vmem>> -> memref<128xi32, #tpu.memory_space<vmem>>
      %dma_start3A_196 = arith.constant 0 : i32
      %dma_start3A_197 = arith.constant 0 : i32
      %dma_start3A_198 = tpu.memref_slice %arg2[%dma_start3A_196, %dma_start3A_197] : memref<802816x16xf32, #tpu.memory_space<hbm>> -> memref<802816x16xf32, #tpu.memory_space<hbm>>
      tpu.enqueue_indirect_dma source(%dma_start3A_198 : memref<802816x16xf32, #tpu.memory_space<hbm>>) target(%dma_start3A_192 : memref<128x16xf32, #tpu.memory_space<vmem>>) offsets(%dma_start3A_195 : memref<128xi32, #tpu.memory_space<vmem>>) semaphore(%arg14 : memref<!tpu.dma_semaphore, #tpu.memory_space<semaphore_mem>>)
      %dma_start3A_199 = arith.constant 1 : i32
      %dma_start3A_200 = arith.constant 2 : i32
      %dma_start3A_201 = arith.constant 1 : i32
      %dma_start3A_202 = arith.constant 2 : i32
      %dma_start3A_203 = arith.constant 0 : i32
      %dma_start3A_204 = arith.constant 0 : i32
      %dma_start3A_205 = tpu.memref_slice %arg11[%dma_start3A_201, %dma_start3A_202, %dma_start3A_203, %dma_start3A_204] : memref<2x5x128x16xf32, #tpu.memory_space<vmem>> -> memref<1x1x128x16xf32, #tpu.memory_space<vmem>>
      %dma_start3A_206 = tpu.memref_squeeze %dma_start3A_205 : memref<1x1x128x16xf32, #tpu.memory_space<vmem>> -> memref<128x16xf32, #tpu.memory_space<vmem>>
      %dma_start3A_207 = arith.constant 0 : i32
      %dma_start3A_208 = tpu.memref_slice %arg9[%dma_start3A_199, %dma_start3A_200, %dma_start3A_207] : memref<2x5x128xi32, #tpu.memory_space<vmem>> -> memref<1x1x128xi32, #tpu.memory_space<vmem>>
      %dma_start3A_209 = tpu.memref_squeeze %dma_start3A_208 : memref<1x1x128xi32, #tpu.memory_space<vmem>> -> memref<128xi32, #tpu.memory_space<vmem>>
      %dma_start3A_210 = arith.constant 0 : i32
      %dma_start3A_211 = arith.constant 0 : i32
      %dma_start3A_212 = tpu.memref_slice %arg2[%dma_start3A_210, %dma_start3A_211] : memref<802816x16xf32, #tpu.memory_space<hbm>> -> memref<802816x16xf32, #tpu.memory_space<hbm>>
      tpu.enqueue_indirect_dma source(%dma_start3A_212 : memref<802816x16xf32, #tpu.memory_space<hbm>>) target(%dma_start3A_206 : memref<128x16xf32, #tpu.memory_space<vmem>>) offsets(%dma_start3A_209 : memref<128xi32, #tpu.memory_space<vmem>>) semaphore(%arg14 : memref<!tpu.dma_semaphore, #tpu.memory_space<semaphore_mem>>)
      %dma_start3A_213 = arith.constant 1 : i32
      %dma_start3A_214 = arith.constant 3 : i32
      %dma_start3A_215 = arith.constant 1 : i32
      %dma_start3A_216 = arith.constant 3 : i32
      %dma_start3A_217 = arith.constant 0 : i32
      %dma_start3A_218 = arith.constant 0 : i32
      %dma_start3A_219 = tpu.memref_slice %arg11[%dma_start3A_215, %dma_start3A_216, %dma_start3A_217, %dma_start3A_218] : memref<2x5x128x16xf32, #tpu.memory_space<vmem>> -> memref<1x1x128x16xf32, #tpu.memory_space<vmem>>
      %dma_start3A_220 = tpu.memref_squeeze %dma_start3A_219 : memref<1x1x128x16xf32, #tpu.memory_space<vmem>> -> memref<128x16xf32, #tpu.memory_space<vmem>>
      %dma_start3A_221 = arith.constant 0 : i32
      %dma_start3A_222 = tpu.memref_slice %arg9[%dma_start3A_213, %dma_start3A_214, %dma_start3A_221] : memref<2x5x128xi32, #tpu.memory_space<vmem>> -> memref<1x1x128xi32, #tpu.memory_space<vmem>>
      %dma_start3A_223 = tpu.memref_squeeze %dma_start3A_222 : memref<1x1x128xi32, #tpu.memory_space<vmem>> -> memref<128xi32, #tpu.memory_space<vmem>>
      %dma_start3A_224 = arith.constant 0 : i32
      %dma_start3A_225 = arith.constant 0 : i32
      %dma_start3A_226 = tpu.memref_slice %arg2[%dma_start3A_224, %dma_start3A_225] : memref<802816x16xf32, #tpu.memory_space<hbm>> -> memref<802816x16xf32, #tpu.memory_space<hbm>>
      tpu.enqueue_indirect_dma source(%dma_start3A_226 : memref<802816x16xf32, #tpu.memory_space<hbm>>) target(%dma_start3A_220 : memref<128x16xf32, #tpu.memory_space<vmem>>) offsets(%dma_start3A_223 : memref<128xi32, #tpu.memory_space<vmem>>) semaphore(%arg14 : memref<!tpu.dma_semaphore, #tpu.memory_space<semaphore_mem>>)
      %dma_start3A_227 = arith.constant 1 : i32
      %dma_start3A_228 = arith.constant 4 : i32
      %dma_start3A_229 = arith.constant 1 : i32
      %dma_start3A_230 = arith.constant 4 : i32
      %dma_start3A_231 = arith.constant 0 : i32
      %dma_start3A_232 = arith.constant 0 : i32
      %dma_start3A_233 = tpu.memref_slice %arg11[%dma_start3A_229, %dma_start3A_230, %dma_start3A_231, %dma_start3A_232] : memref<2x5x128x16xf32, #tpu.memory_space<vmem>> -> memref<1x1x128x16xf32, #tpu.memory_space<vmem>>
      %dma_start3A_234 = tpu.memref_squeeze %dma_start3A_233 : memref<1x1x128x16xf32, #tpu.memory_space<vmem>> -> memref<128x16xf32, #tpu.memory_space<vmem>>
      %dma_start3A_235 = arith.constant 0 : i32
      %dma_start3A_236 = tpu.memref_slice %arg9[%dma_start3A_227, %dma_start3A_228, %dma_start3A_235] : memref<2x5x128xi32, #tpu.memory_space<vmem>> -> memref<1x1x128xi32, #tpu.memory_space<vmem>>
      %dma_start3A_237 = tpu.memref_squeeze %dma_start3A_236 : memref<1x1x128xi32, #tpu.memory_space<vmem>> -> memref<128xi32, #tpu.memory_space<vmem>>
      %dma_start3A_238 = arith.constant 0 : i32
      %dma_start3A_239 = arith.constant 0 : i32
      %dma_start3A_240 = tpu.memref_slice %arg2[%dma_start3A_238, %dma_start3A_239] : memref<802816x16xf32, #tpu.memory_space<hbm>> -> memref<802816x16xf32, #tpu.memory_space<hbm>>
      tpu.enqueue_indirect_dma source(%dma_start3A_240 : memref<802816x16xf32, #tpu.memory_space<hbm>>) target(%dma_start3A_234 : memref<128x16xf32, #tpu.memory_space<vmem>>) offsets(%dma_start3A_237 : memref<128xi32, #tpu.memory_space<vmem>>) semaphore(%arg14 : memref<!tpu.dma_semaphore, #tpu.memory_space<semaphore_mem>>)
      %dma_wait3A_241 = arith.constant 0 : i32
      %dma_wait3A_242 = arith.constant 0 : i32
      %dma_wait3A_243 = arith.constant 0 : i32
      %dma_wait3A_244 = arith.constant 0 : i32
      %dma_wait3A_245 = arith.constant 0 : i32
      %dma_wait3A_246 = arith.constant 0 : i32
      %dma_wait3A_247 = tpu.memref_slice %arg11[%dma_wait3A_243, %dma_wait3A_244, %dma_wait3A_245, %dma_wait3A_246] : memref<2x5x128x16xf32, #tpu.memory_space<vmem>> -> memref<1x1x128x16xf32, #tpu.memory_space<vmem>>
      %dma_wait3A_248 = tpu.memref_squeeze %dma_wait3A_247 : memref<1x1x128x16xf32, #tpu.memory_space<vmem>> -> memref<128x16xf32, #tpu.memory_space<vmem>>
      %dma_wait3A_249 = arith.constant 0 : i32
      %dma_wait3A_250 = tpu.memref_slice %arg9[%dma_wait3A_241, %dma_wait3A_242, %dma_wait3A_249] : memref<2x5x128xi32, #tpu.memory_space<vmem>> -> memref<1x1x128xi32, #tpu.memory_space<vmem>>
      %dma_wait3A_251 = tpu.memref_squeeze %dma_wait3A_250 : memref<1x1x128xi32, #tpu.memory_space<vmem>> -> memref<128xi32, #tpu.memory_space<vmem>>
      %dma_wait3A_252 = arith.constant 0 : i32
      %dma_wait3A_253 = arith.constant 0 : i32
      %dma_wait3A_254 = tpu.memref_slice %arg2[%dma_wait3A_252, %dma_wait3A_253] : memref<802816x16xf32, #tpu.memory_space<hbm>> -> memref<802816x16xf32, #tpu.memory_space<hbm>>
      tpu.wait_indirect_dma semaphore(%arg13 : memref<!tpu.dma_semaphore, #tpu.memory_space<semaphore_mem>>) src(%dma_wait3A_254 : memref<802816x16xf32, #tpu.memory_space<hbm>>) dst(%dma_wait3A_248 : memref<128x16xf32, #tpu.memory_space<vmem>>)
      %dma_wait3A_255 = arith.constant 0 : i32
      %dma_wait3A_256 = arith.constant 1 : i32
      %dma_wait3A_257 = arith.constant 0 : i32
      %dma_wait3A_258 = arith.constant 1 : i32
      %dma_wait3A_259 = arith.constant 0 : i32
      %dma_wait3A_260 = arith.constant 0 : i32
      %dma_wait3A_261 = tpu.memref_slice %arg11[%dma_wait3A_257, %dma_wait3A_258, %dma_wait3A_259, %dma_wait3A_260] : memref<2x5x128x16xf32, #tpu.memory_space<vmem>> -> memref<1x1x128x16xf32, #tpu.memory_space<vmem>>
      %dma_wait3A_262 = tpu.memref_squeeze %dma_wait3A_261 : memref<1x1x128x16xf32, #tpu.memory_space<vmem>> -> memref<128x16xf32, #tpu.memory_space<vmem>>
      %dma_wait3A_263 = arith.constant 0 : i32
      %dma_wait3A_264 = tpu.memref_slice %arg9[%dma_wait3A_255, %dma_wait3A_256, %dma_wait3A_263] : memref<2x5x128xi32, #tpu.memory_space<vmem>> -> memref<1x1x128xi32, #tpu.memory_space<vmem>>
      %dma_wait3A_265 = tpu.memref_squeeze %dma_wait3A_264 : memref<1x1x128xi32, #tpu.memory_space<vmem>> -> memref<128xi32, #tpu.memory_space<vmem>>
      %dma_wait3A_266 = arith.constant 0 : i32
      %dma_wait3A_267 = arith.constant 0 : i32
      %dma_wait3A_268 = tpu.memref_slice %arg2[%dma_wait3A_266, %dma_wait3A_267] : memref<802816x16xf32, #tpu.memory_space<hbm>> -> memref<802816x16xf32, #tpu.memory_space<hbm>>
      tpu.wait_indirect_dma semaphore(%arg13 : memref<!tpu.dma_semaphore, #tpu.memory_space<semaphore_mem>>) src(%dma_wait3A_268 : memref<802816x16xf32, #tpu.memory_space<hbm>>) dst(%dma_wait3A_262 : memref<128x16xf32, #tpu.memory_space<vmem>>)
      %dma_wait3A_269 = arith.constant 0 : i32
      %dma_wait3A_270 = arith.constant 2 : i32
      %dma_wait3A_271 = arith.constant 0 : i32
      %dma_wait3A_272 = arith.constant 2 : i32
      %dma_wait3A_273 = arith.constant 0 : i32
      %dma_wait3A_274 = arith.constant 0 : i32
      %dma_wait3A_275 = tpu.memref_slice %arg11[%dma_wait3A_271, %dma_wait3A_272, %dma_wait3A_273, %dma_wait3A_274] : memref<2x5x128x16xf32, #tpu.memory_space<vmem>> -> memref<1x1x128x16xf32, #tpu.memory_space<vmem>>
      %dma_wait3A_276 = tpu.memref_squeeze %dma_wait3A_275 : memref<1x1x128x16xf32, #tpu.memory_space<vmem>> -> memref<128x16xf32, #tpu.memory_space<vmem>>
      %dma_wait3A_277 = arith.constant 0 : i32
      %dma_wait3A_278 = tpu.memref_slice %arg9[%dma_wait3A_269, %dma_wait3A_270, %dma_wait3A_277] : memref<2x5x128xi32, #tpu.memory_space<vmem>> -> memref<1x1x128xi32, #tpu.memory_space<vmem>>
      %dma_wait3A_279 = tpu.memref_squeeze %dma_wait3A_278 : memref<1x1x128xi32, #tpu.memory_space<vmem>> -> memref<128xi32, #tpu.memory_space<vmem>>
      %dma_wait3A_280 = arith.constant 0 : i32
      %dma_wait3A_281 = arith.constant 0 : i32
      %dma_wait3A_282 = tpu.memref_slice %arg2[%dma_wait3A_280, %dma_wait3A_281] : memref<802816x16xf32, #tpu.memory_space<hbm>> -> memref<802816x16xf32, #tpu.memory_space<hbm>>
      tpu.wait_indirect_dma semaphore(%arg13 : memref<!tpu.dma_semaphore, #tpu.memory_space<semaphore_mem>>) src(%dma_wait3A_282 : memref<802816x16xf32, #tpu.memory_space<hbm>>) dst(%dma_wait3A_276 : memref<128x16xf32, #tpu.memory_space<vmem>>)
      %dma_wait3A_283 = arith.constant 0 : i32
      %dma_wait3A_284 = arith.constant 3 : i32
      %dma_wait3A_285 = arith.constant 0 : i32
      %dma_wait3A_286 = arith.constant 3 : i32
      %dma_wait3A_287 = arith.constant 0 : i32
      %dma_wait3A_288 = arith.constant 0 : i32
      %dma_wait3A_289 = tpu.memref_slice %arg11[%dma_wait3A_285, %dma_wait3A_286, %dma_wait3A_287, %dma_wait3A_288] : memref<2x5x128x16xf32, #tpu.memory_space<vmem>> -> memref<1x1x128x16xf32, #tpu.memory_space<vmem>>
      %dma_wait3A_290 = tpu.memref_squeeze %dma_wait3A_289 : memref<1x1x128x16xf32, #tpu.memory_space<vmem>> -> memref<128x16xf32, #tpu.memory_space<vmem>>
      %dma_wait3A_291 = arith.constant 0 : i32
      %dma_wait3A_292 = tpu.memref_slice %arg9[%dma_wait3A_283, %dma_wait3A_284, %dma_wait3A_291] : memref<2x5x128xi32, #tpu.memory_space<vmem>> -> memref<1x1x128xi32, #tpu.memory_space<vmem>>
      %dma_wait3A_293 = tpu.memref_squeeze %dma_wait3A_292 : memref<1x1x128xi32, #tpu.memory_space<vmem>> -> memref<128xi32, #tpu.memory_space<vmem>>
      %dma_wait3A_294 = arith.constant 0 : i32
      %dma_wait3A_295 = arith.constant 0 : i32
      %dma_wait3A_296 = tpu.memref_slice %arg2[%dma_wait3A_294, %dma_wait3A_295] : memref<802816x16xf32, #tpu.memory_space<hbm>> -> memref<802816x16xf32, #tpu.memory_space<hbm>>
      tpu.wait_indirect_dma semaphore(%arg13 : memref<!tpu.dma_semaphore, #tpu.memory_space<semaphore_mem>>) src(%dma_wait3A_296 : memref<802816x16xf32, #tpu.memory_space<hbm>>) dst(%dma_wait3A_290 : memref<128x16xf32, #tpu.memory_space<vmem>>)
      %dma_wait3A_297 = arith.constant 0 : i32
      %dma_wait3A_298 = arith.constant 4 : i32
      %dma_wait3A_299 = arith.constant 0 : i32
      %dma_wait3A_300 = arith.constant 4 : i32
      %dma_wait3A_301 = arith.constant 0 : i32
      %dma_wait3A_302 = arith.constant 0 : i32
      %dma_wait3A_303 = tpu.memref_slice %arg11[%dma_wait3A_299, %dma_wait3A_300, %dma_wait3A_301, %dma_wait3A_302] : memref<2x5x128x16xf32, #tpu.memory_space<vmem>> -> memref<1x1x128x16xf32, #tpu.memory_space<vmem>>
      %dma_wait3A_304 = tpu.memref_squeeze %dma_wait3A_303 : memref<1x1x128x16xf32, #tpu.memory_space<vmem>> -> memref<128x16xf32, #tpu.memory_space<vmem>>
      %dma_wait3A_305 = arith.constant 0 : i32
      %dma_wait3A_306 = tpu.memref_slice %arg9[%dma_wait3A_297, %dma_wait3A_298, %dma_wait3A_305] : memref<2x5x128xi32, #tpu.memory_space<vmem>> -> memref<1x1x128xi32, #tpu.memory_space<vmem>>
      %dma_wait3A_307 = tpu.memref_squeeze %dma_wait3A_306 : memref<1x1x128xi32, #tpu.memory_space<vmem>> -> memref<128xi32, #tpu.memory_space<vmem>>
      %dma_wait3A_308 = arith.constant 0 : i32
      %dma_wait3A_309 = arith.constant 0 : i32
      %dma_wait3A_310 = tpu.memref_slice %arg2[%dma_wait3A_308, %dma_wait3A_309] : memref<802816x16xf32, #tpu.memory_space<hbm>> -> memref<802816x16xf32, #tpu.memory_space<hbm>>
      tpu.wait_indirect_dma semaphore(%arg13 : memref<!tpu.dma_semaphore, #tpu.memory_space<semaphore_mem>>) src(%dma_wait3A_310 : memref<802816x16xf32, #tpu.memory_space<hbm>>) dst(%dma_wait3A_304 : memref<128x16xf32, #tpu.memory_space<vmem>>)
      %dma_start3A_311 = arith.constant 0 : i32
      %dma_start3A_312 = arith.constant 0 : i32
      %dma_start3A_313 = arith.constant 0 : i32
      %dma_start3A_314 = arith.constant 0 : i32
      %dma_start3A_315 = arith.constant 0 : i32
      %dma_start3A_316 = arith.constant 0 : i32
      %dma_start3A_317 = tpu.memref_slice %arg11[%dma_start3A_311, %dma_start3A_312, %dma_start3A_315, %dma_start3A_316] : memref<2x5x128x16xf32, #tpu.memory_space<vmem>> -> memref<1x1x128x16xf32, #tpu.memory_space<vmem>>
      %dma_start3A_318 = tpu.memref_squeeze %dma_start3A_317 : memref<1x1x128x16xf32, #tpu.memory_space<vmem>> -> memref<128x16xf32, #tpu.memory_space<vmem>>
      %dma_start3A_319 = arith.constant 0 : i32
      %dma_start3A_320 = tpu.memref_slice %arg10[%dma_start3A_313, %dma_start3A_314, %dma_start3A_319] : memref<2x5x128xi32, #tpu.memory_space<vmem>> -> memref<1x1x128xi32, #tpu.memory_space<vmem>>
      %dma_start3A_321 = tpu.memref_squeeze %dma_start3A_320 : memref<1x1x128xi32, #tpu.memory_space<vmem>> -> memref<128xi32, #tpu.memory_space<vmem>>
      %dma_start3A_322 = arith.constant 0 : i32
      %dma_start3A_323 = arith.constant 0 : i32
      %dma_start3A_324 = tpu.memref_slice %arg12[%dma_start3A_322, %dma_start3A_323] : memref<100352x16xf32, #tpu.memory_space<vmem_shared>> -> memref<100352x16xf32, #tpu.memory_space<vmem_shared>>
      tpu.enqueue_indirect_dma source(%dma_start3A_318 : memref<128x16xf32, #tpu.memory_space<vmem>>) target(%dma_start3A_324 : memref<100352x16xf32, #tpu.memory_space<vmem_shared>>) offsets(%dma_start3A_321 : memref<128xi32, #tpu.memory_space<vmem>>) semaphore(%arg15 : memref<!tpu.dma_semaphore, #tpu.memory_space<semaphore_mem>>) {add = true}
      %dma_start3A_325 = arith.constant 0 : i32
      %dma_start3A_326 = arith.constant 1 : i32
      %dma_start3A_327 = arith.constant 0 : i32
      %dma_start3A_328 = arith.constant 1 : i32
      %dma_start3A_329 = arith.constant 0 : i32
      %dma_start3A_330 = arith.constant 0 : i32
      %dma_start3A_331 = tpu.memref_slice %arg11[%dma_start3A_325, %dma_start3A_326, %dma_start3A_329, %dma_start3A_330] : memref<2x5x128x16xf32, #tpu.memory_space<vmem>> -> memref<1x1x128x16xf32, #tpu.memory_space<vmem>>
      %dma_start3A_332 = tpu.memref_squeeze %dma_start3A_331 : memref<1x1x128x16xf32, #tpu.memory_space<vmem>> -> memref<128x16xf32, #tpu.memory_space<vmem>>
      %dma_start3A_333 = arith.constant 0 : i32
      %dma_start3A_334 = tpu.memref_slice %arg10[%dma_start3A_327, %dma_start3A_328, %dma_start3A_333] : memref<2x5x128xi32, #tpu.memory_space<vmem>> -> memref<1x1x128xi32, #tpu.memory_space<vmem>>
      %dma_start3A_335 = tpu.memref_squeeze %dma_start3A_334 : memref<1x1x128xi32, #tpu.memory_space<vmem>> -> memref<128xi32, #tpu.memory_space<vmem>>
      %dma_start3A_336 = arith.constant 0 : i32
      %dma_start3A_337 = arith.constant 0 : i32
      %dma_start3A_338 = tpu.memref_slice %arg12[%dma_start3A_336, %dma_start3A_337] : memref<100352x16xf32, #tpu.memory_space<vmem_shared>> -> memref<100352x16xf32, #tpu.memory_space<vmem_shared>>
      tpu.enqueue_indirect_dma source(%dma_start3A_332 : memref<128x16xf32, #tpu.memory_space<vmem>>) target(%dma_start3A_338 : memref<100352x16xf32, #tpu.memory_space<vmem_shared>>) offsets(%dma_start3A_335 : memref<128xi32, #tpu.memory_space<vmem>>) semaphore(%arg15 : memref<!tpu.dma_semaphore, #tpu.memory_space<semaphore_mem>>) {add = true}
      %dma_start3A_339 = arith.constant 0 : i32
      %dma_start3A_340 = arith.constant 2 : i32
      %dma_start3A_341 = arith.constant 0 : i32
      %dma_start3A_342 = arith.constant 2 : i32
      %dma_start3A_343 = arith.constant 0 : i32
      %dma_start3A_344 = arith.constant 0 : i32
      %dma_start3A_345 = tpu.memref_slice %arg11[%dma_start3A_339, %dma_start3A_340, %dma_start3A_343, %dma_start3A_344] : memref<2x5x128x16xf32, #tpu.memory_space<vmem>> -> memref<1x1x128x16xf32, #tpu.memory_space<vmem>>
      %dma_start3A_346 = tpu.memref_squeeze %dma_start3A_345 : memref<1x1x128x16xf32, #tpu.memory_space<vmem>> -> memref<128x16xf32, #tpu.memory_space<vmem>>
      %dma_start3A_347 = arith.constant 0 : i32
      %dma_start3A_348 = tpu.memref_slice %arg10[%dma_start3A_341, %dma_start3A_342, %dma_start3A_347] : memref<2x5x128xi32, #tpu.memory_space<vmem>> -> memref<1x1x128xi32, #tpu.memory_space<vmem>>
      %dma_start3A_349 = tpu.memref_squeeze %dma_start3A_348 : memref<1x1x128xi32, #tpu.memory_space<vmem>> -> memref<128xi32, #tpu.memory_space<vmem>>
      %dma_start3A_350 = arith.constant 0 : i32
      %dma_start3A_351 = arith.constant 0 : i32
      %dma_start3A_352 = tpu.memref_slice %arg12[%dma_start3A_350, %dma_start3A_351] : memref<100352x16xf32, #tpu.memory_space<vmem_shared>> -> memref<100352x16xf32, #tpu.memory_space<vmem_shared>>
      tpu.enqueue_indirect_dma source(%dma_start3A_346 : memref<128x16xf32, #tpu.memory_space<vmem>>) target(%dma_start3A_352 : memref<100352x16xf32, #tpu.memory_space<vmem_shared>>) offsets(%dma_start3A_349 : memref<128xi32, #tpu.memory_space<vmem>>) semaphore(%arg15 : memref<!tpu.dma_semaphore, #tpu.memory_space<semaphore_mem>>) {add = true}
      %dma_start3A_353 = arith.constant 0 : i32
      %dma_start3A_354 = arith.constant 3 : i32
      %dma_start3A_355 = arith.constant 0 : i32
      %dma_start3A_356 = arith.constant 3 : i32
      %dma_start3A_357 = arith.constant 0 : i32
      %dma_start3A_358 = arith.constant 0 : i32
      %dma_start3A_359 = tpu.memref_slice %arg11[%dma_start3A_353, %dma_start3A_354, %dma_start3A_357, %dma_start3A_358] : memref<2x5x128x16xf32, #tpu.memory_space<vmem>> -> memref<1x1x128x16xf32, #tpu.memory_space<vmem>>
      %dma_start3A_360 = tpu.memref_squeeze %dma_start3A_359 : memref<1x1x128x16xf32, #tpu.memory_space<vmem>> -> memref<128x16xf32, #tpu.memory_space<vmem>>
      %dma_start3A_361 = arith.constant 0 : i32
      %dma_start3A_362 = tpu.memref_slice %arg10[%dma_start3A_355, %dma_start3A_356, %dma_start3A_361] : memref<2x5x128xi32, #tpu.memory_space<vmem>> -> memref<1x1x128xi32, #tpu.memory_space<vmem>>
      %dma_start3A_363 = tpu.memref_squeeze %dma_start3A_362 : memref<1x1x128xi32, #tpu.memory_space<vmem>> -> memref<128xi32, #tpu.memory_space<vmem>>
      %dma_start3A_364 = arith.constant 0 : i32
      %dma_start3A_365 = arith.constant 0 : i32
      %dma_start3A_366 = tpu.memref_slice %arg12[%dma_start3A_364, %dma_start3A_365] : memref<100352x16xf32, #tpu.memory_space<vmem_shared>> -> memref<100352x16xf32, #tpu.memory_space<vmem_shared>>
      tpu.enqueue_indirect_dma source(%dma_start3A_360 : memref<128x16xf32, #tpu.memory_space<vmem>>) target(%dma_start3A_366 : memref<100352x16xf32, #tpu.memory_space<vmem_shared>>) offsets(%dma_start3A_363 : memref<128xi32, #tpu.memory_space<vmem>>) semaphore(%arg15 : memref<!tpu.dma_semaphore, #tpu.memory_space<semaphore_mem>>) {add = true}
      %dma_start3A_367 = arith.constant 0 : i32
      %dma_start3A_368 = arith.constant 4 : i32
      %dma_start3A_369 = arith.constant 0 : i32
      %dma_start3A_370 = arith.constant 4 : i32
      %dma_start3A_371 = arith.constant 0 : i32
      %dma_start3A_372 = arith.constant 0 : i32
      %dma_start3A_373 = tpu.memref_slice %arg11[%dma_start3A_367, %dma_start3A_368, %dma_start3A_371, %dma_start3A_372] : memref<2x5x128x16xf32, #tpu.memory_space<vmem>> -> memref<1x1x128x16xf32, #tpu.memory_space<vmem>>
      %dma_start3A_374 = tpu.memref_squeeze %dma_start3A_373 : memref<1x1x128x16xf32, #tpu.memory_space<vmem>> -> memref<128x16xf32, #tpu.memory_space<vmem>>
      %dma_start3A_375 = arith.constant 0 : i32
      %dma_start3A_376 = tpu.memref_slice %arg10[%dma_start3A_369, %dma_start3A_370, %dma_start3A_375] : memref<2x5x128xi32, #tpu.memory_space<vmem>> -> memref<1x1x128xi32, #tpu.memory_space<vmem>>
      %dma_start3A_377 = tpu.memref_squeeze %dma_start3A_376 : memref<1x1x128xi32, #tpu.memory_space<vmem>> -> memref<128xi32, #tpu.memory_space<vmem>>
      %dma_start3A_378 = arith.constant 0 : i32
      %dma_start3A_379 = arith.constant 0 : i32
      %dma_start3A_380 = tpu.memref_slice %arg12[%dma_start3A_378, %dma_start3A_379] : memref<100352x16xf32, #tpu.memory_space<vmem_shared>> -> memref<100352x16xf32, #tpu.memory_space<vmem_shared>>
      tpu.enqueue_indirect_dma source(%dma_start3A_374 : memref<128x16xf32, #tpu.memory_space<vmem>>) target(%dma_start3A_380 : memref<100352x16xf32, #tpu.memory_space<vmem_shared>>) offsets(%dma_start3A_377 : memref<128xi32, #tpu.memory_space<vmem>>) semaphore(%arg15 : memref<!tpu.dma_semaphore, #tpu.memory_space<semaphore_mem>>) {add = true}
      %dma_wait3A_381 = arith.constant 0 : i32
      %dma_wait3A_382 = arith.constant 0 : i32
      %dma_wait3A_383 = arith.constant 0 : i32
      %dma_wait3A_384 = arith.constant 0 : i32
      %dma_wait3A_385 = arith.constant 0 : i32
      %dma_wait3A_386 = arith.constant 0 : i32
      %dma_wait3A_387 = tpu.memref_slice %arg11[%dma_wait3A_381, %dma_wait3A_382, %dma_wait3A_385, %dma_wait3A_386] : memref<2x5x128x16xf32, #tpu.memory_space<vmem>> -> memref<1x1x128x16xf32, #tpu.memory_space<vmem>>
      %dma_wait3A_388 = tpu.memref_squeeze %dma_wait3A_387 : memref<1x1x128x16xf32, #tpu.memory_space<vmem>> -> memref<128x16xf32, #tpu.memory_space<vmem>>
      %dma_wait3A_389 = arith.constant 0 : i32
      %dma_wait3A_390 = tpu.memref_slice %arg10[%dma_wait3A_383, %dma_wait3A_384, %dma_wait3A_389] : memref<2x5x128xi32, #tpu.memory_space<vmem>> -> memref<1x1x128xi32, #tpu.memory_space<vmem>>
      %dma_wait3A_391 = tpu.memref_squeeze %dma_wait3A_390 : memref<1x1x128xi32, #tpu.memory_space<vmem>> -> memref<128xi32, #tpu.memory_space<vmem>>
      %dma_wait3A_392 = arith.constant 0 : i32
      %dma_wait3A_393 = arith.constant 0 : i32
      %dma_wait3A_394 = tpu.memref_slice %arg12[%dma_wait3A_392, %dma_wait3A_393] : memref<100352x16xf32, #tpu.memory_space<vmem_shared>> -> memref<100352x16xf32, #tpu.memory_space<vmem_shared>>
      tpu.wait_indirect_dma semaphore(%arg15 : memref<!tpu.dma_semaphore, #tpu.memory_space<semaphore_mem>>) src(%dma_wait3A_388 : memref<128x16xf32, #tpu.memory_space<vmem>>) dst(%dma_wait3A_394 : memref<100352x16xf32, #tpu.memory_space<vmem_shared>>)
      %dma_wait3A_395 = arith.constant 0 : i32
      %dma_wait3A_396 = arith.constant 1 : i32
      %dma_wait3A_397 = arith.constant 0 : i32
      %dma_wait3A_398 = arith.constant 1 : i32
      %dma_wait3A_399 = arith.constant 0 : i32
      %dma_wait3A_400 = arith.constant 0 : i32
      %dma_wait3A_401 = tpu.memref_slice %arg11[%dma_wait3A_395, %dma_wait3A_396, %dma_wait3A_399, %dma_wait3A_400] : memref<2x5x128x16xf32, #tpu.memory_space<vmem>> -> memref<1x1x128x16xf32, #tpu.memory_space<vmem>>
      %dma_wait3A_402 = tpu.memref_squeeze %dma_wait3A_401 : memref<1x1x128x16xf32, #tpu.memory_space<vmem>> -> memref<128x16xf32, #tpu.memory_space<vmem>>
      %dma_wait3A_403 = arith.constant 0 : i32
      %dma_wait3A_404 = tpu.memref_slice %arg10[%dma_wait3A_397, %dma_wait3A_398, %dma_wait3A_403] : memref<2x5x128xi32, #tpu.memory_space<vmem>> -> memref<1x1x128xi32, #tpu.memory_space<vmem>>
      %dma_wait3A_405 = tpu.memref_squeeze %dma_wait3A_404 : memref<1x1x128xi32, #tpu.memory_space<vmem>> -> memref<128xi32, #tpu.memory_space<vmem>>
      %dma_wait3A_406 = arith.constant 0 : i32
      %dma_wait3A_407 = arith.constant 0 : i32
      %dma_wait3A_408 = tpu.memref_slice %arg12[%dma_wait3A_406, %dma_wait3A_407] : memref<100352x16xf32, #tpu.memory_space<vmem_shared>> -> memref<100352x16xf32, #tpu.memory_space<vmem_shared>>
      tpu.wait_indirect_dma semaphore(%arg15 : memref<!tpu.dma_semaphore, #tpu.memory_space<semaphore_mem>>) src(%dma_wait3A_402 : memref<128x16xf32, #tpu.memory_space<vmem>>) dst(%dma_wait3A_408 : memref<100352x16xf32, #tpu.memory_space<vmem_shared>>)
      %dma_wait3A_409 = arith.constant 0 : i32
      %dma_wait3A_410 = arith.constant 2 : i32
      %dma_wait3A_411 = arith.constant 0 : i32
      %dma_wait3A_412 = arith.constant 2 : i32
      %dma_wait3A_413 = arith.constant 0 : i32
      %dma_wait3A_414 = arith.constant 0 : i32
      %dma_wait3A_415 = tpu.memref_slice %arg11[%dma_wait3A_409, %dma_wait3A_410, %dma_wait3A_413, %dma_wait3A_414] : memref<2x5x128x16xf32, #tpu.memory_space<vmem>> -> memref<1x1x128x16xf32, #tpu.memory_space<vmem>>
      %dma_wait3A_416 = tpu.memref_squeeze %dma_wait3A_415 : memref<1x1x128x16xf32, #tpu.memory_space<vmem>> -> memref<128x16xf32, #tpu.memory_space<vmem>>
      %dma_wait3A_417 = arith.constant 0 : i32
      %dma_wait3A_418 = tpu.memref_slice %arg10[%dma_wait3A_411, %dma_wait3A_412, %dma_wait3A_417] : memref<2x5x128xi32, #tpu.memory_space<vmem>> -> memref<1x1x128xi32, #tpu.memory_space<vmem>>
      %dma_wait3A_419 = tpu.memref_squeeze %dma_wait3A_418 : memref<1x1x128xi32, #tpu.memory_space<vmem>> -> memref<128xi32, #tpu.memory_space<vmem>>
      %dma_wait3A_420 = arith.constant 0 : i32
      %dma_wait3A_421 = arith.constant 0 : i32
      %dma_wait3A_422 = tpu.memref_slice %arg12[%dma_wait3A_420, %dma_wait3A_421] : memref<100352x16xf32, #tpu.memory_space<vmem_shared>> -> memref<100352x16xf32, #tpu.memory_space<vmem_shared>>
      tpu.wait_indirect_dma semaphore(%arg15 : memref<!tpu.dma_semaphore, #tpu.memory_space<semaphore_mem>>) src(%dma_wait3A_416 : memref<128x16xf32, #tpu.memory_space<vmem>>) dst(%dma_wait3A_422 : memref<100352x16xf32, #tpu.memory_space<vmem_shared>>)
      %dma_wait3A_423 = arith.constant 0 : i32
      %dma_wait3A_424 = arith.constant 3 : i32
      %dma_wait3A_425 = arith.constant 0 : i32
      %dma_wait3A_426 = arith.constant 3 : i32
      %dma_wait3A_427 = arith.constant 0 : i32
      %dma_wait3A_428 = arith.constant 0 : i32
      %dma_wait3A_429 = tpu.memref_slice %arg11[%dma_wait3A_423, %dma_wait3A_424, %dma_wait3A_427, %dma_wait3A_428] : memref<2x5x128x16xf32, #tpu.memory_space<vmem>> -> memref<1x1x128x16xf32, #tpu.memory_space<vmem>>
      %dma_wait3A_430 = tpu.memref_squeeze %dma_wait3A_429 : memref<1x1x128x16xf32, #tpu.memory_space<vmem>> -> memref<128x16xf32, #tpu.memory_space<vmem>>
      %dma_wait3A_431 = arith.constant 0 : i32
      %dma_wait3A_432 = tpu.memref_slice %arg10[%dma_wait3A_425, %dma_wait3A_426, %dma_wait3A_431] : memref<2x5x128xi32, #tpu.memory_space<vmem>> -> memref<1x1x128xi32, #tpu.memory_space<vmem>>
      %dma_wait3A_433 = tpu.memref_squeeze %dma_wait3A_432 : memref<1x1x128xi32, #tpu.memory_space<vmem>> -> memref<128xi32, #tpu.memory_space<vmem>>
      %dma_wait3A_434 = arith.constant 0 : i32
      %dma_wait3A_435 = arith.constant 0 : i32
      %dma_wait3A_436 = tpu.memref_slice %arg12[%dma_wait3A_434, %dma_wait3A_435] : memref<100352x16xf32, #tpu.memory_space<vmem_shared>> -> memref<100352x16xf32, #tpu.memory_space<vmem_shared>>
      tpu.wait_indirect_dma semaphore(%arg15 : memref<!tpu.dma_semaphore, #tpu.memory_space<semaphore_mem>>) src(%dma_wait3A_430 : memref<128x16xf32, #tpu.memory_space<vmem>>) dst(%dma_wait3A_436 : memref<100352x16xf32, #tpu.memory_space<vmem_shared>>)
      %dma_wait3A_437 = arith.constant 0 : i32
      %dma_wait3A_438 = arith.constant 4 : i32
      %dma_wait3A_439 = arith.constant 0 : i32
      %dma_wait3A_440 = arith.constant 4 : i32
      %dma_wait3A_441 = arith.constant 0 : i32
      %dma_wait3A_442 = arith.constant 0 : i32
      %dma_wait3A_443 = tpu.memref_slice %arg11[%dma_wait3A_437, %dma_wait3A_438, %dma_wait3A_441, %dma_wait3A_442] : memref<2x5x128x16xf32, #tpu.memory_space<vmem>> -> memref<1x1x128x16xf32, #tpu.memory_space<vmem>>
      %dma_wait3A_444 = tpu.memref_squeeze %dma_wait3A_443 : memref<1x1x128x16xf32, #tpu.memory_space<vmem>> -> memref<128x16xf32, #tpu.memory_space<vmem>>
      %dma_wait3A_445 = arith.constant 0 : i32
      %dma_wait3A_446 = tpu.memref_slice %arg10[%dma_wait3A_439, %dma_wait3A_440, %dma_wait3A_445] : memref<2x5x128xi32, #tpu.memory_space<vmem>> -> memref<1x1x128xi32, #tpu.memory_space<vmem>>
      %dma_wait3A_447 = tpu.memref_squeeze %dma_wait3A_446 : memref<1x1x128xi32, #tpu.memory_space<vmem>> -> memref<128xi32, #tpu.memory_space<vmem>>
      %dma_wait3A_448 = arith.constant 0 : i32
      %dma_wait3A_449 = arith.constant 0 : i32
      %dma_wait3A_450 = tpu.memref_slice %arg12[%dma_wait3A_448, %dma_wait3A_449] : memref<100352x16xf32, #tpu.memory_space<vmem_shared>> -> memref<100352x16xf32, #tpu.memory_space<vmem_shared>>
      tpu.wait_indirect_dma semaphore(%arg15 : memref<!tpu.dma_semaphore, #tpu.memory_space<semaphore_mem>>) src(%dma_wait3A_444 : memref<128x16xf32, #tpu.memory_space<vmem>>) dst(%dma_wait3A_450 : memref<100352x16xf32, #tpu.memory_space<vmem_shared>>)
      %dma_wait3A_451 = arith.constant 1 : i32
      %dma_wait3A_452 = arith.constant 0 : i32
      %dma_wait3A_453 = arith.constant 1 : i32
      %dma_wait3A_454 = arith.constant 0 : i32
      %dma_wait3A_455 = arith.constant 0 : i32
      %dma_wait3A_456 = arith.constant 0 : i32
      %dma_wait3A_457 = tpu.memref_slice %arg11[%dma_wait3A_453, %dma_wait3A_454, %dma_wait3A_455, %dma_wait3A_456] : memref<2x5x128x16xf32, #tpu.memory_space<vmem>> -> memref<1x1x128x16xf32, #tpu.memory_space<vmem>>
      %dma_wait3A_458 = tpu.memref_squeeze %dma_wait3A_457 : memref<1x1x128x16xf32, #tpu.memory_space<vmem>> -> memref<128x16xf32, #tpu.memory_space<vmem>>
      %dma_wait3A_459 = arith.constant 0 : i32
      %dma_wait3A_460 = tpu.memref_slice %arg9[%dma_wait3A_451, %dma_wait3A_452, %dma_wait3A_459] : memref<2x5x128xi32, #tpu.memory_space<vmem>> -> memref<1x1x128xi32, #tpu.memory_space<vmem>>
      %dma_wait3A_461 = tpu.memref_squeeze %dma_wait3A_460 : memref<1x1x128xi32, #tpu.memory_space<vmem>> -> memref<128xi32, #tpu.memory_space<vmem>>
      %dma_wait3A_462 = arith.constant 0 : i32
      %dma_wait3A_463 = arith.constant 0 : i32
      %dma_wait3A_464 = tpu.memref_slice %arg2[%dma_wait3A_462, %dma_wait3A_463] : memref<802816x16xf32, #tpu.memory_space<hbm>> -> memref<802816x16xf32, #tpu.memory_space<hbm>>
      tpu.wait_indirect_dma semaphore(%arg14 : memref<!tpu.dma_semaphore, #tpu.memory_space<semaphore_mem>>) src(%dma_wait3A_464 : memref<802816x16xf32, #tpu.memory_space<hbm>>) dst(%dma_wait3A_458 : memref<128x16xf32, #tpu.memory_space<vmem>>)
      %dma_wait3A_465 = arith.constant 1 : i32
      %dma_wait3A_466 = arith.constant 1 : i32
      %dma_wait3A_467 = arith.constant 1 : i32
      %dma_wait3A_468 = arith.constant 1 : i32
      %dma_wait3A_469 = arith.constant 0 : i32
      %dma_wait3A_470 = arith.constant 0 : i32
      %dma_wait3A_471 = tpu.memref_slice %arg11[%dma_wait3A_467, %dma_wait3A_468, %dma_wait3A_469, %dma_wait3A_470] : memref<2x5x128x16xf32, #tpu.memory_space<vmem>> -> memref<1x1x128x16xf32, #tpu.memory_space<vmem>>
      %dma_wait3A_472 = tpu.memref_squeeze %dma_wait3A_471 : memref<1x1x128x16xf32, #tpu.memory_space<vmem>> -> memref<128x16xf32, #tpu.memory_space<vmem>>
      %dma_wait3A_473 = arith.constant 0 : i32
      %dma_wait3A_474 = tpu.memref_slice %arg9[%dma_wait3A_465, %dma_wait3A_466, %dma_wait3A_473] : memref<2x5x128xi32, #tpu.memory_space<vmem>> -> memref<1x1x128xi32, #tpu.memory_space<vmem>>
      %dma_wait3A_475 = tpu.memref_squeeze %dma_wait3A_474 : memref<1x1x128xi32, #tpu.memory_space<vmem>> -> memref<128xi32, #tpu.memory_space<vmem>>
      %dma_wait3A_476 = arith.constant 0 : i32
      %dma_wait3A_477 = arith.constant 0 : i32
      %dma_wait3A_478 = tpu.memref_slice %arg2[%dma_wait3A_476, %dma_wait3A_477] : memref<802816x16xf32, #tpu.memory_space<hbm>> -> memref<802816x16xf32, #tpu.memory_space<hbm>>
      tpu.wait_indirect_dma semaphore(%arg14 : memref<!tpu.dma_semaphore, #tpu.memory_space<semaphore_mem>>) src(%dma_wait3A_478 : memref<802816x16xf32, #tpu.memory_space<hbm>>) dst(%dma_wait3A_472 : memref<128x16xf32, #tpu.memory_space<vmem>>)
      %dma_wait3A_479 = arith.constant 1 : i32
      %dma_wait3A_480 = arith.constant 2 : i32
      %dma_wait3A_481 = arith.constant 1 : i32
      %dma_wait3A_482 = arith.constant 2 : i32
      %dma_wait3A_483 = arith.constant 0 : i32
      %dma_wait3A_484 = arith.constant 0 : i32
      %dma_wait3A_485 = tpu.memref_slice %arg11[%dma_wait3A_481, %dma_wait3A_482, %dma_wait3A_483, %dma_wait3A_484] : memref<2x5x128x16xf32, #tpu.memory_space<vmem>> -> memref<1x1x128x16xf32, #tpu.memory_space<vmem>>
      %dma_wait3A_486 = tpu.memref_squeeze %dma_wait3A_485 : memref<1x1x128x16xf32, #tpu.memory_space<vmem>> -> memref<128x16xf32, #tpu.memory_space<vmem>>
      %dma_wait3A_487 = arith.constant 0 : i32
      %dma_wait3A_488 = tpu.memref_slice %arg9[%dma_wait3A_479, %dma_wait3A_480, %dma_wait3A_487] : memref<2x5x128xi32, #tpu.memory_space<vmem>> -> memref<1x1x128xi32, #tpu.memory_space<vmem>>
      %dma_wait3A_489 = tpu.memref_squeeze %dma_wait3A_488 : memref<1x1x128xi32, #tpu.memory_space<vmem>> -> memref<128xi32, #tpu.memory_space<vmem>>
      %dma_wait3A_490 = arith.constant 0 : i32
      %dma_wait3A_491 = arith.constant 0 : i32
      %dma_wait3A_492 = tpu.memref_slice %arg2[%dma_wait3A_490, %dma_wait3A_491] : memref<802816x16xf32, #tpu.memory_space<hbm>> -> memref<802816x16xf32, #tpu.memory_space<hbm>>
      tpu.wait_indirect_dma semaphore(%arg14 : memref<!tpu.dma_semaphore, #tpu.memory_space<semaphore_mem>>) src(%dma_wait3A_492 : memref<802816x16xf32, #tpu.memory_space<hbm>>) dst(%dma_wait3A_486 : memref<128x16xf32, #tpu.memory_space<vmem>>)
      %dma_wait3A_493 = arith.constant 1 : i32
      %dma_wait3A_494 = arith.constant 3 : i32
      %dma_wait3A_495 = arith.constant 1 : i32
      %dma_wait3A_496 = arith.constant 3 : i32
      %dma_wait3A_497 = arith.constant 0 : i32
      %dma_wait3A_498 = arith.constant 0 : i32
      %dma_wait3A_499 = tpu.memref_slice %arg11[%dma_wait3A_495, %dma_wait3A_496, %dma_wait3A_497, %dma_wait3A_498] : memref<2x5x128x16xf32, #tpu.memory_space<vmem>> -> memref<1x1x128x16xf32, #tpu.memory_space<vmem>>
      %dma_wait3A_500 = tpu.memref_squeeze %dma_wait3A_499 : memref<1x1x128x16xf32, #tpu.memory_space<vmem>> -> memref<128x16xf32, #tpu.memory_space<vmem>>
      %dma_wait3A_501 = arith.constant 0 : i32
      %dma_wait3A_502 = tpu.memref_slice %arg9[%dma_wait3A_493, %dma_wait3A_494, %dma_wait3A_501] : memref<2x5x128xi32, #tpu.memory_space<vmem>> -> memref<1x1x128xi32, #tpu.memory_space<vmem>>
      %dma_wait3A_503 = tpu.memref_squeeze %dma_wait3A_502 : memref<1x1x128xi32, #tpu.memory_space<vmem>> -> memref<128xi32, #tpu.memory_space<vmem>>
      %dma_wait3A_504 = arith.constant 0 : i32
      %dma_wait3A_505 = arith.constant 0 : i32
      %dma_wait3A_506 = tpu.memref_slice %arg2[%dma_wait3A_504, %dma_wait3A_505] : memref<802816x16xf32, #tpu.memory_space<hbm>> -> memref<802816x16xf32, #tpu.memory_space<hbm>>
      tpu.wait_indirect_dma semaphore(%arg14 : memref<!tpu.dma_semaphore, #tpu.memory_space<semaphore_mem>>) src(%dma_wait3A_506 : memref<802816x16xf32, #tpu.memory_space<hbm>>) dst(%dma_wait3A_500 : memref<128x16xf32, #tpu.memory_space<vmem>>)
      %dma_wait3A_507 = arith.constant 1 : i32
      %dma_wait3A_508 = arith.constant 4 : i32
      %dma_wait3A_509 = arith.constant 1 : i32
      %dma_wait3A_510 = arith.constant 4 : i32
      %dma_wait3A_511 = arith.constant 0 : i32
      %dma_wait3A_512 = arith.constant 0 : i32
      %dma_wait3A_513 = tpu.memref_slice %arg11[%dma_wait3A_509, %dma_wait3A_510, %dma_wait3A_511, %dma_wait3A_512] : memref<2x5x128x16xf32, #tpu.memory_space<vmem>> -> memref<1x1x128x16xf32, #tpu.memory_space<vmem>>
      %dma_wait3A_514 = tpu.memref_squeeze %dma_wait3A_513 : memref<1x1x128x16xf32, #tpu.memory_space<vmem>> -> memref<128x16xf32, #tpu.memory_space<vmem>>
      %dma_wait3A_515 = arith.constant 0 : i32
      %dma_wait3A_516 = tpu.memref_slice %arg9[%dma_wait3A_507, %dma_wait3A_508, %dma_wait3A_515] : memref<2x5x128xi32, #tpu.memory_space<vmem>> -> memref<1x1x128xi32, #tpu.memory_space<vmem>>
      %dma_wait3A_517 = tpu.memref_squeeze %dma_wait3A_516 : memref<1x1x128xi32, #tpu.memory_space<vmem>> -> memref<128xi32, #tpu.memory_space<vmem>>
      %dma_wait3A_518 = arith.constant 0 : i32
      %dma_wait3A_519 = arith.constant 0 : i32
      %dma_wait3A_520 = tpu.memref_slice %arg2[%dma_wait3A_518, %dma_wait3A_519] : memref<802816x16xf32, #tpu.memory_space<hbm>> -> memref<802816x16xf32, #tpu.memory_space<hbm>>
      tpu.wait_indirect_dma semaphore(%arg14 : memref<!tpu.dma_semaphore, #tpu.memory_space<semaphore_mem>>) src(%dma_wait3A_520 : memref<802816x16xf32, #tpu.memory_space<hbm>>) dst(%dma_wait3A_514 : memref<128x16xf32, #tpu.memory_space<vmem>>)
      %dma_start3A_521 = arith.constant 1 : i32
      %dma_start3A_522 = arith.constant 0 : i32
      %dma_start3A_523 = arith.constant 1 : i32
      %dma_start3A_524 = arith.constant 0 : i32
      %dma_start3A_525 = arith.constant 0 : i32
      %dma_start3A_526 = arith.constant 0 : i32
      %dma_start3A_527 = tpu.memref_slice %arg11[%dma_start3A_521, %dma_start3A_522, %dma_start3A_525, %dma_start3A_526] : memref<2x5x128x16xf32, #tpu.memory_space<vmem>> -> memref<1x1x128x16xf32, #tpu.memory_space<vmem>>
      %dma_start3A_528 = tpu.memref_squeeze %dma_start3A_527 : memref<1x1x128x16xf32, #tpu.memory_space<vmem>> -> memref<128x16xf32, #tpu.memory_space<vmem>>
      %dma_start3A_529 = arith.constant 0 : i32
      %dma_start3A_530 = tpu.memref_slice %arg10[%dma_start3A_523, %dma_start3A_524, %dma_start3A_529] : memref<2x5x128xi32, #tpu.memory_space<vmem>> -> memref<1x1x128xi32, #tpu.memory_space<vmem>>
      %dma_start3A_531 = tpu.memref_squeeze %dma_start3A_530 : memref<1x1x128xi32, #tpu.memory_space<vmem>> -> memref<128xi32, #tpu.memory_space<vmem>>
      %dma_start3A_532 = arith.constant 0 : i32
      %dma_start3A_533 = arith.constant 0 : i32
      %dma_start3A_534 = tpu.memref_slice %arg12[%dma_start3A_532, %dma_start3A_533] : memref<100352x16xf32, #tpu.memory_space<vmem_shared>> -> memref<100352x16xf32, #tpu.memory_space<vmem_shared>>
      tpu.enqueue_indirect_dma source(%dma_start3A_528 : memref<128x16xf32, #tpu.memory_space<vmem>>) target(%dma_start3A_534 : memref<100352x16xf32, #tpu.memory_space<vmem_shared>>) offsets(%dma_start3A_531 : memref<128xi32, #tpu.memory_space<vmem>>) semaphore(%arg16 : memref<!tpu.dma_semaphore, #tpu.memory_space<semaphore_mem>>) {add = true}
      %dma_start3A_535 = arith.constant 1 : i32
      %dma_start3A_536 = arith.constant 1 : i32
      %dma_start3A_537 = arith.constant 1 : i32
      %dma_start3A_538 = arith.constant 1 : i32
      %dma_start3A_539 = arith.constant 0 : i32
      %dma_start3A_540 = arith.constant 0 : i32
      %dma_start3A_541 = tpu.memref_slice %arg11[%dma_start3A_535, %dma_start3A_536, %dma_start3A_539, %dma_start3A_540] : memref<2x5x128x16xf32, #tpu.memory_space<vmem>> -> memref<1x1x128x16xf32, #tpu.memory_space<vmem>>
      %dma_start3A_542 = tpu.memref_squeeze %dma_start3A_541 : memref<1x1x128x16xf32, #tpu.memory_space<vmem>> -> memref<128x16xf32, #tpu.memory_space<vmem>>
      %dma_start3A_543 = arith.constant 0 : i32
      %dma_start3A_544 = tpu.memref_slice %arg10[%dma_start3A_537, %dma_start3A_538, %dma_start3A_543] : memref<2x5x128xi32, #tpu.memory_space<vmem>> -> memref<1x1x128xi32, #tpu.memory_space<vmem>>
      %dma_start3A_545 = tpu.memref_squeeze %dma_start3A_544 : memref<1x1x128xi32, #tpu.memory_space<vmem>> -> memref<128xi32, #tpu.memory_space<vmem>>
      %dma_start3A_546 = arith.constant 0 : i32
      %dma_start3A_547 = arith.constant 0 : i32
      %dma_start3A_548 = tpu.memref_slice %arg12[%dma_start3A_546, %dma_start3A_547] : memref<100352x16xf32, #tpu.memory_space<vmem_shared>> -> memref<100352x16xf32, #tpu.memory_space<vmem_shared>>
      tpu.enqueue_indirect_dma source(%dma_start3A_542 : memref<128x16xf32, #tpu.memory_space<vmem>>) target(%dma_start3A_548 : memref<100352x16xf32, #tpu.memory_space<vmem_shared>>) offsets(%dma_start3A_545 : memref<128xi32, #tpu.memory_space<vmem>>) semaphore(%arg16 : memref<!tpu.dma_semaphore, #tpu.memory_space<semaphore_mem>>) {add = true}
      %dma_start3A_549 = arith.constant 1 : i32
      %dma_start3A_550 = arith.constant 2 : i32
      %dma_start3A_551 = arith.constant 1 : i32
      %dma_start3A_552 = arith.constant 2 : i32
      %dma_start3A_553 = arith.constant 0 : i32
      %dma_start3A_554 = arith.constant 0 : i32
      %dma_start3A_555 = tpu.memref_slice %arg11[%dma_start3A_549, %dma_start3A_550, %dma_start3A_553, %dma_start3A_554] : memref<2x5x128x16xf32, #tpu.memory_space<vmem>> -> memref<1x1x128x16xf32, #tpu.memory_space<vmem>>
      %dma_start3A_556 = tpu.memref_squeeze %dma_start3A_555 : memref<1x1x128x16xf32, #tpu.memory_space<vmem>> -> memref<128x16xf32, #tpu.memory_space<vmem>>
      %dma_start3A_557 = arith.constant 0 : i32
      %dma_start3A_558 = tpu.memref_slice %arg10[%dma_start3A_551, %dma_start3A_552, %dma_start3A_557] : memref<2x5x128xi32, #tpu.memory_space<vmem>> -> memref<1x1x128xi32, #tpu.memory_space<vmem>>
      %dma_start3A_559 = tpu.memref_squeeze %dma_start3A_558 : memref<1x1x128xi32, #tpu.memory_space<vmem>> -> memref<128xi32, #tpu.memory_space<vmem>>
      %dma_start3A_560 = arith.constant 0 : i32
      %dma_start3A_561 = arith.constant 0 : i32
      %dma_start3A_562 = tpu.memref_slice %arg12[%dma_start3A_560, %dma_start3A_561] : memref<100352x16xf32, #tpu.memory_space<vmem_shared>> -> memref<100352x16xf32, #tpu.memory_space<vmem_shared>>
      tpu.enqueue_indirect_dma source(%dma_start3A_556 : memref<128x16xf32, #tpu.memory_space<vmem>>) target(%dma_start3A_562 : memref<100352x16xf32, #tpu.memory_space<vmem_shared>>) offsets(%dma_start3A_559 : memref<128xi32, #tpu.memory_space<vmem>>) semaphore(%arg16 : memref<!tpu.dma_semaphore, #tpu.memory_space<semaphore_mem>>) {add = true}
      %dma_start3A_563 = arith.constant 1 : i32
      %dma_start3A_564 = arith.constant 3 : i32
      %dma_start3A_565 = arith.constant 1 : i32
      %dma_start3A_566 = arith.constant 3 : i32
      %dma_start3A_567 = arith.constant 0 : i32
      %dma_start3A_568 = arith.constant 0 : i32
      %dma_start3A_569 = tpu.memref_slice %arg11[%dma_start3A_563, %dma_start3A_564, %dma_start3A_567, %dma_start3A_568] : memref<2x5x128x16xf32, #tpu.memory_space<vmem>> -> memref<1x1x128x16xf32, #tpu.memory_space<vmem>>
      %dma_start3A_570 = tpu.memref_squeeze %dma_start3A_569 : memref<1x1x128x16xf32, #tpu.memory_space<vmem>> -> memref<128x16xf32, #tpu.memory_space<vmem>>
      %dma_start3A_571 = arith.constant 0 : i32
      %dma_start3A_572 = tpu.memref_slice %arg10[%dma_start3A_565, %dma_start3A_566, %dma_start3A_571] : memref<2x5x128xi32, #tpu.memory_space<vmem>> -> memref<1x1x128xi32, #tpu.memory_space<vmem>>
      %dma_start3A_573 = tpu.memref_squeeze %dma_start3A_572 : memref<1x1x128xi32, #tpu.memory_space<vmem>> -> memref<128xi32, #tpu.memory_space<vmem>>
      %dma_start3A_574 = arith.constant 0 : i32
      %dma_start3A_575 = arith.constant 0 : i32
      %dma_start3A_576 = tpu.memref_slice %arg12[%dma_start3A_574, %dma_start3A_575] : memref<100352x16xf32, #tpu.memory_space<vmem_shared>> -> memref<100352x16xf32, #tpu.memory_space<vmem_shared>>
      tpu.enqueue_indirect_dma source(%dma_start3A_570 : memref<128x16xf32, #tpu.memory_space<vmem>>) target(%dma_start3A_576 : memref<100352x16xf32, #tpu.memory_space<vmem_shared>>) offsets(%dma_start3A_573 : memref<128xi32, #tpu.memory_space<vmem>>) semaphore(%arg16 : memref<!tpu.dma_semaphore, #tpu.memory_space<semaphore_mem>>) {add = true}
      %dma_start3A_577 = arith.constant 1 : i32
      %dma_start3A_578 = arith.constant 4 : i32
      %dma_start3A_579 = arith.constant 1 : i32
      %dma_start3A_580 = arith.constant 4 : i32
      %dma_start3A_581 = arith.constant 0 : i32
      %dma_start3A_582 = arith.constant 0 : i32
      %dma_start3A_583 = tpu.memref_slice %arg11[%dma_start3A_577, %dma_start3A_578, %dma_start3A_581, %dma_start3A_582] : memref<2x5x128x16xf32, #tpu.memory_space<vmem>> -> memref<1x1x128x16xf32, #tpu.memory_space<vmem>>
      %dma_start3A_584 = tpu.memref_squeeze %dma_start3A_583 : memref<1x1x128x16xf32, #tpu.memory_space<vmem>> -> memref<128x16xf32, #tpu.memory_space<vmem>>
      %dma_start3A_585 = arith.constant 0 : i32
      %dma_start3A_586 = tpu.memref_slice %arg10[%dma_start3A_579, %dma_start3A_580, %dma_start3A_585] : memref<2x5x128xi32, #tpu.memory_space<vmem>> -> memref<1x1x128xi32, #tpu.memory_space<vmem>>
      %dma_start3A_587 = tpu.memref_squeeze %dma_start3A_586 : memref<1x1x128xi32, #tpu.memory_space<vmem>> -> memref<128xi32, #tpu.memory_space<vmem>>
      %dma_start3A_588 = arith.constant 0 : i32
      %dma_start3A_589 = arith.constant 0 : i32
      %dma_start3A_590 = tpu.memref_slice %arg12[%dma_start3A_588, %dma_start3A_589] : memref<100352x16xf32, #tpu.memory_space<vmem_shared>> -> memref<100352x16xf32, #tpu.memory_space<vmem_shared>>
      tpu.enqueue_indirect_dma source(%dma_start3A_584 : memref<128x16xf32, #tpu.memory_space<vmem>>) target(%dma_start3A_590 : memref<100352x16xf32, #tpu.memory_space<vmem_shared>>) offsets(%dma_start3A_587 : memref<128xi32, #tpu.memory_space<vmem>>) semaphore(%arg16 : memref<!tpu.dma_semaphore, #tpu.memory_space<semaphore_mem>>) {add = true}
      %dma_wait3A_591 = arith.constant 1 : i32
      %dma_wait3A_592 = arith.constant 0 : i32
      %dma_wait3A_593 = arith.constant 1 : i32
      %dma_wait3A_594 = arith.constant 0 : i32
      %dma_wait3A_595 = arith.constant 0 : i32
      %dma_wait3A_596 = arith.constant 0 : i32
      %dma_wait3A_597 = tpu.memref_slice %arg11[%dma_wait3A_591, %dma_wait3A_592, %dma_wait3A_595, %dma_wait3A_596] : memref<2x5x128x16xf32, #tpu.memory_space<vmem>> -> memref<1x1x128x16xf32, #tpu.memory_space<vmem>>
      %dma_wait3A_598 = tpu.memref_squeeze %dma_wait3A_597 : memref<1x1x128x16xf32, #tpu.memory_space<vmem>> -> memref<128x16xf32, #tpu.memory_space<vmem>>
      %dma_wait3A_599 = arith.constant 0 : i32
      %dma_wait3A_600 = tpu.memref_slice %arg10[%dma_wait3A_593, %dma_wait3A_594, %dma_wait3A_599] : memref<2x5x128xi32, #tpu.memory_space<vmem>> -> memref<1x1x128xi32, #tpu.memory_space<vmem>>
      %dma_wait3A_601 = tpu.memref_squeeze %dma_wait3A_600 : memref<1x1x128xi32, #tpu.memory_space<vmem>> -> memref<128xi32, #tpu.memory_space<vmem>>
      %dma_wait3A_602 = arith.constant 0 : i32
      %dma_wait3A_603 = arith.constant 0 : i32
      %dma_wait3A_604 = tpu.memref_slice %arg12[%dma_wait3A_602, %dma_wait3A_603] : memref<100352x16xf32, #tpu.memory_space<vmem_shared>> -> memref<100352x16xf32, #tpu.memory_space<vmem_shared>>
      tpu.wait_indirect_dma semaphore(%arg16 : memref<!tpu.dma_semaphore, #tpu.memory_space<semaphore_mem>>) src(%dma_wait3A_598 : memref<128x16xf32, #tpu.memory_space<vmem>>) dst(%dma_wait3A_604 : memref<100352x16xf32, #tpu.memory_space<vmem_shared>>)
      %dma_wait3A_605 = arith.constant 1 : i32
      %dma_wait3A_606 = arith.constant 1 : i32
      %dma_wait3A_607 = arith.constant 1 : i32
      %dma_wait3A_608 = arith.constant 1 : i32
      %dma_wait3A_609 = arith.constant 0 : i32
      %dma_wait3A_610 = arith.constant 0 : i32
      %dma_wait3A_611 = tpu.memref_slice %arg11[%dma_wait3A_605, %dma_wait3A_606, %dma_wait3A_609, %dma_wait3A_610] : memref<2x5x128x16xf32, #tpu.memory_space<vmem>> -> memref<1x1x128x16xf32, #tpu.memory_space<vmem>>
      %dma_wait3A_612 = tpu.memref_squeeze %dma_wait3A_611 : memref<1x1x128x16xf32, #tpu.memory_space<vmem>> -> memref<128x16xf32, #tpu.memory_space<vmem>>
      %dma_wait3A_613 = arith.constant 0 : i32
      %dma_wait3A_614 = tpu.memref_slice %arg10[%dma_wait3A_607, %dma_wait3A_608, %dma_wait3A_613] : memref<2x5x128xi32, #tpu.memory_space<vmem>> -> memref<1x1x128xi32, #tpu.memory_space<vmem>>
      %dma_wait3A_615 = tpu.memref_squeeze %dma_wait3A_614 : memref<1x1x128xi32, #tpu.memory_space<vmem>> -> memref<128xi32, #tpu.memory_space<vmem>>
      %dma_wait3A_616 = arith.constant 0 : i32
      %dma_wait3A_617 = arith.constant 0 : i32
      %dma_wait3A_618 = tpu.memref_slice %arg12[%dma_wait3A_616, %dma_wait3A_617] : memref<100352x16xf32, #tpu.memory_space<vmem_shared>> -> memref<100352x16xf32, #tpu.memory_space<vmem_shared>>
      tpu.wait_indirect_dma semaphore(%arg16 : memref<!tpu.dma_semaphore, #tpu.memory_space<semaphore_mem>>) src(%dma_wait3A_612 : memref<128x16xf32, #tpu.memory_space<vmem>>) dst(%dma_wait3A_618 : memref<100352x16xf32, #tpu.memory_space<vmem_shared>>)
      %dma_wait3A_619 = arith.constant 1 : i32
      %dma_wait3A_620 = arith.constant 2 : i32
      %dma_wait3A_621 = arith.constant 1 : i32
      %dma_wait3A_622 = arith.constant 2 : i32
      %dma_wait3A_623 = arith.constant 0 : i32
      %dma_wait3A_624 = arith.constant 0 : i32
      %dma_wait3A_625 = tpu.memref_slice %arg11[%dma_wait3A_619, %dma_wait3A_620, %dma_wait3A_623, %dma_wait3A_624] : memref<2x5x128x16xf32, #tpu.memory_space<vmem>> -> memref<1x1x128x16xf32, #tpu.memory_space<vmem>>
      %dma_wait3A_626 = tpu.memref_squeeze %dma_wait3A_625 : memref<1x1x128x16xf32, #tpu.memory_space<vmem>> -> memref<128x16xf32, #tpu.memory_space<vmem>>
      %dma_wait3A_627 = arith.constant 0 : i32
      %dma_wait3A_628 = tpu.memref_slice %arg10[%dma_wait3A_621, %dma_wait3A_622, %dma_wait3A_627] : memref<2x5x128xi32, #tpu.memory_space<vmem>> -> memref<1x1x128xi32, #tpu.memory_space<vmem>>
      %dma_wait3A_629 = tpu.memref_squeeze %dma_wait3A_628 : memref<1x1x128xi32, #tpu.memory_space<vmem>> -> memref<128xi32, #tpu.memory_space<vmem>>
      %dma_wait3A_630 = arith.constant 0 : i32
      %dma_wait3A_631 = arith.constant 0 : i32
      %dma_wait3A_632 = tpu.memref_slice %arg12[%dma_wait3A_630, %dma_wait3A_631] : memref<100352x16xf32, #tpu.memory_space<vmem_shared>> -> memref<100352x16xf32, #tpu.memory_space<vmem_shared>>
      tpu.wait_indirect_dma semaphore(%arg16 : memref<!tpu.dma_semaphore, #tpu.memory_space<semaphore_mem>>) src(%dma_wait3A_626 : memref<128x16xf32, #tpu.memory_space<vmem>>) dst(%dma_wait3A_632 : memref<100352x16xf32, #tpu.memory_space<vmem_shared>>)
      %dma_wait3A_633 = arith.constant 1 : i32
      %dma_wait3A_634 = arith.constant 3 : i32
      %dma_wait3A_635 = arith.constant 1 : i32
      %dma_wait3A_636 = arith.constant 3 : i32
      %dma_wait3A_637 = arith.constant 0 : i32
      %dma_wait3A_638 = arith.constant 0 : i32
      %dma_wait3A_639 = tpu.memref_slice %arg11[%dma_wait3A_633, %dma_wait3A_634, %dma_wait3A_637, %dma_wait3A_638] : memref<2x5x128x16xf32, #tpu.memory_space<vmem>> -> memref<1x1x128x16xf32, #tpu.memory_space<vmem>>
      %dma_wait3A_640 = tpu.memref_squeeze %dma_wait3A_639 : memref<1x1x128x16xf32, #tpu.memory_space<vmem>> -> memref<128x16xf32, #tpu.memory_space<vmem>>
      %dma_wait3A_641 = arith.constant 0 : i32
      %dma_wait3A_642 = tpu.memref_slice %arg10[%dma_wait3A_635, %dma_wait3A_636, %dma_wait3A_641] : memref<2x5x128xi32, #tpu.memory_space<vmem>> -> memref<1x1x128xi32, #tpu.memory_space<vmem>>
      %dma_wait3A_643 = tpu.memref_squeeze %dma_wait3A_642 : memref<1x1x128xi32, #tpu.memory_space<vmem>> -> memref<128xi32, #tpu.memory_space<vmem>>
      %dma_wait3A_644 = arith.constant 0 : i32
      %dma_wait3A_645 = arith.constant 0 : i32
      %dma_wait3A_646 = tpu.memref_slice %arg12[%dma_wait3A_644, %dma_wait3A_645] : memref<100352x16xf32, #tpu.memory_space<vmem_shared>> -> memref<100352x16xf32, #tpu.memory_space<vmem_shared>>
      tpu.wait_indirect_dma semaphore(%arg16 : memref<!tpu.dma_semaphore, #tpu.memory_space<semaphore_mem>>) src(%dma_wait3A_640 : memref<128x16xf32, #tpu.memory_space<vmem>>) dst(%dma_wait3A_646 : memref<100352x16xf32, #tpu.memory_space<vmem_shared>>)
      %dma_wait3A_647 = arith.constant 1 : i32
      %dma_wait3A_648 = arith.constant 4 : i32
      %dma_wait3A_649 = arith.constant 1 : i32
      %dma_wait3A_650 = arith.constant 4 : i32
      %dma_wait3A_651 = arith.constant 0 : i32
      %dma_wait3A_652 = arith.constant 0 : i32
      %dma_wait3A_653 = tpu.memref_slice %arg11[%dma_wait3A_647, %dma_wait3A_648, %dma_wait3A_651, %dma_wait3A_652] : memref<2x5x128x16xf32, #tpu.memory_space<vmem>> -> memref<1x1x128x16xf32, #tpu.memory_space<vmem>>
      %dma_wait3A_654 = tpu.memref_squeeze %dma_wait3A_653 : memref<1x1x128x16xf32, #tpu.memory_space<vmem>> -> memref<128x16xf32, #tpu.memory_space<vmem>>
      %dma_wait3A_655 = arith.constant 0 : i32
      %dma_wait3A_656 = tpu.memref_slice %arg10[%dma_wait3A_649, %dma_wait3A_650, %dma_wait3A_655] : memref<2x5x128xi32, #tpu.memory_space<vmem>> -> memref<1x1x128xi32, #tpu.memory_space<vmem>>
      %dma_wait3A_657 = tpu.memref_squeeze %dma_wait3A_656 : memref<1x1x128xi32, #tpu.memory_space<vmem>> -> memref<128xi32, #tpu.memory_space<vmem>>
      %dma_wait3A_658 = arith.constant 0 : i32
      %dma_wait3A_659 = arith.constant 0 : i32
      %dma_wait3A_660 = tpu.memref_slice %arg12[%dma_wait3A_658, %dma_wait3A_659] : memref<100352x16xf32, #tpu.memory_space<vmem_shared>> -> memref<100352x16xf32, #tpu.memory_space<vmem_shared>>
      tpu.wait_indirect_dma semaphore(%arg16 : memref<!tpu.dma_semaphore, #tpu.memory_space<semaphore_mem>>) src(%dma_wait3A_654 : memref<128x16xf32, #tpu.memory_space<vmem>>) dst(%dma_wait3A_660 : memref<100352x16xf32, #tpu.memory_space<vmem_shared>>)
      %barrier3A_661 = arith.constant 0 : index
      tpu.barrier barrier_id(%barrier3A_661)
      "tpu.region"() ({
        %run_scoped3A_662 = tpu.sem_alloc : memref<!tpu.dma_semaphore, #tpu.memory_space<semaphore_mem>>
        %dma_start3A_663 = arith.constant 0 : i32
        %dma_start3A_664 = tpu.memref_slice %arg7[%mul3A_7, %dma_start3A_663] : memref<100352x16xf32, #tpu.memory_space<hbm>> -> memref<6272x16xf32, #tpu.memory_space<hbm>>
        %dma_start3A_665 = arith.constant 0 : i32
        %dma_start3A_666 = tpu.memref_slice %arg12[%mul3A_7, %dma_start3A_665] : memref<100352x16xf32, #tpu.memory_space<vmem_shared>> -> memref<6272x16xf32, #tpu.memory_space<vmem_shared>>
        tpu.enqueue_dma source(%dma_start3A_666 : memref<6272x16xf32, #tpu.memory_space<vmem_shared>>) target(%dma_start3A_664 : memref<6272x16xf32, #tpu.memory_space<hbm>>) target_semaphore(%run_scoped3A_662 : memref<!tpu.dma_semaphore, #tpu.memory_space<semaphore_mem>>)
        %dma_wait3A_667 = arith.constant 0 : i32
        %dma_wait3A_668 = tpu.memref_slice %arg7[%mul3A_7, %dma_wait3A_667] : memref<100352x16xf32, #tpu.memory_space<hbm>> -> memref<6272x16xf32, #tpu.memory_space<hbm>>
        %dma_wait3A_669 = arith.constant 0 : i32
        %dma_wait3A_670 = tpu.memref_slice %arg12[%mul3A_7, %dma_wait3A_669] : memref<100352x16xf32, #tpu.memory_space<vmem_shared>> -> memref<6272x16xf32, #tpu.memory_space<vmem_shared>>
        tpu.wait_dma2 semaphore(%run_scoped3A_662 : memref<!tpu.dma_semaphore, #tpu.memory_space<semaphore_mem>>) src(%dma_wait3A_670 : memref<6272x16xf32, #tpu.memory_space<vmem_shared>>) dst(%dma_wait3A_668 : memref<6272x16xf32, #tpu.memory_space<hbm>>)
        tpu.yield
      }) : () -> ()
    } else {
    }
    %eq3A_2 = arith.constant 1 : i32
    %eq3A_3 = arith.cmpi eq, %arg0, %eq3A_2 : i32
    %convert_element_type3A_4 = arith.extui %eq3A_3 : i1 to i32
    %cond3A_5 = arith.constant 0 : i32
    %cond3A_6 = arith.cmpi ne, %convert_element_type3A_4, %cond3A_5 : i32
    scf.if %cond3A_6 {
      %mul3A = arith.constant 6272 : i32
      %mul3A_7 = arith.muli %arg1, %mul3A : i32
      "tpu.region"() ({
        %run_scoped3A_662 = tpu.sem_alloc : memref<!tpu.dma_semaphore, #tpu.memory_space<semaphore_mem>>
        %dma_start3A_663 = arith.constant 0 : i32
        %dma_start3A_664 = tpu.memref_slice %arg12[%mul3A_7, %dma_start3A_663] : memref<100352x16xf32, #tpu.memory_space<vmem_shared>> -> memref<6272x16xf32, #tpu.memory_space<vmem_shared>>
        %dma_start3A_665 = arith.constant 0 : i32
        %dma_start3A_666 = tpu.memref_slice %arg3[%mul3A_7, %dma_start3A_665] : memref<100352x16xf32, #tpu.memory_space<hbm>> -> memref<6272x16xf32, #tpu.memory_space<hbm>>
        tpu.enqueue_dma source(%dma_start3A_666 : memref<6272x16xf32, #tpu.memory_space<hbm>>) target(%dma_start3A_664 : memref<6272x16xf32, #tpu.memory_space<vmem_shared>>) target_semaphore(%run_scoped3A_662 : memref<!tpu.dma_semaphore, #tpu.memory_space<semaphore_mem>>)
        %dma_wait3A_667 = arith.constant 0 : i32
        %dma_wait3A_668 = tpu.memref_slice %arg12[%mul3A_7, %dma_wait3A_667] : memref<100352x16xf32, #tpu.memory_space<vmem_shared>> -> memref<6272x16xf32, #tpu.memory_space<vmem_shared>>
        %dma_wait3A_669 = arith.constant 0 : i32
        %dma_wait3A_670 = tpu.memref_slice %arg3[%mul3A_7, %dma_wait3A_669] : memref<100352x16xf32, #tpu.memory_space<hbm>> -> memref<6272x16xf32, #tpu.memory_space<hbm>>
        tpu.wait_dma2 semaphore(%run_scoped3A_662 : memref<!tpu.dma_semaphore, #tpu.memory_space<semaphore_mem>>) src(%dma_wait3A_670 : memref<6272x16xf32, #tpu.memory_space<hbm>>) dst(%dma_wait3A_668 : memref<6272x16xf32, #tpu.memory_space<vmem_shared>>)
        tpu.yield
      }) : () -> ()
      %barrier3A = arith.constant 0 : index
      tpu.barrier barrier_id(%barrier3A)
      %mul3A_8 = arith.constant 840 : i32
      %mul3A_9 = arith.muli %arg1, %mul3A_8 : i32
      %mul3A_10 = arith.constant 0 : i32
      %mul3A_11 = arith.constant 5 : i32
      %mul3A_12 = arith.muli %mul3A_10, %mul3A_11 : i32
      %add3A = arith.addi %mul3A_9, %mul3A_12 : i32
      %run_scoped3A = arith.constant 0 : i32
      "tpu.region"() ({
        %run_scoped3A_662 = tpu.sem_alloc : memref<!tpu.dma_semaphore, #tpu.memory_space<semaphore_mem>>
        %dma_start3A_663 = arith.constant 0 : i32
        %dma_start3A_664 = arith.constant 0 : i32
        %dma_start3A_665 = tpu.memref_slice %arg9[%run_scoped3A, %dma_start3A_663, %dma_start3A_664] : memref<2x5x128xi32, #tpu.memory_space<vmem>> -> memref<1x5x128xi32, #tpu.memory_space<vmem>>
        %dma_start3A_666 = tpu.memref_squeeze %dma_start3A_665 : memref<1x5x128xi32, #tpu.memory_space<vmem>> -> memref<5x128xi32, #tpu.memory_space<vmem>>
        %dma_start3A_667 = arith.constant 0 : i32
        %dma_start3A_668 = tpu.memref_slice %arg5[%add3A, %dma_start3A_667] : memref<13440x128xi32, #tpu.memory_space<hbm>> -> memref<5x128xi32, #tpu.memory_space<hbm>>
        %dma_start3A_669 = arith.constant 0 : i32
        %dma_start3A_670 = arith.constant 0 : i32
        %dma_start3A_671 = tpu.memref_slice %arg9[%run_scoped3A, %dma_start3A_669, %dma_start3A_670] : memref<2x5x128xi32, #tpu.memory_space<vmem>> -> memref<1x5x128xi32, #tpu.memory_space<vmem>>
        %dma_start3A_672 = tpu.memref_squeeze %dma_start3A_671 : memref<1x5x128xi32, #tpu.memory_space<vmem>> -> memref<5x128xi32, #tpu.memory_space<vmem>>
        %dma_start3A_673 = arith.constant 0 : i32
        %dma_start3A_674 = tpu.memref_slice %arg5[%add3A, %dma_start3A_673] : memref<13440x128xi32, #tpu.memory_space<hbm>> -> memref<5x128xi32, #tpu.memory_space<hbm>>
        tpu.enqueue_dma source(%dma_start3A_674 : memref<5x128xi32, #tpu.memory_space<hbm>>) target(%dma_start3A_672 : memref<5x128xi32, #tpu.memory_space<vmem>>) target_semaphore(%run_scoped3A_662 : memref<!tpu.dma_semaphore, #tpu.memory_space<semaphore_mem>>)
        %dma_wait3A_675 = arith.constant 0 : i32
        %dma_wait3A_676 = arith.constant 0 : i32
        %dma_wait3A_677 = tpu.memref_slice %arg9[%run_scoped3A, %dma_wait3A_675, %dma_wait3A_676] : memref<2x5x128xi32, #tpu.memory_space<vmem>> -> memref<1x5x128xi32, #tpu.memory_space<vmem>>
        %dma_wait3A_678 = tpu.memref_squeeze %dma_wait3A_677 : memref<1x5x128xi32, #tpu.memory_space<vmem>> -> memref<5x128xi32, #tpu.memory_space<vmem>>
        %dma_wait3A_679 = arith.constant 0 : i32
        %dma_wait3A_680 = tpu.memref_slice %arg5[%add3A, %dma_wait3A_679] : memref<13440x128xi32, #tpu.memory_space<hbm>> -> memref<5x128xi32, #tpu.memory_space<hbm>>
        %dma_wait3A_681 = arith.constant 0 : i32
        %dma_wait3A_682 = arith.constant 0 : i32
        %dma_wait3A_683 = tpu.memref_slice %arg9[%run_scoped3A, %dma_wait3A_681, %dma_wait3A_682] : memref<2x5x128xi32, #tpu.memory_space<vmem>> -> memref<1x5x128xi32, #tpu.memory_space<vmem>>
        %dma_wait3A_684 = tpu.memref_squeeze %dma_wait3A_683 : memref<1x5x128xi32, #tpu.memory_space<vmem>> -> memref<5x128xi32, #tpu.memory_space<vmem>>
        %dma_wait3A_685 = arith.constant 0 : i32
        %dma_wait3A_686 = tpu.memref_slice %arg5[%add3A, %dma_wait3A_685] : memref<13440x128xi32, #tpu.memory_space<hbm>> -> memref<5x128xi32, #tpu.memory_space<hbm>>
        tpu.wait_dma2 semaphore(%run_scoped3A_662 : memref<!tpu.dma_semaphore, #tpu.memory_space<semaphore_mem>>) src(%dma_wait3A_686 : memref<5x128xi32, #tpu.memory_space<hbm>>) dst(%dma_wait3A_684 : memref<5x128xi32, #tpu.memory_space<vmem>>)
        tpu.yield
      }) : () -> ()
      %mul3A_13 = arith.constant 0 : i32
      %mul3A_14 = arith.constant 5 : i32
      %mul3A_15 = arith.muli %mul3A_13, %mul3A_14 : i32
      %add3A_16 = arith.addi %mul3A_9, %mul3A_15 : i32
      %run_scoped3A_17 = arith.constant 0 : i32
      "tpu.region"() ({
        %run_scoped3A_662 = tpu.sem_alloc : memref<!tpu.dma_semaphore, #tpu.memory_space<semaphore_mem>>
        %dma_start3A_663 = arith.constant 0 : i32
        %dma_start3A_664 = arith.constant 0 : i32
        %dma_start3A_665 = tpu.memref_slice %arg10[%run_scoped3A_17, %dma_start3A_663, %dma_start3A_664] : memref<2x5x128xi32, #tpu.memory_space<vmem>> -> memref<1x5x128xi32, #tpu.memory_space<vmem>>
        %dma_start3A_666 = tpu.memref_squeeze %dma_start3A_665 : memref<1x5x128xi32, #tpu.memory_space<vmem>> -> memref<5x128xi32, #tpu.memory_space<vmem>>
        %dma_start3A_667 = arith.constant 0 : i32
        %dma_start3A_668 = tpu.memref_slice %arg6[%add3A_16, %dma_start3A_667] : memref<13440x128xi32, #tpu.memory_space<hbm>> -> memref<5x128xi32, #tpu.memory_space<hbm>>
        %dma_start3A_669 = arith.constant 0 : i32
        %dma_start3A_670 = arith.constant 0 : i32
        %dma_start3A_671 = tpu.memref_slice %arg10[%run_scoped3A_17, %dma_start3A_669, %dma_start3A_670] : memref<2x5x128xi32, #tpu.memory_space<vmem>> -> memref<1x5x128xi32, #tpu.memory_space<vmem>>
        %dma_start3A_672 = tpu.memref_squeeze %dma_start3A_671 : memref<1x5x128xi32, #tpu.memory_space<vmem>> -> memref<5x128xi32, #tpu.memory_space<vmem>>
        %dma_start3A_673 = arith.constant 0 : i32
        %dma_start3A_674 = tpu.memref_slice %arg6[%add3A_16, %dma_start3A_673] : memref<13440x128xi32, #tpu.memory_space<hbm>> -> memref<5x128xi32, #tpu.memory_space<hbm>>
        tpu.enqueue_dma source(%dma_start3A_674 : memref<5x128xi32, #tpu.memory_space<hbm>>) target(%dma_start3A_672 : memref<5x128xi32, #tpu.memory_space<vmem>>) target_semaphore(%run_scoped3A_662 : memref<!tpu.dma_semaphore, #tpu.memory_space<semaphore_mem>>)
        %dma_wait3A_675 = arith.constant 0 : i32
        %dma_wait3A_676 = arith.constant 0 : i32
        %dma_wait3A_677 = tpu.memref_slice %arg10[%run_scoped3A_17, %dma_wait3A_675, %dma_wait3A_676] : memref<2x5x128xi32, #tpu.memory_space<vmem>> -> memref<1x5x128xi32, #tpu.memory_space<vmem>>
        %dma_wait3A_678 = tpu.memref_squeeze %dma_wait3A_677 : memref<1x5x128xi32, #tpu.memory_space<vmem>> -> memref<5x128xi32, #tpu.memory_space<vmem>>
        %dma_wait3A_679 = arith.constant 0 : i32
        %dma_wait3A_680 = tpu.memref_slice %arg6[%add3A_16, %dma_wait3A_679] : memref<13440x128xi32, #tpu.memory_space<hbm>> -> memref<5x128xi32, #tpu.memory_space<hbm>>
        %dma_wait3A_681 = arith.constant 0 : i32
        %dma_wait3A_682 = arith.constant 0 : i32
        %dma_wait3A_683 = tpu.memref_slice %arg10[%run_scoped3A_17, %dma_wait3A_681, %dma_wait3A_682] : memref<2x5x128xi32, #tpu.memory_space<vmem>> -> memref<1x5x128xi32, #tpu.memory_space<vmem>>
        %dma_wait3A_684 = tpu.memref_squeeze %dma_wait3A_683 : memref<1x5x128xi32, #tpu.memory_space<vmem>> -> memref<5x128xi32, #tpu.memory_space<vmem>>
        %dma_wait3A_685 = arith.constant 0 : i32
        %dma_wait3A_686 = tpu.memref_slice %arg6[%add3A_16, %dma_wait3A_685] : memref<13440x128xi32, #tpu.memory_space<hbm>> -> memref<5x128xi32, #tpu.memory_space<hbm>>
        tpu.wait_dma2 semaphore(%run_scoped3A_662 : memref<!tpu.dma_semaphore, #tpu.memory_space<semaphore_mem>>) src(%dma_wait3A_686 : memref<5x128xi32, #tpu.memory_space<hbm>>) dst(%dma_wait3A_684 : memref<5x128xi32, #tpu.memory_space<vmem>>)
        tpu.yield
      }) : () -> ()
      %dma_start3A = arith.constant 0 : i32
      %dma_start3A_18 = arith.constant 0 : i32
      %dma_start3A_19 = arith.constant 0 : i32
      %dma_start3A_20 = arith.constant 0 : i32
      %dma_start3A_21 = arith.constant 0 : i32
      %dma_start3A_22 = arith.constant 0 : i32
      %dma_start3A_23 = tpu.memref_slice %arg11[%dma_start3A_19, %dma_start3A_20, %dma_start3A_21, %dma_start3A_22] : memref<2x5x128x16xf32, #tpu.memory_space<vmem>> -> memref<1x1x128x16xf32, #tpu.memory_space<vmem>>
      %dma_start3A_24 = tpu.memref_squeeze %dma_start3A_23 : memref<1x1x128x16xf32, #tpu.memory_space<vmem>> -> memref<128x16xf32, #tpu.memory_space<vmem>>
      %dma_start3A_25 = arith.constant 0 : i32
      %dma_start3A_26 = tpu.memref_slice %arg9[%dma_start3A, %dma_start3A_18, %dma_start3A_25] : memref<2x5x128xi32, #tpu.memory_space<vmem>> -> memref<1x1x128xi32, #tpu.memory_space<vmem>>
      %dma_start3A_27 = tpu.memref_squeeze %dma_start3A_26 : memref<1x1x128xi32, #tpu.memory_space<vmem>> -> memref<128xi32, #tpu.memory_space<vmem>>
      %dma_start3A_28 = arith.constant 0 : i32
      %dma_start3A_29 = arith.constant 0 : i32
      %dma_start3A_30 = tpu.memref_slice %arg2[%dma_start3A_28, %dma_start3A_29] : memref<802816x16xf32, #tpu.memory_space<hbm>> -> memref<802816x16xf32, #tpu.memory_space<hbm>>
      tpu.enqueue_indirect_dma source(%dma_start3A_30 : memref<802816x16xf32, #tpu.memory_space<hbm>>) target(%dma_start3A_24 : memref<128x16xf32, #tpu.memory_space<vmem>>) offsets(%dma_start3A_27 : memref<128xi32, #tpu.memory_space<vmem>>) semaphore(%arg13 : memref<!tpu.dma_semaphore, #tpu.memory_space<semaphore_mem>>)
      %dma_start3A_31 = arith.constant 0 : i32
      %dma_start3A_32 = arith.constant 1 : i32
      %dma_start3A_33 = arith.constant 0 : i32
      %dma_start3A_34 = arith.constant 1 : i32
      %dma_start3A_35 = arith.constant 0 : i32
      %dma_start3A_36 = arith.constant 0 : i32
      %dma_start3A_37 = tpu.memref_slice %arg11[%dma_start3A_33, %dma_start3A_34, %dma_start3A_35, %dma_start3A_36] : memref<2x5x128x16xf32, #tpu.memory_space<vmem>> -> memref<1x1x128x16xf32, #tpu.memory_space<vmem>>
      %dma_start3A_38 = tpu.memref_squeeze %dma_start3A_37 : memref<1x1x128x16xf32, #tpu.memory_space<vmem>> -> memref<128x16xf32, #tpu.memory_space<vmem>>
      %dma_start3A_39 = arith.constant 0 : i32
      %dma_start3A_40 = tpu.memref_slice %arg9[%dma_start3A_31, %dma_start3A_32, %dma_start3A_39] : memref<2x5x128xi32, #tpu.memory_space<vmem>> -> memref<1x1x128xi32, #tpu.memory_space<vmem>>
      %dma_start3A_41 = tpu.memref_squeeze %dma_start3A_40 : memref<1x1x128xi32, #tpu.memory_space<vmem>> -> memref<128xi32, #tpu.memory_space<vmem>>
      %dma_start3A_42 = arith.constant 0 : i32
      %dma_start3A_43 = arith.constant 0 : i32
      %dma_start3A_44 = tpu.memref_slice %arg2[%dma_start3A_42, %dma_start3A_43] : memref<802816x16xf32, #tpu.memory_space<hbm>> -> memref<802816x16xf32, #tpu.memory_space<hbm>>
      tpu.enqueue_indirect_dma source(%dma_start3A_44 : memref<802816x16xf32, #tpu.memory_space<hbm>>) target(%dma_start3A_38 : memref<128x16xf32, #tpu.memory_space<vmem>>) offsets(%dma_start3A_41 : memref<128xi32, #tpu.memory_space<vmem>>) semaphore(%arg13 : memref<!tpu.dma_semaphore, #tpu.memory_space<semaphore_mem>>)
      %dma_start3A_45 = arith.constant 0 : i32
      %dma_start3A_46 = arith.constant 2 : i32
      %dma_start3A_47 = arith.constant 0 : i32
      %dma_start3A_48 = arith.constant 2 : i32
      %dma_start3A_49 = arith.constant 0 : i32
      %dma_start3A_50 = arith.constant 0 : i32
      %dma_start3A_51 = tpu.memref_slice %arg11[%dma_start3A_47, %dma_start3A_48, %dma_start3A_49, %dma_start3A_50] : memref<2x5x128x16xf32, #tpu.memory_space<vmem>> -> memref<1x1x128x16xf32, #tpu.memory_space<vmem>>
      %dma_start3A_52 = tpu.memref_squeeze %dma_start3A_51 : memref<1x1x128x16xf32, #tpu.memory_space<vmem>> -> memref<128x16xf32, #tpu.memory_space<vmem>>
      %dma_start3A_53 = arith.constant 0 : i32
      %dma_start3A_54 = tpu.memref_slice %arg9[%dma_start3A_45, %dma_start3A_46, %dma_start3A_53] : memref<2x5x128xi32, #tpu.memory_space<vmem>> -> memref<1x1x128xi32, #tpu.memory_space<vmem>>
      %dma_start3A_55 = tpu.memref_squeeze %dma_start3A_54 : memref<1x1x128xi32, #tpu.memory_space<vmem>> -> memref<128xi32, #tpu.memory_space<vmem>>
      %dma_start3A_56 = arith.constant 0 : i32
      %dma_start3A_57 = arith.constant 0 : i32
      %dma_start3A_58 = tpu.memref_slice %arg2[%dma_start3A_56, %dma_start3A_57] : memref<802816x16xf32, #tpu.memory_space<hbm>> -> memref<802816x16xf32, #tpu.memory_space<hbm>>
      tpu.enqueue_indirect_dma source(%dma_start3A_58 : memref<802816x16xf32, #tpu.memory_space<hbm>>) target(%dma_start3A_52 : memref<128x16xf32, #tpu.memory_space<vmem>>) offsets(%dma_start3A_55 : memref<128xi32, #tpu.memory_space<vmem>>) semaphore(%arg13 : memref<!tpu.dma_semaphore, #tpu.memory_space<semaphore_mem>>)
      %dma_start3A_59 = arith.constant 0 : i32
      %dma_start3A_60 = arith.constant 3 : i32
      %dma_start3A_61 = arith.constant 0 : i32
      %dma_start3A_62 = arith.constant 3 : i32
      %dma_start3A_63 = arith.constant 0 : i32
      %dma_start3A_64 = arith.constant 0 : i32
      %dma_start3A_65 = tpu.memref_slice %arg11[%dma_start3A_61, %dma_start3A_62, %dma_start3A_63, %dma_start3A_64] : memref<2x5x128x16xf32, #tpu.memory_space<vmem>> -> memref<1x1x128x16xf32, #tpu.memory_space<vmem>>
      %dma_start3A_66 = tpu.memref_squeeze %dma_start3A_65 : memref<1x1x128x16xf32, #tpu.memory_space<vmem>> -> memref<128x16xf32, #tpu.memory_space<vmem>>
      %dma_start3A_67 = arith.constant 0 : i32
      %dma_start3A_68 = tpu.memref_slice %arg9[%dma_start3A_59, %dma_start3A_60, %dma_start3A_67] : memref<2x5x128xi32, #tpu.memory_space<vmem>> -> memref<1x1x128xi32, #tpu.memory_space<vmem>>
      %dma_start3A_69 = tpu.memref_squeeze %dma_start3A_68 : memref<1x1x128xi32, #tpu.memory_space<vmem>> -> memref<128xi32, #tpu.memory_space<vmem>>
      %dma_start3A_70 = arith.constant 0 : i32
      %dma_start3A_71 = arith.constant 0 : i32
      %dma_start3A_72 = tpu.memref_slice %arg2[%dma_start3A_70, %dma_start3A_71] : memref<802816x16xf32, #tpu.memory_space<hbm>> -> memref<802816x16xf32, #tpu.memory_space<hbm>>
      tpu.enqueue_indirect_dma source(%dma_start3A_72 : memref<802816x16xf32, #tpu.memory_space<hbm>>) target(%dma_start3A_66 : memref<128x16xf32, #tpu.memory_space<vmem>>) offsets(%dma_start3A_69 : memref<128xi32, #tpu.memory_space<vmem>>) semaphore(%arg13 : memref<!tpu.dma_semaphore, #tpu.memory_space<semaphore_mem>>)
      %dma_start3A_73 = arith.constant 0 : i32
      %dma_start3A_74 = arith.constant 4 : i32
      %dma_start3A_75 = arith.constant 0 : i32
      %dma_start3A_76 = arith.constant 4 : i32
      %dma_start3A_77 = arith.constant 0 : i32
      %dma_start3A_78 = arith.constant 0 : i32
      %dma_start3A_79 = tpu.memref_slice %arg11[%dma_start3A_75, %dma_start3A_76, %dma_start3A_77, %dma_start3A_78] : memref<2x5x128x16xf32, #tpu.memory_space<vmem>> -> memref<1x1x128x16xf32, #tpu.memory_space<vmem>>
      %dma_start3A_80 = tpu.memref_squeeze %dma_start3A_79 : memref<1x1x128x16xf32, #tpu.memory_space<vmem>> -> memref<128x16xf32, #tpu.memory_space<vmem>>
      %dma_start3A_81 = arith.constant 0 : i32
      %dma_start3A_82 = tpu.memref_slice %arg9[%dma_start3A_73, %dma_start3A_74, %dma_start3A_81] : memref<2x5x128xi32, #tpu.memory_space<vmem>> -> memref<1x1x128xi32, #tpu.memory_space<vmem>>
      %dma_start3A_83 = tpu.memref_squeeze %dma_start3A_82 : memref<1x1x128xi32, #tpu.memory_space<vmem>> -> memref<128xi32, #tpu.memory_space<vmem>>
      %dma_start3A_84 = arith.constant 0 : i32
      %dma_start3A_85 = arith.constant 0 : i32
      %dma_start3A_86 = tpu.memref_slice %arg2[%dma_start3A_84, %dma_start3A_85] : memref<802816x16xf32, #tpu.memory_space<hbm>> -> memref<802816x16xf32, #tpu.memory_space<hbm>>
      tpu.enqueue_indirect_dma source(%dma_start3A_86 : memref<802816x16xf32, #tpu.memory_space<hbm>>) target(%dma_start3A_80 : memref<128x16xf32, #tpu.memory_space<vmem>>) offsets(%dma_start3A_83 : memref<128xi32, #tpu.memory_space<vmem>>) semaphore(%arg13 : memref<!tpu.dma_semaphore, #tpu.memory_space<semaphore_mem>>)
      %scan3A = arith.constant 0 : i32
      %scan3A_87 = arith.constant 0 : i32
      %scan3A_88 = arith.constant 83 : i32
      %scan3A_89 = arith.addi %scan3A_87, %scan3A_88 : i32
      %scan3A_90 = arith.constant 1 : i32
      scf.for %scan3A_662 = %scan3A_87 to %scan3A_89 step %scan3A_90  : i32 {
        %mul3A_663 = arith.constant 2 : i32
        %mul3A_664 = arith.muli %mul3A_663, %scan3A_662 : i32
        %gt3A = arith.constant 0 : i32
        %gt3A_665 = arith.cmpi sgt, %scan3A_662, %gt3A : i32
        %convert_element_type3A_666 = arith.extui %gt3A_665 : i1 to i32
        %cond3A_667 = arith.constant 0 : i32
        %cond3A_668 = arith.cmpi ne, %convert_element_type3A_666, %cond3A_667 : i32
        scf.if %cond3A_668 {
          %dma_wait3A_1179 = arith.constant 1 : i32
          %dma_wait3A_1180 = arith.constant 0 : i32
          %dma_wait3A_1181 = arith.constant 1 : i32
          %dma_wait3A_1182 = arith.constant 0 : i32
          %dma_wait3A_1183 = arith.constant 0 : i32
          %dma_wait3A_1184 = arith.constant 0 : i32
          %dma_wait3A_1185 = tpu.memref_slice %arg11[%dma_wait3A_1179, %dma_wait3A_1180, %dma_wait3A_1183, %dma_wait3A_1184] : memref<2x5x128x16xf32, #tpu.memory_space<vmem>> -> memref<1x1x128x16xf32, #tpu.memory_space<vmem>>
          %dma_wait3A_1186 = tpu.memref_squeeze %dma_wait3A_1185 : memref<1x1x128x16xf32, #tpu.memory_space<vmem>> -> memref<128x16xf32, #tpu.memory_space<vmem>>
          %dma_wait3A_1187 = arith.constant 0 : i32
          %dma_wait3A_1188 = tpu.memref_slice %arg10[%dma_wait3A_1181, %dma_wait3A_1182, %dma_wait3A_1187] : memref<2x5x128xi32, #tpu.memory_space<vmem>> -> memref<1x1x128xi32, #tpu.memory_space<vmem>>
          %dma_wait3A_1189 = tpu.memref_squeeze %dma_wait3A_1188 : memref<1x1x128xi32, #tpu.memory_space<vmem>> -> memref<128xi32, #tpu.memory_space<vmem>>
          %dma_wait3A_1190 = arith.constant 0 : i32
          %dma_wait3A_1191 = arith.constant 0 : i32
          %dma_wait3A_1192 = tpu.memref_slice %arg12[%dma_wait3A_1190, %dma_wait3A_1191] : memref<100352x16xf32, #tpu.memory_space<vmem_shared>> -> memref<100352x16xf32, #tpu.memory_space<vmem_shared>>
          tpu.wait_indirect_dma semaphore(%arg16 : memref<!tpu.dma_semaphore, #tpu.memory_space<semaphore_mem>>) src(%dma_wait3A_1186 : memref<128x16xf32, #tpu.memory_space<vmem>>) dst(%dma_wait3A_1192 : memref<100352x16xf32, #tpu.memory_space<vmem_shared>>)
          %dma_wait3A_1193 = arith.constant 1 : i32
          %dma_wait3A_1194 = arith.constant 1 : i32
          %dma_wait3A_1195 = arith.constant 1 : i32
          %dma_wait3A_1196 = arith.constant 1 : i32
          %dma_wait3A_1197 = arith.constant 0 : i32
          %dma_wait3A_1198 = arith.constant 0 : i32
          %dma_wait3A_1199 = tpu.memref_slice %arg11[%dma_wait3A_1193, %dma_wait3A_1194, %dma_wait3A_1197, %dma_wait3A_1198] : memref<2x5x128x16xf32, #tpu.memory_space<vmem>> -> memref<1x1x128x16xf32, #tpu.memory_space<vmem>>
          %dma_wait3A_1200 = tpu.memref_squeeze %dma_wait3A_1199 : memref<1x1x128x16xf32, #tpu.memory_space<vmem>> -> memref<128x16xf32, #tpu.memory_space<vmem>>
          %dma_wait3A_1201 = arith.constant 0 : i32
          %dma_wait3A_1202 = tpu.memref_slice %arg10[%dma_wait3A_1195, %dma_wait3A_1196, %dma_wait3A_1201] : memref<2x5x128xi32, #tpu.memory_space<vmem>> -> memref<1x1x128xi32, #tpu.memory_space<vmem>>
          %dma_wait3A_1203 = tpu.memref_squeeze %dma_wait3A_1202 : memref<1x1x128xi32, #tpu.memory_space<vmem>> -> memref<128xi32, #tpu.memory_space<vmem>>
          %dma_wait3A_1204 = arith.constant 0 : i32
          %dma_wait3A_1205 = arith.constant 0 : i32
          %dma_wait3A_1206 = tpu.memref_slice %arg12[%dma_wait3A_1204, %dma_wait3A_1205] : memref<100352x16xf32, #tpu.memory_space<vmem_shared>> -> memref<100352x16xf32, #tpu.memory_space<vmem_shared>>
          tpu.wait_indirect_dma semaphore(%arg16 : memref<!tpu.dma_semaphore, #tpu.memory_space<semaphore_mem>>) src(%dma_wait3A_1200 : memref<128x16xf32, #tpu.memory_space<vmem>>) dst(%dma_wait3A_1206 : memref<100352x16xf32, #tpu.memory_space<vmem_shared>>)
          %dma_wait3A_1207 = arith.constant 1 : i32
          %dma_wait3A_1208 = arith.constant 2 : i32
          %dma_wait3A_1209 = arith.constant 1 : i32
          %dma_wait3A_1210 = arith.constant 2 : i32
          %dma_wait3A_1211 = arith.constant 0 : i32
          %dma_wait3A_1212 = arith.constant 0 : i32
          %dma_wait3A_1213 = tpu.memref_slice %arg11[%dma_wait3A_1207, %dma_wait3A_1208, %dma_wait3A_1211, %dma_wait3A_1212] : memref<2x5x128x16xf32, #tpu.memory_space<vmem>> -> memref<1x1x128x16xf32, #tpu.memory_space<vmem>>
          %dma_wait3A_1214 = tpu.memref_squeeze %dma_wait3A_1213 : memref<1x1x128x16xf32, #tpu.memory_space<vmem>> -> memref<128x16xf32, #tpu.memory_space<vmem>>
          %dma_wait3A_1215 = arith.constant 0 : i32
          %dma_wait3A_1216 = tpu.memref_slice %arg10[%dma_wait3A_1209, %dma_wait3A_1210, %dma_wait3A_1215] : memref<2x5x128xi32, #tpu.memory_space<vmem>> -> memref<1x1x128xi32, #tpu.memory_space<vmem>>
          %dma_wait3A_1217 = tpu.memref_squeeze %dma_wait3A_1216 : memref<1x1x128xi32, #tpu.memory_space<vmem>> -> memref<128xi32, #tpu.memory_space<vmem>>
          %dma_wait3A_1218 = arith.constant 0 : i32
          %dma_wait3A_1219 = arith.constant 0 : i32
          %dma_wait3A_1220 = tpu.memref_slice %arg12[%dma_wait3A_1218, %dma_wait3A_1219] : memref<100352x16xf32, #tpu.memory_space<vmem_shared>> -> memref<100352x16xf32, #tpu.memory_space<vmem_shared>>
          tpu.wait_indirect_dma semaphore(%arg16 : memref<!tpu.dma_semaphore, #tpu.memory_space<semaphore_mem>>) src(%dma_wait3A_1214 : memref<128x16xf32, #tpu.memory_space<vmem>>) dst(%dma_wait3A_1220 : memref<100352x16xf32, #tpu.memory_space<vmem_shared>>)
          %dma_wait3A_1221 = arith.constant 1 : i32
          %dma_wait3A_1222 = arith.constant 3 : i32
          %dma_wait3A_1223 = arith.constant 1 : i32
          %dma_wait3A_1224 = arith.constant 3 : i32
          %dma_wait3A_1225 = arith.constant 0 : i32
          %dma_wait3A_1226 = arith.constant 0 : i32
          %dma_wait3A_1227 = tpu.memref_slice %arg11[%dma_wait3A_1221, %dma_wait3A_1222, %dma_wait3A_1225, %dma_wait3A_1226] : memref<2x5x128x16xf32, #tpu.memory_space<vmem>> -> memref<1x1x128x16xf32, #tpu.memory_space<vmem>>
          %dma_wait3A_1228 = tpu.memref_squeeze %dma_wait3A_1227 : memref<1x1x128x16xf32, #tpu.memory_space<vmem>> -> memref<128x16xf32, #tpu.memory_space<vmem>>
          %dma_wait3A_1229 = arith.constant 0 : i32
          %dma_wait3A_1230 = tpu.memref_slice %arg10[%dma_wait3A_1223, %dma_wait3A_1224, %dma_wait3A_1229] : memref<2x5x128xi32, #tpu.memory_space<vmem>> -> memref<1x1x128xi32, #tpu.memory_space<vmem>>
          %dma_wait3A_1231 = tpu.memref_squeeze %dma_wait3A_1230 : memref<1x1x128xi32, #tpu.memory_space<vmem>> -> memref<128xi32, #tpu.memory_space<vmem>>
          %dma_wait3A_1232 = arith.constant 0 : i32
          %dma_wait3A_1233 = arith.constant 0 : i32
          %dma_wait3A_1234 = tpu.memref_slice %arg12[%dma_wait3A_1232, %dma_wait3A_1233] : memref<100352x16xf32, #tpu.memory_space<vmem_shared>> -> memref<100352x16xf32, #tpu.memory_space<vmem_shared>>
          tpu.wait_indirect_dma semaphore(%arg16 : memref<!tpu.dma_semaphore, #tpu.memory_space<semaphore_mem>>) src(%dma_wait3A_1228 : memref<128x16xf32, #tpu.memory_space<vmem>>) dst(%dma_wait3A_1234 : memref<100352x16xf32, #tpu.memory_space<vmem_shared>>)
          %dma_wait3A_1235 = arith.constant 1 : i32
          %dma_wait3A_1236 = arith.constant 4 : i32
          %dma_wait3A_1237 = arith.constant 1 : i32
          %dma_wait3A_1238 = arith.constant 4 : i32
          %dma_wait3A_1239 = arith.constant 0 : i32
          %dma_wait3A_1240 = arith.constant 0 : i32
          %dma_wait3A_1241 = tpu.memref_slice %arg11[%dma_wait3A_1235, %dma_wait3A_1236, %dma_wait3A_1239, %dma_wait3A_1240] : memref<2x5x128x16xf32, #tpu.memory_space<vmem>> -> memref<1x1x128x16xf32, #tpu.memory_space<vmem>>
          %dma_wait3A_1242 = tpu.memref_squeeze %dma_wait3A_1241 : memref<1x1x128x16xf32, #tpu.memory_space<vmem>> -> memref<128x16xf32, #tpu.memory_space<vmem>>
          %dma_wait3A_1243 = arith.constant 0 : i32
          %dma_wait3A_1244 = tpu.memref_slice %arg10[%dma_wait3A_1237, %dma_wait3A_1238, %dma_wait3A_1243] : memref<2x5x128xi32, #tpu.memory_space<vmem>> -> memref<1x1x128xi32, #tpu.memory_space<vmem>>
          %dma_wait3A_1245 = tpu.memref_squeeze %dma_wait3A_1244 : memref<1x1x128xi32, #tpu.memory_space<vmem>> -> memref<128xi32, #tpu.memory_space<vmem>>
          %dma_wait3A_1246 = arith.constant 0 : i32
          %dma_wait3A_1247 = arith.constant 0 : i32
          %dma_wait3A_1248 = tpu.memref_slice %arg12[%dma_wait3A_1246, %dma_wait3A_1247] : memref<100352x16xf32, #tpu.memory_space<vmem_shared>> -> memref<100352x16xf32, #tpu.memory_space<vmem_shared>>
          tpu.wait_indirect_dma semaphore(%arg16 : memref<!tpu.dma_semaphore, #tpu.memory_space<semaphore_mem>>) src(%dma_wait3A_1242 : memref<128x16xf32, #tpu.memory_space<vmem>>) dst(%dma_wait3A_1248 : memref<100352x16xf32, #tpu.memory_space<vmem_shared>>)
        } else {
        }
        %add3A_669 = arith.constant 1 : i32
        %add3A_670 = arith.addi %mul3A_664, %add3A_669 : i32
        %mul3A_671 = arith.constant 5 : i32
        %mul3A_672 = arith.muli %add3A_670, %mul3A_671 : i32
        %add3A_673 = arith.addi %mul3A_9, %mul3A_672 : i32
        %run_scoped3A_674 = arith.constant 1 : i32
        "tpu.region"() ({
          %run_scoped3A_1179 = tpu.sem_alloc : memref<!tpu.dma_semaphore, #tpu.memory_space<semaphore_mem>>
          %dma_start3A_1180 = arith.constant 0 : i32
          %dma_start3A_1181 = arith.constant 0 : i32
          %dma_start3A_1182 = tpu.memref_slice %arg9[%run_scoped3A_674, %dma_start3A_1180, %dma_start3A_1181] : memref<2x5x128xi32, #tpu.memory_space<vmem>> -> memref<1x5x128xi32, #tpu.memory_space<vmem>>
          %dma_start3A_1183 = tpu.memref_squeeze %dma_start3A_1182 : memref<1x5x128xi32, #tpu.memory_space<vmem>> -> memref<5x128xi32, #tpu.memory_space<vmem>>
          %dma_start3A_1184 = arith.constant 0 : i32
          %dma_start3A_1185 = tpu.memref_slice %arg5[%add3A_673, %dma_start3A_1184] : memref<13440x128xi32, #tpu.memory_space<hbm>> -> memref<5x128xi32, #tpu.memory_space<hbm>>
          %dma_start3A_1186 = arith.constant 0 : i32
          %dma_start3A_1187 = arith.constant 0 : i32
          %dma_start3A_1188 = tpu.memref_slice %arg9[%run_scoped3A_674, %dma_start3A_1186, %dma_start3A_1187] : memref<2x5x128xi32, #tpu.memory_space<vmem>> -> memref<1x5x128xi32, #tpu.memory_space<vmem>>
          %dma_start3A_1189 = tpu.memref_squeeze %dma_start3A_1188 : memref<1x5x128xi32, #tpu.memory_space<vmem>> -> memref<5x128xi32, #tpu.memory_space<vmem>>
          %dma_start3A_1190 = arith.constant 0 : i32
          %dma_start3A_1191 = tpu.memref_slice %arg5[%add3A_673, %dma_start3A_1190] : memref<13440x128xi32, #tpu.memory_space<hbm>> -> memref<5x128xi32, #tpu.memory_space<hbm>>
          tpu.enqueue_dma source(%dma_start3A_1191 : memref<5x128xi32, #tpu.memory_space<hbm>>) target(%dma_start3A_1189 : memref<5x128xi32, #tpu.memory_space<vmem>>) target_semaphore(%run_scoped3A_1179 : memref<!tpu.dma_semaphore, #tpu.memory_space<semaphore_mem>>)
          %dma_wait3A_1192 = arith.constant 0 : i32
          %dma_wait3A_1193 = arith.constant 0 : i32
          %dma_wait3A_1194 = tpu.memref_slice %arg9[%run_scoped3A_674, %dma_wait3A_1192, %dma_wait3A_1193] : memref<2x5x128xi32, #tpu.memory_space<vmem>> -> memref<1x5x128xi32, #tpu.memory_space<vmem>>
          %dma_wait3A_1195 = tpu.memref_squeeze %dma_wait3A_1194 : memref<1x5x128xi32, #tpu.memory_space<vmem>> -> memref<5x128xi32, #tpu.memory_space<vmem>>
          %dma_wait3A_1196 = arith.constant 0 : i32
          %dma_wait3A_1197 = tpu.memref_slice %arg5[%add3A_673, %dma_wait3A_1196] : memref<13440x128xi32, #tpu.memory_space<hbm>> -> memref<5x128xi32, #tpu.memory_space<hbm>>
          %dma_wait3A_1198 = arith.constant 0 : i32
          %dma_wait3A_1199 = arith.constant 0 : i32
          %dma_wait3A_1200 = tpu.memref_slice %arg9[%run_scoped3A_674, %dma_wait3A_1198, %dma_wait3A_1199] : memref<2x5x128xi32, #tpu.memory_space<vmem>> -> memref<1x5x128xi32, #tpu.memory_space<vmem>>
          %dma_wait3A_1201 = tpu.memref_squeeze %dma_wait3A_1200 : memref<1x5x128xi32, #tpu.memory_space<vmem>> -> memref<5x128xi32, #tpu.memory_space<vmem>>
          %dma_wait3A_1202 = arith.constant 0 : i32
          %dma_wait3A_1203 = tpu.memref_slice %arg5[%add3A_673, %dma_wait3A_1202] : memref<13440x128xi32, #tpu.memory_space<hbm>> -> memref<5x128xi32, #tpu.memory_space<hbm>>
          tpu.wait_dma2 semaphore(%run_scoped3A_1179 : memref<!tpu.dma_semaphore, #tpu.memory_space<semaphore_mem>>) src(%dma_wait3A_1203 : memref<5x128xi32, #tpu.memory_space<hbm>>) dst(%dma_wait3A_1201 : memref<5x128xi32, #tpu.memory_space<vmem>>)
          tpu.yield
        }) : () -> ()
        %mul3A_675 = arith.constant 5 : i32
        %mul3A_676 = arith.muli %add3A_670, %mul3A_675 : i32
        %add3A_677 = arith.addi %mul3A_9, %mul3A_676 : i32
        %run_scoped3A_678 = arith.constant 1 : i32
        "tpu.region"() ({
          %run_scoped3A_1179 = tpu.sem_alloc : memref<!tpu.dma_semaphore, #tpu.memory_space<semaphore_mem>>
          %dma_start3A_1180 = arith.constant 0 : i32
          %dma_start3A_1181 = arith.constant 0 : i32
          %dma_start3A_1182 = tpu.memref_slice %arg10[%run_scoped3A_678, %dma_start3A_1180, %dma_start3A_1181] : memref<2x5x128xi32, #tpu.memory_space<vmem>> -> memref<1x5x128xi32, #tpu.memory_space<vmem>>
          %dma_start3A_1183 = tpu.memref_squeeze %dma_start3A_1182 : memref<1x5x128xi32, #tpu.memory_space<vmem>> -> memref<5x128xi32, #tpu.memory_space<vmem>>
          %dma_start3A_1184 = arith.constant 0 : i32
          %dma_start3A_1185 = tpu.memref_slice %arg6[%add3A_677, %dma_start3A_1184] : memref<13440x128xi32, #tpu.memory_space<hbm>> -> memref<5x128xi32, #tpu.memory_space<hbm>>
          %dma_start3A_1186 = arith.constant 0 : i32
          %dma_start3A_1187 = arith.constant 0 : i32
          %dma_start3A_1188 = tpu.memref_slice %arg10[%run_scoped3A_678, %dma_start3A_1186, %dma_start3A_1187] : memref<2x5x128xi32, #tpu.memory_space<vmem>> -> memref<1x5x128xi32, #tpu.memory_space<vmem>>
          %dma_start3A_1189 = tpu.memref_squeeze %dma_start3A_1188 : memref<1x5x128xi32, #tpu.memory_space<vmem>> -> memref<5x128xi32, #tpu.memory_space<vmem>>
          %dma_start3A_1190 = arith.constant 0 : i32
          %dma_start3A_1191 = tpu.memref_slice %arg6[%add3A_677, %dma_start3A_1190] : memref<13440x128xi32, #tpu.memory_space<hbm>> -> memref<5x128xi32, #tpu.memory_space<hbm>>
          tpu.enqueue_dma source(%dma_start3A_1191 : memref<5x128xi32, #tpu.memory_space<hbm>>) target(%dma_start3A_1189 : memref<5x128xi32, #tpu.memory_space<vmem>>) target_semaphore(%run_scoped3A_1179 : memref<!tpu.dma_semaphore, #tpu.memory_space<semaphore_mem>>)
          %dma_wait3A_1192 = arith.constant 0 : i32
          %dma_wait3A_1193 = arith.constant 0 : i32
          %dma_wait3A_1194 = tpu.memref_slice %arg10[%run_scoped3A_678, %dma_wait3A_1192, %dma_wait3A_1193] : memref<2x5x128xi32, #tpu.memory_space<vmem>> -> memref<1x5x128xi32, #tpu.memory_space<vmem>>
          %dma_wait3A_1195 = tpu.memref_squeeze %dma_wait3A_1194 : memref<1x5x128xi32, #tpu.memory_space<vmem>> -> memref<5x128xi32, #tpu.memory_space<vmem>>
          %dma_wait3A_1196 = arith.constant 0 : i32
          %dma_wait3A_1197 = tpu.memref_slice %arg6[%add3A_677, %dma_wait3A_1196] : memref<13440x128xi32, #tpu.memory_space<hbm>> -> memref<5x128xi32, #tpu.memory_space<hbm>>
          %dma_wait3A_1198 = arith.constant 0 : i32
          %dma_wait3A_1199 = arith.constant 0 : i32
          %dma_wait3A_1200 = tpu.memref_slice %arg10[%run_scoped3A_678, %dma_wait3A_1198, %dma_wait3A_1199] : memref<2x5x128xi32, #tpu.memory_space<vmem>> -> memref<1x5x128xi32, #tpu.memory_space<vmem>>
          %dma_wait3A_1201 = tpu.memref_squeeze %dma_wait3A_1200 : memref<1x5x128xi32, #tpu.memory_space<vmem>> -> memref<5x128xi32, #tpu.memory_space<vmem>>
          %dma_wait3A_1202 = arith.constant 0 : i32
          %dma_wait3A_1203 = tpu.memref_slice %arg6[%add3A_677, %dma_wait3A_1202] : memref<13440x128xi32, #tpu.memory_space<hbm>> -> memref<5x128xi32, #tpu.memory_space<hbm>>
          tpu.wait_dma2 semaphore(%run_scoped3A_1179 : memref<!tpu.dma_semaphore, #tpu.memory_space<semaphore_mem>>) src(%dma_wait3A_1203 : memref<5x128xi32, #tpu.memory_space<hbm>>) dst(%dma_wait3A_1201 : memref<5x128xi32, #tpu.memory_space<vmem>>)
          tpu.yield
        }) : () -> ()
        %dma_start3A_679 = arith.constant 1 : i32
        %dma_start3A_680 = arith.constant 0 : i32
        %dma_start3A_681 = arith.constant 1 : i32
        %dma_start3A_682 = arith.constant 0 : i32
        %dma_start3A_683 = arith.constant 0 : i32
        %dma_start3A_684 = arith.constant 0 : i32
        %dma_start3A_685 = tpu.memref_slice %arg11[%dma_start3A_681, %dma_start3A_682, %dma_start3A_683, %dma_start3A_684] : memref<2x5x128x16xf32, #tpu.memory_space<vmem>> -> memref<1x1x128x16xf32, #tpu.memory_space<vmem>>
        %dma_start3A_686 = tpu.memref_squeeze %dma_start3A_685 : memref<1x1x128x16xf32, #tpu.memory_space<vmem>> -> memref<128x16xf32, #tpu.memory_space<vmem>>
        %dma_start3A_687 = arith.constant 0 : i32
        %dma_start3A_688 = tpu.memref_slice %arg9[%dma_start3A_679, %dma_start3A_680, %dma_start3A_687] : memref<2x5x128xi32, #tpu.memory_space<vmem>> -> memref<1x1x128xi32, #tpu.memory_space<vmem>>
        %dma_start3A_689 = tpu.memref_squeeze %dma_start3A_688 : memref<1x1x128xi32, #tpu.memory_space<vmem>> -> memref<128xi32, #tpu.memory_space<vmem>>
        %dma_start3A_690 = arith.constant 0 : i32
        %dma_start3A_691 = arith.constant 0 : i32
        %dma_start3A_692 = tpu.memref_slice %arg2[%dma_start3A_690, %dma_start3A_691] : memref<802816x16xf32, #tpu.memory_space<hbm>> -> memref<802816x16xf32, #tpu.memory_space<hbm>>
        tpu.enqueue_indirect_dma source(%dma_start3A_692 : memref<802816x16xf32, #tpu.memory_space<hbm>>) target(%dma_start3A_686 : memref<128x16xf32, #tpu.memory_space<vmem>>) offsets(%dma_start3A_689 : memref<128xi32, #tpu.memory_space<vmem>>) semaphore(%arg14 : memref<!tpu.dma_semaphore, #tpu.memory_space<semaphore_mem>>)
        %dma_start3A_693 = arith.constant 1 : i32
        %dma_start3A_694 = arith.constant 1 : i32
        %dma_start3A_695 = arith.constant 1 : i32
        %dma_start3A_696 = arith.constant 1 : i32
        %dma_start3A_697 = arith.constant 0 : i32
        %dma_start3A_698 = arith.constant 0 : i32
        %dma_start3A_699 = tpu.memref_slice %arg11[%dma_start3A_695, %dma_start3A_696, %dma_start3A_697, %dma_start3A_698] : memref<2x5x128x16xf32, #tpu.memory_space<vmem>> -> memref<1x1x128x16xf32, #tpu.memory_space<vmem>>
        %dma_start3A_700 = tpu.memref_squeeze %dma_start3A_699 : memref<1x1x128x16xf32, #tpu.memory_space<vmem>> -> memref<128x16xf32, #tpu.memory_space<vmem>>
        %dma_start3A_701 = arith.constant 0 : i32
        %dma_start3A_702 = tpu.memref_slice %arg9[%dma_start3A_693, %dma_start3A_694, %dma_start3A_701] : memref<2x5x128xi32, #tpu.memory_space<vmem>> -> memref<1x1x128xi32, #tpu.memory_space<vmem>>
        %dma_start3A_703 = tpu.memref_squeeze %dma_start3A_702 : memref<1x1x128xi32, #tpu.memory_space<vmem>> -> memref<128xi32, #tpu.memory_space<vmem>>
        %dma_start3A_704 = arith.constant 0 : i32
        %dma_start3A_705 = arith.constant 0 : i32
        %dma_start3A_706 = tpu.memref_slice %arg2[%dma_start3A_704, %dma_start3A_705] : memref<802816x16xf32, #tpu.memory_space<hbm>> -> memref<802816x16xf32, #tpu.memory_space<hbm>>
        tpu.enqueue_indirect_dma source(%dma_start3A_706 : memref<802816x16xf32, #tpu.memory_space<hbm>>) target(%dma_start3A_700 : memref<128x16xf32, #tpu.memory_space<vmem>>) offsets(%dma_start3A_703 : memref<128xi32, #tpu.memory_space<vmem>>) semaphore(%arg14 : memref<!tpu.dma_semaphore, #tpu.memory_space<semaphore_mem>>)
        %dma_start3A_707 = arith.constant 1 : i32
        %dma_start3A_708 = arith.constant 2 : i32
        %dma_start3A_709 = arith.constant 1 : i32
        %dma_start3A_710 = arith.constant 2 : i32
        %dma_start3A_711 = arith.constant 0 : i32
        %dma_start3A_712 = arith.constant 0 : i32
        %dma_start3A_713 = tpu.memref_slice %arg11[%dma_start3A_709, %dma_start3A_710, %dma_start3A_711, %dma_start3A_712] : memref<2x5x128x16xf32, #tpu.memory_space<vmem>> -> memref<1x1x128x16xf32, #tpu.memory_space<vmem>>
        %dma_start3A_714 = tpu.memref_squeeze %dma_start3A_713 : memref<1x1x128x16xf32, #tpu.memory_space<vmem>> -> memref<128x16xf32, #tpu.memory_space<vmem>>
        %dma_start3A_715 = arith.constant 0 : i32
        %dma_start3A_716 = tpu.memref_slice %arg9[%dma_start3A_707, %dma_start3A_708, %dma_start3A_715] : memref<2x5x128xi32, #tpu.memory_space<vmem>> -> memref<1x1x128xi32, #tpu.memory_space<vmem>>
        %dma_start3A_717 = tpu.memref_squeeze %dma_start3A_716 : memref<1x1x128xi32, #tpu.memory_space<vmem>> -> memref<128xi32, #tpu.memory_space<vmem>>
        %dma_start3A_718 = arith.constant 0 : i32
        %dma_start3A_719 = arith.constant 0 : i32
        %dma_start3A_720 = tpu.memref_slice %arg2[%dma_start3A_718, %dma_start3A_719] : memref<802816x16xf32, #tpu.memory_space<hbm>> -> memref<802816x16xf32, #tpu.memory_space<hbm>>
        tpu.enqueue_indirect_dma source(%dma_start3A_720 : memref<802816x16xf32, #tpu.memory_space<hbm>>) target(%dma_start3A_714 : memref<128x16xf32, #tpu.memory_space<vmem>>) offsets(%dma_start3A_717 : memref<128xi32, #tpu.memory_space<vmem>>) semaphore(%arg14 : memref<!tpu.dma_semaphore, #tpu.memory_space<semaphore_mem>>)
        %dma_start3A_721 = arith.constant 1 : i32
        %dma_start3A_722 = arith.constant 3 : i32
        %dma_start3A_723 = arith.constant 1 : i32
        %dma_start3A_724 = arith.constant 3 : i32
        %dma_start3A_725 = arith.constant 0 : i32
        %dma_start3A_726 = arith.constant 0 : i32
        %dma_start3A_727 = tpu.memref_slice %arg11[%dma_start3A_723, %dma_start3A_724, %dma_start3A_725, %dma_start3A_726] : memref<2x5x128x16xf32, #tpu.memory_space<vmem>> -> memref<1x1x128x16xf32, #tpu.memory_space<vmem>>
        %dma_start3A_728 = tpu.memref_squeeze %dma_start3A_727 : memref<1x1x128x16xf32, #tpu.memory_space<vmem>> -> memref<128x16xf32, #tpu.memory_space<vmem>>
        %dma_start3A_729 = arith.constant 0 : i32
        %dma_start3A_730 = tpu.memref_slice %arg9[%dma_start3A_721, %dma_start3A_722, %dma_start3A_729] : memref<2x5x128xi32, #tpu.memory_space<vmem>> -> memref<1x1x128xi32, #tpu.memory_space<vmem>>
        %dma_start3A_731 = tpu.memref_squeeze %dma_start3A_730 : memref<1x1x128xi32, #tpu.memory_space<vmem>> -> memref<128xi32, #tpu.memory_space<vmem>>
        %dma_start3A_732 = arith.constant 0 : i32
        %dma_start3A_733 = arith.constant 0 : i32
        %dma_start3A_734 = tpu.memref_slice %arg2[%dma_start3A_732, %dma_start3A_733] : memref<802816x16xf32, #tpu.memory_space<hbm>> -> memref<802816x16xf32, #tpu.memory_space<hbm>>
        tpu.enqueue_indirect_dma source(%dma_start3A_734 : memref<802816x16xf32, #tpu.memory_space<hbm>>) target(%dma_start3A_728 : memref<128x16xf32, #tpu.memory_space<vmem>>) offsets(%dma_start3A_731 : memref<128xi32, #tpu.memory_space<vmem>>) semaphore(%arg14 : memref<!tpu.dma_semaphore, #tpu.memory_space<semaphore_mem>>)
        %dma_start3A_735 = arith.constant 1 : i32
        %dma_start3A_736 = arith.constant 4 : i32
        %dma_start3A_737 = arith.constant 1 : i32
        %dma_start3A_738 = arith.constant 4 : i32
        %dma_start3A_739 = arith.constant 0 : i32
        %dma_start3A_740 = arith.constant 0 : i32
        %dma_start3A_741 = tpu.memref_slice %arg11[%dma_start3A_737, %dma_start3A_738, %dma_start3A_739, %dma_start3A_740] : memref<2x5x128x16xf32, #tpu.memory_space<vmem>> -> memref<1x1x128x16xf32, #tpu.memory_space<vmem>>
        %dma_start3A_742 = tpu.memref_squeeze %dma_start3A_741 : memref<1x1x128x16xf32, #tpu.memory_space<vmem>> -> memref<128x16xf32, #tpu.memory_space<vmem>>
        %dma_start3A_743 = arith.constant 0 : i32
        %dma_start3A_744 = tpu.memref_slice %arg9[%dma_start3A_735, %dma_start3A_736, %dma_start3A_743] : memref<2x5x128xi32, #tpu.memory_space<vmem>> -> memref<1x1x128xi32, #tpu.memory_space<vmem>>
        %dma_start3A_745 = tpu.memref_squeeze %dma_start3A_744 : memref<1x1x128xi32, #tpu.memory_space<vmem>> -> memref<128xi32, #tpu.memory_space<vmem>>
        %dma_start3A_746 = arith.constant 0 : i32
        %dma_start3A_747 = arith.constant 0 : i32
        %dma_start3A_748 = tpu.memref_slice %arg2[%dma_start3A_746, %dma_start3A_747] : memref<802816x16xf32, #tpu.memory_space<hbm>> -> memref<802816x16xf32, #tpu.memory_space<hbm>>
        tpu.enqueue_indirect_dma source(%dma_start3A_748 : memref<802816x16xf32, #tpu.memory_space<hbm>>) target(%dma_start3A_742 : memref<128x16xf32, #tpu.memory_space<vmem>>) offsets(%dma_start3A_745 : memref<128xi32, #tpu.memory_space<vmem>>) semaphore(%arg14 : memref<!tpu.dma_semaphore, #tpu.memory_space<semaphore_mem>>)
        %dma_wait3A_749 = arith.constant 0 : i32
        %dma_wait3A_750 = arith.constant 0 : i32
        %dma_wait3A_751 = arith.constant 0 : i32
        %dma_wait3A_752 = arith.constant 0 : i32
        %dma_wait3A_753 = arith.constant 0 : i32
        %dma_wait3A_754 = arith.constant 0 : i32
        %dma_wait3A_755 = tpu.memref_slice %arg11[%dma_wait3A_751, %dma_wait3A_752, %dma_wait3A_753, %dma_wait3A_754] : memref<2x5x128x16xf32, #tpu.memory_space<vmem>> -> memref<1x1x128x16xf32, #tpu.memory_space<vmem>>
        %dma_wait3A_756 = tpu.memref_squeeze %dma_wait3A_755 : memref<1x1x128x16xf32, #tpu.memory_space<vmem>> -> memref<128x16xf32, #tpu.memory_space<vmem>>
        %dma_wait3A_757 = arith.constant 0 : i32
        %dma_wait3A_758 = tpu.memref_slice %arg9[%dma_wait3A_749, %dma_wait3A_750, %dma_wait3A_757] : memref<2x5x128xi32, #tpu.memory_space<vmem>> -> memref<1x1x128xi32, #tpu.memory_space<vmem>>
        %dma_wait3A_759 = tpu.memref_squeeze %dma_wait3A_758 : memref<1x1x128xi32, #tpu.memory_space<vmem>> -> memref<128xi32, #tpu.memory_space<vmem>>
        %dma_wait3A_760 = arith.constant 0 : i32
        %dma_wait3A_761 = arith.constant 0 : i32
        %dma_wait3A_762 = tpu.memref_slice %arg2[%dma_wait3A_760, %dma_wait3A_761] : memref<802816x16xf32, #tpu.memory_space<hbm>> -> memref<802816x16xf32, #tpu.memory_space<hbm>>
        tpu.wait_indirect_dma semaphore(%arg13 : memref<!tpu.dma_semaphore, #tpu.memory_space<semaphore_mem>>) src(%dma_wait3A_762 : memref<802816x16xf32, #tpu.memory_space<hbm>>) dst(%dma_wait3A_756 : memref<128x16xf32, #tpu.memory_space<vmem>>)
        %dma_wait3A_763 = arith.constant 0 : i32
        %dma_wait3A_764 = arith.constant 1 : i32
        %dma_wait3A_765 = arith.constant 0 : i32
        %dma_wait3A_766 = arith.constant 1 : i32
        %dma_wait3A_767 = arith.constant 0 : i32
        %dma_wait3A_768 = arith.constant 0 : i32
        %dma_wait3A_769 = tpu.memref_slice %arg11[%dma_wait3A_765, %dma_wait3A_766, %dma_wait3A_767, %dma_wait3A_768] : memref<2x5x128x16xf32, #tpu.memory_space<vmem>> -> memref<1x1x128x16xf32, #tpu.memory_space<vmem>>
        %dma_wait3A_770 = tpu.memref_squeeze %dma_wait3A_769 : memref<1x1x128x16xf32, #tpu.memory_space<vmem>> -> memref<128x16xf32, #tpu.memory_space<vmem>>
        %dma_wait3A_771 = arith.constant 0 : i32
        %dma_wait3A_772 = tpu.memref_slice %arg9[%dma_wait3A_763, %dma_wait3A_764, %dma_wait3A_771] : memref<2x5x128xi32, #tpu.memory_space<vmem>> -> memref<1x1x128xi32, #tpu.memory_space<vmem>>
        %dma_wait3A_773 = tpu.memref_squeeze %dma_wait3A_772 : memref<1x1x128xi32, #tpu.memory_space<vmem>> -> memref<128xi32, #tpu.memory_space<vmem>>
        %dma_wait3A_774 = arith.constant 0 : i32
        %dma_wait3A_775 = arith.constant 0 : i32
        %dma_wait3A_776 = tpu.memref_slice %arg2[%dma_wait3A_774, %dma_wait3A_775] : memref<802816x16xf32, #tpu.memory_space<hbm>> -> memref<802816x16xf32, #tpu.memory_space<hbm>>
        tpu.wait_indirect_dma semaphore(%arg13 : memref<!tpu.dma_semaphore, #tpu.memory_space<semaphore_mem>>) src(%dma_wait3A_776 : memref<802816x16xf32, #tpu.memory_space<hbm>>) dst(%dma_wait3A_770 : memref<128x16xf32, #tpu.memory_space<vmem>>)
        %dma_wait3A_777 = arith.constant 0 : i32
        %dma_wait3A_778 = arith.constant 2 : i32
        %dma_wait3A_779 = arith.constant 0 : i32
        %dma_wait3A_780 = arith.constant 2 : i32
        %dma_wait3A_781 = arith.constant 0 : i32
        %dma_wait3A_782 = arith.constant 0 : i32
        %dma_wait3A_783 = tpu.memref_slice %arg11[%dma_wait3A_779, %dma_wait3A_780, %dma_wait3A_781, %dma_wait3A_782] : memref<2x5x128x16xf32, #tpu.memory_space<vmem>> -> memref<1x1x128x16xf32, #tpu.memory_space<vmem>>
        %dma_wait3A_784 = tpu.memref_squeeze %dma_wait3A_783 : memref<1x1x128x16xf32, #tpu.memory_space<vmem>> -> memref<128x16xf32, #tpu.memory_space<vmem>>
        %dma_wait3A_785 = arith.constant 0 : i32
        %dma_wait3A_786 = tpu.memref_slice %arg9[%dma_wait3A_777, %dma_wait3A_778, %dma_wait3A_785] : memref<2x5x128xi32, #tpu.memory_space<vmem>> -> memref<1x1x128xi32, #tpu.memory_space<vmem>>
        %dma_wait3A_787 = tpu.memref_squeeze %dma_wait3A_786 : memref<1x1x128xi32, #tpu.memory_space<vmem>> -> memref<128xi32, #tpu.memory_space<vmem>>
        %dma_wait3A_788 = arith.constant 0 : i32
        %dma_wait3A_789 = arith.constant 0 : i32
        %dma_wait3A_790 = tpu.memref_slice %arg2[%dma_wait3A_788, %dma_wait3A_789] : memref<802816x16xf32, #tpu.memory_space<hbm>> -> memref<802816x16xf32, #tpu.memory_space<hbm>>
        tpu.wait_indirect_dma semaphore(%arg13 : memref<!tpu.dma_semaphore, #tpu.memory_space<semaphore_mem>>) src(%dma_wait3A_790 : memref<802816x16xf32, #tpu.memory_space<hbm>>) dst(%dma_wait3A_784 : memref<128x16xf32, #tpu.memory_space<vmem>>)
        %dma_wait3A_791 = arith.constant 0 : i32
        %dma_wait3A_792 = arith.constant 3 : i32
        %dma_wait3A_793 = arith.constant 0 : i32
        %dma_wait3A_794 = arith.constant 3 : i32
        %dma_wait3A_795 = arith.constant 0 : i32
        %dma_wait3A_796 = arith.constant 0 : i32
        %dma_wait3A_797 = tpu.memref_slice %arg11[%dma_wait3A_793, %dma_wait3A_794, %dma_wait3A_795, %dma_wait3A_796] : memref<2x5x128x16xf32, #tpu.memory_space<vmem>> -> memref<1x1x128x16xf32, #tpu.memory_space<vmem>>
        %dma_wait3A_798 = tpu.memref_squeeze %dma_wait3A_797 : memref<1x1x128x16xf32, #tpu.memory_space<vmem>> -> memref<128x16xf32, #tpu.memory_space<vmem>>
        %dma_wait3A_799 = arith.constant 0 : i32
        %dma_wait3A_800 = tpu.memref_slice %arg9[%dma_wait3A_791, %dma_wait3A_792, %dma_wait3A_799] : memref<2x5x128xi32, #tpu.memory_space<vmem>> -> memref<1x1x128xi32, #tpu.memory_space<vmem>>
        %dma_wait3A_801 = tpu.memref_squeeze %dma_wait3A_800 : memref<1x1x128xi32, #tpu.memory_space<vmem>> -> memref<128xi32, #tpu.memory_space<vmem>>
        %dma_wait3A_802 = arith.constant 0 : i32
        %dma_wait3A_803 = arith.constant 0 : i32
        %dma_wait3A_804 = tpu.memref_slice %arg2[%dma_wait3A_802, %dma_wait3A_803] : memref<802816x16xf32, #tpu.memory_space<hbm>> -> memref<802816x16xf32, #tpu.memory_space<hbm>>
        tpu.wait_indirect_dma semaphore(%arg13 : memref<!tpu.dma_semaphore, #tpu.memory_space<semaphore_mem>>) src(%dma_wait3A_804 : memref<802816x16xf32, #tpu.memory_space<hbm>>) dst(%dma_wait3A_798 : memref<128x16xf32, #tpu.memory_space<vmem>>)
        %dma_wait3A_805 = arith.constant 0 : i32
        %dma_wait3A_806 = arith.constant 4 : i32
        %dma_wait3A_807 = arith.constant 0 : i32
        %dma_wait3A_808 = arith.constant 4 : i32
        %dma_wait3A_809 = arith.constant 0 : i32
        %dma_wait3A_810 = arith.constant 0 : i32
        %dma_wait3A_811 = tpu.memref_slice %arg11[%dma_wait3A_807, %dma_wait3A_808, %dma_wait3A_809, %dma_wait3A_810] : memref<2x5x128x16xf32, #tpu.memory_space<vmem>> -> memref<1x1x128x16xf32, #tpu.memory_space<vmem>>
        %dma_wait3A_812 = tpu.memref_squeeze %dma_wait3A_811 : memref<1x1x128x16xf32, #tpu.memory_space<vmem>> -> memref<128x16xf32, #tpu.memory_space<vmem>>
        %dma_wait3A_813 = arith.constant 0 : i32
        %dma_wait3A_814 = tpu.memref_slice %arg9[%dma_wait3A_805, %dma_wait3A_806, %dma_wait3A_813] : memref<2x5x128xi32, #tpu.memory_space<vmem>> -> memref<1x1x128xi32, #tpu.memory_space<vmem>>
        %dma_wait3A_815 = tpu.memref_squeeze %dma_wait3A_814 : memref<1x1x128xi32, #tpu.memory_space<vmem>> -> memref<128xi32, #tpu.memory_space<vmem>>
        %dma_wait3A_816 = arith.constant 0 : i32
        %dma_wait3A_817 = arith.constant 0 : i32
        %dma_wait3A_818 = tpu.memref_slice %arg2[%dma_wait3A_816, %dma_wait3A_817] : memref<802816x16xf32, #tpu.memory_space<hbm>> -> memref<802816x16xf32, #tpu.memory_space<hbm>>
        tpu.wait_indirect_dma semaphore(%arg13 : memref<!tpu.dma_semaphore, #tpu.memory_space<semaphore_mem>>) src(%dma_wait3A_818 : memref<802816x16xf32, #tpu.memory_space<hbm>>) dst(%dma_wait3A_812 : memref<128x16xf32, #tpu.memory_space<vmem>>)
        %dma_start3A_819 = arith.constant 0 : i32
        %dma_start3A_820 = arith.constant 0 : i32
        %dma_start3A_821 = arith.constant 0 : i32
        %dma_start3A_822 = arith.constant 0 : i32
        %dma_start3A_823 = arith.constant 0 : i32
        %dma_start3A_824 = arith.constant 0 : i32
        %dma_start3A_825 = tpu.memref_slice %arg11[%dma_start3A_819, %dma_start3A_820, %dma_start3A_823, %dma_start3A_824] : memref<2x5x128x16xf32, #tpu.memory_space<vmem>> -> memref<1x1x128x16xf32, #tpu.memory_space<vmem>>
        %dma_start3A_826 = tpu.memref_squeeze %dma_start3A_825 : memref<1x1x128x16xf32, #tpu.memory_space<vmem>> -> memref<128x16xf32, #tpu.memory_space<vmem>>
        %dma_start3A_827 = arith.constant 0 : i32
        %dma_start3A_828 = tpu.memref_slice %arg10[%dma_start3A_821, %dma_start3A_822, %dma_start3A_827] : memref<2x5x128xi32, #tpu.memory_space<vmem>> -> memref<1x1x128xi32, #tpu.memory_space<vmem>>
        %dma_start3A_829 = tpu.memref_squeeze %dma_start3A_828 : memref<1x1x128xi32, #tpu.memory_space<vmem>> -> memref<128xi32, #tpu.memory_space<vmem>>
        %dma_start3A_830 = arith.constant 0 : i32
        %dma_start3A_831 = arith.constant 0 : i32
        %dma_start3A_832 = tpu.memref_slice %arg12[%dma_start3A_830, %dma_start3A_831] : memref<100352x16xf32, #tpu.memory_space<vmem_shared>> -> memref<100352x16xf32, #tpu.memory_space<vmem_shared>>
        tpu.enqueue_indirect_dma source(%dma_start3A_826 : memref<128x16xf32, #tpu.memory_space<vmem>>) target(%dma_start3A_832 : memref<100352x16xf32, #tpu.memory_space<vmem_shared>>) offsets(%dma_start3A_829 : memref<128xi32, #tpu.memory_space<vmem>>) semaphore(%arg15 : memref<!tpu.dma_semaphore, #tpu.memory_space<semaphore_mem>>) {add = true}
        %dma_start3A_833 = arith.constant 0 : i32
        %dma_start3A_834 = arith.constant 1 : i32
        %dma_start3A_835 = arith.constant 0 : i32
        %dma_start3A_836 = arith.constant 1 : i32
        %dma_start3A_837 = arith.constant 0 : i32
        %dma_start3A_838 = arith.constant 0 : i32
        %dma_start3A_839 = tpu.memref_slice %arg11[%dma_start3A_833, %dma_start3A_834, %dma_start3A_837, %dma_start3A_838] : memref<2x5x128x16xf32, #tpu.memory_space<vmem>> -> memref<1x1x128x16xf32, #tpu.memory_space<vmem>>
        %dma_start3A_840 = tpu.memref_squeeze %dma_start3A_839 : memref<1x1x128x16xf32, #tpu.memory_space<vmem>> -> memref<128x16xf32, #tpu.memory_space<vmem>>
        %dma_start3A_841 = arith.constant 0 : i32
        %dma_start3A_842 = tpu.memref_slice %arg10[%dma_start3A_835, %dma_start3A_836, %dma_start3A_841] : memref<2x5x128xi32, #tpu.memory_space<vmem>> -> memref<1x1x128xi32, #tpu.memory_space<vmem>>
        %dma_start3A_843 = tpu.memref_squeeze %dma_start3A_842 : memref<1x1x128xi32, #tpu.memory_space<vmem>> -> memref<128xi32, #tpu.memory_space<vmem>>
        %dma_start3A_844 = arith.constant 0 : i32
        %dma_start3A_845 = arith.constant 0 : i32
        %dma_start3A_846 = tpu.memref_slice %arg12[%dma_start3A_844, %dma_start3A_845] : memref<100352x16xf32, #tpu.memory_space<vmem_shared>> -> memref<100352x16xf32, #tpu.memory_space<vmem_shared>>
        tpu.enqueue_indirect_dma source(%dma_start3A_840 : memref<128x16xf32, #tpu.memory_space<vmem>>) target(%dma_start3A_846 : memref<100352x16xf32, #tpu.memory_space<vmem_shared>>) offsets(%dma_start3A_843 : memref<128xi32, #tpu.memory_space<vmem>>) semaphore(%arg15 : memref<!tpu.dma_semaphore, #tpu.memory_space<semaphore_mem>>) {add = true}
        %dma_start3A_847 = arith.constant 0 : i32
        %dma_start3A_848 = arith.constant 2 : i32
        %dma_start3A_849 = arith.constant 0 : i32
        %dma_start3A_850 = arith.constant 2 : i32
        %dma_start3A_851 = arith.constant 0 : i32
        %dma_start3A_852 = arith.constant 0 : i32
        %dma_start3A_853 = tpu.memref_slice %arg11[%dma_start3A_847, %dma_start3A_848, %dma_start3A_851, %dma_start3A_852] : memref<2x5x128x16xf32, #tpu.memory_space<vmem>> -> memref<1x1x128x16xf32, #tpu.memory_space<vmem>>
        %dma_start3A_854 = tpu.memref_squeeze %dma_start3A_853 : memref<1x1x128x16xf32, #tpu.memory_space<vmem>> -> memref<128x16xf32, #tpu.memory_space<vmem>>
        %dma_start3A_855 = arith.constant 0 : i32
        %dma_start3A_856 = tpu.memref_slice %arg10[%dma_start3A_849, %dma_start3A_850, %dma_start3A_855] : memref<2x5x128xi32, #tpu.memory_space<vmem>> -> memref<1x1x128xi32, #tpu.memory_space<vmem>>
        %dma_start3A_857 = tpu.memref_squeeze %dma_start3A_856 : memref<1x1x128xi32, #tpu.memory_space<vmem>> -> memref<128xi32, #tpu.memory_space<vmem>>
        %dma_start3A_858 = arith.constant 0 : i32
        %dma_start3A_859 = arith.constant 0 : i32
        %dma_start3A_860 = tpu.memref_slice %arg12[%dma_start3A_858, %dma_start3A_859] : memref<100352x16xf32, #tpu.memory_space<vmem_shared>> -> memref<100352x16xf32, #tpu.memory_space<vmem_shared>>
        tpu.enqueue_indirect_dma source(%dma_start3A_854 : memref<128x16xf32, #tpu.memory_space<vmem>>) target(%dma_start3A_860 : memref<100352x16xf32, #tpu.memory_space<vmem_shared>>) offsets(%dma_start3A_857 : memref<128xi32, #tpu.memory_space<vmem>>) semaphore(%arg15 : memref<!tpu.dma_semaphore, #tpu.memory_space<semaphore_mem>>) {add = true}
        %dma_start3A_861 = arith.constant 0 : i32
        %dma_start3A_862 = arith.constant 3 : i32
        %dma_start3A_863 = arith.constant 0 : i32
        %dma_start3A_864 = arith.constant 3 : i32
        %dma_start3A_865 = arith.constant 0 : i32
        %dma_start3A_866 = arith.constant 0 : i32
        %dma_start3A_867 = tpu.memref_slice %arg11[%dma_start3A_861, %dma_start3A_862, %dma_start3A_865, %dma_start3A_866] : memref<2x5x128x16xf32, #tpu.memory_space<vmem>> -> memref<1x1x128x16xf32, #tpu.memory_space<vmem>>
        %dma_start3A_868 = tpu.memref_squeeze %dma_start3A_867 : memref<1x1x128x16xf32, #tpu.memory_space<vmem>> -> memref<128x16xf32, #tpu.memory_space<vmem>>
        %dma_start3A_869 = arith.constant 0 : i32
        %dma_start3A_870 = tpu.memref_slice %arg10[%dma_start3A_863, %dma_start3A_864, %dma_start3A_869] : memref<2x5x128xi32, #tpu.memory_space<vmem>> -> memref<1x1x128xi32, #tpu.memory_space<vmem>>
        %dma_start3A_871 = tpu.memref_squeeze %dma_start3A_870 : memref<1x1x128xi32, #tpu.memory_space<vmem>> -> memref<128xi32, #tpu.memory_space<vmem>>
        %dma_start3A_872 = arith.constant 0 : i32
        %dma_start3A_873 = arith.constant 0 : i32
        %dma_start3A_874 = tpu.memref_slice %arg12[%dma_start3A_872, %dma_start3A_873] : memref<100352x16xf32, #tpu.memory_space<vmem_shared>> -> memref<100352x16xf32, #tpu.memory_space<vmem_shared>>
        tpu.enqueue_indirect_dma source(%dma_start3A_868 : memref<128x16xf32, #tpu.memory_space<vmem>>) target(%dma_start3A_874 : memref<100352x16xf32, #tpu.memory_space<vmem_shared>>) offsets(%dma_start3A_871 : memref<128xi32, #tpu.memory_space<vmem>>) semaphore(%arg15 : memref<!tpu.dma_semaphore, #tpu.memory_space<semaphore_mem>>) {add = true}
        %dma_start3A_875 = arith.constant 0 : i32
        %dma_start3A_876 = arith.constant 4 : i32
        %dma_start3A_877 = arith.constant 0 : i32
        %dma_start3A_878 = arith.constant 4 : i32
        %dma_start3A_879 = arith.constant 0 : i32
        %dma_start3A_880 = arith.constant 0 : i32
        %dma_start3A_881 = tpu.memref_slice %arg11[%dma_start3A_875, %dma_start3A_876, %dma_start3A_879, %dma_start3A_880] : memref<2x5x128x16xf32, #tpu.memory_space<vmem>> -> memref<1x1x128x16xf32, #tpu.memory_space<vmem>>
        %dma_start3A_882 = tpu.memref_squeeze %dma_start3A_881 : memref<1x1x128x16xf32, #tpu.memory_space<vmem>> -> memref<128x16xf32, #tpu.memory_space<vmem>>
        %dma_start3A_883 = arith.constant 0 : i32
        %dma_start3A_884 = tpu.memref_slice %arg10[%dma_start3A_877, %dma_start3A_878, %dma_start3A_883] : memref<2x5x128xi32, #tpu.memory_space<vmem>> -> memref<1x1x128xi32, #tpu.memory_space<vmem>>
        %dma_start3A_885 = tpu.memref_squeeze %dma_start3A_884 : memref<1x1x128xi32, #tpu.memory_space<vmem>> -> memref<128xi32, #tpu.memory_space<vmem>>
        %dma_start3A_886 = arith.constant 0 : i32
        %dma_start3A_887 = arith.constant 0 : i32
        %dma_start3A_888 = tpu.memref_slice %arg12[%dma_start3A_886, %dma_start3A_887] : memref<100352x16xf32, #tpu.memory_space<vmem_shared>> -> memref<100352x16xf32, #tpu.memory_space<vmem_shared>>
        tpu.enqueue_indirect_dma source(%dma_start3A_882 : memref<128x16xf32, #tpu.memory_space<vmem>>) target(%dma_start3A_888 : memref<100352x16xf32, #tpu.memory_space<vmem_shared>>) offsets(%dma_start3A_885 : memref<128xi32, #tpu.memory_space<vmem>>) semaphore(%arg15 : memref<!tpu.dma_semaphore, #tpu.memory_space<semaphore_mem>>) {add = true}
        %dma_wait3A_889 = arith.constant 0 : i32
        %dma_wait3A_890 = arith.constant 0 : i32
        %dma_wait3A_891 = arith.constant 0 : i32
        %dma_wait3A_892 = arith.constant 0 : i32
        %dma_wait3A_893 = arith.constant 0 : i32
        %dma_wait3A_894 = arith.constant 0 : i32
        %dma_wait3A_895 = tpu.memref_slice %arg11[%dma_wait3A_889, %dma_wait3A_890, %dma_wait3A_893, %dma_wait3A_894] : memref<2x5x128x16xf32, #tpu.memory_space<vmem>> -> memref<1x1x128x16xf32, #tpu.memory_space<vmem>>
        %dma_wait3A_896 = tpu.memref_squeeze %dma_wait3A_895 : memref<1x1x128x16xf32, #tpu.memory_space<vmem>> -> memref<128x16xf32, #tpu.memory_space<vmem>>
        %dma_wait3A_897 = arith.constant 0 : i32
        %dma_wait3A_898 = tpu.memref_slice %arg10[%dma_wait3A_891, %dma_wait3A_892, %dma_wait3A_897] : memref<2x5x128xi32, #tpu.memory_space<vmem>> -> memref<1x1x128xi32, #tpu.memory_space<vmem>>
        %dma_wait3A_899 = tpu.memref_squeeze %dma_wait3A_898 : memref<1x1x128xi32, #tpu.memory_space<vmem>> -> memref<128xi32, #tpu.memory_space<vmem>>
        %dma_wait3A_900 = arith.constant 0 : i32
        %dma_wait3A_901 = arith.constant 0 : i32
        %dma_wait3A_902 = tpu.memref_slice %arg12[%dma_wait3A_900, %dma_wait3A_901] : memref<100352x16xf32, #tpu.memory_space<vmem_shared>> -> memref<100352x16xf32, #tpu.memory_space<vmem_shared>>
        tpu.wait_indirect_dma semaphore(%arg15 : memref<!tpu.dma_semaphore, #tpu.memory_space<semaphore_mem>>) src(%dma_wait3A_896 : memref<128x16xf32, #tpu.memory_space<vmem>>) dst(%dma_wait3A_902 : memref<100352x16xf32, #tpu.memory_space<vmem_shared>>)
        %dma_wait3A_903 = arith.constant 0 : i32
        %dma_wait3A_904 = arith.constant 1 : i32
        %dma_wait3A_905 = arith.constant 0 : i32
        %dma_wait3A_906 = arith.constant 1 : i32
        %dma_wait3A_907 = arith.constant 0 : i32
        %dma_wait3A_908 = arith.constant 0 : i32
        %dma_wait3A_909 = tpu.memref_slice %arg11[%dma_wait3A_903, %dma_wait3A_904, %dma_wait3A_907, %dma_wait3A_908] : memref<2x5x128x16xf32, #tpu.memory_space<vmem>> -> memref<1x1x128x16xf32, #tpu.memory_space<vmem>>
        %dma_wait3A_910 = tpu.memref_squeeze %dma_wait3A_909 : memref<1x1x128x16xf32, #tpu.memory_space<vmem>> -> memref<128x16xf32, #tpu.memory_space<vmem>>
        %dma_wait3A_911 = arith.constant 0 : i32
        %dma_wait3A_912 = tpu.memref_slice %arg10[%dma_wait3A_905, %dma_wait3A_906, %dma_wait3A_911] : memref<2x5x128xi32, #tpu.memory_space<vmem>> -> memref<1x1x128xi32, #tpu.memory_space<vmem>>
        %dma_wait3A_913 = tpu.memref_squeeze %dma_wait3A_912 : memref<1x1x128xi32, #tpu.memory_space<vmem>> -> memref<128xi32, #tpu.memory_space<vmem>>
        %dma_wait3A_914 = arith.constant 0 : i32
        %dma_wait3A_915 = arith.constant 0 : i32
        %dma_wait3A_916 = tpu.memref_slice %arg12[%dma_wait3A_914, %dma_wait3A_915] : memref<100352x16xf32, #tpu.memory_space<vmem_shared>> -> memref<100352x16xf32, #tpu.memory_space<vmem_shared>>
        tpu.wait_indirect_dma semaphore(%arg15 : memref<!tpu.dma_semaphore, #tpu.memory_space<semaphore_mem>>) src(%dma_wait3A_910 : memref<128x16xf32, #tpu.memory_space<vmem>>) dst(%dma_wait3A_916 : memref<100352x16xf32, #tpu.memory_space<vmem_shared>>)
        %dma_wait3A_917 = arith.constant 0 : i32
        %dma_wait3A_918 = arith.constant 2 : i32
        %dma_wait3A_919 = arith.constant 0 : i32
        %dma_wait3A_920 = arith.constant 2 : i32
        %dma_wait3A_921 = arith.constant 0 : i32
        %dma_wait3A_922 = arith.constant 0 : i32
        %dma_wait3A_923 = tpu.memref_slice %arg11[%dma_wait3A_917, %dma_wait3A_918, %dma_wait3A_921, %dma_wait3A_922] : memref<2x5x128x16xf32, #tpu.memory_space<vmem>> -> memref<1x1x128x16xf32, #tpu.memory_space<vmem>>
        %dma_wait3A_924 = tpu.memref_squeeze %dma_wait3A_923 : memref<1x1x128x16xf32, #tpu.memory_space<vmem>> -> memref<128x16xf32, #tpu.memory_space<vmem>>
        %dma_wait3A_925 = arith.constant 0 : i32
        %dma_wait3A_926 = tpu.memref_slice %arg10[%dma_wait3A_919, %dma_wait3A_920, %dma_wait3A_925] : memref<2x5x128xi32, #tpu.memory_space<vmem>> -> memref<1x1x128xi32, #tpu.memory_space<vmem>>
        %dma_wait3A_927 = tpu.memref_squeeze %dma_wait3A_926 : memref<1x1x128xi32, #tpu.memory_space<vmem>> -> memref<128xi32, #tpu.memory_space<vmem>>
        %dma_wait3A_928 = arith.constant 0 : i32
        %dma_wait3A_929 = arith.constant 0 : i32
        %dma_wait3A_930 = tpu.memref_slice %arg12[%dma_wait3A_928, %dma_wait3A_929] : memref<100352x16xf32, #tpu.memory_space<vmem_shared>> -> memref<100352x16xf32, #tpu.memory_space<vmem_shared>>
        tpu.wait_indirect_dma semaphore(%arg15 : memref<!tpu.dma_semaphore, #tpu.memory_space<semaphore_mem>>) src(%dma_wait3A_924 : memref<128x16xf32, #tpu.memory_space<vmem>>) dst(%dma_wait3A_930 : memref<100352x16xf32, #tpu.memory_space<vmem_shared>>)
        %dma_wait3A_931 = arith.constant 0 : i32
        %dma_wait3A_932 = arith.constant 3 : i32
        %dma_wait3A_933 = arith.constant 0 : i32
        %dma_wait3A_934 = arith.constant 3 : i32
        %dma_wait3A_935 = arith.constant 0 : i32
        %dma_wait3A_936 = arith.constant 0 : i32
        %dma_wait3A_937 = tpu.memref_slice %arg11[%dma_wait3A_931, %dma_wait3A_932, %dma_wait3A_935, %dma_wait3A_936] : memref<2x5x128x16xf32, #tpu.memory_space<vmem>> -> memref<1x1x128x16xf32, #tpu.memory_space<vmem>>
        %dma_wait3A_938 = tpu.memref_squeeze %dma_wait3A_937 : memref<1x1x128x16xf32, #tpu.memory_space<vmem>> -> memref<128x16xf32, #tpu.memory_space<vmem>>
        %dma_wait3A_939 = arith.constant 0 : i32
        %dma_wait3A_940 = tpu.memref_slice %arg10[%dma_wait3A_933, %dma_wait3A_934, %dma_wait3A_939] : memref<2x5x128xi32, #tpu.memory_space<vmem>> -> memref<1x1x128xi32, #tpu.memory_space<vmem>>
        %dma_wait3A_941 = tpu.memref_squeeze %dma_wait3A_940 : memref<1x1x128xi32, #tpu.memory_space<vmem>> -> memref<128xi32, #tpu.memory_space<vmem>>
        %dma_wait3A_942 = arith.constant 0 : i32
        %dma_wait3A_943 = arith.constant 0 : i32
        %dma_wait3A_944 = tpu.memref_slice %arg12[%dma_wait3A_942, %dma_wait3A_943] : memref<100352x16xf32, #tpu.memory_space<vmem_shared>> -> memref<100352x16xf32, #tpu.memory_space<vmem_shared>>
        tpu.wait_indirect_dma semaphore(%arg15 : memref<!tpu.dma_semaphore, #tpu.memory_space<semaphore_mem>>) src(%dma_wait3A_938 : memref<128x16xf32, #tpu.memory_space<vmem>>) dst(%dma_wait3A_944 : memref<100352x16xf32, #tpu.memory_space<vmem_shared>>)
        %dma_wait3A_945 = arith.constant 0 : i32
        %dma_wait3A_946 = arith.constant 4 : i32
        %dma_wait3A_947 = arith.constant 0 : i32
        %dma_wait3A_948 = arith.constant 4 : i32
        %dma_wait3A_949 = arith.constant 0 : i32
        %dma_wait3A_950 = arith.constant 0 : i32
        %dma_wait3A_951 = tpu.memref_slice %arg11[%dma_wait3A_945, %dma_wait3A_946, %dma_wait3A_949, %dma_wait3A_950] : memref<2x5x128x16xf32, #tpu.memory_space<vmem>> -> memref<1x1x128x16xf32, #tpu.memory_space<vmem>>
        %dma_wait3A_952 = tpu.memref_squeeze %dma_wait3A_951 : memref<1x1x128x16xf32, #tpu.memory_space<vmem>> -> memref<128x16xf32, #tpu.memory_space<vmem>>
        %dma_wait3A_953 = arith.constant 0 : i32
        %dma_wait3A_954 = tpu.memref_slice %arg10[%dma_wait3A_947, %dma_wait3A_948, %dma_wait3A_953] : memref<2x5x128xi32, #tpu.memory_space<vmem>> -> memref<1x1x128xi32, #tpu.memory_space<vmem>>
        %dma_wait3A_955 = tpu.memref_squeeze %dma_wait3A_954 : memref<1x1x128xi32, #tpu.memory_space<vmem>> -> memref<128xi32, #tpu.memory_space<vmem>>
        %dma_wait3A_956 = arith.constant 0 : i32
        %dma_wait3A_957 = arith.constant 0 : i32
        %dma_wait3A_958 = tpu.memref_slice %arg12[%dma_wait3A_956, %dma_wait3A_957] : memref<100352x16xf32, #tpu.memory_space<vmem_shared>> -> memref<100352x16xf32, #tpu.memory_space<vmem_shared>>
        tpu.wait_indirect_dma semaphore(%arg15 : memref<!tpu.dma_semaphore, #tpu.memory_space<semaphore_mem>>) src(%dma_wait3A_952 : memref<128x16xf32, #tpu.memory_space<vmem>>) dst(%dma_wait3A_958 : memref<100352x16xf32, #tpu.memory_space<vmem_shared>>)
        %add3A_959 = arith.constant 2 : i32
        %add3A_960 = arith.addi %mul3A_664, %add3A_959 : i32
        %mul3A_961 = arith.constant 5 : i32
        %mul3A_962 = arith.muli %add3A_960, %mul3A_961 : i32
        %add3A_963 = arith.addi %mul3A_9, %mul3A_962 : i32
        %run_scoped3A_964 = arith.constant 0 : i32
        "tpu.region"() ({
          %run_scoped3A_1179 = tpu.sem_alloc : memref<!tpu.dma_semaphore, #tpu.memory_space<semaphore_mem>>
          %dma_start3A_1180 = arith.constant 0 : i32
          %dma_start3A_1181 = arith.constant 0 : i32
          %dma_start3A_1182 = tpu.memref_slice %arg9[%run_scoped3A_964, %dma_start3A_1180, %dma_start3A_1181] : memref<2x5x128xi32, #tpu.memory_space<vmem>> -> memref<1x5x128xi32, #tpu.memory_space<vmem>>
          %dma_start3A_1183 = tpu.memref_squeeze %dma_start3A_1182 : memref<1x5x128xi32, #tpu.memory_space<vmem>> -> memref<5x128xi32, #tpu.memory_space<vmem>>
          %dma_start3A_1184 = arith.constant 0 : i32
          %dma_start3A_1185 = tpu.memref_slice %arg5[%add3A_963, %dma_start3A_1184] : memref<13440x128xi32, #tpu.memory_space<hbm>> -> memref<5x128xi32, #tpu.memory_space<hbm>>
          %dma_start3A_1186 = arith.constant 0 : i32
          %dma_start3A_1187 = arith.constant 0 : i32
          %dma_start3A_1188 = tpu.memref_slice %arg9[%run_scoped3A_964, %dma_start3A_1186, %dma_start3A_1187] : memref<2x5x128xi32, #tpu.memory_space<vmem>> -> memref<1x5x128xi32, #tpu.memory_space<vmem>>
          %dma_start3A_1189 = tpu.memref_squeeze %dma_start3A_1188 : memref<1x5x128xi32, #tpu.memory_space<vmem>> -> memref<5x128xi32, #tpu.memory_space<vmem>>
          %dma_start3A_1190 = arith.constant 0 : i32
          %dma_start3A_1191 = tpu.memref_slice %arg5[%add3A_963, %dma_start3A_1190] : memref<13440x128xi32, #tpu.memory_space<hbm>> -> memref<5x128xi32, #tpu.memory_space<hbm>>
          tpu.enqueue_dma source(%dma_start3A_1191 : memref<5x128xi32, #tpu.memory_space<hbm>>) target(%dma_start3A_1189 : memref<5x128xi32, #tpu.memory_space<vmem>>) target_semaphore(%run_scoped3A_1179 : memref<!tpu.dma_semaphore, #tpu.memory_space<semaphore_mem>>)
          %dma_wait3A_1192 = arith.constant 0 : i32
          %dma_wait3A_1193 = arith.constant 0 : i32
          %dma_wait3A_1194 = tpu.memref_slice %arg9[%run_scoped3A_964, %dma_wait3A_1192, %dma_wait3A_1193] : memref<2x5x128xi32, #tpu.memory_space<vmem>> -> memref<1x5x128xi32, #tpu.memory_space<vmem>>
          %dma_wait3A_1195 = tpu.memref_squeeze %dma_wait3A_1194 : memref<1x5x128xi32, #tpu.memory_space<vmem>> -> memref<5x128xi32, #tpu.memory_space<vmem>>
          %dma_wait3A_1196 = arith.constant 0 : i32
          %dma_wait3A_1197 = tpu.memref_slice %arg5[%add3A_963, %dma_wait3A_1196] : memref<13440x128xi32, #tpu.memory_space<hbm>> -> memref<5x128xi32, #tpu.memory_space<hbm>>
          %dma_wait3A_1198 = arith.constant 0 : i32
          %dma_wait3A_1199 = arith.constant 0 : i32
          %dma_wait3A_1200 = tpu.memref_slice %arg9[%run_scoped3A_964, %dma_wait3A_1198, %dma_wait3A_1199] : memref<2x5x128xi32, #tpu.memory_space<vmem>> -> memref<1x5x128xi32, #tpu.memory_space<vmem>>
          %dma_wait3A_1201 = tpu.memref_squeeze %dma_wait3A_1200 : memref<1x5x128xi32, #tpu.memory_space<vmem>> -> memref<5x128xi32, #tpu.memory_space<vmem>>
          %dma_wait3A_1202 = arith.constant 0 : i32
          %dma_wait3A_1203 = tpu.memref_slice %arg5[%add3A_963, %dma_wait3A_1202] : memref<13440x128xi32, #tpu.memory_space<hbm>> -> memref<5x128xi32, #tpu.memory_space<hbm>>
          tpu.wait_dma2 semaphore(%run_scoped3A_1179 : memref<!tpu.dma_semaphore, #tpu.memory_space<semaphore_mem>>) src(%dma_wait3A_1203 : memref<5x128xi32, #tpu.memory_space<hbm>>) dst(%dma_wait3A_1201 : memref<5x128xi32, #tpu.memory_space<vmem>>)
          tpu.yield
        }) : () -> ()
        %mul3A_965 = arith.constant 5 : i32
        %mul3A_966 = arith.muli %add3A_960, %mul3A_965 : i32
        %add3A_967 = arith.addi %mul3A_9, %mul3A_966 : i32
        %run_scoped3A_968 = arith.constant 0 : i32
        "tpu.region"() ({
          %run_scoped3A_1179 = tpu.sem_alloc : memref<!tpu.dma_semaphore, #tpu.memory_space<semaphore_mem>>
          %dma_start3A_1180 = arith.constant 0 : i32
          %dma_start3A_1181 = arith.constant 0 : i32
          %dma_start3A_1182 = tpu.memref_slice %arg10[%run_scoped3A_968, %dma_start3A_1180, %dma_start3A_1181] : memref<2x5x128xi32, #tpu.memory_space<vmem>> -> memref<1x5x128xi32, #tpu.memory_space<vmem>>
          %dma_start3A_1183 = tpu.memref_squeeze %dma_start3A_1182 : memref<1x5x128xi32, #tpu.memory_space<vmem>> -> memref<5x128xi32, #tpu.memory_space<vmem>>
          %dma_start3A_1184 = arith.constant 0 : i32
          %dma_start3A_1185 = tpu.memref_slice %arg6[%add3A_967, %dma_start3A_1184] : memref<13440x128xi32, #tpu.memory_space<hbm>> -> memref<5x128xi32, #tpu.memory_space<hbm>>
          %dma_start3A_1186 = arith.constant 0 : i32
          %dma_start3A_1187 = arith.constant 0 : i32
          %dma_start3A_1188 = tpu.memref_slice %arg10[%run_scoped3A_968, %dma_start3A_1186, %dma_start3A_1187] : memref<2x5x128xi32, #tpu.memory_space<vmem>> -> memref<1x5x128xi32, #tpu.memory_space<vmem>>
          %dma_start3A_1189 = tpu.memref_squeeze %dma_start3A_1188 : memref<1x5x128xi32, #tpu.memory_space<vmem>> -> memref<5x128xi32, #tpu.memory_space<vmem>>
          %dma_start3A_1190 = arith.constant 0 : i32
          %dma_start3A_1191 = tpu.memref_slice %arg6[%add3A_967, %dma_start3A_1190] : memref<13440x128xi32, #tpu.memory_space<hbm>> -> memref<5x128xi32, #tpu.memory_space<hbm>>
          tpu.enqueue_dma source(%dma_start3A_1191 : memref<5x128xi32, #tpu.memory_space<hbm>>) target(%dma_start3A_1189 : memref<5x128xi32, #tpu.memory_space<vmem>>) target_semaphore(%run_scoped3A_1179 : memref<!tpu.dma_semaphore, #tpu.memory_space<semaphore_mem>>)
          %dma_wait3A_1192 = arith.constant 0 : i32
          %dma_wait3A_1193 = arith.constant 0 : i32
          %dma_wait3A_1194 = tpu.memref_slice %arg10[%run_scoped3A_968, %dma_wait3A_1192, %dma_wait3A_1193] : memref<2x5x128xi32, #tpu.memory_space<vmem>> -> memref<1x5x128xi32, #tpu.memory_space<vmem>>
          %dma_wait3A_1195 = tpu.memref_squeeze %dma_wait3A_1194 : memref<1x5x128xi32, #tpu.memory_space<vmem>> -> memref<5x128xi32, #tpu.memory_space<vmem>>
          %dma_wait3A_1196 = arith.constant 0 : i32
          %dma_wait3A_1197 = tpu.memref_slice %arg6[%add3A_967, %dma_wait3A_1196] : memref<13440x128xi32, #tpu.memory_space<hbm>> -> memref<5x128xi32, #tpu.memory_space<hbm>>
          %dma_wait3A_1198 = arith.constant 0 : i32
          %dma_wait3A_1199 = arith.constant 0 : i32
          %dma_wait3A_1200 = tpu.memref_slice %arg10[%run_scoped3A_968, %dma_wait3A_1198, %dma_wait3A_1199] : memref<2x5x128xi32, #tpu.memory_space<vmem>> -> memref<1x5x128xi32, #tpu.memory_space<vmem>>
          %dma_wait3A_1201 = tpu.memref_squeeze %dma_wait3A_1200 : memref<1x5x128xi32, #tpu.memory_space<vmem>> -> memref<5x128xi32, #tpu.memory_space<vmem>>
          %dma_wait3A_1202 = arith.constant 0 : i32
          %dma_wait3A_1203 = tpu.memref_slice %arg6[%add3A_967, %dma_wait3A_1202] : memref<13440x128xi32, #tpu.memory_space<hbm>> -> memref<5x128xi32, #tpu.memory_space<hbm>>
          tpu.wait_dma2 semaphore(%run_scoped3A_1179 : memref<!tpu.dma_semaphore, #tpu.memory_space<semaphore_mem>>) src(%dma_wait3A_1203 : memref<5x128xi32, #tpu.memory_space<hbm>>) dst(%dma_wait3A_1201 : memref<5x128xi32, #tpu.memory_space<vmem>>)
          tpu.yield
        }) : () -> ()
        %dma_start3A_969 = arith.constant 0 : i32
        %dma_start3A_970 = arith.constant 0 : i32
        %dma_start3A_971 = arith.constant 0 : i32
        %dma_start3A_972 = arith.constant 0 : i32
        %dma_start3A_973 = arith.constant 0 : i32
        %dma_start3A_974 = arith.constant 0 : i32
        %dma_start3A_975 = tpu.memref_slice %arg11[%dma_start3A_971, %dma_start3A_972, %dma_start3A_973, %dma_start3A_974] : memref<2x5x128x16xf32, #tpu.memory_space<vmem>> -> memref<1x1x128x16xf32, #tpu.memory_space<vmem>>
        %dma_start3A_976 = tpu.memref_squeeze %dma_start3A_975 : memref<1x1x128x16xf32, #tpu.memory_space<vmem>> -> memref<128x16xf32, #tpu.memory_space<vmem>>
        %dma_start3A_977 = arith.constant 0 : i32
        %dma_start3A_978 = tpu.memref_slice %arg9[%dma_start3A_969, %dma_start3A_970, %dma_start3A_977] : memref<2x5x128xi32, #tpu.memory_space<vmem>> -> memref<1x1x128xi32, #tpu.memory_space<vmem>>
        %dma_start3A_979 = tpu.memref_squeeze %dma_start3A_978 : memref<1x1x128xi32, #tpu.memory_space<vmem>> -> memref<128xi32, #tpu.memory_space<vmem>>
        %dma_start3A_980 = arith.constant 0 : i32
        %dma_start3A_981 = arith.constant 0 : i32
        %dma_start3A_982 = tpu.memref_slice %arg2[%dma_start3A_980, %dma_start3A_981] : memref<802816x16xf32, #tpu.memory_space<hbm>> -> memref<802816x16xf32, #tpu.memory_space<hbm>>
        tpu.enqueue_indirect_dma source(%dma_start3A_982 : memref<802816x16xf32, #tpu.memory_space<hbm>>) target(%dma_start3A_976 : memref<128x16xf32, #tpu.memory_space<vmem>>) offsets(%dma_start3A_979 : memref<128xi32, #tpu.memory_space<vmem>>) semaphore(%arg13 : memref<!tpu.dma_semaphore, #tpu.memory_space<semaphore_mem>>)
        %dma_start3A_983 = arith.constant 0 : i32
        %dma_start3A_984 = arith.constant 1 : i32
        %dma_start3A_985 = arith.constant 0 : i32
        %dma_start3A_986 = arith.constant 1 : i32
        %dma_start3A_987 = arith.constant 0 : i32
        %dma_start3A_988 = arith.constant 0 : i32
        %dma_start3A_989 = tpu.memref_slice %arg11[%dma_start3A_985, %dma_start3A_986, %dma_start3A_987, %dma_start3A_988] : memref<2x5x128x16xf32, #tpu.memory_space<vmem>> -> memref<1x1x128x16xf32, #tpu.memory_space<vmem>>
        %dma_start3A_990 = tpu.memref_squeeze %dma_start3A_989 : memref<1x1x128x16xf32, #tpu.memory_space<vmem>> -> memref<128x16xf32, #tpu.memory_space<vmem>>
        %dma_start3A_991 = arith.constant 0 : i32
        %dma_start3A_992 = tpu.memref_slice %arg9[%dma_start3A_983, %dma_start3A_984, %dma_start3A_991] : memref<2x5x128xi32, #tpu.memory_space<vmem>> -> memref<1x1x128xi32, #tpu.memory_space<vmem>>
        %dma_start3A_993 = tpu.memref_squeeze %dma_start3A_992 : memref<1x1x128xi32, #tpu.memory_space<vmem>> -> memref<128xi32, #tpu.memory_space<vmem>>
        %dma_start3A_994 = arith.constant 0 : i32
        %dma_start3A_995 = arith.constant 0 : i32
        %dma_start3A_996 = tpu.memref_slice %arg2[%dma_start3A_994, %dma_start3A_995] : memref<802816x16xf32, #tpu.memory_space<hbm>> -> memref<802816x16xf32, #tpu.memory_space<hbm>>
        tpu.enqueue_indirect_dma source(%dma_start3A_996 : memref<802816x16xf32, #tpu.memory_space<hbm>>) target(%dma_start3A_990 : memref<128x16xf32, #tpu.memory_space<vmem>>) offsets(%dma_start3A_993 : memref<128xi32, #tpu.memory_space<vmem>>) semaphore(%arg13 : memref<!tpu.dma_semaphore, #tpu.memory_space<semaphore_mem>>)
        %dma_start3A_997 = arith.constant 0 : i32
        %dma_start3A_998 = arith.constant 2 : i32
        %dma_start3A_999 = arith.constant 0 : i32
        %dma_start3A_1000 = arith.constant 2 : i32
        %dma_start3A_1001 = arith.constant 0 : i32
        %dma_start3A_1002 = arith.constant 0 : i32
        %dma_start3A_1003 = tpu.memref_slice %arg11[%dma_start3A_999, %dma_start3A_1000, %dma_start3A_1001, %dma_start3A_1002] : memref<2x5x128x16xf32, #tpu.memory_space<vmem>> -> memref<1x1x128x16xf32, #tpu.memory_space<vmem>>
        %dma_start3A_1004 = tpu.memref_squeeze %dma_start3A_1003 : memref<1x1x128x16xf32, #tpu.memory_space<vmem>> -> memref<128x16xf32, #tpu.memory_space<vmem>>
        %dma_start3A_1005 = arith.constant 0 : i32
        %dma_start3A_1006 = tpu.memref_slice %arg9[%dma_start3A_997, %dma_start3A_998, %dma_start3A_1005] : memref<2x5x128xi32, #tpu.memory_space<vmem>> -> memref<1x1x128xi32, #tpu.memory_space<vmem>>
        %dma_start3A_1007 = tpu.memref_squeeze %dma_start3A_1006 : memref<1x1x128xi32, #tpu.memory_space<vmem>> -> memref<128xi32, #tpu.memory_space<vmem>>
        %dma_start3A_1008 = arith.constant 0 : i32
        %dma_start3A_1009 = arith.constant 0 : i32
        %dma_start3A_1010 = tpu.memref_slice %arg2[%dma_start3A_1008, %dma_start3A_1009] : memref<802816x16xf32, #tpu.memory_space<hbm>> -> memref<802816x16xf32, #tpu.memory_space<hbm>>
        tpu.enqueue_indirect_dma source(%dma_start3A_1010 : memref<802816x16xf32, #tpu.memory_space<hbm>>) target(%dma_start3A_1004 : memref<128x16xf32, #tpu.memory_space<vmem>>) offsets(%dma_start3A_1007 : memref<128xi32, #tpu.memory_space<vmem>>) semaphore(%arg13 : memref<!tpu.dma_semaphore, #tpu.memory_space<semaphore_mem>>)
        %dma_start3A_1011 = arith.constant 0 : i32
        %dma_start3A_1012 = arith.constant 3 : i32
        %dma_start3A_1013 = arith.constant 0 : i32
        %dma_start3A_1014 = arith.constant 3 : i32
        %dma_start3A_1015 = arith.constant 0 : i32
        %dma_start3A_1016 = arith.constant 0 : i32
        %dma_start3A_1017 = tpu.memref_slice %arg11[%dma_start3A_1013, %dma_start3A_1014, %dma_start3A_1015, %dma_start3A_1016] : memref<2x5x128x16xf32, #tpu.memory_space<vmem>> -> memref<1x1x128x16xf32, #tpu.memory_space<vmem>>
        %dma_start3A_1018 = tpu.memref_squeeze %dma_start3A_1017 : memref<1x1x128x16xf32, #tpu.memory_space<vmem>> -> memref<128x16xf32, #tpu.memory_space<vmem>>
        %dma_start3A_1019 = arith.constant 0 : i32
        %dma_start3A_1020 = tpu.memref_slice %arg9[%dma_start3A_1011, %dma_start3A_1012, %dma_start3A_1019] : memref<2x5x128xi32, #tpu.memory_space<vmem>> -> memref<1x1x128xi32, #tpu.memory_space<vmem>>
        %dma_start3A_1021 = tpu.memref_squeeze %dma_start3A_1020 : memref<1x1x128xi32, #tpu.memory_space<vmem>> -> memref<128xi32, #tpu.memory_space<vmem>>
        %dma_start3A_1022 = arith.constant 0 : i32
        %dma_start3A_1023 = arith.constant 0 : i32
        %dma_start3A_1024 = tpu.memref_slice %arg2[%dma_start3A_1022, %dma_start3A_1023] : memref<802816x16xf32, #tpu.memory_space<hbm>> -> memref<802816x16xf32, #tpu.memory_space<hbm>>
        tpu.enqueue_indirect_dma source(%dma_start3A_1024 : memref<802816x16xf32, #tpu.memory_space<hbm>>) target(%dma_start3A_1018 : memref<128x16xf32, #tpu.memory_space<vmem>>) offsets(%dma_start3A_1021 : memref<128xi32, #tpu.memory_space<vmem>>) semaphore(%arg13 : memref<!tpu.dma_semaphore, #tpu.memory_space<semaphore_mem>>)
        %dma_start3A_1025 = arith.constant 0 : i32
        %dma_start3A_1026 = arith.constant 4 : i32
        %dma_start3A_1027 = arith.constant 0 : i32
        %dma_start3A_1028 = arith.constant 4 : i32
        %dma_start3A_1029 = arith.constant 0 : i32
        %dma_start3A_1030 = arith.constant 0 : i32
        %dma_start3A_1031 = tpu.memref_slice %arg11[%dma_start3A_1027, %dma_start3A_1028, %dma_start3A_1029, %dma_start3A_1030] : memref<2x5x128x16xf32, #tpu.memory_space<vmem>> -> memref<1x1x128x16xf32, #tpu.memory_space<vmem>>
        %dma_start3A_1032 = tpu.memref_squeeze %dma_start3A_1031 : memref<1x1x128x16xf32, #tpu.memory_space<vmem>> -> memref<128x16xf32, #tpu.memory_space<vmem>>
        %dma_start3A_1033 = arith.constant 0 : i32
        %dma_start3A_1034 = tpu.memref_slice %arg9[%dma_start3A_1025, %dma_start3A_1026, %dma_start3A_1033] : memref<2x5x128xi32, #tpu.memory_space<vmem>> -> memref<1x1x128xi32, #tpu.memory_space<vmem>>
        %dma_start3A_1035 = tpu.memref_squeeze %dma_start3A_1034 : memref<1x1x128xi32, #tpu.memory_space<vmem>> -> memref<128xi32, #tpu.memory_space<vmem>>
        %dma_start3A_1036 = arith.constant 0 : i32
        %dma_start3A_1037 = arith.constant 0 : i32
        %dma_start3A_1038 = tpu.memref_slice %arg2[%dma_start3A_1036, %dma_start3A_1037] : memref<802816x16xf32, #tpu.memory_space<hbm>> -> memref<802816x16xf32, #tpu.memory_space<hbm>>
        tpu.enqueue_indirect_dma source(%dma_start3A_1038 : memref<802816x16xf32, #tpu.memory_space<hbm>>) target(%dma_start3A_1032 : memref<128x16xf32, #tpu.memory_space<vmem>>) offsets(%dma_start3A_1035 : memref<128xi32, #tpu.memory_space<vmem>>) semaphore(%arg13 : memref<!tpu.dma_semaphore, #tpu.memory_space<semaphore_mem>>)
        %dma_wait3A_1039 = arith.constant 1 : i32
        %dma_wait3A_1040 = arith.constant 0 : i32
        %dma_wait3A_1041 = arith.constant 1 : i32
        %dma_wait3A_1042 = arith.constant 0 : i32
        %dma_wait3A_1043 = arith.constant 0 : i32
        %dma_wait3A_1044 = arith.constant 0 : i32
        %dma_wait3A_1045 = tpu.memref_slice %arg11[%dma_wait3A_1041, %dma_wait3A_1042, %dma_wait3A_1043, %dma_wait3A_1044] : memref<2x5x128x16xf32, #tpu.memory_space<vmem>> -> memref<1x1x128x16xf32, #tpu.memory_space<vmem>>
        %dma_wait3A_1046 = tpu.memref_squeeze %dma_wait3A_1045 : memref<1x1x128x16xf32, #tpu.memory_space<vmem>> -> memref<128x16xf32, #tpu.memory_space<vmem>>
        %dma_wait3A_1047 = arith.constant 0 : i32
        %dma_wait3A_1048 = tpu.memref_slice %arg9[%dma_wait3A_1039, %dma_wait3A_1040, %dma_wait3A_1047] : memref<2x5x128xi32, #tpu.memory_space<vmem>> -> memref<1x1x128xi32, #tpu.memory_space<vmem>>
        %dma_wait3A_1049 = tpu.memref_squeeze %dma_wait3A_1048 : memref<1x1x128xi32, #tpu.memory_space<vmem>> -> memref<128xi32, #tpu.memory_space<vmem>>
        %dma_wait3A_1050 = arith.constant 0 : i32
        %dma_wait3A_1051 = arith.constant 0 : i32
        %dma_wait3A_1052 = tpu.memref_slice %arg2[%dma_wait3A_1050, %dma_wait3A_1051] : memref<802816x16xf32, #tpu.memory_space<hbm>> -> memref<802816x16xf32, #tpu.memory_space<hbm>>
        tpu.wait_indirect_dma semaphore(%arg14 : memref<!tpu.dma_semaphore, #tpu.memory_space<semaphore_mem>>) src(%dma_wait3A_1052 : memref<802816x16xf32, #tpu.memory_space<hbm>>) dst(%dma_wait3A_1046 : memref<128x16xf32, #tpu.memory_space<vmem>>)
        %dma_wait3A_1053 = arith.constant 1 : i32
        %dma_wait3A_1054 = arith.constant 1 : i32
        %dma_wait3A_1055 = arith.constant 1 : i32
        %dma_wait3A_1056 = arith.constant 1 : i32
        %dma_wait3A_1057 = arith.constant 0 : i32
        %dma_wait3A_1058 = arith.constant 0 : i32
        %dma_wait3A_1059 = tpu.memref_slice %arg11[%dma_wait3A_1055, %dma_wait3A_1056, %dma_wait3A_1057, %dma_wait3A_1058] : memref<2x5x128x16xf32, #tpu.memory_space<vmem>> -> memref<1x1x128x16xf32, #tpu.memory_space<vmem>>
        %dma_wait3A_1060 = tpu.memref_squeeze %dma_wait3A_1059 : memref<1x1x128x16xf32, #tpu.memory_space<vmem>> -> memref<128x16xf32, #tpu.memory_space<vmem>>
        %dma_wait3A_1061 = arith.constant 0 : i32
        %dma_wait3A_1062 = tpu.memref_slice %arg9[%dma_wait3A_1053, %dma_wait3A_1054, %dma_wait3A_1061] : memref<2x5x128xi32, #tpu.memory_space<vmem>> -> memref<1x1x128xi32, #tpu.memory_space<vmem>>
        %dma_wait3A_1063 = tpu.memref_squeeze %dma_wait3A_1062 : memref<1x1x128xi32, #tpu.memory_space<vmem>> -> memref<128xi32, #tpu.memory_space<vmem>>
        %dma_wait3A_1064 = arith.constant 0 : i32
        %dma_wait3A_1065 = arith.constant 0 : i32
        %dma_wait3A_1066 = tpu.memref_slice %arg2[%dma_wait3A_1064, %dma_wait3A_1065] : memref<802816x16xf32, #tpu.memory_space<hbm>> -> memref<802816x16xf32, #tpu.memory_space<hbm>>
        tpu.wait_indirect_dma semaphore(%arg14 : memref<!tpu.dma_semaphore, #tpu.memory_space<semaphore_mem>>) src(%dma_wait3A_1066 : memref<802816x16xf32, #tpu.memory_space<hbm>>) dst(%dma_wait3A_1060 : memref<128x16xf32, #tpu.memory_space<vmem>>)
        %dma_wait3A_1067 = arith.constant 1 : i32
        %dma_wait3A_1068 = arith.constant 2 : i32
        %dma_wait3A_1069 = arith.constant 1 : i32
        %dma_wait3A_1070 = arith.constant 2 : i32
        %dma_wait3A_1071 = arith.constant 0 : i32
        %dma_wait3A_1072 = arith.constant 0 : i32
        %dma_wait3A_1073 = tpu.memref_slice %arg11[%dma_wait3A_1069, %dma_wait3A_1070, %dma_wait3A_1071, %dma_wait3A_1072] : memref<2x5x128x16xf32, #tpu.memory_space<vmem>> -> memref<1x1x128x16xf32, #tpu.memory_space<vmem>>
        %dma_wait3A_1074 = tpu.memref_squeeze %dma_wait3A_1073 : memref<1x1x128x16xf32, #tpu.memory_space<vmem>> -> memref<128x16xf32, #tpu.memory_space<vmem>>
        %dma_wait3A_1075 = arith.constant 0 : i32
        %dma_wait3A_1076 = tpu.memref_slice %arg9[%dma_wait3A_1067, %dma_wait3A_1068, %dma_wait3A_1075] : memref<2x5x128xi32, #tpu.memory_space<vmem>> -> memref<1x1x128xi32, #tpu.memory_space<vmem>>
        %dma_wait3A_1077 = tpu.memref_squeeze %dma_wait3A_1076 : memref<1x1x128xi32, #tpu.memory_space<vmem>> -> memref<128xi32, #tpu.memory_space<vmem>>
        %dma_wait3A_1078 = arith.constant 0 : i32
        %dma_wait3A_1079 = arith.constant 0 : i32
        %dma_wait3A_1080 = tpu.memref_slice %arg2[%dma_wait3A_1078, %dma_wait3A_1079] : memref<802816x16xf32, #tpu.memory_space<hbm>> -> memref<802816x16xf32, #tpu.memory_space<hbm>>
        tpu.wait_indirect_dma semaphore(%arg14 : memref<!tpu.dma_semaphore, #tpu.memory_space<semaphore_mem>>) src(%dma_wait3A_1080 : memref<802816x16xf32, #tpu.memory_space<hbm>>) dst(%dma_wait3A_1074 : memref<128x16xf32, #tpu.memory_space<vmem>>)
        %dma_wait3A_1081 = arith.constant 1 : i32
        %dma_wait3A_1082 = arith.constant 3 : i32
        %dma_wait3A_1083 = arith.constant 1 : i32
        %dma_wait3A_1084 = arith.constant 3 : i32
        %dma_wait3A_1085 = arith.constant 0 : i32
        %dma_wait3A_1086 = arith.constant 0 : i32
        %dma_wait3A_1087 = tpu.memref_slice %arg11[%dma_wait3A_1083, %dma_wait3A_1084, %dma_wait3A_1085, %dma_wait3A_1086] : memref<2x5x128x16xf32, #tpu.memory_space<vmem>> -> memref<1x1x128x16xf32, #tpu.memory_space<vmem>>
        %dma_wait3A_1088 = tpu.memref_squeeze %dma_wait3A_1087 : memref<1x1x128x16xf32, #tpu.memory_space<vmem>> -> memref<128x16xf32, #tpu.memory_space<vmem>>
        %dma_wait3A_1089 = arith.constant 0 : i32
        %dma_wait3A_1090 = tpu.memref_slice %arg9[%dma_wait3A_1081, %dma_wait3A_1082, %dma_wait3A_1089] : memref<2x5x128xi32, #tpu.memory_space<vmem>> -> memref<1x1x128xi32, #tpu.memory_space<vmem>>
        %dma_wait3A_1091 = tpu.memref_squeeze %dma_wait3A_1090 : memref<1x1x128xi32, #tpu.memory_space<vmem>> -> memref<128xi32, #tpu.memory_space<vmem>>
        %dma_wait3A_1092 = arith.constant 0 : i32
        %dma_wait3A_1093 = arith.constant 0 : i32
        %dma_wait3A_1094 = tpu.memref_slice %arg2[%dma_wait3A_1092, %dma_wait3A_1093] : memref<802816x16xf32, #tpu.memory_space<hbm>> -> memref<802816x16xf32, #tpu.memory_space<hbm>>
        tpu.wait_indirect_dma semaphore(%arg14 : memref<!tpu.dma_semaphore, #tpu.memory_space<semaphore_mem>>) src(%dma_wait3A_1094 : memref<802816x16xf32, #tpu.memory_space<hbm>>) dst(%dma_wait3A_1088 : memref<128x16xf32, #tpu.memory_space<vmem>>)
        %dma_wait3A_1095 = arith.constant 1 : i32
        %dma_wait3A_1096 = arith.constant 4 : i32
        %dma_wait3A_1097 = arith.constant 1 : i32
        %dma_wait3A_1098 = arith.constant 4 : i32
        %dma_wait3A_1099 = arith.constant 0 : i32
        %dma_wait3A_1100 = arith.constant 0 : i32
        %dma_wait3A_1101 = tpu.memref_slice %arg11[%dma_wait3A_1097, %dma_wait3A_1098, %dma_wait3A_1099, %dma_wait3A_1100] : memref<2x5x128x16xf32, #tpu.memory_space<vmem>> -> memref<1x1x128x16xf32, #tpu.memory_space<vmem>>
        %dma_wait3A_1102 = tpu.memref_squeeze %dma_wait3A_1101 : memref<1x1x128x16xf32, #tpu.memory_space<vmem>> -> memref<128x16xf32, #tpu.memory_space<vmem>>
        %dma_wait3A_1103 = arith.constant 0 : i32
        %dma_wait3A_1104 = tpu.memref_slice %arg9[%dma_wait3A_1095, %dma_wait3A_1096, %dma_wait3A_1103] : memref<2x5x128xi32, #tpu.memory_space<vmem>> -> memref<1x1x128xi32, #tpu.memory_space<vmem>>
        %dma_wait3A_1105 = tpu.memref_squeeze %dma_wait3A_1104 : memref<1x1x128xi32, #tpu.memory_space<vmem>> -> memref<128xi32, #tpu.memory_space<vmem>>
        %dma_wait3A_1106 = arith.constant 0 : i32
        %dma_wait3A_1107 = arith.constant 0 : i32
        %dma_wait3A_1108 = tpu.memref_slice %arg2[%dma_wait3A_1106, %dma_wait3A_1107] : memref<802816x16xf32, #tpu.memory_space<hbm>> -> memref<802816x16xf32, #tpu.memory_space<hbm>>
        tpu.wait_indirect_dma semaphore(%arg14 : memref<!tpu.dma_semaphore, #tpu.memory_space<semaphore_mem>>) src(%dma_wait3A_1108 : memref<802816x16xf32, #tpu.memory_space<hbm>>) dst(%dma_wait3A_1102 : memref<128x16xf32, #tpu.memory_space<vmem>>)
        %dma_start3A_1109 = arith.constant 1 : i32
        %dma_start3A_1110 = arith.constant 0 : i32
        %dma_start3A_1111 = arith.constant 1 : i32
        %dma_start3A_1112 = arith.constant 0 : i32
        %dma_start3A_1113 = arith.constant 0 : i32
        %dma_start3A_1114 = arith.constant 0 : i32
        %dma_start3A_1115 = tpu.memref_slice %arg11[%dma_start3A_1109, %dma_start3A_1110, %dma_start3A_1113, %dma_start3A_1114] : memref<2x5x128x16xf32, #tpu.memory_space<vmem>> -> memref<1x1x128x16xf32, #tpu.memory_space<vmem>>
        %dma_start3A_1116 = tpu.memref_squeeze %dma_start3A_1115 : memref<1x1x128x16xf32, #tpu.memory_space<vmem>> -> memref<128x16xf32, #tpu.memory_space<vmem>>
        %dma_start3A_1117 = arith.constant 0 : i32
        %dma_start3A_1118 = tpu.memref_slice %arg10[%dma_start3A_1111, %dma_start3A_1112, %dma_start3A_1117] : memref<2x5x128xi32, #tpu.memory_space<vmem>> -> memref<1x1x128xi32, #tpu.memory_space<vmem>>
        %dma_start3A_1119 = tpu.memref_squeeze %dma_start3A_1118 : memref<1x1x128xi32, #tpu.memory_space<vmem>> -> memref<128xi32, #tpu.memory_space<vmem>>
        %dma_start3A_1120 = arith.constant 0 : i32
        %dma_start3A_1121 = arith.constant 0 : i32
        %dma_start3A_1122 = tpu.memref_slice %arg12[%dma_start3A_1120, %dma_start3A_1121] : memref<100352x16xf32, #tpu.memory_space<vmem_shared>> -> memref<100352x16xf32, #tpu.memory_space<vmem_shared>>
        tpu.enqueue_indirect_dma source(%dma_start3A_1116 : memref<128x16xf32, #tpu.memory_space<vmem>>) target(%dma_start3A_1122 : memref<100352x16xf32, #tpu.memory_space<vmem_shared>>) offsets(%dma_start3A_1119 : memref<128xi32, #tpu.memory_space<vmem>>) semaphore(%arg16 : memref<!tpu.dma_semaphore, #tpu.memory_space<semaphore_mem>>) {add = true}
        %dma_start3A_1123 = arith.constant 1 : i32
        %dma_start3A_1124 = arith.constant 1 : i32
        %dma_start3A_1125 = arith.constant 1 : i32
        %dma_start3A_1126 = arith.constant 1 : i32
        %dma_start3A_1127 = arith.constant 0 : i32
        %dma_start3A_1128 = arith.constant 0 : i32
        %dma_start3A_1129 = tpu.memref_slice %arg11[%dma_start3A_1123, %dma_start3A_1124, %dma_start3A_1127, %dma_start3A_1128] : memref<2x5x128x16xf32, #tpu.memory_space<vmem>> -> memref<1x1x128x16xf32, #tpu.memory_space<vmem>>
        %dma_start3A_1130 = tpu.memref_squeeze %dma_start3A_1129 : memref<1x1x128x16xf32, #tpu.memory_space<vmem>> -> memref<128x16xf32, #tpu.memory_space<vmem>>
        %dma_start3A_1131 = arith.constant 0 : i32
        %dma_start3A_1132 = tpu.memref_slice %arg10[%dma_start3A_1125, %dma_start3A_1126, %dma_start3A_1131] : memref<2x5x128xi32, #tpu.memory_space<vmem>> -> memref<1x1x128xi32, #tpu.memory_space<vmem>>
        %dma_start3A_1133 = tpu.memref_squeeze %dma_start3A_1132 : memref<1x1x128xi32, #tpu.memory_space<vmem>> -> memref<128xi32, #tpu.memory_space<vmem>>
        %dma_start3A_1134 = arith.constant 0 : i32
        %dma_start3A_1135 = arith.constant 0 : i32
        %dma_start3A_1136 = tpu.memref_slice %arg12[%dma_start3A_1134, %dma_start3A_1135] : memref<100352x16xf32, #tpu.memory_space<vmem_shared>> -> memref<100352x16xf32, #tpu.memory_space<vmem_shared>>
        tpu.enqueue_indirect_dma source(%dma_start3A_1130 : memref<128x16xf32, #tpu.memory_space<vmem>>) target(%dma_start3A_1136 : memref<100352x16xf32, #tpu.memory_space<vmem_shared>>) offsets(%dma_start3A_1133 : memref<128xi32, #tpu.memory_space<vmem>>) semaphore(%arg16 : memref<!tpu.dma_semaphore, #tpu.memory_space<semaphore_mem>>) {add = true}
        %dma_start3A_1137 = arith.constant 1 : i32
        %dma_start3A_1138 = arith.constant 2 : i32
        %dma_start3A_1139 = arith.constant 1 : i32
        %dma_start3A_1140 = arith.constant 2 : i32
        %dma_start3A_1141 = arith.constant 0 : i32
        %dma_start3A_1142 = arith.constant 0 : i32
        %dma_start3A_1143 = tpu.memref_slice %arg11[%dma_start3A_1137, %dma_start3A_1138, %dma_start3A_1141, %dma_start3A_1142] : memref<2x5x128x16xf32, #tpu.memory_space<vmem>> -> memref<1x1x128x16xf32, #tpu.memory_space<vmem>>
        %dma_start3A_1144 = tpu.memref_squeeze %dma_start3A_1143 : memref<1x1x128x16xf32, #tpu.memory_space<vmem>> -> memref<128x16xf32, #tpu.memory_space<vmem>>
        %dma_start3A_1145 = arith.constant 0 : i32
        %dma_start3A_1146 = tpu.memref_slice %arg10[%dma_start3A_1139, %dma_start3A_1140, %dma_start3A_1145] : memref<2x5x128xi32, #tpu.memory_space<vmem>> -> memref<1x1x128xi32, #tpu.memory_space<vmem>>
        %dma_start3A_1147 = tpu.memref_squeeze %dma_start3A_1146 : memref<1x1x128xi32, #tpu.memory_space<vmem>> -> memref<128xi32, #tpu.memory_space<vmem>>
        %dma_start3A_1148 = arith.constant 0 : i32
        %dma_start3A_1149 = arith.constant 0 : i32
        %dma_start3A_1150 = tpu.memref_slice %arg12[%dma_start3A_1148, %dma_start3A_1149] : memref<100352x16xf32, #tpu.memory_space<vmem_shared>> -> memref<100352x16xf32, #tpu.memory_space<vmem_shared>>
        tpu.enqueue_indirect_dma source(%dma_start3A_1144 : memref<128x16xf32, #tpu.memory_space<vmem>>) target(%dma_start3A_1150 : memref<100352x16xf32, #tpu.memory_space<vmem_shared>>) offsets(%dma_start3A_1147 : memref<128xi32, #tpu.memory_space<vmem>>) semaphore(%arg16 : memref<!tpu.dma_semaphore, #tpu.memory_space<semaphore_mem>>) {add = true}
        %dma_start3A_1151 = arith.constant 1 : i32
        %dma_start3A_1152 = arith.constant 3 : i32
        %dma_start3A_1153 = arith.constant 1 : i32
        %dma_start3A_1154 = arith.constant 3 : i32
        %dma_start3A_1155 = arith.constant 0 : i32
        %dma_start3A_1156 = arith.constant 0 : i32
        %dma_start3A_1157 = tpu.memref_slice %arg11[%dma_start3A_1151, %dma_start3A_1152, %dma_start3A_1155, %dma_start3A_1156] : memref<2x5x128x16xf32, #tpu.memory_space<vmem>> -> memref<1x1x128x16xf32, #tpu.memory_space<vmem>>
        %dma_start3A_1158 = tpu.memref_squeeze %dma_start3A_1157 : memref<1x1x128x16xf32, #tpu.memory_space<vmem>> -> memref<128x16xf32, #tpu.memory_space<vmem>>
        %dma_start3A_1159 = arith.constant 0 : i32
        %dma_start3A_1160 = tpu.memref_slice %arg10[%dma_start3A_1153, %dma_start3A_1154, %dma_start3A_1159] : memref<2x5x128xi32, #tpu.memory_space<vmem>> -> memref<1x1x128xi32, #tpu.memory_space<vmem>>
        %dma_start3A_1161 = tpu.memref_squeeze %dma_start3A_1160 : memref<1x1x128xi32, #tpu.memory_space<vmem>> -> memref<128xi32, #tpu.memory_space<vmem>>
        %dma_start3A_1162 = arith.constant 0 : i32
        %dma_start3A_1163 = arith.constant 0 : i32
        %dma_start3A_1164 = tpu.memref_slice %arg12[%dma_start3A_1162, %dma_start3A_1163] : memref<100352x16xf32, #tpu.memory_space<vmem_shared>> -> memref<100352x16xf32, #tpu.memory_space<vmem_shared>>
        tpu.enqueue_indirect_dma source(%dma_start3A_1158 : memref<128x16xf32, #tpu.memory_space<vmem>>) target(%dma_start3A_1164 : memref<100352x16xf32, #tpu.memory_space<vmem_shared>>) offsets(%dma_start3A_1161 : memref<128xi32, #tpu.memory_space<vmem>>) semaphore(%arg16 : memref<!tpu.dma_semaphore, #tpu.memory_space<semaphore_mem>>) {add = true}
        %dma_start3A_1165 = arith.constant 1 : i32
        %dma_start3A_1166 = arith.constant 4 : i32
        %dma_start3A_1167 = arith.constant 1 : i32
        %dma_start3A_1168 = arith.constant 4 : i32
        %dma_start3A_1169 = arith.constant 0 : i32
        %dma_start3A_1170 = arith.constant 0 : i32
        %dma_start3A_1171 = tpu.memref_slice %arg11[%dma_start3A_1165, %dma_start3A_1166, %dma_start3A_1169, %dma_start3A_1170] : memref<2x5x128x16xf32, #tpu.memory_space<vmem>> -> memref<1x1x128x16xf32, #tpu.memory_space<vmem>>
        %dma_start3A_1172 = tpu.memref_squeeze %dma_start3A_1171 : memref<1x1x128x16xf32, #tpu.memory_space<vmem>> -> memref<128x16xf32, #tpu.memory_space<vmem>>
        %dma_start3A_1173 = arith.constant 0 : i32
        %dma_start3A_1174 = tpu.memref_slice %arg10[%dma_start3A_1167, %dma_start3A_1168, %dma_start3A_1173] : memref<2x5x128xi32, #tpu.memory_space<vmem>> -> memref<1x1x128xi32, #tpu.memory_space<vmem>>
        %dma_start3A_1175 = tpu.memref_squeeze %dma_start3A_1174 : memref<1x1x128xi32, #tpu.memory_space<vmem>> -> memref<128xi32, #tpu.memory_space<vmem>>
        %dma_start3A_1176 = arith.constant 0 : i32
        %dma_start3A_1177 = arith.constant 0 : i32
        %dma_start3A_1178 = tpu.memref_slice %arg12[%dma_start3A_1176, %dma_start3A_1177] : memref<100352x16xf32, #tpu.memory_space<vmem_shared>> -> memref<100352x16xf32, #tpu.memory_space<vmem_shared>>
        tpu.enqueue_indirect_dma source(%dma_start3A_1172 : memref<128x16xf32, #tpu.memory_space<vmem>>) target(%dma_start3A_1178 : memref<100352x16xf32, #tpu.memory_space<vmem_shared>>) offsets(%dma_start3A_1175 : memref<128xi32, #tpu.memory_space<vmem>>) semaphore(%arg16 : memref<!tpu.dma_semaphore, #tpu.memory_space<semaphore_mem>>) {add = true}
      }
      %scan3A_91 = arith.constant 83 : i32
      %dma_wait3A = arith.constant 1 : i32
      %dma_wait3A_92 = arith.constant 0 : i32
      %dma_wait3A_93 = arith.constant 1 : i32
      %dma_wait3A_94 = arith.constant 0 : i32
      %dma_wait3A_95 = arith.constant 0 : i32
      %dma_wait3A_96 = arith.constant 0 : i32
      %dma_wait3A_97 = tpu.memref_slice %arg11[%dma_wait3A, %dma_wait3A_92, %dma_wait3A_95, %dma_wait3A_96] : memref<2x5x128x16xf32, #tpu.memory_space<vmem>> -> memref<1x1x128x16xf32, #tpu.memory_space<vmem>>
      %dma_wait3A_98 = tpu.memref_squeeze %dma_wait3A_97 : memref<1x1x128x16xf32, #tpu.memory_space<vmem>> -> memref<128x16xf32, #tpu.memory_space<vmem>>
      %dma_wait3A_99 = arith.constant 0 : i32
      %dma_wait3A_100 = tpu.memref_slice %arg10[%dma_wait3A_93, %dma_wait3A_94, %dma_wait3A_99] : memref<2x5x128xi32, #tpu.memory_space<vmem>> -> memref<1x1x128xi32, #tpu.memory_space<vmem>>
      %dma_wait3A_101 = tpu.memref_squeeze %dma_wait3A_100 : memref<1x1x128xi32, #tpu.memory_space<vmem>> -> memref<128xi32, #tpu.memory_space<vmem>>
      %dma_wait3A_102 = arith.constant 0 : i32
      %dma_wait3A_103 = arith.constant 0 : i32
      %dma_wait3A_104 = tpu.memref_slice %arg12[%dma_wait3A_102, %dma_wait3A_103] : memref<100352x16xf32, #tpu.memory_space<vmem_shared>> -> memref<100352x16xf32, #tpu.memory_space<vmem_shared>>
      tpu.wait_indirect_dma semaphore(%arg16 : memref<!tpu.dma_semaphore, #tpu.memory_space<semaphore_mem>>) src(%dma_wait3A_98 : memref<128x16xf32, #tpu.memory_space<vmem>>) dst(%dma_wait3A_104 : memref<100352x16xf32, #tpu.memory_space<vmem_shared>>)
      %dma_wait3A_105 = arith.constant 1 : i32
      %dma_wait3A_106 = arith.constant 1 : i32
      %dma_wait3A_107 = arith.constant 1 : i32
      %dma_wait3A_108 = arith.constant 1 : i32
      %dma_wait3A_109 = arith.constant 0 : i32
      %dma_wait3A_110 = arith.constant 0 : i32
      %dma_wait3A_111 = tpu.memref_slice %arg11[%dma_wait3A_105, %dma_wait3A_106, %dma_wait3A_109, %dma_wait3A_110] : memref<2x5x128x16xf32, #tpu.memory_space<vmem>> -> memref<1x1x128x16xf32, #tpu.memory_space<vmem>>
      %dma_wait3A_112 = tpu.memref_squeeze %dma_wait3A_111 : memref<1x1x128x16xf32, #tpu.memory_space<vmem>> -> memref<128x16xf32, #tpu.memory_space<vmem>>
      %dma_wait3A_113 = arith.constant 0 : i32
      %dma_wait3A_114 = tpu.memref_slice %arg10[%dma_wait3A_107, %dma_wait3A_108, %dma_wait3A_113] : memref<2x5x128xi32, #tpu.memory_space<vmem>> -> memref<1x1x128xi32, #tpu.memory_space<vmem>>
      %dma_wait3A_115 = tpu.memref_squeeze %dma_wait3A_114 : memref<1x1x128xi32, #tpu.memory_space<vmem>> -> memref<128xi32, #tpu.memory_space<vmem>>
      %dma_wait3A_116 = arith.constant 0 : i32
      %dma_wait3A_117 = arith.constant 0 : i32
      %dma_wait3A_118 = tpu.memref_slice %arg12[%dma_wait3A_116, %dma_wait3A_117] : memref<100352x16xf32, #tpu.memory_space<vmem_shared>> -> memref<100352x16xf32, #tpu.memory_space<vmem_shared>>
      tpu.wait_indirect_dma semaphore(%arg16 : memref<!tpu.dma_semaphore, #tpu.memory_space<semaphore_mem>>) src(%dma_wait3A_112 : memref<128x16xf32, #tpu.memory_space<vmem>>) dst(%dma_wait3A_118 : memref<100352x16xf32, #tpu.memory_space<vmem_shared>>)
      %dma_wait3A_119 = arith.constant 1 : i32
      %dma_wait3A_120 = arith.constant 2 : i32
      %dma_wait3A_121 = arith.constant 1 : i32
      %dma_wait3A_122 = arith.constant 2 : i32
      %dma_wait3A_123 = arith.constant 0 : i32
      %dma_wait3A_124 = arith.constant 0 : i32
      %dma_wait3A_125 = tpu.memref_slice %arg11[%dma_wait3A_119, %dma_wait3A_120, %dma_wait3A_123, %dma_wait3A_124] : memref<2x5x128x16xf32, #tpu.memory_space<vmem>> -> memref<1x1x128x16xf32, #tpu.memory_space<vmem>>
      %dma_wait3A_126 = tpu.memref_squeeze %dma_wait3A_125 : memref<1x1x128x16xf32, #tpu.memory_space<vmem>> -> memref<128x16xf32, #tpu.memory_space<vmem>>
      %dma_wait3A_127 = arith.constant 0 : i32
      %dma_wait3A_128 = tpu.memref_slice %arg10[%dma_wait3A_121, %dma_wait3A_122, %dma_wait3A_127] : memref<2x5x128xi32, #tpu.memory_space<vmem>> -> memref<1x1x128xi32, #tpu.memory_space<vmem>>
      %dma_wait3A_129 = tpu.memref_squeeze %dma_wait3A_128 : memref<1x1x128xi32, #tpu.memory_space<vmem>> -> memref<128xi32, #tpu.memory_space<vmem>>
      %dma_wait3A_130 = arith.constant 0 : i32
      %dma_wait3A_131 = arith.constant 0 : i32
      %dma_wait3A_132 = tpu.memref_slice %arg12[%dma_wait3A_130, %dma_wait3A_131] : memref<100352x16xf32, #tpu.memory_space<vmem_shared>> -> memref<100352x16xf32, #tpu.memory_space<vmem_shared>>
      tpu.wait_indirect_dma semaphore(%arg16 : memref<!tpu.dma_semaphore, #tpu.memory_space<semaphore_mem>>) src(%dma_wait3A_126 : memref<128x16xf32, #tpu.memory_space<vmem>>) dst(%dma_wait3A_132 : memref<100352x16xf32, #tpu.memory_space<vmem_shared>>)
      %dma_wait3A_133 = arith.constant 1 : i32
      %dma_wait3A_134 = arith.constant 3 : i32
      %dma_wait3A_135 = arith.constant 1 : i32
      %dma_wait3A_136 = arith.constant 3 : i32
      %dma_wait3A_137 = arith.constant 0 : i32
      %dma_wait3A_138 = arith.constant 0 : i32
      %dma_wait3A_139 = tpu.memref_slice %arg11[%dma_wait3A_133, %dma_wait3A_134, %dma_wait3A_137, %dma_wait3A_138] : memref<2x5x128x16xf32, #tpu.memory_space<vmem>> -> memref<1x1x128x16xf32, #tpu.memory_space<vmem>>
      %dma_wait3A_140 = tpu.memref_squeeze %dma_wait3A_139 : memref<1x1x128x16xf32, #tpu.memory_space<vmem>> -> memref<128x16xf32, #tpu.memory_space<vmem>>
      %dma_wait3A_141 = arith.constant 0 : i32
      %dma_wait3A_142 = tpu.memref_slice %arg10[%dma_wait3A_135, %dma_wait3A_136, %dma_wait3A_141] : memref<2x5x128xi32, #tpu.memory_space<vmem>> -> memref<1x1x128xi32, #tpu.memory_space<vmem>>
      %dma_wait3A_143 = tpu.memref_squeeze %dma_wait3A_142 : memref<1x1x128xi32, #tpu.memory_space<vmem>> -> memref<128xi32, #tpu.memory_space<vmem>>
      %dma_wait3A_144 = arith.constant 0 : i32
      %dma_wait3A_145 = arith.constant 0 : i32
      %dma_wait3A_146 = tpu.memref_slice %arg12[%dma_wait3A_144, %dma_wait3A_145] : memref<100352x16xf32, #tpu.memory_space<vmem_shared>> -> memref<100352x16xf32, #tpu.memory_space<vmem_shared>>
      tpu.wait_indirect_dma semaphore(%arg16 : memref<!tpu.dma_semaphore, #tpu.memory_space<semaphore_mem>>) src(%dma_wait3A_140 : memref<128x16xf32, #tpu.memory_space<vmem>>) dst(%dma_wait3A_146 : memref<100352x16xf32, #tpu.memory_space<vmem_shared>>)
      %dma_wait3A_147 = arith.constant 1 : i32
      %dma_wait3A_148 = arith.constant 4 : i32
      %dma_wait3A_149 = arith.constant 1 : i32
      %dma_wait3A_150 = arith.constant 4 : i32
      %dma_wait3A_151 = arith.constant 0 : i32
      %dma_wait3A_152 = arith.constant 0 : i32
      %dma_wait3A_153 = tpu.memref_slice %arg11[%dma_wait3A_147, %dma_wait3A_148, %dma_wait3A_151, %dma_wait3A_152] : memref<2x5x128x16xf32, #tpu.memory_space<vmem>> -> memref<1x1x128x16xf32, #tpu.memory_space<vmem>>
      %dma_wait3A_154 = tpu.memref_squeeze %dma_wait3A_153 : memref<1x1x128x16xf32, #tpu.memory_space<vmem>> -> memref<128x16xf32, #tpu.memory_space<vmem>>
      %dma_wait3A_155 = arith.constant 0 : i32
      %dma_wait3A_156 = tpu.memref_slice %arg10[%dma_wait3A_149, %dma_wait3A_150, %dma_wait3A_155] : memref<2x5x128xi32, #tpu.memory_space<vmem>> -> memref<1x1x128xi32, #tpu.memory_space<vmem>>
      %dma_wait3A_157 = tpu.memref_squeeze %dma_wait3A_156 : memref<1x1x128xi32, #tpu.memory_space<vmem>> -> memref<128xi32, #tpu.memory_space<vmem>>
      %dma_wait3A_158 = arith.constant 0 : i32
      %dma_wait3A_159 = arith.constant 0 : i32
      %dma_wait3A_160 = tpu.memref_slice %arg12[%dma_wait3A_158, %dma_wait3A_159] : memref<100352x16xf32, #tpu.memory_space<vmem_shared>> -> memref<100352x16xf32, #tpu.memory_space<vmem_shared>>
      tpu.wait_indirect_dma semaphore(%arg16 : memref<!tpu.dma_semaphore, #tpu.memory_space<semaphore_mem>>) src(%dma_wait3A_154 : memref<128x16xf32, #tpu.memory_space<vmem>>) dst(%dma_wait3A_160 : memref<100352x16xf32, #tpu.memory_space<vmem_shared>>)
      %mul3A_161 = arith.constant 167 : i32
      %mul3A_162 = arith.constant 5 : i32
      %mul3A_163 = arith.muli %mul3A_161, %mul3A_162 : i32
      %add3A_164 = arith.addi %mul3A_9, %mul3A_163 : i32
      %run_scoped3A_165 = arith.constant 1 : i32
      "tpu.region"() ({
        %run_scoped3A_662 = tpu.sem_alloc : memref<!tpu.dma_semaphore, #tpu.memory_space<semaphore_mem>>
        %dma_start3A_663 = arith.constant 0 : i32
        %dma_start3A_664 = arith.constant 0 : i32
        %dma_start3A_665 = tpu.memref_slice %arg9[%run_scoped3A_165, %dma_start3A_663, %dma_start3A_664] : memref<2x5x128xi32, #tpu.memory_space<vmem>> -> memref<1x5x128xi32, #tpu.memory_space<vmem>>
        %dma_start3A_666 = tpu.memref_squeeze %dma_start3A_665 : memref<1x5x128xi32, #tpu.memory_space<vmem>> -> memref<5x128xi32, #tpu.memory_space<vmem>>
        %dma_start3A_667 = arith.constant 0 : i32
        %dma_start3A_668 = tpu.memref_slice %arg5[%add3A_164, %dma_start3A_667] : memref<13440x128xi32, #tpu.memory_space<hbm>> -> memref<5x128xi32, #tpu.memory_space<hbm>>
        %dma_start3A_669 = arith.constant 0 : i32
        %dma_start3A_670 = arith.constant 0 : i32
        %dma_start3A_671 = tpu.memref_slice %arg9[%run_scoped3A_165, %dma_start3A_669, %dma_start3A_670] : memref<2x5x128xi32, #tpu.memory_space<vmem>> -> memref<1x5x128xi32, #tpu.memory_space<vmem>>
        %dma_start3A_672 = tpu.memref_squeeze %dma_start3A_671 : memref<1x5x128xi32, #tpu.memory_space<vmem>> -> memref<5x128xi32, #tpu.memory_space<vmem>>
        %dma_start3A_673 = arith.constant 0 : i32
        %dma_start3A_674 = tpu.memref_slice %arg5[%add3A_164, %dma_start3A_673] : memref<13440x128xi32, #tpu.memory_space<hbm>> -> memref<5x128xi32, #tpu.memory_space<hbm>>
        tpu.enqueue_dma source(%dma_start3A_674 : memref<5x128xi32, #tpu.memory_space<hbm>>) target(%dma_start3A_672 : memref<5x128xi32, #tpu.memory_space<vmem>>) target_semaphore(%run_scoped3A_662 : memref<!tpu.dma_semaphore, #tpu.memory_space<semaphore_mem>>)
        %dma_wait3A_675 = arith.constant 0 : i32
        %dma_wait3A_676 = arith.constant 0 : i32
        %dma_wait3A_677 = tpu.memref_slice %arg9[%run_scoped3A_165, %dma_wait3A_675, %dma_wait3A_676] : memref<2x5x128xi32, #tpu.memory_space<vmem>> -> memref<1x5x128xi32, #tpu.memory_space<vmem>>
        %dma_wait3A_678 = tpu.memref_squeeze %dma_wait3A_677 : memref<1x5x128xi32, #tpu.memory_space<vmem>> -> memref<5x128xi32, #tpu.memory_space<vmem>>
        %dma_wait3A_679 = arith.constant 0 : i32
        %dma_wait3A_680 = tpu.memref_slice %arg5[%add3A_164, %dma_wait3A_679] : memref<13440x128xi32, #tpu.memory_space<hbm>> -> memref<5x128xi32, #tpu.memory_space<hbm>>
        %dma_wait3A_681 = arith.constant 0 : i32
        %dma_wait3A_682 = arith.constant 0 : i32
        %dma_wait3A_683 = tpu.memref_slice %arg9[%run_scoped3A_165, %dma_wait3A_681, %dma_wait3A_682] : memref<2x5x128xi32, #tpu.memory_space<vmem>> -> memref<1x5x128xi32, #tpu.memory_space<vmem>>
        %dma_wait3A_684 = tpu.memref_squeeze %dma_wait3A_683 : memref<1x5x128xi32, #tpu.memory_space<vmem>> -> memref<5x128xi32, #tpu.memory_space<vmem>>
        %dma_wait3A_685 = arith.constant 0 : i32
        %dma_wait3A_686 = tpu.memref_slice %arg5[%add3A_164, %dma_wait3A_685] : memref<13440x128xi32, #tpu.memory_space<hbm>> -> memref<5x128xi32, #tpu.memory_space<hbm>>
        tpu.wait_dma2 semaphore(%run_scoped3A_662 : memref<!tpu.dma_semaphore, #tpu.memory_space<semaphore_mem>>) src(%dma_wait3A_686 : memref<5x128xi32, #tpu.memory_space<hbm>>) dst(%dma_wait3A_684 : memref<5x128xi32, #tpu.memory_space<vmem>>)
        tpu.yield
      }) : () -> ()
      %mul3A_166 = arith.constant 167 : i32
      %mul3A_167 = arith.constant 5 : i32
      %mul3A_168 = arith.muli %mul3A_166, %mul3A_167 : i32
      %add3A_169 = arith.addi %mul3A_9, %mul3A_168 : i32
      %run_scoped3A_170 = arith.constant 1 : i32
      "tpu.region"() ({
        %run_scoped3A_662 = tpu.sem_alloc : memref<!tpu.dma_semaphore, #tpu.memory_space<semaphore_mem>>
        %dma_start3A_663 = arith.constant 0 : i32
        %dma_start3A_664 = arith.constant 0 : i32
        %dma_start3A_665 = tpu.memref_slice %arg10[%run_scoped3A_170, %dma_start3A_663, %dma_start3A_664] : memref<2x5x128xi32, #tpu.memory_space<vmem>> -> memref<1x5x128xi32, #tpu.memory_space<vmem>>
        %dma_start3A_666 = tpu.memref_squeeze %dma_start3A_665 : memref<1x5x128xi32, #tpu.memory_space<vmem>> -> memref<5x128xi32, #tpu.memory_space<vmem>>
        %dma_start3A_667 = arith.constant 0 : i32
        %dma_start3A_668 = tpu.memref_slice %arg6[%add3A_169, %dma_start3A_667] : memref<13440x128xi32, #tpu.memory_space<hbm>> -> memref<5x128xi32, #tpu.memory_space<hbm>>
        %dma_start3A_669 = arith.constant 0 : i32
        %dma_start3A_670 = arith.constant 0 : i32
        %dma_start3A_671 = tpu.memref_slice %arg10[%run_scoped3A_170, %dma_start3A_669, %dma_start3A_670] : memref<2x5x128xi32, #tpu.memory_space<vmem>> -> memref<1x5x128xi32, #tpu.memory_space<vmem>>
        %dma_start3A_672 = tpu.memref_squeeze %dma_start3A_671 : memref<1x5x128xi32, #tpu.memory_space<vmem>> -> memref<5x128xi32, #tpu.memory_space<vmem>>
        %dma_start3A_673 = arith.constant 0 : i32
        %dma_start3A_674 = tpu.memref_slice %arg6[%add3A_169, %dma_start3A_673] : memref<13440x128xi32, #tpu.memory_space<hbm>> -> memref<5x128xi32, #tpu.memory_space<hbm>>
        tpu.enqueue_dma source(%dma_start3A_674 : memref<5x128xi32, #tpu.memory_space<hbm>>) target(%dma_start3A_672 : memref<5x128xi32, #tpu.memory_space<vmem>>) target_semaphore(%run_scoped3A_662 : memref<!tpu.dma_semaphore, #tpu.memory_space<semaphore_mem>>)
        %dma_wait3A_675 = arith.constant 0 : i32
        %dma_wait3A_676 = arith.constant 0 : i32
        %dma_wait3A_677 = tpu.memref_slice %arg10[%run_scoped3A_170, %dma_wait3A_675, %dma_wait3A_676] : memref<2x5x128xi32, #tpu.memory_space<vmem>> -> memref<1x5x128xi32, #tpu.memory_space<vmem>>
        %dma_wait3A_678 = tpu.memref_squeeze %dma_wait3A_677 : memref<1x5x128xi32, #tpu.memory_space<vmem>> -> memref<5x128xi32, #tpu.memory_space<vmem>>
        %dma_wait3A_679 = arith.constant 0 : i32
        %dma_wait3A_680 = tpu.memref_slice %arg6[%add3A_169, %dma_wait3A_679] : memref<13440x128xi32, #tpu.memory_space<hbm>> -> memref<5x128xi32, #tpu.memory_space<hbm>>
        %dma_wait3A_681 = arith.constant 0 : i32
        %dma_wait3A_682 = arith.constant 0 : i32
        %dma_wait3A_683 = tpu.memref_slice %arg10[%run_scoped3A_170, %dma_wait3A_681, %dma_wait3A_682] : memref<2x5x128xi32, #tpu.memory_space<vmem>> -> memref<1x5x128xi32, #tpu.memory_space<vmem>>
        %dma_wait3A_684 = tpu.memref_squeeze %dma_wait3A_683 : memref<1x5x128xi32, #tpu.memory_space<vmem>> -> memref<5x128xi32, #tpu.memory_space<vmem>>
        %dma_wait3A_685 = arith.constant 0 : i32
        %dma_wait3A_686 = tpu.memref_slice %arg6[%add3A_169, %dma_wait3A_685] : memref<13440x128xi32, #tpu.memory_space<hbm>> -> memref<5x128xi32, #tpu.memory_space<hbm>>
        tpu.wait_dma2 semaphore(%run_scoped3A_662 : memref<!tpu.dma_semaphore, #tpu.memory_space<semaphore_mem>>) src(%dma_wait3A_686 : memref<5x128xi32, #tpu.memory_space<hbm>>) dst(%dma_wait3A_684 : memref<5x128xi32, #tpu.memory_space<vmem>>)
        tpu.yield
      }) : () -> ()
      %dma_start3A_171 = arith.constant 1 : i32
      %dma_start3A_172 = arith.constant 0 : i32
      %dma_start3A_173 = arith.constant 1 : i32
      %dma_start3A_174 = arith.constant 0 : i32
      %dma_start3A_175 = arith.constant 0 : i32
      %dma_start3A_176 = arith.constant 0 : i32
      %dma_start3A_177 = tpu.memref_slice %arg11[%dma_start3A_173, %dma_start3A_174, %dma_start3A_175, %dma_start3A_176] : memref<2x5x128x16xf32, #tpu.memory_space<vmem>> -> memref<1x1x128x16xf32, #tpu.memory_space<vmem>>
      %dma_start3A_178 = tpu.memref_squeeze %dma_start3A_177 : memref<1x1x128x16xf32, #tpu.memory_space<vmem>> -> memref<128x16xf32, #tpu.memory_space<vmem>>
      %dma_start3A_179 = arith.constant 0 : i32
      %dma_start3A_180 = tpu.memref_slice %arg9[%dma_start3A_171, %dma_start3A_172, %dma_start3A_179] : memref<2x5x128xi32, #tpu.memory_space<vmem>> -> memref<1x1x128xi32, #tpu.memory_space<vmem>>
      %dma_start3A_181 = tpu.memref_squeeze %dma_start3A_180 : memref<1x1x128xi32, #tpu.memory_space<vmem>> -> memref<128xi32, #tpu.memory_space<vmem>>
      %dma_start3A_182 = arith.constant 0 : i32
      %dma_start3A_183 = arith.constant 0 : i32
      %dma_start3A_184 = tpu.memref_slice %arg2[%dma_start3A_182, %dma_start3A_183] : memref<802816x16xf32, #tpu.memory_space<hbm>> -> memref<802816x16xf32, #tpu.memory_space<hbm>>
      tpu.enqueue_indirect_dma source(%dma_start3A_184 : memref<802816x16xf32, #tpu.memory_space<hbm>>) target(%dma_start3A_178 : memref<128x16xf32, #tpu.memory_space<vmem>>) offsets(%dma_start3A_181 : memref<128xi32, #tpu.memory_space<vmem>>) semaphore(%arg14 : memref<!tpu.dma_semaphore, #tpu.memory_space<semaphore_mem>>)
      %dma_start3A_185 = arith.constant 1 : i32
      %dma_start3A_186 = arith.constant 1 : i32
      %dma_start3A_187 = arith.constant 1 : i32
      %dma_start3A_188 = arith.constant 1 : i32
      %dma_start3A_189 = arith.constant 0 : i32
      %dma_start3A_190 = arith.constant 0 : i32
      %dma_start3A_191 = tpu.memref_slice %arg11[%dma_start3A_187, %dma_start3A_188, %dma_start3A_189, %dma_start3A_190] : memref<2x5x128x16xf32, #tpu.memory_space<vmem>> -> memref<1x1x128x16xf32, #tpu.memory_space<vmem>>
      %dma_start3A_192 = tpu.memref_squeeze %dma_start3A_191 : memref<1x1x128x16xf32, #tpu.memory_space<vmem>> -> memref<128x16xf32, #tpu.memory_space<vmem>>
      %dma_start3A_193 = arith.constant 0 : i32
      %dma_start3A_194 = tpu.memref_slice %arg9[%dma_start3A_185, %dma_start3A_186, %dma_start3A_193] : memref<2x5x128xi32, #tpu.memory_space<vmem>> -> memref<1x1x128xi32, #tpu.memory_space<vmem>>
      %dma_start3A_195 = tpu.memref_squeeze %dma_start3A_194 : memref<1x1x128xi32, #tpu.memory_space<vmem>> -> memref<128xi32, #tpu.memory_space<vmem>>
      %dma_start3A_196 = arith.constant 0 : i32
      %dma_start3A_197 = arith.constant 0 : i32
      %dma_start3A_198 = tpu.memref_slice %arg2[%dma_start3A_196, %dma_start3A_197] : memref<802816x16xf32, #tpu.memory_space<hbm>> -> memref<802816x16xf32, #tpu.memory_space<hbm>>
      tpu.enqueue_indirect_dma source(%dma_start3A_198 : memref<802816x16xf32, #tpu.memory_space<hbm>>) target(%dma_start3A_192 : memref<128x16xf32, #tpu.memory_space<vmem>>) offsets(%dma_start3A_195 : memref<128xi32, #tpu.memory_space<vmem>>) semaphore(%arg14 : memref<!tpu.dma_semaphore, #tpu.memory_space<semaphore_mem>>)
      %dma_start3A_199 = arith.constant 1 : i32
      %dma_start3A_200 = arith.constant 2 : i32
      %dma_start3A_201 = arith.constant 1 : i32
      %dma_start3A_202 = arith.constant 2 : i32
      %dma_start3A_203 = arith.constant 0 : i32
      %dma_start3A_204 = arith.constant 0 : i32
      %dma_start3A_205 = tpu.memref_slice %arg11[%dma_start3A_201, %dma_start3A_202, %dma_start3A_203, %dma_start3A_204] : memref<2x5x128x16xf32, #tpu.memory_space<vmem>> -> memref<1x1x128x16xf32, #tpu.memory_space<vmem>>
      %dma_start3A_206 = tpu.memref_squeeze %dma_start3A_205 : memref<1x1x128x16xf32, #tpu.memory_space<vmem>> -> memref<128x16xf32, #tpu.memory_space<vmem>>
      %dma_start3A_207 = arith.constant 0 : i32
      %dma_start3A_208 = tpu.memref_slice %arg9[%dma_start3A_199, %dma_start3A_200, %dma_start3A_207] : memref<2x5x128xi32, #tpu.memory_space<vmem>> -> memref<1x1x128xi32, #tpu.memory_space<vmem>>
      %dma_start3A_209 = tpu.memref_squeeze %dma_start3A_208 : memref<1x1x128xi32, #tpu.memory_space<vmem>> -> memref<128xi32, #tpu.memory_space<vmem>>
      %dma_start3A_210 = arith.constant 0 : i32
      %dma_start3A_211 = arith.constant 0 : i32
      %dma_start3A_212 = tpu.memref_slice %arg2[%dma_start3A_210, %dma_start3A_211] : memref<802816x16xf32, #tpu.memory_space<hbm>> -> memref<802816x16xf32, #tpu.memory_space<hbm>>
      tpu.enqueue_indirect_dma source(%dma_start3A_212 : memref<802816x16xf32, #tpu.memory_space<hbm>>) target(%dma_start3A_206 : memref<128x16xf32, #tpu.memory_space<vmem>>) offsets(%dma_start3A_209 : memref<128xi32, #tpu.memory_space<vmem>>) semaphore(%arg14 : memref<!tpu.dma_semaphore, #tpu.memory_space<semaphore_mem>>)
      %dma_start3A_213 = arith.constant 1 : i32
      %dma_start3A_214 = arith.constant 3 : i32
      %dma_start3A_215 = arith.constant 1 : i32
      %dma_start3A_216 = arith.constant 3 : i32
      %dma_start3A_217 = arith.constant 0 : i32
      %dma_start3A_218 = arith.constant 0 : i32
      %dma_start3A_219 = tpu.memref_slice %arg11[%dma_start3A_215, %dma_start3A_216, %dma_start3A_217, %dma_start3A_218] : memref<2x5x128x16xf32, #tpu.memory_space<vmem>> -> memref<1x1x128x16xf32, #tpu.memory_space<vmem>>
      %dma_start3A_220 = tpu.memref_squeeze %dma_start3A_219 : memref<1x1x128x16xf32, #tpu.memory_space<vmem>> -> memref<128x16xf32, #tpu.memory_space<vmem>>
      %dma_start3A_221 = arith.constant 0 : i32
      %dma_start3A_222 = tpu.memref_slice %arg9[%dma_start3A_213, %dma_start3A_214, %dma_start3A_221] : memref<2x5x128xi32, #tpu.memory_space<vmem>> -> memref<1x1x128xi32, #tpu.memory_space<vmem>>
      %dma_start3A_223 = tpu.memref_squeeze %dma_start3A_222 : memref<1x1x128xi32, #tpu.memory_space<vmem>> -> memref<128xi32, #tpu.memory_space<vmem>>
      %dma_start3A_224 = arith.constant 0 : i32
      %dma_start3A_225 = arith.constant 0 : i32
      %dma_start3A_226 = tpu.memref_slice %arg2[%dma_start3A_224, %dma_start3A_225] : memref<802816x16xf32, #tpu.memory_space<hbm>> -> memref<802816x16xf32, #tpu.memory_space<hbm>>
      tpu.enqueue_indirect_dma source(%dma_start3A_226 : memref<802816x16xf32, #tpu.memory_space<hbm>>) target(%dma_start3A_220 : memref<128x16xf32, #tpu.memory_space<vmem>>) offsets(%dma_start3A_223 : memref<128xi32, #tpu.memory_space<vmem>>) semaphore(%arg14 : memref<!tpu.dma_semaphore, #tpu.memory_space<semaphore_mem>>)
      %dma_start3A_227 = arith.constant 1 : i32
      %dma_start3A_228 = arith.constant 4 : i32
      %dma_start3A_229 = arith.constant 1 : i32
      %dma_start3A_230 = arith.constant 4 : i32
      %dma_start3A_231 = arith.constant 0 : i32
      %dma_start3A_232 = arith.constant 0 : i32
      %dma_start3A_233 = tpu.memref_slice %arg11[%dma_start3A_229, %dma_start3A_230, %dma_start3A_231, %dma_start3A_232] : memref<2x5x128x16xf32, #tpu.memory_space<vmem>> -> memref<1x1x128x16xf32, #tpu.memory_space<vmem>>
      %dma_start3A_234 = tpu.memref_squeeze %dma_start3A_233 : memref<1x1x128x16xf32, #tpu.memory_space<vmem>> -> memref<128x16xf32, #tpu.memory_space<vmem>>
      %dma_start3A_235 = arith.constant 0 : i32
      %dma_start3A_236 = tpu.memref_slice %arg9[%dma_start3A_227, %dma_start3A_228, %dma_start3A_235] : memref<2x5x128xi32, #tpu.memory_space<vmem>> -> memref<1x1x128xi32, #tpu.memory_space<vmem>>
      %dma_start3A_237 = tpu.memref_squeeze %dma_start3A_236 : memref<1x1x128xi32, #tpu.memory_space<vmem>> -> memref<128xi32, #tpu.memory_space<vmem>>
      %dma_start3A_238 = arith.constant 0 : i32
      %dma_start3A_239 = arith.constant 0 : i32
      %dma_start3A_240 = tpu.memref_slice %arg2[%dma_start3A_238, %dma_start3A_239] : memref<802816x16xf32, #tpu.memory_space<hbm>> -> memref<802816x16xf32, #tpu.memory_space<hbm>>
      tpu.enqueue_indirect_dma source(%dma_start3A_240 : memref<802816x16xf32, #tpu.memory_space<hbm>>) target(%dma_start3A_234 : memref<128x16xf32, #tpu.memory_space<vmem>>) offsets(%dma_start3A_237 : memref<128xi32, #tpu.memory_space<vmem>>) semaphore(%arg14 : memref<!tpu.dma_semaphore, #tpu.memory_space<semaphore_mem>>)
      %dma_wait3A_241 = arith.constant 0 : i32
      %dma_wait3A_242 = arith.constant 0 : i32
      %dma_wait3A_243 = arith.constant 0 : i32
      %dma_wait3A_244 = arith.constant 0 : i32
      %dma_wait3A_245 = arith.constant 0 : i32
      %dma_wait3A_246 = arith.constant 0 : i32
      %dma_wait3A_247 = tpu.memref_slice %arg11[%dma_wait3A_243, %dma_wait3A_244, %dma_wait3A_245, %dma_wait3A_246] : memref<2x5x128x16xf32, #tpu.memory_space<vmem>> -> memref<1x1x128x16xf32, #tpu.memory_space<vmem>>
      %dma_wait3A_248 = tpu.memref_squeeze %dma_wait3A_247 : memref<1x1x128x16xf32, #tpu.memory_space<vmem>> -> memref<128x16xf32, #tpu.memory_space<vmem>>
      %dma_wait3A_249 = arith.constant 0 : i32
      %dma_wait3A_250 = tpu.memref_slice %arg9[%dma_wait3A_241, %dma_wait3A_242, %dma_wait3A_249] : memref<2x5x128xi32, #tpu.memory_space<vmem>> -> memref<1x1x128xi32, #tpu.memory_space<vmem>>
      %dma_wait3A_251 = tpu.memref_squeeze %dma_wait3A_250 : memref<1x1x128xi32, #tpu.memory_space<vmem>> -> memref<128xi32, #tpu.memory_space<vmem>>
      %dma_wait3A_252 = arith.constant 0 : i32
      %dma_wait3A_253 = arith.constant 0 : i32
      %dma_wait3A_254 = tpu.memref_slice %arg2[%dma_wait3A_252, %dma_wait3A_253] : memref<802816x16xf32, #tpu.memory_space<hbm>> -> memref<802816x16xf32, #tpu.memory_space<hbm>>
      tpu.wait_indirect_dma semaphore(%arg13 : memref<!tpu.dma_semaphore, #tpu.memory_space<semaphore_mem>>) src(%dma_wait3A_254 : memref<802816x16xf32, #tpu.memory_space<hbm>>) dst(%dma_wait3A_248 : memref<128x16xf32, #tpu.memory_space<vmem>>)
      %dma_wait3A_255 = arith.constant 0 : i32
      %dma_wait3A_256 = arith.constant 1 : i32
      %dma_wait3A_257 = arith.constant 0 : i32
      %dma_wait3A_258 = arith.constant 1 : i32
      %dma_wait3A_259 = arith.constant 0 : i32
      %dma_wait3A_260 = arith.constant 0 : i32
      %dma_wait3A_261 = tpu.memref_slice %arg11[%dma_wait3A_257, %dma_wait3A_258, %dma_wait3A_259, %dma_wait3A_260] : memref<2x5x128x16xf32, #tpu.memory_space<vmem>> -> memref<1x1x128x16xf32, #tpu.memory_space<vmem>>
      %dma_wait3A_262 = tpu.memref_squeeze %dma_wait3A_261 : memref<1x1x128x16xf32, #tpu.memory_space<vmem>> -> memref<128x16xf32, #tpu.memory_space<vmem>>
      %dma_wait3A_263 = arith.constant 0 : i32
      %dma_wait3A_264 = tpu.memref_slice %arg9[%dma_wait3A_255, %dma_wait3A_256, %dma_wait3A_263] : memref<2x5x128xi32, #tpu.memory_space<vmem>> -> memref<1x1x128xi32, #tpu.memory_space<vmem>>
      %dma_wait3A_265 = tpu.memref_squeeze %dma_wait3A_264 : memref<1x1x128xi32, #tpu.memory_space<vmem>> -> memref<128xi32, #tpu.memory_space<vmem>>
      %dma_wait3A_266 = arith.constant 0 : i32
      %dma_wait3A_267 = arith.constant 0 : i32
      %dma_wait3A_268 = tpu.memref_slice %arg2[%dma_wait3A_266, %dma_wait3A_267] : memref<802816x16xf32, #tpu.memory_space<hbm>> -> memref<802816x16xf32, #tpu.memory_space<hbm>>
      tpu.wait_indirect_dma semaphore(%arg13 : memref<!tpu.dma_semaphore, #tpu.memory_space<semaphore_mem>>) src(%dma_wait3A_268 : memref<802816x16xf32, #tpu.memory_space<hbm>>) dst(%dma_wait3A_262 : memref<128x16xf32, #tpu.memory_space<vmem>>)
      %dma_wait3A_269 = arith.constant 0 : i32
      %dma_wait3A_270 = arith.constant 2 : i32
      %dma_wait3A_271 = arith.constant 0 : i32
      %dma_wait3A_272 = arith.constant 2 : i32
      %dma_wait3A_273 = arith.constant 0 : i32
      %dma_wait3A_274 = arith.constant 0 : i32
      %dma_wait3A_275 = tpu.memref_slice %arg11[%dma_wait3A_271, %dma_wait3A_272, %dma_wait3A_273, %dma_wait3A_274] : memref<2x5x128x16xf32, #tpu.memory_space<vmem>> -> memref<1x1x128x16xf32, #tpu.memory_space<vmem>>
      %dma_wait3A_276 = tpu.memref_squeeze %dma_wait3A_275 : memref<1x1x128x16xf32, #tpu.memory_space<vmem>> -> memref<128x16xf32, #tpu.memory_space<vmem>>
      %dma_wait3A_277 = arith.constant 0 : i32
      %dma_wait3A_278 = tpu.memref_slice %arg9[%dma_wait3A_269, %dma_wait3A_270, %dma_wait3A_277] : memref<2x5x128xi32, #tpu.memory_space<vmem>> -> memref<1x1x128xi32, #tpu.memory_space<vmem>>
      %dma_wait3A_279 = tpu.memref_squeeze %dma_wait3A_278 : memref<1x1x128xi32, #tpu.memory_space<vmem>> -> memref<128xi32, #tpu.memory_space<vmem>>
      %dma_wait3A_280 = arith.constant 0 : i32
      %dma_wait3A_281 = arith.constant 0 : i32
      %dma_wait3A_282 = tpu.memref_slice %arg2[%dma_wait3A_280, %dma_wait3A_281] : memref<802816x16xf32, #tpu.memory_space<hbm>> -> memref<802816x16xf32, #tpu.memory_space<hbm>>
      tpu.wait_indirect_dma semaphore(%arg13 : memref<!tpu.dma_semaphore, #tpu.memory_space<semaphore_mem>>) src(%dma_wait3A_282 : memref<802816x16xf32, #tpu.memory_space<hbm>>) dst(%dma_wait3A_276 : memref<128x16xf32, #tpu.memory_space<vmem>>)
      %dma_wait3A_283 = arith.constant 0 : i32
      %dma_wait3A_284 = arith.constant 3 : i32
      %dma_wait3A_285 = arith.constant 0 : i32
      %dma_wait3A_286 = arith.constant 3 : i32
      %dma_wait3A_287 = arith.constant 0 : i32
      %dma_wait3A_288 = arith.constant 0 : i32
      %dma_wait3A_289 = tpu.memref_slice %arg11[%dma_wait3A_285, %dma_wait3A_286, %dma_wait3A_287, %dma_wait3A_288] : memref<2x5x128x16xf32, #tpu.memory_space<vmem>> -> memref<1x1x128x16xf32, #tpu.memory_space<vmem>>
      %dma_wait3A_290 = tpu.memref_squeeze %dma_wait3A_289 : memref<1x1x128x16xf32, #tpu.memory_space<vmem>> -> memref<128x16xf32, #tpu.memory_space<vmem>>
      %dma_wait3A_291 = arith.constant 0 : i32
      %dma_wait3A_292 = tpu.memref_slice %arg9[%dma_wait3A_283, %dma_wait3A_284, %dma_wait3A_291] : memref<2x5x128xi32, #tpu.memory_space<vmem>> -> memref<1x1x128xi32, #tpu.memory_space<vmem>>
      %dma_wait3A_293 = tpu.memref_squeeze %dma_wait3A_292 : memref<1x1x128xi32, #tpu.memory_space<vmem>> -> memref<128xi32, #tpu.memory_space<vmem>>
      %dma_wait3A_294 = arith.constant 0 : i32
      %dma_wait3A_295 = arith.constant 0 : i32
      %dma_wait3A_296 = tpu.memref_slice %arg2[%dma_wait3A_294, %dma_wait3A_295] : memref<802816x16xf32, #tpu.memory_space<hbm>> -> memref<802816x16xf32, #tpu.memory_space<hbm>>
      tpu.wait_indirect_dma semaphore(%arg13 : memref<!tpu.dma_semaphore, #tpu.memory_space<semaphore_mem>>) src(%dma_wait3A_296 : memref<802816x16xf32, #tpu.memory_space<hbm>>) dst(%dma_wait3A_290 : memref<128x16xf32, #tpu.memory_space<vmem>>)
      %dma_wait3A_297 = arith.constant 0 : i32
      %dma_wait3A_298 = arith.constant 4 : i32
      %dma_wait3A_299 = arith.constant 0 : i32
      %dma_wait3A_300 = arith.constant 4 : i32
      %dma_wait3A_301 = arith.constant 0 : i32
      %dma_wait3A_302 = arith.constant 0 : i32
      %dma_wait3A_303 = tpu.memref_slice %arg11[%dma_wait3A_299, %dma_wait3A_300, %dma_wait3A_301, %dma_wait3A_302] : memref<2x5x128x16xf32, #tpu.memory_space<vmem>> -> memref<1x1x128x16xf32, #tpu.memory_space<vmem>>
      %dma_wait3A_304 = tpu.memref_squeeze %dma_wait3A_303 : memref<1x1x128x16xf32, #tpu.memory_space<vmem>> -> memref<128x16xf32, #tpu.memory_space<vmem>>
      %dma_wait3A_305 = arith.constant 0 : i32
      %dma_wait3A_306 = tpu.memref_slice %arg9[%dma_wait3A_297, %dma_wait3A_298, %dma_wait3A_305] : memref<2x5x128xi32, #tpu.memory_space<vmem>> -> memref<1x1x128xi32, #tpu.memory_space<vmem>>
      %dma_wait3A_307 = tpu.memref_squeeze %dma_wait3A_306 : memref<1x1x128xi32, #tpu.memory_space<vmem>> -> memref<128xi32, #tpu.memory_space<vmem>>
      %dma_wait3A_308 = arith.constant 0 : i32
      %dma_wait3A_309 = arith.constant 0 : i32
      %dma_wait3A_310 = tpu.memref_slice %arg2[%dma_wait3A_308, %dma_wait3A_309] : memref<802816x16xf32, #tpu.memory_space<hbm>> -> memref<802816x16xf32, #tpu.memory_space<hbm>>
      tpu.wait_indirect_dma semaphore(%arg13 : memref<!tpu.dma_semaphore, #tpu.memory_space<semaphore_mem>>) src(%dma_wait3A_310 : memref<802816x16xf32, #tpu.memory_space<hbm>>) dst(%dma_wait3A_304 : memref<128x16xf32, #tpu.memory_space<vmem>>)
      %dma_start3A_311 = arith.constant 0 : i32
      %dma_start3A_312 = arith.constant 0 : i32
      %dma_start3A_313 = arith.constant 0 : i32
      %dma_start3A_314 = arith.constant 0 : i32
      %dma_start3A_315 = arith.constant 0 : i32
      %dma_start3A_316 = arith.constant 0 : i32
      %dma_start3A_317 = tpu.memref_slice %arg11[%dma_start3A_311, %dma_start3A_312, %dma_start3A_315, %dma_start3A_316] : memref<2x5x128x16xf32, #tpu.memory_space<vmem>> -> memref<1x1x128x16xf32, #tpu.memory_space<vmem>>
      %dma_start3A_318 = tpu.memref_squeeze %dma_start3A_317 : memref<1x1x128x16xf32, #tpu.memory_space<vmem>> -> memref<128x16xf32, #tpu.memory_space<vmem>>
      %dma_start3A_319 = arith.constant 0 : i32
      %dma_start3A_320 = tpu.memref_slice %arg10[%dma_start3A_313, %dma_start3A_314, %dma_start3A_319] : memref<2x5x128xi32, #tpu.memory_space<vmem>> -> memref<1x1x128xi32, #tpu.memory_space<vmem>>
      %dma_start3A_321 = tpu.memref_squeeze %dma_start3A_320 : memref<1x1x128xi32, #tpu.memory_space<vmem>> -> memref<128xi32, #tpu.memory_space<vmem>>
      %dma_start3A_322 = arith.constant 0 : i32
      %dma_start3A_323 = arith.constant 0 : i32
      %dma_start3A_324 = tpu.memref_slice %arg12[%dma_start3A_322, %dma_start3A_323] : memref<100352x16xf32, #tpu.memory_space<vmem_shared>> -> memref<100352x16xf32, #tpu.memory_space<vmem_shared>>
      tpu.enqueue_indirect_dma source(%dma_start3A_318 : memref<128x16xf32, #tpu.memory_space<vmem>>) target(%dma_start3A_324 : memref<100352x16xf32, #tpu.memory_space<vmem_shared>>) offsets(%dma_start3A_321 : memref<128xi32, #tpu.memory_space<vmem>>) semaphore(%arg15 : memref<!tpu.dma_semaphore, #tpu.memory_space<semaphore_mem>>) {add = true}
      %dma_start3A_325 = arith.constant 0 : i32
      %dma_start3A_326 = arith.constant 1 : i32
      %dma_start3A_327 = arith.constant 0 : i32
      %dma_start3A_328 = arith.constant 1 : i32
      %dma_start3A_329 = arith.constant 0 : i32
      %dma_start3A_330 = arith.constant 0 : i32
      %dma_start3A_331 = tpu.memref_slice %arg11[%dma_start3A_325, %dma_start3A_326, %dma_start3A_329, %dma_start3A_330] : memref<2x5x128x16xf32, #tpu.memory_space<vmem>> -> memref<1x1x128x16xf32, #tpu.memory_space<vmem>>
      %dma_start3A_332 = tpu.memref_squeeze %dma_start3A_331 : memref<1x1x128x16xf32, #tpu.memory_space<vmem>> -> memref<128x16xf32, #tpu.memory_space<vmem>>
      %dma_start3A_333 = arith.constant 0 : i32
      %dma_start3A_334 = tpu.memref_slice %arg10[%dma_start3A_327, %dma_start3A_328, %dma_start3A_333] : memref<2x5x128xi32, #tpu.memory_space<vmem>> -> memref<1x1x128xi32, #tpu.memory_space<vmem>>
      %dma_start3A_335 = tpu.memref_squeeze %dma_start3A_334 : memref<1x1x128xi32, #tpu.memory_space<vmem>> -> memref<128xi32, #tpu.memory_space<vmem>>
      %dma_start3A_336 = arith.constant 0 : i32
      %dma_start3A_337 = arith.constant 0 : i32
      %dma_start3A_338 = tpu.memref_slice %arg12[%dma_start3A_336, %dma_start3A_337] : memref<100352x16xf32, #tpu.memory_space<vmem_shared>> -> memref<100352x16xf32, #tpu.memory_space<vmem_shared>>
      tpu.enqueue_indirect_dma source(%dma_start3A_332 : memref<128x16xf32, #tpu.memory_space<vmem>>) target(%dma_start3A_338 : memref<100352x16xf32, #tpu.memory_space<vmem_shared>>) offsets(%dma_start3A_335 : memref<128xi32, #tpu.memory_space<vmem>>) semaphore(%arg15 : memref<!tpu.dma_semaphore, #tpu.memory_space<semaphore_mem>>) {add = true}
      %dma_start3A_339 = arith.constant 0 : i32
      %dma_start3A_340 = arith.constant 2 : i32
      %dma_start3A_341 = arith.constant 0 : i32
      %dma_start3A_342 = arith.constant 2 : i32
      %dma_start3A_343 = arith.constant 0 : i32
      %dma_start3A_344 = arith.constant 0 : i32
      %dma_start3A_345 = tpu.memref_slice %arg11[%dma_start3A_339, %dma_start3A_340, %dma_start3A_343, %dma_start3A_344] : memref<2x5x128x16xf32, #tpu.memory_space<vmem>> -> memref<1x1x128x16xf32, #tpu.memory_space<vmem>>
      %dma_start3A_346 = tpu.memref_squeeze %dma_start3A_345 : memref<1x1x128x16xf32, #tpu.memory_space<vmem>> -> memref<128x16xf32, #tpu.memory_space<vmem>>
      %dma_start3A_347 = arith.constant 0 : i32
      %dma_start3A_348 = tpu.memref_slice %arg10[%dma_start3A_341, %dma_start3A_342, %dma_start3A_347] : memref<2x5x128xi32, #tpu.memory_space<vmem>> -> memref<1x1x128xi32, #tpu.memory_space<vmem>>
      %dma_start3A_349 = tpu.memref_squeeze %dma_start3A_348 : memref<1x1x128xi32, #tpu.memory_space<vmem>> -> memref<128xi32, #tpu.memory_space<vmem>>
      %dma_start3A_350 = arith.constant 0 : i32
      %dma_start3A_351 = arith.constant 0 : i32
      %dma_start3A_352 = tpu.memref_slice %arg12[%dma_start3A_350, %dma_start3A_351] : memref<100352x16xf32, #tpu.memory_space<vmem_shared>> -> memref<100352x16xf32, #tpu.memory_space<vmem_shared>>
      tpu.enqueue_indirect_dma source(%dma_start3A_346 : memref<128x16xf32, #tpu.memory_space<vmem>>) target(%dma_start3A_352 : memref<100352x16xf32, #tpu.memory_space<vmem_shared>>) offsets(%dma_start3A_349 : memref<128xi32, #tpu.memory_space<vmem>>) semaphore(%arg15 : memref<!tpu.dma_semaphore, #tpu.memory_space<semaphore_mem>>) {add = true}
      %dma_start3A_353 = arith.constant 0 : i32
      %dma_start3A_354 = arith.constant 3 : i32
      %dma_start3A_355 = arith.constant 0 : i32
      %dma_start3A_356 = arith.constant 3 : i32
      %dma_start3A_357 = arith.constant 0 : i32
      %dma_start3A_358 = arith.constant 0 : i32
      %dma_start3A_359 = tpu.memref_slice %arg11[%dma_start3A_353, %dma_start3A_354, %dma_start3A_357, %dma_start3A_358] : memref<2x5x128x16xf32, #tpu.memory_space<vmem>> -> memref<1x1x128x16xf32, #tpu.memory_space<vmem>>
      %dma_start3A_360 = tpu.memref_squeeze %dma_start3A_359 : memref<1x1x128x16xf32, #tpu.memory_space<vmem>> -> memref<128x16xf32, #tpu.memory_space<vmem>>
      %dma_start3A_361 = arith.constant 0 : i32
      %dma_start3A_362 = tpu.memref_slice %arg10[%dma_start3A_355, %dma_start3A_356, %dma_start3A_361] : memref<2x5x128xi32, #tpu.memory_space<vmem>> -> memref<1x1x128xi32, #tpu.memory_space<vmem>>
      %dma_start3A_363 = tpu.memref_squeeze %dma_start3A_362 : memref<1x1x128xi32, #tpu.memory_space<vmem>> -> memref<128xi32, #tpu.memory_space<vmem>>
      %dma_start3A_364 = arith.constant 0 : i32
      %dma_start3A_365 = arith.constant 0 : i32
      %dma_start3A_366 = tpu.memref_slice %arg12[%dma_start3A_364, %dma_start3A_365] : memref<100352x16xf32, #tpu.memory_space<vmem_shared>> -> memref<100352x16xf32, #tpu.memory_space<vmem_shared>>
      tpu.enqueue_indirect_dma source(%dma_start3A_360 : memref<128x16xf32, #tpu.memory_space<vmem>>) target(%dma_start3A_366 : memref<100352x16xf32, #tpu.memory_space<vmem_shared>>) offsets(%dma_start3A_363 : memref<128xi32, #tpu.memory_space<vmem>>) semaphore(%arg15 : memref<!tpu.dma_semaphore, #tpu.memory_space<semaphore_mem>>) {add = true}
      %dma_start3A_367 = arith.constant 0 : i32
      %dma_start3A_368 = arith.constant 4 : i32
      %dma_start3A_369 = arith.constant 0 : i32
      %dma_start3A_370 = arith.constant 4 : i32
      %dma_start3A_371 = arith.constant 0 : i32
      %dma_start3A_372 = arith.constant 0 : i32
      %dma_start3A_373 = tpu.memref_slice %arg11[%dma_start3A_367, %dma_start3A_368, %dma_start3A_371, %dma_start3A_372] : memref<2x5x128x16xf32, #tpu.memory_space<vmem>> -> memref<1x1x128x16xf32, #tpu.memory_space<vmem>>
      %dma_start3A_374 = tpu.memref_squeeze %dma_start3A_373 : memref<1x1x128x16xf32, #tpu.memory_space<vmem>> -> memref<128x16xf32, #tpu.memory_space<vmem>>
      %dma_start3A_375 = arith.constant 0 : i32
      %dma_start3A_376 = tpu.memref_slice %arg10[%dma_start3A_369, %dma_start3A_370, %dma_start3A_375] : memref<2x5x128xi32, #tpu.memory_space<vmem>> -> memref<1x1x128xi32, #tpu.memory_space<vmem>>
      %dma_start3A_377 = tpu.memref_squeeze %dma_start3A_376 : memref<1x1x128xi32, #tpu.memory_space<vmem>> -> memref<128xi32, #tpu.memory_space<vmem>>
      %dma_start3A_378 = arith.constant 0 : i32
      %dma_start3A_379 = arith.constant 0 : i32
      %dma_start3A_380 = tpu.memref_slice %arg12[%dma_start3A_378, %dma_start3A_379] : memref<100352x16xf32, #tpu.memory_space<vmem_shared>> -> memref<100352x16xf32, #tpu.memory_space<vmem_shared>>
      tpu.enqueue_indirect_dma source(%dma_start3A_374 : memref<128x16xf32, #tpu.memory_space<vmem>>) target(%dma_start3A_380 : memref<100352x16xf32, #tpu.memory_space<vmem_shared>>) offsets(%dma_start3A_377 : memref<128xi32, #tpu.memory_space<vmem>>) semaphore(%arg15 : memref<!tpu.dma_semaphore, #tpu.memory_space<semaphore_mem>>) {add = true}
      %dma_wait3A_381 = arith.constant 0 : i32
      %dma_wait3A_382 = arith.constant 0 : i32
      %dma_wait3A_383 = arith.constant 0 : i32
      %dma_wait3A_384 = arith.constant 0 : i32
      %dma_wait3A_385 = arith.constant 0 : i32
      %dma_wait3A_386 = arith.constant 0 : i32
      %dma_wait3A_387 = tpu.memref_slice %arg11[%dma_wait3A_381, %dma_wait3A_382, %dma_wait3A_385, %dma_wait3A_386] : memref<2x5x128x16xf32, #tpu.memory_space<vmem>> -> memref<1x1x128x16xf32, #tpu.memory_space<vmem>>
      %dma_wait3A_388 = tpu.memref_squeeze %dma_wait3A_387 : memref<1x1x128x16xf32, #tpu.memory_space<vmem>> -> memref<128x16xf32, #tpu.memory_space<vmem>>
      %dma_wait3A_389 = arith.constant 0 : i32
      %dma_wait3A_390 = tpu.memref_slice %arg10[%dma_wait3A_383, %dma_wait3A_384, %dma_wait3A_389] : memref<2x5x128xi32, #tpu.memory_space<vmem>> -> memref<1x1x128xi32, #tpu.memory_space<vmem>>
      %dma_wait3A_391 = tpu.memref_squeeze %dma_wait3A_390 : memref<1x1x128xi32, #tpu.memory_space<vmem>> -> memref<128xi32, #tpu.memory_space<vmem>>
      %dma_wait3A_392 = arith.constant 0 : i32
      %dma_wait3A_393 = arith.constant 0 : i32
      %dma_wait3A_394 = tpu.memref_slice %arg12[%dma_wait3A_392, %dma_wait3A_393] : memref<100352x16xf32, #tpu.memory_space<vmem_shared>> -> memref<100352x16xf32, #tpu.memory_space<vmem_shared>>
      tpu.wait_indirect_dma semaphore(%arg15 : memref<!tpu.dma_semaphore, #tpu.memory_space<semaphore_mem>>) src(%dma_wait3A_388 : memref<128x16xf32, #tpu.memory_space<vmem>>) dst(%dma_wait3A_394 : memref<100352x16xf32, #tpu.memory_space<vmem_shared>>)
      %dma_wait3A_395 = arith.constant 0 : i32
      %dma_wait3A_396 = arith.constant 1 : i32
      %dma_wait3A_397 = arith.constant 0 : i32
      %dma_wait3A_398 = arith.constant 1 : i32
      %dma_wait3A_399 = arith.constant 0 : i32
      %dma_wait3A_400 = arith.constant 0 : i32
      %dma_wait3A_401 = tpu.memref_slice %arg11[%dma_wait3A_395, %dma_wait3A_396, %dma_wait3A_399, %dma_wait3A_400] : memref<2x5x128x16xf32, #tpu.memory_space<vmem>> -> memref<1x1x128x16xf32, #tpu.memory_space<vmem>>
      %dma_wait3A_402 = tpu.memref_squeeze %dma_wait3A_401 : memref<1x1x128x16xf32, #tpu.memory_space<vmem>> -> memref<128x16xf32, #tpu.memory_space<vmem>>
      %dma_wait3A_403 = arith.constant 0 : i32
      %dma_wait3A_404 = tpu.memref_slice %arg10[%dma_wait3A_397, %dma_wait3A_398, %dma_wait3A_403] : memref<2x5x128xi32, #tpu.memory_space<vmem>> -> memref<1x1x128xi32, #tpu.memory_space<vmem>>
      %dma_wait3A_405 = tpu.memref_squeeze %dma_wait3A_404 : memref<1x1x128xi32, #tpu.memory_space<vmem>> -> memref<128xi32, #tpu.memory_space<vmem>>
      %dma_wait3A_406 = arith.constant 0 : i32
      %dma_wait3A_407 = arith.constant 0 : i32
      %dma_wait3A_408 = tpu.memref_slice %arg12[%dma_wait3A_406, %dma_wait3A_407] : memref<100352x16xf32, #tpu.memory_space<vmem_shared>> -> memref<100352x16xf32, #tpu.memory_space<vmem_shared>>
      tpu.wait_indirect_dma semaphore(%arg15 : memref<!tpu.dma_semaphore, #tpu.memory_space<semaphore_mem>>) src(%dma_wait3A_402 : memref<128x16xf32, #tpu.memory_space<vmem>>) dst(%dma_wait3A_408 : memref<100352x16xf32, #tpu.memory_space<vmem_shared>>)
      %dma_wait3A_409 = arith.constant 0 : i32
      %dma_wait3A_410 = arith.constant 2 : i32
      %dma_wait3A_411 = arith.constant 0 : i32
      %dma_wait3A_412 = arith.constant 2 : i32
      %dma_wait3A_413 = arith.constant 0 : i32
      %dma_wait3A_414 = arith.constant 0 : i32
      %dma_wait3A_415 = tpu.memref_slice %arg11[%dma_wait3A_409, %dma_wait3A_410, %dma_wait3A_413, %dma_wait3A_414] : memref<2x5x128x16xf32, #tpu.memory_space<vmem>> -> memref<1x1x128x16xf32, #tpu.memory_space<vmem>>
      %dma_wait3A_416 = tpu.memref_squeeze %dma_wait3A_415 : memref<1x1x128x16xf32, #tpu.memory_space<vmem>> -> memref<128x16xf32, #tpu.memory_space<vmem>>
      %dma_wait3A_417 = arith.constant 0 : i32
      %dma_wait3A_418 = tpu.memref_slice %arg10[%dma_wait3A_411, %dma_wait3A_412, %dma_wait3A_417] : memref<2x5x128xi32, #tpu.memory_space<vmem>> -> memref<1x1x128xi32, #tpu.memory_space<vmem>>
      %dma_wait3A_419 = tpu.memref_squeeze %dma_wait3A_418 : memref<1x1x128xi32, #tpu.memory_space<vmem>> -> memref<128xi32, #tpu.memory_space<vmem>>
      %dma_wait3A_420 = arith.constant 0 : i32
      %dma_wait3A_421 = arith.constant 0 : i32
      %dma_wait3A_422 = tpu.memref_slice %arg12[%dma_wait3A_420, %dma_wait3A_421] : memref<100352x16xf32, #tpu.memory_space<vmem_shared>> -> memref<100352x16xf32, #tpu.memory_space<vmem_shared>>
      tpu.wait_indirect_dma semaphore(%arg15 : memref<!tpu.dma_semaphore, #tpu.memory_space<semaphore_mem>>) src(%dma_wait3A_416 : memref<128x16xf32, #tpu.memory_space<vmem>>) dst(%dma_wait3A_422 : memref<100352x16xf32, #tpu.memory_space<vmem_shared>>)
      %dma_wait3A_423 = arith.constant 0 : i32
      %dma_wait3A_424 = arith.constant 3 : i32
      %dma_wait3A_425 = arith.constant 0 : i32
      %dma_wait3A_426 = arith.constant 3 : i32
      %dma_wait3A_427 = arith.constant 0 : i32
      %dma_wait3A_428 = arith.constant 0 : i32
      %dma_wait3A_429 = tpu.memref_slice %arg11[%dma_wait3A_423, %dma_wait3A_424, %dma_wait3A_427, %dma_wait3A_428] : memref<2x5x128x16xf32, #tpu.memory_space<vmem>> -> memref<1x1x128x16xf32, #tpu.memory_space<vmem>>
      %dma_wait3A_430 = tpu.memref_squeeze %dma_wait3A_429 : memref<1x1x128x16xf32, #tpu.memory_space<vmem>> -> memref<128x16xf32, #tpu.memory_space<vmem>>
      %dma_wait3A_431 = arith.constant 0 : i32
      %dma_wait3A_432 = tpu.memref_slice %arg10[%dma_wait3A_425, %dma_wait3A_426, %dma_wait3A_431] : memref<2x5x128xi32, #tpu.memory_space<vmem>> -> memref<1x1x128xi32, #tpu.memory_space<vmem>>
      %dma_wait3A_433 = tpu.memref_squeeze %dma_wait3A_432 : memref<1x1x128xi32, #tpu.memory_space<vmem>> -> memref<128xi32, #tpu.memory_space<vmem>>
      %dma_wait3A_434 = arith.constant 0 : i32
      %dma_wait3A_435 = arith.constant 0 : i32
      %dma_wait3A_436 = tpu.memref_slice %arg12[%dma_wait3A_434, %dma_wait3A_435] : memref<100352x16xf32, #tpu.memory_space<vmem_shared>> -> memref<100352x16xf32, #tpu.memory_space<vmem_shared>>
      tpu.wait_indirect_dma semaphore(%arg15 : memref<!tpu.dma_semaphore, #tpu.memory_space<semaphore_mem>>) src(%dma_wait3A_430 : memref<128x16xf32, #tpu.memory_space<vmem>>) dst(%dma_wait3A_436 : memref<100352x16xf32, #tpu.memory_space<vmem_shared>>)
      %dma_wait3A_437 = arith.constant 0 : i32
      %dma_wait3A_438 = arith.constant 4 : i32
      %dma_wait3A_439 = arith.constant 0 : i32
      %dma_wait3A_440 = arith.constant 4 : i32
      %dma_wait3A_441 = arith.constant 0 : i32
      %dma_wait3A_442 = arith.constant 0 : i32
      %dma_wait3A_443 = tpu.memref_slice %arg11[%dma_wait3A_437, %dma_wait3A_438, %dma_wait3A_441, %dma_wait3A_442] : memref<2x5x128x16xf32, #tpu.memory_space<vmem>> -> memref<1x1x128x16xf32, #tpu.memory_space<vmem>>
      %dma_wait3A_444 = tpu.memref_squeeze %dma_wait3A_443 : memref<1x1x128x16xf32, #tpu.memory_space<vmem>> -> memref<128x16xf32, #tpu.memory_space<vmem>>
      %dma_wait3A_445 = arith.constant 0 : i32
      %dma_wait3A_446 = tpu.memref_slice %arg10[%dma_wait3A_439, %dma_wait3A_440, %dma_wait3A_445] : memref<2x5x128xi32, #tpu.memory_space<vmem>> -> memref<1x1x128xi32, #tpu.memory_space<vmem>>
      %dma_wait3A_447 = tpu.memref_squeeze %dma_wait3A_446 : memref<1x1x128xi32, #tpu.memory_space<vmem>> -> memref<128xi32, #tpu.memory_space<vmem>>
      %dma_wait3A_448 = arith.constant 0 : i32
      %dma_wait3A_449 = arith.constant 0 : i32
      %dma_wait3A_450 = tpu.memref_slice %arg12[%dma_wait3A_448, %dma_wait3A_449] : memref<100352x16xf32, #tpu.memory_space<vmem_shared>> -> memref<100352x16xf32, #tpu.memory_space<vmem_shared>>
      tpu.wait_indirect_dma semaphore(%arg15 : memref<!tpu.dma_semaphore, #tpu.memory_space<semaphore_mem>>) src(%dma_wait3A_444 : memref<128x16xf32, #tpu.memory_space<vmem>>) dst(%dma_wait3A_450 : memref<100352x16xf32, #tpu.memory_space<vmem_shared>>)
      %dma_wait3A_451 = arith.constant 1 : i32
      %dma_wait3A_452 = arith.constant 0 : i32
      %dma_wait3A_453 = arith.constant 1 : i32
      %dma_wait3A_454 = arith.constant 0 : i32
      %dma_wait3A_455 = arith.constant 0 : i32
      %dma_wait3A_456 = arith.constant 0 : i32
      %dma_wait3A_457 = tpu.memref_slice %arg11[%dma_wait3A_453, %dma_wait3A_454, %dma_wait3A_455, %dma_wait3A_456] : memref<2x5x128x16xf32, #tpu.memory_space<vmem>> -> memref<1x1x128x16xf32, #tpu.memory_space<vmem>>
      %dma_wait3A_458 = tpu.memref_squeeze %dma_wait3A_457 : memref<1x1x128x16xf32, #tpu.memory_space<vmem>> -> memref<128x16xf32, #tpu.memory_space<vmem>>
      %dma_wait3A_459 = arith.constant 0 : i32
      %dma_wait3A_460 = tpu.memref_slice %arg9[%dma_wait3A_451, %dma_wait3A_452, %dma_wait3A_459] : memref<2x5x128xi32, #tpu.memory_space<vmem>> -> memref<1x1x128xi32, #tpu.memory_space<vmem>>
      %dma_wait3A_461 = tpu.memref_squeeze %dma_wait3A_460 : memref<1x1x128xi32, #tpu.memory_space<vmem>> -> memref<128xi32, #tpu.memory_space<vmem>>
      %dma_wait3A_462 = arith.constant 0 : i32
      %dma_wait3A_463 = arith.constant 0 : i32
      %dma_wait3A_464 = tpu.memref_slice %arg2[%dma_wait3A_462, %dma_wait3A_463] : memref<802816x16xf32, #tpu.memory_space<hbm>> -> memref<802816x16xf32, #tpu.memory_space<hbm>>
      tpu.wait_indirect_dma semaphore(%arg14 : memref<!tpu.dma_semaphore, #tpu.memory_space<semaphore_mem>>) src(%dma_wait3A_464 : memref<802816x16xf32, #tpu.memory_space<hbm>>) dst(%dma_wait3A_458 : memref<128x16xf32, #tpu.memory_space<vmem>>)
      %dma_wait3A_465 = arith.constant 1 : i32
      %dma_wait3A_466 = arith.constant 1 : i32
      %dma_wait3A_467 = arith.constant 1 : i32
      %dma_wait3A_468 = arith.constant 1 : i32
      %dma_wait3A_469 = arith.constant 0 : i32
      %dma_wait3A_470 = arith.constant 0 : i32
      %dma_wait3A_471 = tpu.memref_slice %arg11[%dma_wait3A_467, %dma_wait3A_468, %dma_wait3A_469, %dma_wait3A_470] : memref<2x5x128x16xf32, #tpu.memory_space<vmem>> -> memref<1x1x128x16xf32, #tpu.memory_space<vmem>>
      %dma_wait3A_472 = tpu.memref_squeeze %dma_wait3A_471 : memref<1x1x128x16xf32, #tpu.memory_space<vmem>> -> memref<128x16xf32, #tpu.memory_space<vmem>>
      %dma_wait3A_473 = arith.constant 0 : i32
      %dma_wait3A_474 = tpu.memref_slice %arg9[%dma_wait3A_465, %dma_wait3A_466, %dma_wait3A_473] : memref<2x5x128xi32, #tpu.memory_space<vmem>> -> memref<1x1x128xi32, #tpu.memory_space<vmem>>
      %dma_wait3A_475 = tpu.memref_squeeze %dma_wait3A_474 : memref<1x1x128xi32, #tpu.memory_space<vmem>> -> memref<128xi32, #tpu.memory_space<vmem>>
      %dma_wait3A_476 = arith.constant 0 : i32
      %dma_wait3A_477 = arith.constant 0 : i32
      %dma_wait3A_478 = tpu.memref_slice %arg2[%dma_wait3A_476, %dma_wait3A_477] : memref<802816x16xf32, #tpu.memory_space<hbm>> -> memref<802816x16xf32, #tpu.memory_space<hbm>>
      tpu.wait_indirect_dma semaphore(%arg14 : memref<!tpu.dma_semaphore, #tpu.memory_space<semaphore_mem>>) src(%dma_wait3A_478 : memref<802816x16xf32, #tpu.memory_space<hbm>>) dst(%dma_wait3A_472 : memref<128x16xf32, #tpu.memory_space<vmem>>)
      %dma_wait3A_479 = arith.constant 1 : i32
      %dma_wait3A_480 = arith.constant 2 : i32
      %dma_wait3A_481 = arith.constant 1 : i32
      %dma_wait3A_482 = arith.constant 2 : i32
      %dma_wait3A_483 = arith.constant 0 : i32
      %dma_wait3A_484 = arith.constant 0 : i32
      %dma_wait3A_485 = tpu.memref_slice %arg11[%dma_wait3A_481, %dma_wait3A_482, %dma_wait3A_483, %dma_wait3A_484] : memref<2x5x128x16xf32, #tpu.memory_space<vmem>> -> memref<1x1x128x16xf32, #tpu.memory_space<vmem>>
      %dma_wait3A_486 = tpu.memref_squeeze %dma_wait3A_485 : memref<1x1x128x16xf32, #tpu.memory_space<vmem>> -> memref<128x16xf32, #tpu.memory_space<vmem>>
      %dma_wait3A_487 = arith.constant 0 : i32
      %dma_wait3A_488 = tpu.memref_slice %arg9[%dma_wait3A_479, %dma_wait3A_480, %dma_wait3A_487] : memref<2x5x128xi32, #tpu.memory_space<vmem>> -> memref<1x1x128xi32, #tpu.memory_space<vmem>>
      %dma_wait3A_489 = tpu.memref_squeeze %dma_wait3A_488 : memref<1x1x128xi32, #tpu.memory_space<vmem>> -> memref<128xi32, #tpu.memory_space<vmem>>
      %dma_wait3A_490 = arith.constant 0 : i32
      %dma_wait3A_491 = arith.constant 0 : i32
      %dma_wait3A_492 = tpu.memref_slice %arg2[%dma_wait3A_490, %dma_wait3A_491] : memref<802816x16xf32, #tpu.memory_space<hbm>> -> memref<802816x16xf32, #tpu.memory_space<hbm>>
      tpu.wait_indirect_dma semaphore(%arg14 : memref<!tpu.dma_semaphore, #tpu.memory_space<semaphore_mem>>) src(%dma_wait3A_492 : memref<802816x16xf32, #tpu.memory_space<hbm>>) dst(%dma_wait3A_486 : memref<128x16xf32, #tpu.memory_space<vmem>>)
      %dma_wait3A_493 = arith.constant 1 : i32
      %dma_wait3A_494 = arith.constant 3 : i32
      %dma_wait3A_495 = arith.constant 1 : i32
      %dma_wait3A_496 = arith.constant 3 : i32
      %dma_wait3A_497 = arith.constant 0 : i32
      %dma_wait3A_498 = arith.constant 0 : i32
      %dma_wait3A_499 = tpu.memref_slice %arg11[%dma_wait3A_495, %dma_wait3A_496, %dma_wait3A_497, %dma_wait3A_498] : memref<2x5x128x16xf32, #tpu.memory_space<vmem>> -> memref<1x1x128x16xf32, #tpu.memory_space<vmem>>
      %dma_wait3A_500 = tpu.memref_squeeze %dma_wait3A_499 : memref<1x1x128x16xf32, #tpu.memory_space<vmem>> -> memref<128x16xf32, #tpu.memory_space<vmem>>
      %dma_wait3A_501 = arith.constant 0 : i32
      %dma_wait3A_502 = tpu.memref_slice %arg9[%dma_wait3A_493, %dma_wait3A_494, %dma_wait3A_501] : memref<2x5x128xi32, #tpu.memory_space<vmem>> -> memref<1x1x128xi32, #tpu.memory_space<vmem>>
      %dma_wait3A_503 = tpu.memref_squeeze %dma_wait3A_502 : memref<1x1x128xi32, #tpu.memory_space<vmem>> -> memref<128xi32, #tpu.memory_space<vmem>>
      %dma_wait3A_504 = arith.constant 0 : i32
      %dma_wait3A_505 = arith.constant 0 : i32
      %dma_wait3A_506 = tpu.memref_slice %arg2[%dma_wait3A_504, %dma_wait3A_505] : memref<802816x16xf32, #tpu.memory_space<hbm>> -> memref<802816x16xf32, #tpu.memory_space<hbm>>
      tpu.wait_indirect_dma semaphore(%arg14 : memref<!tpu.dma_semaphore, #tpu.memory_space<semaphore_mem>>) src(%dma_wait3A_506 : memref<802816x16xf32, #tpu.memory_space<hbm>>) dst(%dma_wait3A_500 : memref<128x16xf32, #tpu.memory_space<vmem>>)
      %dma_wait3A_507 = arith.constant 1 : i32
      %dma_wait3A_508 = arith.constant 4 : i32
      %dma_wait3A_509 = arith.constant 1 : i32
      %dma_wait3A_510 = arith.constant 4 : i32
      %dma_wait3A_511 = arith.constant 0 : i32
      %dma_wait3A_512 = arith.constant 0 : i32
      %dma_wait3A_513 = tpu.memref_slice %arg11[%dma_wait3A_509, %dma_wait3A_510, %dma_wait3A_511, %dma_wait3A_512] : memref<2x5x128x16xf32, #tpu.memory_space<vmem>> -> memref<1x1x128x16xf32, #tpu.memory_space<vmem>>
      %dma_wait3A_514 = tpu.memref_squeeze %dma_wait3A_513 : memref<1x1x128x16xf32, #tpu.memory_space<vmem>> -> memref<128x16xf32, #tpu.memory_space<vmem>>
      %dma_wait3A_515 = arith.constant 0 : i32
      %dma_wait3A_516 = tpu.memref_slice %arg9[%dma_wait3A_507, %dma_wait3A_508, %dma_wait3A_515] : memref<2x5x128xi32, #tpu.memory_space<vmem>> -> memref<1x1x128xi32, #tpu.memory_space<vmem>>
      %dma_wait3A_517 = tpu.memref_squeeze %dma_wait3A_516 : memref<1x1x128xi32, #tpu.memory_space<vmem>> -> memref<128xi32, #tpu.memory_space<vmem>>
      %dma_wait3A_518 = arith.constant 0 : i32
      %dma_wait3A_519 = arith.constant 0 : i32
      %dma_wait3A_520 = tpu.memref_slice %arg2[%dma_wait3A_518, %dma_wait3A_519] : memref<802816x16xf32, #tpu.memory_space<hbm>> -> memref<802816x16xf32, #tpu.memory_space<hbm>>
      tpu.wait_indirect_dma semaphore(%arg14 : memref<!tpu.dma_semaphore, #tpu.memory_space<semaphore_mem>>) src(%dma_wait3A_520 : memref<802816x16xf32, #tpu.memory_space<hbm>>) dst(%dma_wait3A_514 : memref<128x16xf32, #tpu.memory_space<vmem>>)
      %dma_start3A_521 = arith.constant 1 : i32
      %dma_start3A_522 = arith.constant 0 : i32
      %dma_start3A_523 = arith.constant 1 : i32
      %dma_start3A_524 = arith.constant 0 : i32
      %dma_start3A_525 = arith.constant 0 : i32
      %dma_start3A_526 = arith.constant 0 : i32
      %dma_start3A_527 = tpu.memref_slice %arg11[%dma_start3A_521, %dma_start3A_522, %dma_start3A_525, %dma_start3A_526] : memref<2x5x128x16xf32, #tpu.memory_space<vmem>> -> memref<1x1x128x16xf32, #tpu.memory_space<vmem>>
      %dma_start3A_528 = tpu.memref_squeeze %dma_start3A_527 : memref<1x1x128x16xf32, #tpu.memory_space<vmem>> -> memref<128x16xf32, #tpu.memory_space<vmem>>
      %dma_start3A_529 = arith.constant 0 : i32
      %dma_start3A_530 = tpu.memref_slice %arg10[%dma_start3A_523, %dma_start3A_524, %dma_start3A_529] : memref<2x5x128xi32, #tpu.memory_space<vmem>> -> memref<1x1x128xi32, #tpu.memory_space<vmem>>
      %dma_start3A_531 = tpu.memref_squeeze %dma_start3A_530 : memref<1x1x128xi32, #tpu.memory_space<vmem>> -> memref<128xi32, #tpu.memory_space<vmem>>
      %dma_start3A_532 = arith.constant 0 : i32
      %dma_start3A_533 = arith.constant 0 : i32
      %dma_start3A_534 = tpu.memref_slice %arg12[%dma_start3A_532, %dma_start3A_533] : memref<100352x16xf32, #tpu.memory_space<vmem_shared>> -> memref<100352x16xf32, #tpu.memory_space<vmem_shared>>
      tpu.enqueue_indirect_dma source(%dma_start3A_528 : memref<128x16xf32, #tpu.memory_space<vmem>>) target(%dma_start3A_534 : memref<100352x16xf32, #tpu.memory_space<vmem_shared>>) offsets(%dma_start3A_531 : memref<128xi32, #tpu.memory_space<vmem>>) semaphore(%arg16 : memref<!tpu.dma_semaphore, #tpu.memory_space<semaphore_mem>>) {add = true}
      %dma_start3A_535 = arith.constant 1 : i32
      %dma_start3A_536 = arith.constant 1 : i32
      %dma_start3A_537 = arith.constant 1 : i32
      %dma_start3A_538 = arith.constant 1 : i32
      %dma_start3A_539 = arith.constant 0 : i32
      %dma_start3A_540 = arith.constant 0 : i32
      %dma_start3A_541 = tpu.memref_slice %arg11[%dma_start3A_535, %dma_start3A_536, %dma_start3A_539, %dma_start3A_540] : memref<2x5x128x16xf32, #tpu.memory_space<vmem>> -> memref<1x1x128x16xf32, #tpu.memory_space<vmem>>
      %dma_start3A_542 = tpu.memref_squeeze %dma_start3A_541 : memref<1x1x128x16xf32, #tpu.memory_space<vmem>> -> memref<128x16xf32, #tpu.memory_space<vmem>>
      %dma_start3A_543 = arith.constant 0 : i32
      %dma_start3A_544 = tpu.memref_slice %arg10[%dma_start3A_537, %dma_start3A_538, %dma_start3A_543] : memref<2x5x128xi32, #tpu.memory_space<vmem>> -> memref<1x1x128xi32, #tpu.memory_space<vmem>>
      %dma_start3A_545 = tpu.memref_squeeze %dma_start3A_544 : memref<1x1x128xi32, #tpu.memory_space<vmem>> -> memref<128xi32, #tpu.memory_space<vmem>>
      %dma_start3A_546 = arith.constant 0 : i32
      %dma_start3A_547 = arith.constant 0 : i32
      %dma_start3A_548 = tpu.memref_slice %arg12[%dma_start3A_546, %dma_start3A_547] : memref<100352x16xf32, #tpu.memory_space<vmem_shared>> -> memref<100352x16xf32, #tpu.memory_space<vmem_shared>>
      tpu.enqueue_indirect_dma source(%dma_start3A_542 : memref<128x16xf32, #tpu.memory_space<vmem>>) target(%dma_start3A_548 : memref<100352x16xf32, #tpu.memory_space<vmem_shared>>) offsets(%dma_start3A_545 : memref<128xi32, #tpu.memory_space<vmem>>) semaphore(%arg16 : memref<!tpu.dma_semaphore, #tpu.memory_space<semaphore_mem>>) {add = true}
      %dma_start3A_549 = arith.constant 1 : i32
      %dma_start3A_550 = arith.constant 2 : i32
      %dma_start3A_551 = arith.constant 1 : i32
      %dma_start3A_552 = arith.constant 2 : i32
      %dma_start3A_553 = arith.constant 0 : i32
      %dma_start3A_554 = arith.constant 0 : i32
      %dma_start3A_555 = tpu.memref_slice %arg11[%dma_start3A_549, %dma_start3A_550, %dma_start3A_553, %dma_start3A_554] : memref<2x5x128x16xf32, #tpu.memory_space<vmem>> -> memref<1x1x128x16xf32, #tpu.memory_space<vmem>>
      %dma_start3A_556 = tpu.memref_squeeze %dma_start3A_555 : memref<1x1x128x16xf32, #tpu.memory_space<vmem>> -> memref<128x16xf32, #tpu.memory_space<vmem>>
      %dma_start3A_557 = arith.constant 0 : i32
      %dma_start3A_558 = tpu.memref_slice %arg10[%dma_start3A_551, %dma_start3A_552, %dma_start3A_557] : memref<2x5x128xi32, #tpu.memory_space<vmem>> -> memref<1x1x128xi32, #tpu.memory_space<vmem>>
      %dma_start3A_559 = tpu.memref_squeeze %dma_start3A_558 : memref<1x1x128xi32, #tpu.memory_space<vmem>> -> memref<128xi32, #tpu.memory_space<vmem>>
      %dma_start3A_560 = arith.constant 0 : i32
      %dma_start3A_561 = arith.constant 0 : i32
      %dma_start3A_562 = tpu.memref_slice %arg12[%dma_start3A_560, %dma_start3A_561] : memref<100352x16xf32, #tpu.memory_space<vmem_shared>> -> memref<100352x16xf32, #tpu.memory_space<vmem_shared>>
      tpu.enqueue_indirect_dma source(%dma_start3A_556 : memref<128x16xf32, #tpu.memory_space<vmem>>) target(%dma_start3A_562 : memref<100352x16xf32, #tpu.memory_space<vmem_shared>>) offsets(%dma_start3A_559 : memref<128xi32, #tpu.memory_space<vmem>>) semaphore(%arg16 : memref<!tpu.dma_semaphore, #tpu.memory_space<semaphore_mem>>) {add = true}
      %dma_start3A_563 = arith.constant 1 : i32
      %dma_start3A_564 = arith.constant 3 : i32
      %dma_start3A_565 = arith.constant 1 : i32
      %dma_start3A_566 = arith.constant 3 : i32
      %dma_start3A_567 = arith.constant 0 : i32
      %dma_start3A_568 = arith.constant 0 : i32
      %dma_start3A_569 = tpu.memref_slice %arg11[%dma_start3A_563, %dma_start3A_564, %dma_start3A_567, %dma_start3A_568] : memref<2x5x128x16xf32, #tpu.memory_space<vmem>> -> memref<1x1x128x16xf32, #tpu.memory_space<vmem>>
      %dma_start3A_570 = tpu.memref_squeeze %dma_start3A_569 : memref<1x1x128x16xf32, #tpu.memory_space<vmem>> -> memref<128x16xf32, #tpu.memory_space<vmem>>
      %dma_start3A_571 = arith.constant 0 : i32
      %dma_start3A_572 = tpu.memref_slice %arg10[%dma_start3A_565, %dma_start3A_566, %dma_start3A_571] : memref<2x5x128xi32, #tpu.memory_space<vmem>> -> memref<1x1x128xi32, #tpu.memory_space<vmem>>
      %dma_start3A_573 = tpu.memref_squeeze %dma_start3A_572 : memref<1x1x128xi32, #tpu.memory_space<vmem>> -> memref<128xi32, #tpu.memory_space<vmem>>
      %dma_start3A_574 = arith.constant 0 : i32
      %dma_start3A_575 = arith.constant 0 : i32
      %dma_start3A_576 = tpu.memref_slice %arg12[%dma_start3A_574, %dma_start3A_575] : memref<100352x16xf32, #tpu.memory_space<vmem_shared>> -> memref<100352x16xf32, #tpu.memory_space<vmem_shared>>
      tpu.enqueue_indirect_dma source(%dma_start3A_570 : memref<128x16xf32, #tpu.memory_space<vmem>>) target(%dma_start3A_576 : memref<100352x16xf32, #tpu.memory_space<vmem_shared>>) offsets(%dma_start3A_573 : memref<128xi32, #tpu.memory_space<vmem>>) semaphore(%arg16 : memref<!tpu.dma_semaphore, #tpu.memory_space<semaphore_mem>>) {add = true}
      %dma_start3A_577 = arith.constant 1 : i32
      %dma_start3A_578 = arith.constant 4 : i32
      %dma_start3A_579 = arith.constant 1 : i32
      %dma_start3A_580 = arith.constant 4 : i32
      %dma_start3A_581 = arith.constant 0 : i32
      %dma_start3A_582 = arith.constant 0 : i32
      %dma_start3A_583 = tpu.memref_slice %arg11[%dma_start3A_577, %dma_start3A_578, %dma_start3A_581, %dma_start3A_582] : memref<2x5x128x16xf32, #tpu.memory_space<vmem>> -> memref<1x1x128x16xf32, #tpu.memory_space<vmem>>
      %dma_start3A_584 = tpu.memref_squeeze %dma_start3A_583 : memref<1x1x128x16xf32, #tpu.memory_space<vmem>> -> memref<128x16xf32, #tpu.memory_space<vmem>>
      %dma_start3A_585 = arith.constant 0 : i32
      %dma_start3A_586 = tpu.memref_slice %arg10[%dma_start3A_579, %dma_start3A_580, %dma_start3A_585] : memref<2x5x128xi32, #tpu.memory_space<vmem>> -> memref<1x1x128xi32, #tpu.memory_space<vmem>>
      %dma_start3A_587 = tpu.memref_squeeze %dma_start3A_586 : memref<1x1x128xi32, #tpu.memory_space<vmem>> -> memref<128xi32, #tpu.memory_space<vmem>>
      %dma_start3A_588 = arith.constant 0 : i32
      %dma_start3A_589 = arith.constant 0 : i32
      %dma_start3A_590 = tpu.memref_slice %arg12[%dma_start3A_588, %dma_start3A_589] : memref<100352x16xf32, #tpu.memory_space<vmem_shared>> -> memref<100352x16xf32, #tpu.memory_space<vmem_shared>>
      tpu.enqueue_indirect_dma source(%dma_start3A_584 : memref<128x16xf32, #tpu.memory_space<vmem>>) target(%dma_start3A_590 : memref<100352x16xf32, #tpu.memory_space<vmem_shared>>) offsets(%dma_start3A_587 : memref<128xi32, #tpu.memory_space<vmem>>) semaphore(%arg16 : memref<!tpu.dma_semaphore, #tpu.memory_space<semaphore_mem>>) {add = true}
      %dma_wait3A_591 = arith.constant 1 : i32
      %dma_wait3A_592 = arith.constant 0 : i32
      %dma_wait3A_593 = arith.constant 1 : i32
      %dma_wait3A_594 = arith.constant 0 : i32
      %dma_wait3A_595 = arith.constant 0 : i32
      %dma_wait3A_596 = arith.constant 0 : i32
      %dma_wait3A_597 = tpu.memref_slice %arg11[%dma_wait3A_591, %dma_wait3A_592, %dma_wait3A_595, %dma_wait3A_596] : memref<2x5x128x16xf32, #tpu.memory_space<vmem>> -> memref<1x1x128x16xf32, #tpu.memory_space<vmem>>
      %dma_wait3A_598 = tpu.memref_squeeze %dma_wait3A_597 : memref<1x1x128x16xf32, #tpu.memory_space<vmem>> -> memref<128x16xf32, #tpu.memory_space<vmem>>
      %dma_wait3A_599 = arith.constant 0 : i32
      %dma_wait3A_600 = tpu.memref_slice %arg10[%dma_wait3A_593, %dma_wait3A_594, %dma_wait3A_599] : memref<2x5x128xi32, #tpu.memory_space<vmem>> -> memref<1x1x128xi32, #tpu.memory_space<vmem>>
      %dma_wait3A_601 = tpu.memref_squeeze %dma_wait3A_600 : memref<1x1x128xi32, #tpu.memory_space<vmem>> -> memref<128xi32, #tpu.memory_space<vmem>>
      %dma_wait3A_602 = arith.constant 0 : i32
      %dma_wait3A_603 = arith.constant 0 : i32
      %dma_wait3A_604 = tpu.memref_slice %arg12[%dma_wait3A_602, %dma_wait3A_603] : memref<100352x16xf32, #tpu.memory_space<vmem_shared>> -> memref<100352x16xf32, #tpu.memory_space<vmem_shared>>
      tpu.wait_indirect_dma semaphore(%arg16 : memref<!tpu.dma_semaphore, #tpu.memory_space<semaphore_mem>>) src(%dma_wait3A_598 : memref<128x16xf32, #tpu.memory_space<vmem>>) dst(%dma_wait3A_604 : memref<100352x16xf32, #tpu.memory_space<vmem_shared>>)
      %dma_wait3A_605 = arith.constant 1 : i32
      %dma_wait3A_606 = arith.constant 1 : i32
      %dma_wait3A_607 = arith.constant 1 : i32
      %dma_wait3A_608 = arith.constant 1 : i32
      %dma_wait3A_609 = arith.constant 0 : i32
      %dma_wait3A_610 = arith.constant 0 : i32
      %dma_wait3A_611 = tpu.memref_slice %arg11[%dma_wait3A_605, %dma_wait3A_606, %dma_wait3A_609, %dma_wait3A_610] : memref<2x5x128x16xf32, #tpu.memory_space<vmem>> -> memref<1x1x128x16xf32, #tpu.memory_space<vmem>>
      %dma_wait3A_612 = tpu.memref_squeeze %dma_wait3A_611 : memref<1x1x128x16xf32, #tpu.memory_space<vmem>> -> memref<128x16xf32, #tpu.memory_space<vmem>>
      %dma_wait3A_613 = arith.constant 0 : i32
      %dma_wait3A_614 = tpu.memref_slice %arg10[%dma_wait3A_607, %dma_wait3A_608, %dma_wait3A_613] : memref<2x5x128xi32, #tpu.memory_space<vmem>> -> memref<1x1x128xi32, #tpu.memory_space<vmem>>
      %dma_wait3A_615 = tpu.memref_squeeze %dma_wait3A_614 : memref<1x1x128xi32, #tpu.memory_space<vmem>> -> memref<128xi32, #tpu.memory_space<vmem>>
      %dma_wait3A_616 = arith.constant 0 : i32
      %dma_wait3A_617 = arith.constant 0 : i32
      %dma_wait3A_618 = tpu.memref_slice %arg12[%dma_wait3A_616, %dma_wait3A_617] : memref<100352x16xf32, #tpu.memory_space<vmem_shared>> -> memref<100352x16xf32, #tpu.memory_space<vmem_shared>>
      tpu.wait_indirect_dma semaphore(%arg16 : memref<!tpu.dma_semaphore, #tpu.memory_space<semaphore_mem>>) src(%dma_wait3A_612 : memref<128x16xf32, #tpu.memory_space<vmem>>) dst(%dma_wait3A_618 : memref<100352x16xf32, #tpu.memory_space<vmem_shared>>)
      %dma_wait3A_619 = arith.constant 1 : i32
      %dma_wait3A_620 = arith.constant 2 : i32
      %dma_wait3A_621 = arith.constant 1 : i32
      %dma_wait3A_622 = arith.constant 2 : i32
      %dma_wait3A_623 = arith.constant 0 : i32
      %dma_wait3A_624 = arith.constant 0 : i32
      %dma_wait3A_625 = tpu.memref_slice %arg11[%dma_wait3A_619, %dma_wait3A_620, %dma_wait3A_623, %dma_wait3A_624] : memref<2x5x128x16xf32, #tpu.memory_space<vmem>> -> memref<1x1x128x16xf32, #tpu.memory_space<vmem>>
      %dma_wait3A_626 = tpu.memref_squeeze %dma_wait3A_625 : memref<1x1x128x16xf32, #tpu.memory_space<vmem>> -> memref<128x16xf32, #tpu.memory_space<vmem>>
      %dma_wait3A_627 = arith.constant 0 : i32
      %dma_wait3A_628 = tpu.memref_slice %arg10[%dma_wait3A_621, %dma_wait3A_622, %dma_wait3A_627] : memref<2x5x128xi32, #tpu.memory_space<vmem>> -> memref<1x1x128xi32, #tpu.memory_space<vmem>>
      %dma_wait3A_629 = tpu.memref_squeeze %dma_wait3A_628 : memref<1x1x128xi32, #tpu.memory_space<vmem>> -> memref<128xi32, #tpu.memory_space<vmem>>
      %dma_wait3A_630 = arith.constant 0 : i32
      %dma_wait3A_631 = arith.constant 0 : i32
      %dma_wait3A_632 = tpu.memref_slice %arg12[%dma_wait3A_630, %dma_wait3A_631] : memref<100352x16xf32, #tpu.memory_space<vmem_shared>> -> memref<100352x16xf32, #tpu.memory_space<vmem_shared>>
      tpu.wait_indirect_dma semaphore(%arg16 : memref<!tpu.dma_semaphore, #tpu.memory_space<semaphore_mem>>) src(%dma_wait3A_626 : memref<128x16xf32, #tpu.memory_space<vmem>>) dst(%dma_wait3A_632 : memref<100352x16xf32, #tpu.memory_space<vmem_shared>>)
      %dma_wait3A_633 = arith.constant 1 : i32
      %dma_wait3A_634 = arith.constant 3 : i32
      %dma_wait3A_635 = arith.constant 1 : i32
      %dma_wait3A_636 = arith.constant 3 : i32
      %dma_wait3A_637 = arith.constant 0 : i32
      %dma_wait3A_638 = arith.constant 0 : i32
      %dma_wait3A_639 = tpu.memref_slice %arg11[%dma_wait3A_633, %dma_wait3A_634, %dma_wait3A_637, %dma_wait3A_638] : memref<2x5x128x16xf32, #tpu.memory_space<vmem>> -> memref<1x1x128x16xf32, #tpu.memory_space<vmem>>
      %dma_wait3A_640 = tpu.memref_squeeze %dma_wait3A_639 : memref<1x1x128x16xf32, #tpu.memory_space<vmem>> -> memref<128x16xf32, #tpu.memory_space<vmem>>
      %dma_wait3A_641 = arith.constant 0 : i32
      %dma_wait3A_642 = tpu.memref_slice %arg10[%dma_wait3A_635, %dma_wait3A_636, %dma_wait3A_641] : memref<2x5x128xi32, #tpu.memory_space<vmem>> -> memref<1x1x128xi32, #tpu.memory_space<vmem>>
      %dma_wait3A_643 = tpu.memref_squeeze %dma_wait3A_642 : memref<1x1x128xi32, #tpu.memory_space<vmem>> -> memref<128xi32, #tpu.memory_space<vmem>>
      %dma_wait3A_644 = arith.constant 0 : i32
      %dma_wait3A_645 = arith.constant 0 : i32
      %dma_wait3A_646 = tpu.memref_slice %arg12[%dma_wait3A_644, %dma_wait3A_645] : memref<100352x16xf32, #tpu.memory_space<vmem_shared>> -> memref<100352x16xf32, #tpu.memory_space<vmem_shared>>
      tpu.wait_indirect_dma semaphore(%arg16 : memref<!tpu.dma_semaphore, #tpu.memory_space<semaphore_mem>>) src(%dma_wait3A_640 : memref<128x16xf32, #tpu.memory_space<vmem>>) dst(%dma_wait3A_646 : memref<100352x16xf32, #tpu.memory_space<vmem_shared>>)
      %dma_wait3A_647 = arith.constant 1 : i32
      %dma_wait3A_648 = arith.constant 4 : i32
      %dma_wait3A_649 = arith.constant 1 : i32
      %dma_wait3A_650 = arith.constant 4 : i32
      %dma_wait3A_651 = arith.constant 0 : i32
      %dma_wait3A_652 = arith.constant 0 : i32
      %dma_wait3A_653 = tpu.memref_slice %arg11[%dma_wait3A_647, %dma_wait3A_648, %dma_wait3A_651, %dma_wait3A_652] : memref<2x5x128x16xf32, #tpu.memory_space<vmem>> -> memref<1x1x128x16xf32, #tpu.memory_space<vmem>>
      %dma_wait3A_654 = tpu.memref_squeeze %dma_wait3A_653 : memref<1x1x128x16xf32, #tpu.memory_space<vmem>> -> memref<128x16xf32, #tpu.memory_space<vmem>>
      %dma_wait3A_655 = arith.constant 0 : i32
      %dma_wait3A_656 = tpu.memref_slice %arg10[%dma_wait3A_649, %dma_wait3A_650, %dma_wait3A_655] : memref<2x5x128xi32, #tpu.memory_space<vmem>> -> memref<1x1x128xi32, #tpu.memory_space<vmem>>
      %dma_wait3A_657 = tpu.memref_squeeze %dma_wait3A_656 : memref<1x1x128xi32, #tpu.memory_space<vmem>> -> memref<128xi32, #tpu.memory_space<vmem>>
      %dma_wait3A_658 = arith.constant 0 : i32
      %dma_wait3A_659 = arith.constant 0 : i32
      %dma_wait3A_660 = tpu.memref_slice %arg12[%dma_wait3A_658, %dma_wait3A_659] : memref<100352x16xf32, #tpu.memory_space<vmem_shared>> -> memref<100352x16xf32, #tpu.memory_space<vmem_shared>>
      tpu.wait_indirect_dma semaphore(%arg16 : memref<!tpu.dma_semaphore, #tpu.memory_space<semaphore_mem>>) src(%dma_wait3A_654 : memref<128x16xf32, #tpu.memory_space<vmem>>) dst(%dma_wait3A_660 : memref<100352x16xf32, #tpu.memory_space<vmem_shared>>)
      %barrier3A_661 = arith.constant 0 : index
      tpu.barrier barrier_id(%barrier3A_661)
      "tpu.region"() ({
        %run_scoped3A_662 = tpu.sem_alloc : memref<!tpu.dma_semaphore, #tpu.memory_space<semaphore_mem>>
        %dma_start3A_663 = arith.constant 0 : i32
        %dma_start3A_664 = tpu.memref_slice %arg8[%mul3A_7, %dma_start3A_663] : memref<100352x16xf32, #tpu.memory_space<hbm>> -> memref<6272x16xf32, #tpu.memory_space<hbm>>
        %dma_start3A_665 = arith.constant 0 : i32
        %dma_start3A_666 = tpu.memref_slice %arg12[%mul3A_7, %dma_start3A_665] : memref<100352x16xf32, #tpu.memory_space<vmem_shared>> -> memref<6272x16xf32, #tpu.memory_space<vmem_shared>>
        tpu.enqueue_dma source(%dma_start3A_666 : memref<6272x16xf32, #tpu.memory_space<vmem_shared>>) target(%dma_start3A_664 : memref<6272x16xf32, #tpu.memory_space<hbm>>) target_semaphore(%run_scoped3A_662 : memref<!tpu.dma_semaphore, #tpu.memory_space<semaphore_mem>>)
        %dma_wait3A_667 = arith.constant 0 : i32
        %dma_wait3A_668 = tpu.memref_slice %arg8[%mul3A_7, %dma_wait3A_667] : memref<100352x16xf32, #tpu.memory_space<hbm>> -> memref<6272x16xf32, #tpu.memory_space<hbm>>
        %dma_wait3A_669 = arith.constant 0 : i32
        %dma_wait3A_670 = tpu.memref_slice %arg12[%mul3A_7, %dma_wait3A_669] : memref<100352x16xf32, #tpu.memory_space<vmem_shared>> -> memref<6272x16xf32, #tpu.memory_space<vmem_shared>>
        tpu.wait_dma2 semaphore(%run_scoped3A_662 : memref<!tpu.dma_semaphore, #tpu.memory_space<semaphore_mem>>) src(%dma_wait3A_670 : memref<6272x16xf32, #tpu.memory_space<vmem_shared>>) dst(%dma_wait3A_668 : memref<6272x16xf32, #tpu.memory_space<hbm>>)
        tpu.yield
      }) : () -> ()
    } else {
    }
    return
  }
}

module attributes {stable_mosaic.version = 14 : i64} {
  func.func @_enc_body(%arg0: i32, %arg1: memref<1024x128xf32, #tpu.memory_space<vmem>>, %arg2: memref<1x1x1024xi32, #tpu.memory_space<vmem>>, %arg3: memref<128x64xf32, #tpu.memory_space<vmem>>, %arg4: memref<128x32xf32, #tpu.memory_space<vmem>>, %arg5: memref<1x32xf32, #tpu.memory_space<vmem>>, %arg6: memref<64x32xf32, #tpu.memory_space<vmem>>, %arg7: memref<1x32xf32, #tpu.memory_space<vmem>>, %arg8: memref<96x32xf32, #tpu.memory_space<vmem>>, %arg9: memref<1x32xf32, #tpu.memory_space<vmem>>, %arg10: memref<32x32xf32, #tpu.memory_space<vmem>>, %arg11: memref<1x32xf32, #tpu.memory_space<vmem>>, %arg12: memref<32x32xf32, #tpu.memory_space<vmem>>, %arg13: memref<1x32xf32, #tpu.memory_space<vmem>>, %arg14: memref<1024x128xf32, #tpu.memory_space<vmem>>) attributes {dimension_semantics = [#tpu.dimension_semantics<arbitrary>], iteration_bounds = array<i64: 98>, scalar_prefetch = 0 : i64, scratch_operands = 0 : i64, tpu.core_type = #tpu.core_type<tc>, window_params = [{transform_indices = @transform_0, window_bounds = array<i64: 1024, 128>}, {transform_indices = @transform_1, window_bounds = array<i64: 1, 1, 1024>}, {pipeline_mode = #tpu.pipeline_mode<synchronous>, transform_indices = @transform_2, window_bounds = array<i64: 128, 64>}, {pipeline_mode = #tpu.pipeline_mode<synchronous>, transform_indices = @transform_3, window_bounds = array<i64: 128, 32>}, {pipeline_mode = #tpu.pipeline_mode<synchronous>, transform_indices = @transform_4, window_bounds = array<i64: 1, 32>}, {pipeline_mode = #tpu.pipeline_mode<synchronous>, transform_indices = @transform_5, window_bounds = array<i64: 64, 32>}, {pipeline_mode = #tpu.pipeline_mode<synchronous>, transform_indices = @transform_6, window_bounds = array<i64: 1, 32>}, {pipeline_mode = #tpu.pipeline_mode<synchronous>, transform_indices = @transform_7, window_bounds = array<i64: 96, 32>}, {pipeline_mode = #tpu.pipeline_mode<synchronous>, transform_indices = @transform_8, window_bounds = array<i64: 1, 32>}, {pipeline_mode = #tpu.pipeline_mode<synchronous>, transform_indices = @transform_9, window_bounds = array<i64: 32, 32>}, {pipeline_mode = #tpu.pipeline_mode<synchronous>, transform_indices = @transform_10, window_bounds = array<i64: 1, 32>}, {pipeline_mode = #tpu.pipeline_mode<synchronous>, transform_indices = @transform_11, window_bounds = array<i64: 32, 32>}, {pipeline_mode = #tpu.pipeline_mode<synchronous>, transform_indices = @transform_12, window_bounds = array<i64: 1, 32>}, {transform_indices = @transform_13, window_bounds = array<i64: 1024, 128>}]} {
    %get3A = arith.constant 0 : index
    %get3A_0 = arith.constant 0 : index
    %get3A_1 = vector.load %arg3[%get3A, %get3A_0] : memref<128x64xf32, #tpu.memory_space<vmem>>, vector<128x64xf32>
    %get3A_2 = arith.constant 0 : index
    %get3A_3 = arith.constant 0 : index
    %get3A_4 = vector.load %arg6[%get3A_2, %get3A_3] : memref<64x32xf32, #tpu.memory_space<vmem>>, vector<64x32xf32>
    %dot_general3A = arith.constant dense<0.000000e+00> : vector<128x32xf32>
    %dot_general3A_5 = tpu.matmul %get3A_1, %get3A_4, %dot_general3A {dimension_numbers = #tpu.dot_dimension_numbers<[1], [0], [0], [1], [0, 0, 1, 1], [], []>, transpose_lhs_hint = false} : vector<128x64xf32>, vector<64x32xf32>, vector<128x32xf32> -> vector<128x32xf32>
    %get3A_6 = arith.constant 0 : index
    %get3A_7 = arith.constant 0 : index
    %get3A_8 = vector.load %arg7[%get3A_6, %get3A_7] : memref<1x32xf32, #tpu.memory_space<vmem>>, vector<1x32xf32>
    %add3A = vector.broadcast %get3A_8 : vector<1x32xf32> to vector<128x32xf32>
    %add3A_9 = arith.addf %dot_general3A_5, %add3A : vector<128x32xf32>
    %max3A = arith.constant 0.000000e+00 : f32
    %max3A_10 = vector.broadcast %max3A : f32 to vector<128x32xf32>
    %max3A_11 = arith.maximumf %add3A_9, %max3A_10 : vector<128x32xf32>
    %get3A_12 = arith.constant 0 : index
    %get3A_13 = arith.constant 0 : index
    %get3A_14 = vector.load %arg1[%get3A_12, %get3A_13] : memref<1024x128xf32, #tpu.memory_space<vmem>>, vector<1024x128xf32>
    %get3A_15 = arith.constant 0 : index
    %get3A_16 = arith.constant 0 : index
    %get3A_17 = vector.load %arg4[%get3A_15, %get3A_16] : memref<128x32xf32, #tpu.memory_space<vmem>>, vector<128x32xf32>
    %dot_general3A_18 = arith.constant dense<0.000000e+00> : vector<1024x32xf32>
    %dot_general3A_19 = tpu.matmul %get3A_14, %get3A_17, %dot_general3A_18 {dimension_numbers = #tpu.dot_dimension_numbers<[1], [0], [0], [1], [0, 0, 1, 1], [], []>, transpose_lhs_hint = false} : vector<1024x128xf32>, vector<128x32xf32>, vector<1024x32xf32> -> vector<1024x32xf32>
    %get3A_20 = arith.constant 0 : index
    %get3A_21 = arith.constant 0 : index
    %get3A_22 = vector.load %arg5[%get3A_20, %get3A_21] : memref<1x32xf32, #tpu.memory_space<vmem>>, vector<1x32xf32>
    %add3A_23 = vector.broadcast %get3A_22 : vector<1x32xf32> to vector<1024x32xf32>
    %add3A_24 = arith.addf %dot_general3A_19, %add3A_23 : vector<1024x32xf32>
    %max3A_25 = arith.constant 0.000000e+00 : f32
    %max3A_26 = vector.broadcast %max3A_25 : f32 to vector<1024x32xf32>
    %max3A_27 = arith.maximumf %add3A_24, %max3A_26 : vector<1024x32xf32>
    %get3A_28 = arith.constant 0 : index
    %get3A_29 = arith.constant 0 : index
    %get3A_30 = arith.constant 0 : index
    %get3A_31 = vector.load %arg2[%get3A_28, %get3A_29, %get3A_30] : memref<1x1x1024xi32, #tpu.memory_space<vmem>>, vector<1x1x1024xi32>
    %get3A_32 = vector.shape_cast %get3A_31 : vector<1x1x1024xi32> to vector<1024xi32>
    %broadcast_in_dim3A = vector.shape_cast %get3A_32 : vector<1024xi32> to vector<1024x1xi32>
    %iota3A = tpu.iota {dimensions = array<i32: 1>} : vector<1024x128xi32>
    %eq3A = vector.broadcast %broadcast_in_dim3A : vector<1024x1xi32> to vector<1024x128xi32>
    %eq3A_33 = arith.cmpi eq, %eq3A, %iota3A : vector<1024x128xi32>
    %convert_element_type3A = arith.extui %eq3A_33 : vector<1024x128xi1> to vector<1024x128xi32>
    %convert_element_type3A_34 = arith.sitofp %convert_element_type3A : vector<1024x128xi32> to vector<1024x128xf32>
    %dot_general3A_35 = arith.constant dense<0.000000e+00> : vector<1024x32xf32>
    %dot_general3A_36 = tpu.matmul %convert_element_type3A_34, %max3A_11, %dot_general3A_35 {dimension_numbers = #tpu.dot_dimension_numbers<[1], [0], [0], [1], [0, 0, 1, 1], [], []>, transpose_lhs_hint = false} : vector<1024x128xf32>, vector<128x32xf32>, vector<1024x32xf32> -> vector<1024x32xf32>
    %mul3A = arith.mulf %max3A_27, %dot_general3A_36 : vector<1024x32xf32>
    %concatenate3A = tpu.concatenate %max3A_27, %dot_general3A_36, %mul3A in 1 : vector<1024x32xf32>, vector<1024x32xf32>, vector<1024x32xf32> -> vector<1024x96xf32>
    %get3A_37 = arith.constant 0 : index
    %get3A_38 = arith.constant 0 : index
    %get3A_39 = vector.load %arg8[%get3A_37, %get3A_38] : memref<96x32xf32, #tpu.memory_space<vmem>>, vector<96x32xf32>
    %dot_general3A_40 = arith.constant dense<0.000000e+00> : vector<1024x32xf32>
    %dot_general3A_41 = tpu.matmul %concatenate3A, %get3A_39, %dot_general3A_40 {dimension_numbers = #tpu.dot_dimension_numbers<[1], [0], [0], [1], [0, 0, 1, 1], [], []>, transpose_lhs_hint = false} : vector<1024x96xf32>, vector<96x32xf32>, vector<1024x32xf32> -> vector<1024x32xf32>
    %get3A_42 = arith.constant 0 : index
    %get3A_43 = arith.constant 0 : index
    %get3A_44 = vector.load %arg9[%get3A_42, %get3A_43] : memref<1x32xf32, #tpu.memory_space<vmem>>, vector<1x32xf32>
    %add3A_45 = vector.broadcast %get3A_44 : vector<1x32xf32> to vector<1024x32xf32>
    %add3A_46 = arith.addf %dot_general3A_41, %add3A_45 : vector<1024x32xf32>
    %max3A_47 = arith.constant 0.000000e+00 : f32
    %max3A_48 = vector.broadcast %max3A_47 : f32 to vector<1024x32xf32>
    %max3A_49 = arith.maximumf %add3A_46, %max3A_48 : vector<1024x32xf32>
    %get3A_50 = arith.constant 0 : index
    %get3A_51 = arith.constant 0 : index
    %get3A_52 = vector.load %arg10[%get3A_50, %get3A_51] : memref<32x32xf32, #tpu.memory_space<vmem>>, vector<32x32xf32>
    %dot_general3A_53 = arith.constant dense<0.000000e+00> : vector<1024x32xf32>
    %dot_general3A_54 = tpu.matmul %max3A_49, %get3A_52, %dot_general3A_53 {dimension_numbers = #tpu.dot_dimension_numbers<[1], [0], [0], [1], [0, 0, 1, 1], [], []>, transpose_lhs_hint = false} : vector<1024x32xf32>, vector<32x32xf32>, vector<1024x32xf32> -> vector<1024x32xf32>
    %get3A_55 = arith.constant 0 : index
    %get3A_56 = arith.constant 0 : index
    %get3A_57 = vector.load %arg11[%get3A_55, %get3A_56] : memref<1x32xf32, #tpu.memory_space<vmem>>, vector<1x32xf32>
    %add3A_58 = vector.broadcast %get3A_57 : vector<1x32xf32> to vector<1024x32xf32>
    %add3A_59 = arith.addf %dot_general3A_54, %add3A_58 : vector<1024x32xf32>
    %max3A_60 = arith.constant 0.000000e+00 : f32
    %max3A_61 = vector.broadcast %max3A_60 : f32 to vector<1024x32xf32>
    %max3A_62 = arith.maximumf %add3A_59, %max3A_61 : vector<1024x32xf32>
    %get3A_63 = arith.constant 0 : index
    %get3A_64 = arith.constant 0 : index
    %get3A_65 = vector.load %arg12[%get3A_63, %get3A_64] : memref<32x32xf32, #tpu.memory_space<vmem>>, vector<32x32xf32>
    %dot_general3A_66 = arith.constant dense<0.000000e+00> : vector<1024x32xf32>
    %dot_general3A_67 = tpu.matmul %max3A_49, %get3A_65, %dot_general3A_66 {dimension_numbers = #tpu.dot_dimension_numbers<[1], [0], [0], [1], [0, 0, 1, 1], [], []>, transpose_lhs_hint = false} : vector<1024x32xf32>, vector<32x32xf32>, vector<1024x32xf32> -> vector<1024x32xf32>
    %add3A_68 = arith.addf %max3A_62, %dot_general3A_67 : vector<1024x32xf32>
    %get3A_69 = arith.constant 0 : index
    %get3A_70 = arith.constant 0 : index
    %get3A_71 = vector.load %arg13[%get3A_69, %get3A_70] : memref<1x32xf32, #tpu.memory_space<vmem>>, vector<1x32xf32>
    %add3A_72 = vector.broadcast %get3A_71 : vector<1x32xf32> to vector<1024x32xf32>
    %add3A_73 = arith.addf %add3A_68, %add3A_72 : vector<1024x32xf32>
    %broadcast_in_dim3A_74 = arith.constant 0.000000e+00 : f32
    %broadcast_in_dim3A_75 = vector.broadcast %broadcast_in_dim3A_74 : f32 to vector<1024x64xf32>
    %concatenate3A_76 = tpu.concatenate %max3A_62, %add3A_73, %broadcast_in_dim3A_75 in 1 : vector<1024x32xf32>, vector<1024x32xf32>, vector<1024x64xf32> -> vector<1024x128xf32>
    %swap3A = arith.constant 0 : index
    %swap3A_77 = arith.constant 0 : index
    %swap3A_78 = vector.load %arg14[%swap3A, %swap3A_77] : memref<1024x128xf32, #tpu.memory_space<vmem>>, vector<1024x128xf32>
    tpu.vector_store %arg14[%swap3A, %swap3A_77], %concatenate3A_76 {strides = array<i32>} : memref<1024x128xf32, #tpu.memory_space<vmem>>, vector<1024x128xf32>,
    return
  }
  func.func @transform_0(%arg0: i32) -> (i32, i32) {
    %c0_i32 = arith.constant 0 : i32
    %c0_i32_0 = arith.constant 0 : i32
    return %arg0, %c0_i32 : i32, i32
  }
  func.func @transform_1(%arg0: i32) -> (i32, i32, i32) {
    %c0_i32 = arith.constant 0 : i32
    %c0_i32_0 = arith.constant 0 : i32
    %c0_i32_1 = arith.constant 0 : i32
    return %arg0, %c0_i32, %c0_i32_0 : i32, i32, i32
  }
  func.func @transform_2(%arg0: i32) -> (i32, i32) {
    %c0_i32 = arith.constant 0 : i32
    %c0_i32_0 = arith.constant 0 : i32
    %c0_i32_1 = arith.constant 0 : i32
    return %c0_i32, %c0_i32_0 : i32, i32
  }
  func.func @transform_3(%arg0: i32) -> (i32, i32) {
    %c0_i32 = arith.constant 0 : i32
    %c0_i32_0 = arith.constant 0 : i32
    %c0_i32_1 = arith.constant 0 : i32
    return %c0_i32, %c0_i32_0 : i32, i32
  }
  func.func @transform_4(%arg0: i32) -> (i32, i32) {
    %c0_i32 = arith.constant 0 : i32
    %c0_i32_0 = arith.constant 0 : i32
    %c0_i32_1 = arith.constant 0 : i32
    return %c0_i32, %c0_i32_0 : i32, i32
  }
  func.func @transform_5(%arg0: i32) -> (i32, i32) {
    %c0_i32 = arith.constant 0 : i32
    %c0_i32_0 = arith.constant 0 : i32
    %c0_i32_1 = arith.constant 0 : i32
    return %c0_i32, %c0_i32_0 : i32, i32
  }
  func.func @transform_6(%arg0: i32) -> (i32, i32) {
    %c0_i32 = arith.constant 0 : i32
    %c0_i32_0 = arith.constant 0 : i32
    %c0_i32_1 = arith.constant 0 : i32
    return %c0_i32, %c0_i32_0 : i32, i32
  }
  func.func @transform_7(%arg0: i32) -> (i32, i32) {
    %c0_i32 = arith.constant 0 : i32
    %c0_i32_0 = arith.constant 0 : i32
    %c0_i32_1 = arith.constant 0 : i32
    return %c0_i32, %c0_i32_0 : i32, i32
  }
  func.func @transform_8(%arg0: i32) -> (i32, i32) {
    %c0_i32 = arith.constant 0 : i32
    %c0_i32_0 = arith.constant 0 : i32
    %c0_i32_1 = arith.constant 0 : i32
    return %c0_i32, %c0_i32_0 : i32, i32
  }
  func.func @transform_9(%arg0: i32) -> (i32, i32) {
    %c0_i32 = arith.constant 0 : i32
    %c0_i32_0 = arith.constant 0 : i32
    %c0_i32_1 = arith.constant 0 : i32
    return %c0_i32, %c0_i32_0 : i32, i32
  }
  func.func @transform_10(%arg0: i32) -> (i32, i32) {
    %c0_i32 = arith.constant 0 : i32
    %c0_i32_0 = arith.constant 0 : i32
    %c0_i32_1 = arith.constant 0 : i32
    return %c0_i32, %c0_i32_0 : i32, i32
  }
  func.func @transform_11(%arg0: i32) -> (i32, i32) {
    %c0_i32 = arith.constant 0 : i32
    %c0_i32_0 = arith.constant 0 : i32
    %c0_i32_1 = arith.constant 0 : i32
    return %c0_i32, %c0_i32_0 : i32, i32
  }
  func.func @transform_12(%arg0: i32) -> (i32, i32) {
    %c0_i32 = arith.constant 0 : i32
    %c0_i32_0 = arith.constant 0 : i32
    %c0_i32_1 = arith.constant 0 : i32
    return %c0_i32, %c0_i32_0 : i32, i32
  }
  func.func @transform_13(%arg0: i32) -> (i32, i32) {
    %c0_i32 = arith.constant 0 : i32
    %c0_i32_0 = arith.constant 0 : i32
    return %arg0, %c0_i32 : i32, i32
  }
}

module attributes {stable_mosaic.version = 14 : i64} {
  func.func @_head_body(%arg0: i32, %arg1: memref<784x128xf32, #tpu.memory_space<vmem>>, %arg2: memref<784x128xf32, #tpu.memory_space<vmem>>, %arg3: memref<128x16xf32, #tpu.memory_space<vmem>>, %arg4: memref<128x16xf32, #tpu.memory_space<vmem>>, %arg5: memref<1x16xf32, #tpu.memory_space<vmem>>, %arg6: memref<784x16xf32, #tpu.memory_space<vmem>>) attributes {dimension_semantics = [#tpu.dimension_semantics<arbitrary>], iteration_bounds = array<i64: 16>, scalar_prefetch = 0 : i64, scratch_operands = 0 : i64, tpu.core_type = #tpu.core_type<tc>, window_params = [{transform_indices = @transform_0, window_bounds = array<i64: 784, 128>}, {transform_indices = @transform_1, window_bounds = array<i64: 784, 128>}, {pipeline_mode = #tpu.pipeline_mode<synchronous>, transform_indices = @transform_2, window_bounds = array<i64: 128, 16>}, {pipeline_mode = #tpu.pipeline_mode<synchronous>, transform_indices = @transform_3, window_bounds = array<i64: 128, 16>}, {pipeline_mode = #tpu.pipeline_mode<synchronous>, transform_indices = @transform_4, window_bounds = array<i64: 1, 16>}, {transform_indices = @transform_5, window_bounds = array<i64: 784, 16>}]} {
    %get3A = arith.constant 0 : index
    %get3A_0 = arith.constant 0 : index
    %get3A_1 = vector.load %arg1[%get3A, %get3A_0] : memref<784x128xf32, #tpu.memory_space<vmem>>, vector<784x128xf32>
    %max3A = arith.constant 0.000000e+00 : f32
    %max3A_2 = vector.broadcast %max3A : f32 to vector<784x128xf32>
    %max3A_3 = arith.maximumf %get3A_1, %max3A_2 : vector<784x128xf32>
    %get3A_4 = arith.constant 0 : index
    %get3A_5 = arith.constant 0 : index
    %get3A_6 = vector.load %arg2[%get3A_4, %get3A_5] : memref<784x128xf32, #tpu.memory_space<vmem>>, vector<784x128xf32>
    %max3A_7 = arith.constant 0.000000e+00 : f32
    %max3A_8 = vector.broadcast %max3A_7 : f32 to vector<784x128xf32>
    %max3A_9 = arith.maximumf %get3A_6, %max3A_8 : vector<784x128xf32>
    %get3A_10 = arith.constant 0 : index
    %get3A_11 = arith.constant 0 : index
    %get3A_12 = vector.load %arg3[%get3A_10, %get3A_11] : memref<128x16xf32, #tpu.memory_space<vmem>>, vector<128x16xf32>
    %dot_general3A = arith.constant dense<0.000000e+00> : vector<784x16xf32>
    %dot_general3A_13 = tpu.matmul %max3A_3, %get3A_12, %dot_general3A {dimension_numbers = #tpu.dot_dimension_numbers<[1], [0], [0], [1], [0, 0, 1, 1], [], []>, transpose_lhs_hint = false} : vector<784x128xf32>, vector<128x16xf32>, vector<784x16xf32> -> vector<784x16xf32>
    %get3A_14 = arith.constant 0 : index
    %get3A_15 = arith.constant 0 : index
    %get3A_16 = vector.load %arg4[%get3A_14, %get3A_15] : memref<128x16xf32, #tpu.memory_space<vmem>>, vector<128x16xf32>
    %dot_general3A_17 = arith.constant dense<0.000000e+00> : vector<784x16xf32>
    %dot_general3A_18 = tpu.matmul %max3A_9, %get3A_16, %dot_general3A_17 {dimension_numbers = #tpu.dot_dimension_numbers<[1], [0], [0], [1], [0, 0, 1, 1], [], []>, transpose_lhs_hint = false} : vector<784x128xf32>, vector<128x16xf32>, vector<784x16xf32> -> vector<784x16xf32>
    %add3A = arith.addf %dot_general3A_13, %dot_general3A_18 : vector<784x16xf32>
    %get3A_19 = arith.constant 0 : index
    %get3A_20 = arith.constant 0 : index
    %get3A_21 = vector.load %arg5[%get3A_19, %get3A_20] : memref<1x16xf32, #tpu.memory_space<vmem>>, vector<1x16xf32>
    %add3A_22 = vector.broadcast %get3A_21 : vector<1x16xf32> to vector<784x16xf32>
    %add3A_23 = arith.addf %add3A, %add3A_22 : vector<784x16xf32>
    %swap3A = arith.constant 0 : index
    %swap3A_24 = arith.constant 0 : index
    %swap3A_25 = vector.load %arg6[%swap3A, %swap3A_24] : memref<784x16xf32, #tpu.memory_space<vmem>>, vector<784x16xf32>
    tpu.vector_store %arg6[%swap3A, %swap3A_24], %add3A_23 {strides = array<i32>} : memref<784x16xf32, #tpu.memory_space<vmem>>, vector<784x16xf32>,
    return
  }
  func.func @transform_0(%arg0: i32) -> (i32, i32) {
    %c0_i32 = arith.constant 0 : i32
    %c0_i32_0 = arith.constant 0 : i32
    return %arg0, %c0_i32 : i32, i32
  }
  func.func @transform_1(%arg0: i32) -> (i32, i32) {
    %c0_i32 = arith.constant 0 : i32
    %c0_i32_0 = arith.constant 0 : i32
    return %arg0, %c0_i32 : i32, i32
  }
  func.func @transform_2(%arg0: i32) -> (i32, i32) {
    %c0_i32 = arith.constant 0 : i32
    %c0_i32_0 = arith.constant 0 : i32
    %c0_i32_1 = arith.constant 0 : i32
    return %c0_i32, %c0_i32_0 : i32, i32
  }
  func.func @transform_3(%arg0: i32) -> (i32, i32) {
    %c0_i32 = arith.constant 0 : i32
    %c0_i32_0 = arith.constant 0 : i32
    %c0_i32_1 = arith.constant 0 : i32
    return %c0_i32, %c0_i32_0 : i32, i32
  }
  func.func @transform_4(%arg0: i32) -> (i32, i32) {
    %c0_i32 = arith.constant 0 : i32
    %c0_i32_0 = arith.constant 0 : i32
    %c0_i32_1 = arith.constant 0 : i32
    return %c0_i32, %c0_i32_0 : i32, i32
  }
  func.func @transform_5(%arg0: i32) -> (i32, i32) {
    %c0_i32 = arith.constant 0 : i32
    %c0_i32_0 = arith.constant 0 : i32
    return %arg0, %c0_i32 : i32, i32
  }
}

</mosaic_0001>

<sc_bundles>
// kernel: kernel.5.cloned.1.call-start
scs
__scs_entry_jumppad:
0x0: {  	(pc) =	sbr.rel $0x88, $3  }
0x1: {  	(tag) =	ssettag $0x0;
	lr =	simm.s32 $0x1  }
0x2: {  	[smem:$0x3F91] =	sst lr;
	_ =	strace $0xD0000000  }
0x3: {  	_ = 	snop  }
0x4: {  	_ = 	snop  }
0x5: {  	_ = 	snop  }
0x6: {  	_ = 	snop  }
0x7: {  	_ = 	snop  }
__scs_overlays_trampoline_lowered:
0x8: {  	[smem:$0x3FA0] =	sst s0  }
0x9: {  	[smem:$0x3FA1] =	sst s1  }
0xa: {  	[smem:$0x3FA2] =	sst s2  }
0xb: {  	[smem:$0x3FA3] =	sst s3  }
0xc: {  	[smem:$0x3FA4] =	sst s4  }
0xd: {  	[smem:$0x3FA5] =	sst s5  }
0xe: {  	[smem:$0x3FA6] =	sst s6  }
0xf: {  	[smem:$0x3FA7] =	sst s7  }
0x10: {  	[smem:$0x3FA8] =	sst s8  }
0x11: {  	[smem:$0x3FA9] =	sst s9;
	s0 =	simm.s32 @!p0 $0x0  }
0x12: {  	s1 =	sld [smem:$0x3F8F];
	s0 =	simm.s32 @p0 $0x1  }
0x13: {  	[smem:$0x3FAA] =	sst s0;
	s0 =	simm.s32 @!p1 $0x0  }
0x14: {  	s2 =	sld [smem:$0x3F8E];
	s0 =	simm.s32 @p1 $0x1  }
0x15: {  	[smem:$0x3FAB] =	sst s0;
	s0 =	simm.s32 @!p2 $0x0  }
0x16: {  	s3 =	sld [smem:$0x3FDB];
	s0 =	simm.s32 @p2 $0x1  }
0x17: {  	s4 =	simm.s32 $0x1BF5;
	[smem:$0x3FAD] =	sst s0  }
0x18: {  	s0 =	sld [smem:$0x3F90];
	_ =	swait.ge [sflag:s4], $0x0  }
0x19: {  	s7 =	sld [smem:$0x3F91]  }
0x1a: {  	s8 =	sadd.s32 $0xFFFFE003, lr  }
0x1b: {  	s9 =	sadd.s32 $0xFFFFFEF7, lr;
	s5 =	simm.s32 $0xFFFFFFFF;
	p2 =	slt.u32 s8, $0xFFFFF086  }
0x1c: {  	p1 =	slt.u32 s9, $0xF7A;
	s5 =	simm.s32 @!p2 $0x0  }
0x1d: {  	s5 =	simm.s32 @p1 $0x1;
	p0 =	seq.s32 s7, s2  }
0x1e: {  	s7 =	smul.u32 @!p0 $0xF7A, s2;
	p2 =	seq.s32 @!p0 s5, $0x0  }
0x1f: {  	s9 =	smul.u32 $0xF7A, s1;
	s8 =	simm.s32 @!p0 $0x1BF5;
	p2 =	por !p2, p0  }
0x20: {  	[sflag:s8] =	ssyncset.s32 @!p0 $0xFFFFF086;
	s6 =	sadd.s32 @!p0 s3, s7;
	s7 =	simm.s32 @!p0 $0x108  }
0x21: {  	s3 =	sadd.s32 s3, s9;
	s6 =	sadd.s32 @!p0 $0x88, s6;
	s7 =	simm.s32 @p2 $0x1082  }
0x22: {  	[simem:s7], [sflag:s8] =	dma.local @!p0 [hbm:s6], $0xF7A  }
0x23: {  	s9 =	sor.u32 $0xD0000000, s2;
	s6 =	simm.s32 $0x108;
	_ =	swait.ge @!p0 [sflag:s8], $0x0  }
0x24: {  	s3 =	sadd.s32 $0x88, s3;
	s6 =	simm.s32 @!p1 $0x1082;
	[sflag:s4] =	ssyncset.s32 $0xFFFFF086  }
0x25: {  	[simem:s6], [sflag:s4] =	dma.local [hbm:s3], $0xF7A  }
0x26: {  	[smem:$0x3F91] =	sst s1;
	(tag) =	ssettag s2;
	_ =	strace s9  }
0x27: {  	s1 =	sld [smem:$0x3FA1]  }
0x28: {  	s2 =	sld [smem:$0x3FA2]  }
0x29: {  	s4 =	sld [smem:$0x3FA4]  }
0x2a: {  	p0 =	seq.s32 s5, $0x0;
	s5 =	sld [smem:$0x3FA5]  }
0x2b: {  	s6 =	sld [smem:$0x3FA6]  }
0x2c: {  	s7 =	sld [smem:$0x3FA7]  }
0x2d: {  	s3 =	simm.s32 $0x108;
	s8 =	sld [smem:$0x3FA8]  }
0x2e: {  	s3 =	simm.s32 @!p0 $0x1082;
	s9 =	sld [smem:$0x3FA9]  }
0x2f: {  	lr =	sadd.s32 s0, s3;
	s0 =	sld [smem:$0x3FA0]  }
0x30: {  	s3 =	sld [smem:$0x3FA3]  }
0x31: {  	[smem:$0x3FAC] =	sst s10  }
0x32: {  	s10 =	sld [smem:$0x3FAA];
	_ =	sdelay $0x3  }
0x33: {  	p0 =	seq.s32 s10, $0x1;
	s10 =	sld [smem:$0x3FAC];
	_ =	sdelay $0x3  }
0x34: {  	[smem:$0x3FAC] =	sst s10  }
0x35: {  	s10 =	sld [smem:$0x3FAB];
	_ =	sdelay $0x3  }
0x36: {  	p1 =	seq.s32 s10, $0x1;
	s10 =	sld [smem:$0x3FAC];
	_ =	sdelay $0x3  }
0x37: {  	[smem:$0x3FAC] =	sst s10  }
0x38: {  	s10 =	sld [smem:$0x3FAD]  }
0x39: {  	_ = 	snop;
	(pc) =	sbr.ind lr, $3  }
0x3a: {  	_ = 	snop  }
0x3b: {  	_ = 	snop  }
0x3c: {  	p2 =	seq.s32 s10, $0x1;
	s10 =	sld [smem:$0x3FAC]  }
0x3d: {  	_ =	shalt  }
0x3e: {  	_ =	shalt  }
0x3f: {  	_ =	shalt  }
0x40: {  	_ =	shalt  }
0x41: {  	_ =	shalt  }
0x42: {  	_ =	shalt  }
0x43: {  	_ =	shalt  }
0x44: {  	_ =	shalt  }
0x45: {  	_ =	shalt  }
0x46: {  	_ =	shalt  }
0x47: {  	_ =	shalt  }
0x48: {  	_ =	shalt  }
0x49: {  	_ =	shalt  }
0x4a: {  	_ =	shalt  }
0x4b: {  	_ =	shalt  }
0x4c: {  	_ =	shalt  }
0x4d: {  	_ =	shalt  }
0x4e: {  	_ =	shalt  }
0x4f: {  	_ =	shalt  }
0x50: {  	_ =	shalt  }
0x51: {  	_ =	shalt  }
0x52: {  	_ =	shalt  }
0x53: {  	_ =	shalt  }
0x54: {  	_ =	shalt  }
0x55: {  	_ =	shalt  }
0x56: {  	_ =	shalt  }
0x57: {  	_ =	shalt  }
0x58: {  	_ =	shalt  }
0x59: {  	_ =	shalt  }
0x5a: {  	_ =	shalt  }
0x5b: {  	_ =	shalt  }
0x5c: {  	_ =	shalt  }
0x5d: {  	_ =	shalt  }
0x5e: {  	_ =	shalt  }
0x5f: {  	_ =	shalt  }
0x60: {  	_ =	shalt  }
0x61: {  	_ =	shalt  }
0x62: {  	_ =	shalt  }
0x63: {  	_ =	shalt  }
0x64: {  	_ =	shalt  }
0x65: {  	_ =	shalt  }
0x66: {  	_ =	shalt  }
0x67: {  	_ =	shalt  }
0x68: {  	_ =	shalt  }
0x69: {  	_ =	shalt  }
0x6a: {  	_ =	shalt  }
0x6b: {  	_ =	shalt  }
0x6c: {  	_ =	shalt  }
0x6d: {  	_ =	shalt  }
0x6e: {  	_ =	shalt  }
0x6f: {  	_ =	shalt  }
0x70: {  	_ =	shalt  }
0x71: {  	_ =	shalt  }
0x72: {  	_ =	shalt  }
0x73: {  	_ =	shalt  }
0x74: {  	_ =	shalt  }
0x75: {  	_ =	shalt  }
0x76: {  	_ =	shalt  }
0x77: {  	_ =	shalt  }
0x78: {  	_ =	shalt  }
0x79: {  	_ =	shalt  }
0x7a: {  	_ =	shalt  }
0x7b: {  	_ =	shalt  }
0x7c: {  	_ =	shalt  }
0x7d: {  	_ =	shalt  }
0x7e: {  	_ =	shalt  }
0x7f: {  	_ =	shalt  }
0x80: {  	_ =	shalt  }
0x81: {  	_ =	shalt  }
0x82: {  	_ =	shalt  }
0x83: {  	_ =	shalt  }
0x84: {  	_ =	shalt  }
0x85: {  	_ =	shalt  }
0x86: {  	_ =	shalt  }
0x87: {  	_ =	shalt  }
.Lfunc_end0:
.L_simem_size_0:
called_computation_lowered:
.L_overlay_start_0:
0x88: {  	s2 =	sld [smem:$0x3FD9]  }
0x89: {  	s3 =	sld [smem:$0x3FFE];
	_ =	sdelay $0x1  }
0x8a: {  	s1 =	srdreg.scid  }
0x8b: {  	s0 =	sand.u32 $0x1, s1  }
0x8c: {  	s16 =	sshll.u32 s0, $0xA;
	s2 =	sadd.s32 s3, s2  }
0x8d: {  	s2 =	sadd.s32 s2, s16  }
0x8e: {  	[smem:$0x3FB8] =	sst s2  }
0x8f: {  	_ = 	snop  }
0x90: {  	(tm) =	ssettm $0x1  }
0x91: {  	s17 =	sld [smem:$0x3FFB];
	_ =	sdelay $0x3  }
0x92: {  	_ =	strace s17  }
0x93: {  	s2 =	sld [smem:$0x3FFC];
	_ =	sdelay $0x3  }
0x94: {  	_ =	strace s2  }
0x95: {  	s2 =	sld [smem:$0x3FFD];
	_ =	sdelay $0x3  }
0x96: {  	_ =	strace s2  }
0x97: {  	_ =	strace $0x8FFFFFFF  }
0x98: {  	s18 =	sld [smem:$0x3FDB];
	_ =	sdelay $0x1  }
0x99: {  	s19 =	simm.s32 $_scs_section_size  }
0x9a: {  	s4 =	simm.s32 $_size__tile_overlayer_lowered;
	s5 =	simm.s32 $_tile_overlayer_lowered  }
0x9b: {  	s22 =	simm.s32 $0x1BFF;
	s21 =	sshll.u32 s5, $0x1;
	s2 =	sadd.s32 s19, s18  }
0x9c: {  	s6 =	simm.s32 $0x0;
	s20 =	sshll.u32 s4, $0x1;
	s4 =	sadd.s32 s21, s2  }
0x9d: {  	[timem:s6], [sflag:s22] =	dma.local [hbm:s4], s20  }
0x9e: {  	_ =	swait.ge [sflag:s22], s20  }
0x9f: {  	s3 =	ssub.s32 $0x0, s20;
	[sflag:s22] =	ssyncset.done $0x0  }
0xa0: {  	[sflag:s22] =	ssyncadd.s32 s3;
	_ =	sdelay $0x1  }
0xa1: {  	s23 =	simm.s32 $0x1B8B  }
0xa2: {  	_ =	swait.ge [sflag:s23], $0x1  }
0xa3: {  	[sflag:s23] =	ssyncset.done $0x0  }
0xa4: {  	s25 =	simm.s32 $0x1B8E;
	s24 =	sld [smem:$0x3FFE];
	[sflag:s23] =	ssyncadd.s32 $0xFFFFFFFF  }
0xa5: {  	s26 =	simm.s32 $execute0_lowered;
	[smem:$0x3FD2] =	sst s25  }
0xa6: {  	s4 =	sshll.u32 s26, $0x1;
	_ =	strace $0x80000046;
	[dreg:$0x1] =	wrdreg $0xFFFFFFFF  }
0xa7: {  	s28 =	simm.s32 $_size_execute0_lowered;
	s2 =	sadd.s32 s2, s4;
	[dreg:$0x0] =	wrdreg $0x0  }
0xa8: {  	s4 =	sshll.u32 s28, $0x1;
	[dreg:$0x2] =	wrdreg s2  }
0xa9: {  	[dreg:$0x3] =	wrdreg s4  }
0xaa: {  	[dreg:$0x4] =	wrdreg $0xC0  }
0xab: {  	_ =	task [dreg:s6], $0x5FFFF  }
0xac: {  	[dreg:$0x1] =	wrdreg $0xFFFFFFFF  }
0xad: {  	[dreg:$0x0] =	wrdreg $0x60  }
0xae: {  	[dreg:$0x2] =	wrdreg s24  }
0xaf: {  	[dreg:$0x3] =	wrdreg $0x5A000  }
0xb0: {  	[dreg:$0x4] =	wrdreg $0x9  }
0xb1: {  	_ =	task.clear_ibuf [dreg:s6], $0x5FFFF;
	_ =	strace $0x90000046  }
0xb2: {  	s29 =	simm.s32 $0x9;
	_ =	strace $0x80000048  }
0xb3: {  	_ =	swait.ge [sflag:s29], $0x1  }
0xb4: {  	[sflag:s29] =	ssyncadd.s32 $0xFFFFFFFF  }
0xb5: {  	_ =	strace $0x90000048  }
0xb6: {  	_ =	sfence  }
0xb7: {  	s30 =	sld [smem:$0x0];
	_ =	sdelay $0x2  }
0xb8: {  	s31 =	sshll.u32 s1, $0xD;
	s1 =	sshrl.u32 s1, $0x2  }
0xb9: {  	s3 =	sand.u32 $0x4000, s31;
	s1 =	sadd.s32 s1, s30  }
0xba: {  	s0 =	sor.u32 s3, s0;
	s1 =	sshll.u32 s1, $0x11  }
0xbb: {  	s0 =	sor.u32 s1, s0  }
0xbc: {  	s0 =	sadd.s32 $0x8F2B, s0  }
0xbd: {  	[sflag:s0] =	ssyncadd.remote.s32 $0x1  }
0xbe: {  	_ =	sfence.sel $0xFFFF  }
0xbf: {  	[dreg:$0x0] =	wrdreg $0xFFFFFFFF;
	(pc) =	sbr.abs _section_cstart, $3  }
0xc0: {  	[dreg:$0x1] =	wrdreg $0xFFFFFFFF  }
0xc1: {  	_ =	task.clear_ibuf [dreg:s6], $0x2FFFF;
	_ =	strace $0x9FFFFFFF  }
0xc2: {  	(tm) =	ssettm $0x7FFFFFFF  }
0xc3: {  	_ =	shalt  }
tec
execute0_lowered:
.L_overlay_start_1:
0x0: {  	(tag) =	ssettag $0x1  }
0x1: {  	s0 =	rddreg [dreg:$0x0]  }
0x2: {  	s2 =	rddreg [dreg:$0x1];
	s3 =	simm.s32 $0x0;
	s11 =	stileid.u32  }
0x3: {  	s5 =	srdreg.scid;
	s19 =	simm.s32 $0x5;
	s21 =	simm.s32 $0x80  }
0x4: {  	s31 =	simm.s32 $0x100;
	s13 =	simm.s32 $0x2200;
	s22 =	simm.s32 $0x200  }
0x5: {  	s17 =	simm.s32 $0x700;
	[smem:$0x7FF] =	sst s3;
	s1 =	smul.u32 $0x18800, s11  }
0x6: {  	s4 =	sadd.s32 $0x9FE00, s0;
	s12 =	sadd.s32 $0x36E00, s0;
	s5 =	sand.u32 $0x1, s5  }
0x7: {  	s14 =	sadd.s32 $0x2600, s0;
	s7 =	sadd.s32 $0x6B600, s0;
	s9 =	sadd.s32 $0x258E00, s0  }
0x8: {  	s10 =	smul.u32 $0x1A400, s11;
	_ =	strace $0x80000047;
	[dreg:$0x8] =	wrdreg s9  }
0x9: {  	s26 =	smul.u32 $0x3480, s11;
	s29 =	sshll.u32 s11, $0x6;
	[dreg:$0x6] =	wrdreg s12  }
0xa: {  	s8 =	ssub.s32 $0x2, s5;
	p0 =	seq.s32 s5, $0x1;
	[dreg:$0x7] =	wrdreg s14  }
0xb: {  	s15 =	sor.u32 $0x1C05, s29;
	s6 =	sshrl.u32 s1, $0x3;
	s24 =	sshrl.u32 s8, $0x1  }
0xc: {  	s1 =	sadd.s32 s1, s2;
	s28 =	sshrl.u32 s10, $0x3;
	[dreg:$0xe] =	wrdreg s15  }
0xd: {  	s18 =	sadd.s32 s12, s26;
	s30 =	sadd.s32 s14, s26;
	[dreg:$0x5] =	wrdreg s6  }
0xe: {  	s20 =	sadd.s32 s7, s26;
	s10 =	simm.s32 $0x1A00;
	[dreg:$0x3] =	wrdreg s30  }
0xf: {  	s12 =	simm.s32 $0x1;
	s26 =	simm.s32 $0x2;
	[dreg:$0x4] =	wrdreg s18  }
0x10: {  	s6 =	sadd.s32 s6, s0;
	s0 =	sadd.s32 $0x289E00, s0;
	[dreg:$0x10] =	wrdreg s20  }
0x11: {  	s25 =	ssub.s32 s8, s24;
	s5 =	sadd.s32 $0x3430, s28;
	[dreg:$0x9] =	wrdreg s0  }
.Ltmp0:
0x12: {  	s16 =	sshrl.u32 s1, $0x3;
	[dreg:$0xb] =	wrdreg s5;
	(pc) =	sbr.rel .LBB2_1-.Ltmp0, $4  }
0x13: {  	s8 =	simm.s32 $0x1200;
	s6 =	sadd.s32 $0x227E00, s6;
	[dreg:$0xf] =	wrdreg s16  }
0x14: {  	s24 =	simm.s32 $0x3;
	s5 =	sadd.s32 s7, s5;
	[dreg:$0xa] =	wrdreg s6  }
0x15: {  	s0 =	smax.u32 s25, $0x1;
	s25 =	simm.s32 $0x180;
	[dreg:$0xc] =	wrdreg s5  }
0x16: {  	[dreg:$0xd] =	wrdreg s0;
	s6 =	simm.s32 $0xA00;
	s5 =	simm.s32 $0x0  }
.LBB2_7:
0x17: {  	s22 =	simm.s32 $0x5200;
	s11 =	simm.s32 @!p1 $0x4  }
0x18: {  	[spmem:s2] =	stream.indirect.scatter.add.f32 [tilespmem:s22], [sflag:$0x4], $0x10, s9, s21, $0xb8;
	[tilespmem:$0x1E200] =	vst v63  }
0x19: {  	_ =	swait.ge @!p1 [sflag:s11], $0x800  }
0x1a: {  	[sflag:s11] =	ssyncset.done @!p1 $0x0  }
0x1b: {  	[sflag:s11] =	ssyncadd.s32 @!p1 $0xFFFFF800  }
0x1c: {  	_ =	swait.ge @!p1 [sflag:s11], $0x800  }
0x1d: {  	[sflag:s11] =	ssyncset.done @!p1 $0x0  }
0x1e: {  	[sflag:s11] =	ssyncadd.s32 @!p1 $0xFFFFF800  }
0x1f: {  	_ =	swait.ge @!p1 [sflag:s11], $0x800  }
0x20: {  	[sflag:s11] =	ssyncset.done @!p1 $0x0  }
0x21: {  	[sflag:s11] =	ssyncadd.s32 @!p1 $0xFFFFF800  }
0x22: {  	_ =	swait.ge @!p1 [sflag:s11], $0x800  }
0x23: {  	[sflag:s11] =	ssyncset.done @!p1 $0x0  }
0x24: {  	[sflag:s11] =	ssyncadd.s32 @!p1 $0xFFFFF800  }
0x25: {  	_ =	swait.ge @!p1 [sflag:s11], $0x800  }
0x26: {  	s15 =	sadd.s32 s16, s18;
	[sflag:s11] =	ssyncset.done @!p1 $0x0  }
0x27: {  	s17 =	sadd.s32 $0x50, s15;
	[sflag:s11] =	ssyncadd.s32 @!p1 $0xFFFFF800  }
0x28: {  	[tilespmem:s0], [sflag:$0x5] =	stream.linear.gather [hbm4b:s17+s3], $0x280, $0x38;
	[tilespmem:$0x1E200] =	vst v63  }
0x29: {  	_ =	swait.ge [sflag:s19], $0x280  }
0x2a: {  	s11 =	sadd.s32 s16, s20;
	[sflag:s19] =	ssyncset.done $0x0  }
0x2b: {  	s5 =	simm.s32 $0x780;
	s16 =	sadd.s32 $0x50, s11;
	[sflag:s19] =	ssyncadd.s32 $0xFFFFFD80  }
0x2c: {  	[tilespmem:s5], [sflag:$0x5] =	stream.linear.gather [hbm4b:s16+s3], $0x280, $0x38;
	[tilespmem:$0x1E200] =	vst v63  }
0x2d: {  	_ =	swait.ge [sflag:s19], $0x280  }
0x2e: {  	[sflag:s19] =	ssyncset.done $0x0  }
0x2f: {  	s14 =	simm.s32 $0x3200;
	[sflag:s19] =	ssyncadd.s32 $0xFFFFFD80  }
0x30: {  	[tilespmem:s14], [sflag:$0x2] =	stream.indirect.gather [hbm4b:s4+s21], $0x10, s0, s21, $0xb8;
	[tilespmem:$0x1E200] =	vst v63  }
0x31: {  	s18 =	simm.s32 $0x300;
	s17 =	simm.s32 $0x3A00  }
0x32: {  	[tilespmem:s17], [sflag:$0x2] =	stream.indirect.gather [hbm4b:s4+s21], $0x10, s18, s21, $0xb8;
	[tilespmem:$0x1E200] =	vst v63  }
0x33: {  	s20 =	simm.s32 $0x380;
	s18 =	simm.s32 $0x4200  }
0x34: {  	[tilespmem:s18], [sflag:$0x2] =	stream.indirect.gather [hbm4b:s4+s21], $0x10, s20, s21, $0xb8;
	[tilespmem:$0x1E200] =	vst v63  }
0x35: {  	s29 =	simm.s32 $0x400;
	s10 =	simm.s32 $0x4A00  }
0x36: {  	[tilespmem:s10], [sflag:$0x2] =	stream.indirect.gather [hbm4b:s4+s21], $0x10, s29, s21, $0xb8;
	[tilespmem:$0x1E200] =	vst v63  }
0x37: {  	s7 =	simm.s32 $0x480  }
0x38: {  	[tilespmem:s22], [sflag:$0x2] =	stream.indirect.gather [hbm4b:s4+s21], $0x10, s7, s21, $0xb8;
	[tilespmem:$0x1E200] =	vst v63  }
0x39: {  	_ =	swait.ge [sflag:s12], $0x800  }
0x3a: {  	[sflag:s12] =	ssyncset.done $0x0  }
0x3b: {  	[sflag:s12] =	ssyncadd.s32 $0xFFFFF800  }
0x3c: {  	_ =	swait.ge [sflag:s12], $0x800  }
0x3d: {  	[sflag:s12] =	ssyncset.done $0x0  }
0x3e: {  	[sflag:s12] =	ssyncadd.s32 $0xFFFFF800  }
0x3f: {  	_ =	swait.ge [sflag:s12], $0x800  }
0x40: {  	[sflag:s12] =	ssyncset.done $0x0  }
0x41: {  	[sflag:s12] =	ssyncadd.s32 $0xFFFFF800  }
0x42: {  	_ =	swait.ge [sflag:s12], $0x800  }
0x43: {  	[sflag:s12] =	ssyncset.done $0x0  }
0x44: {  	[sflag:s12] =	ssyncadd.s32 $0xFFFFF800  }
0x45: {  	_ =	swait.ge [sflag:s12], $0x800  }
0x46: {  	[sflag:s12] =	ssyncset.done $0x0  }
0x47: {  	s16 =	simm.s32 $0x500;
	[sflag:s12] =	ssyncadd.s32 $0xFFFFF800  }
0x48: {  	[spmem:s2] =	stream.indirect.scatter.add.f32 [tilespmem:s23], [sflag:$0x3], $0x10, s16, s21, $0xb8;
	[tilespmem:$0x1E200] =	vst v63  }
0x49: {  	s7 =	simm.s32 $0x580  }
0x4a: {  	[spmem:s2] =	stream.indirect.scatter.add.f32 [tilespmem:s8], [sflag:$0x3], $0x10, s7, s21, $0xb8;
	[tilespmem:$0x1E200] =	vst v63  }
0x4b: {  	s20 =	simm.s32 $0x600  }
0x4c: {  	[spmem:s2] =	stream.indirect.scatter.add.f32 [tilespmem:s28], [sflag:$0x3], $0x10, s20, s21, $0xb8;
	[tilespmem:$0x1E200] =	vst v63  }
0x4d: {  	s29 =	simm.s32 $0x680  }
0x4e: {  	[spmem:s2] =	stream.indirect.scatter.add.f32 [tilespmem:s30], [sflag:$0x3], $0x10, s29, s21, $0xb8;
	[tilespmem:$0x1E200] =	vst v63  }
0x4f: {  	s7 =	simm.s32 $0x2A00  }
0x50: {  	[spmem:s2] =	stream.indirect.scatter.add.f32 [tilespmem:s7], [sflag:$0x3], $0x10, s6, s21, $0xb8;
	[tilespmem:$0x1E200] =	vst v63  }
0x51: {  	_ =	swait.ge [sflag:s24], $0x800  }
0x52: {  	[sflag:s24] =	ssyncset.done $0x0  }
0x53: {  	[sflag:s24] =	ssyncadd.s32 $0xFFFFF800  }
0x54: {  	_ =	swait.ge [sflag:s24], $0x800  }
0x55: {  	[sflag:s24] =	ssyncset.done $0x0  }
0x56: {  	[sflag:s24] =	ssyncadd.s32 $0xFFFFF800  }
0x57: {  	_ =	swait.ge [sflag:s24], $0x800  }
0x58: {  	[sflag:s24] =	ssyncset.done $0x0  }
0x59: {  	[sflag:s24] =	ssyncadd.s32 $0xFFFFF800  }
0x5a: {  	_ =	swait.ge [sflag:s24], $0x800  }
0x5b: {  	[sflag:s24] =	ssyncset.done $0x0  }
0x5c: {  	[sflag:s24] =	ssyncadd.s32 $0xFFFFF800  }
0x5d: {  	_ =	swait.ge [sflag:s24], $0x800  }
0x5e: {  	[sflag:s24] =	ssyncset.done $0x0  }
0x5f: {  	s15 =	sadd.s32 $0xA0, s15;
	[sflag:s24] =	ssyncadd.s32 $0xFFFFF800  }
0x60: {  	[tilespmem:s3], [sflag:$0x5] =	stream.linear.gather [hbm4b:s15+s3], $0x280, $0x38;
	[tilespmem:$0x1E200] =	vst v63  }
0x61: {  	_ =	swait.ge [sflag:s19], $0x280  }
0x62: {  	[sflag:s19] =	ssyncset.done $0x0  }
0x63: {  	s11 =	sadd.s32 $0xA0, s11;
	[sflag:s19] =	ssyncadd.s32 $0xFFFFFD80  }
0x64: {  	[tilespmem:s16], [sflag:$0x5] =	stream.linear.gather [hbm4b:s11+s3], $0x280, $0x38;
	[tilespmem:$0x1E200] =	vst v63  }
0x65: {  	_ =	swait.ge [sflag:s19], $0x280  }
0x66: {  	[sflag:s19] =	ssyncset.done $0x0  }
0x67: {  	[sflag:s19] =	ssyncadd.s32 $0xFFFFFD80  }
0x68: {  	[tilespmem:s23], [sflag:$0x1] =	stream.indirect.gather [hbm4b:s4+s21], $0x10, s3, s21, $0xb8;
	[tilespmem:$0x1E200] =	vst v63  }
0x69: {  	_ = 	snop  }
0x6a: {  	[tilespmem:s8], [sflag:$0x1] =	stream.indirect.gather [hbm4b:s4+s21], $0x10, s21, s21, $0xb8;
	[tilespmem:$0x1E200] =	vst v63  }
0x6b: {  	s16 =	simm.s32 $0x100  }
0x6c: {  	[tilespmem:s28], [sflag:$0x1] =	stream.indirect.gather [hbm4b:s4+s21], $0x10, s16, s21, $0xb8;
	[tilespmem:$0x1E200] =	vst v63  }
0x6d: {  	s20 =	simm.s32 $0x180  }
0x6e: {  	[tilespmem:s30], [sflag:$0x1] =	stream.indirect.gather [hbm4b:s4+s21], $0x10, s20, s21, $0xb8;
	[tilespmem:$0x1E200] =	vst v63  }
0x6f: {  	s29 =	simm.s32 $0x200  }
0x70: {  	[tilespmem:s7], [sflag:$0x1] =	stream.indirect.gather [hbm4b:s4+s21], $0x10, s29, s21, $0xb8;
	[tilespmem:$0x1E200] =	vst v63  }
0x71: {  	_ =	swait.ge [sflag:s26], $0x800  }
0x72: {  	[sflag:s26] =	ssyncset.done $0x0  }
0x73: {  	[sflag:s26] =	ssyncadd.s32 $0xFFFFF800  }
0x74: {  	_ =	swait.ge [sflag:s26], $0x800  }
0x75: {  	[sflag:s26] =	ssyncset.done $0x0  }
0x76: {  	[sflag:s26] =	ssyncadd.s32 $0xFFFFF800  }
0x77: {  	_ =	swait.ge [sflag:s26], $0x800  }
0x78: {  	[sflag:s26] =	ssyncset.done $0x0  }
0x79: {  	[sflag:s26] =	ssyncadd.s32 $0xFFFFF800  }
0x7a: {  	_ =	swait.ge [sflag:s26], $0x800  }
0x7b: {  	[sflag:s26] =	ssyncset.done $0x0  }
0x7c: {  	[sflag:s26] =	ssyncadd.s32 $0xFFFFF800  }
0x7d: {  	_ =	swait.ge [sflag:s26], $0x800  }
0x7e: {  	[sflag:s26] =	ssyncset.done $0x0  }
0x7f: {  	[sflag:s26] =	ssyncadd.s32 $0xFFFFF800  }
0x80: {  	[spmem:s2] =	stream.indirect.scatter.add.f32 [tilespmem:s14], [sflag:$0x4], $0x10, s5, s21, $0xb8;
	[tilespmem:$0x1E200] =	vst v63  }
0x81: {  	_ = 	snop  }
0x82: {  	[spmem:s2] =	stream.indirect.scatter.add.f32 [tilespmem:s17], [sflag:$0x4], $0x10, s13, s21, $0xb8;
	[tilespmem:$0x1E200] =	vst v63  }
0x83: {  	s31 =	simm.s32 $0x100;
	s16 =	rddreg [dreg:$0x7]  }
0x84: {  	[spmem:s2] =	stream.indirect.scatter.add.f32 [tilespmem:s18], [sflag:$0x4], $0x10, s25, s21, $0xb8;
	[tilespmem:$0x1E200] =	vst v63  }
0x85: {  	s11 =	simm.s32 $0x780;
	s20 =	simm.s32 $0x500;
	s5 =	rddreg [dreg:$0x11]  }
0x86: {  	[spmem:s2] =	stream.indirect.scatter.add.f32 [tilespmem:s10], [sflag:$0x4], $0x10, s1, s21, $0xb8;
	[tilespmem:$0x1E200] =	vst v63  }
0x87: {  	s7 =	simm.s32 $0x3A00;
	s14 =	simm.s32 $0x4200;
	s18 =	rddreg [dreg:$0x4]  }
0x88: {  	[spmem:s2] =	stream.indirect.scatter.add.f32 [tilespmem:s22], [sflag:$0x4], $0x10, s9, s21, $0xb8;
	[tilespmem:$0x1E200] =	vst v63  }
0x89: {  	s17 =	simm.s32 $0x3200;
	s10 =	rddreg [dreg:$0x9];
	s22 =	simm.s32 $0x200  }
.LBB2_8:
0x8a: {  	s29 =	simm.s32 $0x4  }
0x8b: {  	_ =	swait.ge [sflag:s29], $0x800  }
0x8c: {  	[sflag:s29] =	ssyncset.done $0x0  }
0x8d: {  	[sflag:s29] =	ssyncadd.s32 $0xFFFFF800  }
0x8e: {  	_ =	swait.ge [sflag:s29], $0x800  }
0x8f: {  	[sflag:s29] =	ssyncset.done $0x0  }
0x90: {  	[sflag:s29] =	ssyncadd.s32 $0xFFFFF800  }
0x91: {  	_ =	swait.ge [sflag:s29], $0x800  }
0x92: {  	[sflag:s29] =	ssyncset.done $0x0  }
0x93: {  	[sflag:s29] =	ssyncadd.s32 $0xFFFFF800  }
0x94: {  	_ =	swait.ge [sflag:s29], $0x800  }
0x95: {  	[sflag:s29] =	ssyncset.done $0x0  }
0x96: {  	[sflag:s29] =	ssyncadd.s32 $0xFFFFF800  }
0x97: {  	_ =	swait.ge [sflag:s29], $0x800  }
0x98: {  	[sflag:s29] =	ssyncset.done $0x0;
	s15 =	rddreg [dreg:$0xb]  }
0x99: {  	s15 =	sadd.s32 s16, s15;
	[sflag:s29] =	ssyncadd.s32 $0xFFFFF800  }
0x9a: {  	[tilespmem:s0], [sflag:$0x5] =	stream.linear.gather [hbm4b:s15+s3], $0x280, $0x38;
	[tilespmem:$0x1E200] =	vst v63  }
0x9b: {  	_ =	swait.ge [sflag:s19], $0x280  }
0x9c: {  	[sflag:s19] =	ssyncset.done $0x0  }
0x9d: {  	s16 =	rddreg [dreg:$0xc];
	[sflag:s19] =	ssyncadd.s32 $0xFFFFFD80  }
0x9e: {  	[tilespmem:s11], [sflag:$0x5] =	stream.linear.gather [hbm4b:s16+s3], $0x280, $0x38;
	[tilespmem:$0x1E200] =	vst v63  }
0x9f: {  	_ =	swait.ge [sflag:s19], $0x280  }
0xa0: {  	[sflag:s19] =	ssyncset.done $0x0  }
0xa1: {  	[sflag:s19] =	ssyncadd.s32 $0xFFFFFD80  }
0xa2: {  	[tilespmem:s17], [sflag:$0x2] =	stream.indirect.gather [hbm4b:s4+s21], $0x10, s0, s21, $0xb8;
	[tilespmem:$0x1E200] =	vst v63  }
0xa3: {  	s15 =	simm.s32 $0x300  }
0xa4: {  	[tilespmem:s7], [sflag:$0x2] =	stream.indirect.gather [hbm4b:s4+s21], $0x10, s15, s21, $0xb8;
	[tilespmem:$0x1E200] =	vst v63  }
0xa5: {  	s16 =	simm.s32 $0x380  }
0xa6: {  	[tilespmem:s14], [sflag:$0x2] =	stream.indirect.gather [hbm4b:s4+s21], $0x10, s16, s21, $0xb8;
	[tilespmem:$0x1E200] =	vst v63  }
0xa7: {  	s15 =	simm.s32 $0x400;
	s16 =	simm.s32 $0x4A00  }
0xa8: {  	[tilespmem:s16], [sflag:$0x2] =	stream.indirect.gather [hbm4b:s4+s21], $0x10, s15, s21, $0xb8;
	[tilespmem:$0x1E200] =	vst v63  }
0xa9: {  	s0 =	simm.s32 $0x480;
	s15 =	simm.s32 $0x5200  }
0xaa: {  	[tilespmem:s15], [sflag:$0x2] =	stream.indirect.gather [hbm4b:s4+s21], $0x10, s0, s21, $0xb8;
	[tilespmem:$0x1E200] =	vst v63  }
0xab: {  	_ =	swait.ge [sflag:s12], $0x800  }
0xac: {  	[sflag:s12] =	ssyncset.done $0x0  }
0xad: {  	[sflag:s12] =	ssyncadd.s32 $0xFFFFF800  }
0xae: {  	_ =	swait.ge [sflag:s12], $0x800  }
0xaf: {  	[sflag:s12] =	ssyncset.done $0x0  }
0xb0: {  	[sflag:s12] =	ssyncadd.s32 $0xFFFFF800  }
0xb1: {  	_ =	swait.ge [sflag:s12], $0x800  }
0xb2: {  	[sflag:s12] =	ssyncset.done $0x0  }
0xb3: {  	[sflag:s12] =	ssyncadd.s32 $0xFFFFF800  }
0xb4: {  	_ =	swait.ge [sflag:s12], $0x800  }
0xb5: {  	[sflag:s12] =	ssyncset.done $0x0  }
0xb6: {  	[sflag:s12] =	ssyncadd.s32 $0xFFFFF800  }
0xb7: {  	_ =	swait.ge [sflag:s12], $0x800  }
0xb8: {  	[sflag:s12] =	ssyncset.done $0x0  }
0xb9: {  	[sflag:s12] =	ssyncadd.s32 $0xFFFFF800  }
0xba: {  	[spmem:s2] =	stream.indirect.scatter.add.f32 [tilespmem:s23], [sflag:$0x3], $0x10, s20, s21, $0xb8;
	[tilespmem:$0x1E200] =	vst v63  }
0xbb: {  	s23 =	simm.s32 $0x580  }
0xbc: {  	[spmem:s2] =	stream.indirect.scatter.add.f32 [tilespmem:s8], [sflag:$0x3], $0x10, s23, s21, $0xb8;
	[tilespmem:$0x1E200] =	vst v63  }
0xbd: {  	s8 =	simm.s32 $0x600  }
0xbe: {  	[spmem:s2] =	stream.indirect.scatter.add.f32 [tilespmem:s28], [sflag:$0x3], $0x10, s8, s21, $0xb8;
	[tilespmem:$0x1E200] =	vst v63  }
0xbf: {  	s20 =	simm.s32 $0x680  }
0xc0: {  	[spmem:s2] =	stream.indirect.scatter.add.f32 [tilespmem:s30], [sflag:$0x3], $0x10, s20, s21, $0xb8;
	[tilespmem:$0x1E200] =	vst v63  }
0xc1: {  	s23 =	simm.s32 $0x2A00  }
0xc2: {  	[spmem:s2] =	stream.indirect.scatter.add.f32 [tilespmem:s23], [sflag:$0x3], $0x10, s6, s21, $0xb8;
	[tilespmem:$0x1E200] =	vst v63  }
0xc3: {  	_ =	swait.ge [sflag:s24], $0x800  }
0xc4: {  	[sflag:s24] =	ssyncset.done $0x0  }
0xc5: {  	[sflag:s24] =	ssyncadd.s32 $0xFFFFF800  }
0xc6: {  	_ =	swait.ge [sflag:s24], $0x800  }
0xc7: {  	[sflag:s24] =	ssyncset.done $0x0  }
0xc8: {  	[sflag:s24] =	ssyncadd.s32 $0xFFFFF800  }
0xc9: {  	_ =	swait.ge [sflag:s24], $0x800  }
0xca: {  	[sflag:s24] =	ssyncset.done $0x0  }
0xcb: {  	[sflag:s24] =	ssyncadd.s32 $0xFFFFF800  }
0xcc: {  	_ =	swait.ge [sflag:s24], $0x800  }
0xcd: {  	[sflag:s24] =	ssyncset.done $0x0  }
0xce: {  	[sflag:s24] =	ssyncadd.s32 $0xFFFFF800  }
0xcf: {  	_ =	swait.ge [sflag:s24], $0x800  }
0xd0: {  	[sflag:s24] =	ssyncset.done $0x0  }
0xd1: {  	[sflag:s24] =	ssyncadd.s32 $0xFFFFF800  }
0xd2: {  	_ =	swait.ge [sflag:s26], $0x800  }
0xd3: {  	[sflag:s26] =	ssyncset.done $0x0  }
0xd4: {  	[sflag:s26] =	ssyncadd.s32 $0xFFFFF800  }
0xd5: {  	_ =	swait.ge [sflag:s26], $0x800  }
0xd6: {  	[sflag:s26] =	ssyncset.done $0x0  }
0xd7: {  	[sflag:s26] =	ssyncadd.s32 $0xFFFFF800  }
0xd8: {  	_ =	swait.ge [sflag:s26], $0x800  }
0xd9: {  	[sflag:s26] =	ssyncset.done $0x0  }
0xda: {  	[sflag:s26] =	ssyncadd.s32 $0xFFFFF800  }
0xdb: {  	_ =	swait.ge [sflag:s26], $0x800  }
0xdc: {  	[sflag:s26] =	ssyncset.done $0x0  }
0xdd: {  	[sflag:s26] =	ssyncadd.s32 $0xFFFFF800  }
0xde: {  	_ =	swait.ge [sflag:s26], $0x800  }
0xdf: {  	[sflag:s26] =	ssyncset.done $0x0  }
0xe0: {  	[sflag:s26] =	ssyncadd.s32 $0xFFFFF800  }
0xe1: {  	[spmem:s2] =	stream.indirect.scatter.add.f32 [tilespmem:s17], [sflag:$0x4], $0x10, s11, s21, $0xb8;
	[tilespmem:$0x1E200] =	vst v63  }
0xe2: {  	_ = 	snop  }
0xe3: {  	[spmem:s2] =	stream.indirect.scatter.add.f32 [tilespmem:s7], [sflag:$0x4], $0x10, s13, s21, $0xb8;
	[tilespmem:$0x1E200] =	vst v63  }
0xe4: {  	_ = 	snop  }
0xe5: {  	[spmem:s2] =	stream.indirect.scatter.add.f32 [tilespmem:s14], [sflag:$0x4], $0x10, s25, s21, $0xb8;
	[tilespmem:$0x1E200] =	vst v63  }
0xe6: {  	_ = 	snop  }
0xe7: {  	[spmem:s2] =	stream.indirect.scatter.add.f32 [tilespmem:s16], [sflag:$0x4], $0x10, s1, s21, $0xb8;
	[tilespmem:$0x1E200] =	vst v63  }
0xe8: {  	_ = 	snop  }
0xe9: {  	[spmem:s2] =	stream.indirect.scatter.add.f32 [tilespmem:s15], [sflag:$0x4], $0x10, s9, s21, $0xb8;
	[tilespmem:$0x1E200] =	vst v63  }
0xea: {  	_ =	swait.ge [sflag:s29], $0x800  }
0xeb: {  	[sflag:s29] =	ssyncset.done $0x0  }
0xec: {  	[sflag:s29] =	ssyncadd.s32 $0xFFFFF800  }
0xed: {  	_ =	swait.ge [sflag:s29], $0x800  }
0xee: {  	[sflag:s29] =	ssyncset.done $0x0  }
0xef: {  	[sflag:s29] =	ssyncadd.s32 $0xFFFFF800  }
0xf0: {  	_ =	swait.ge [sflag:s29], $0x800  }
0xf1: {  	[sflag:s29] =	ssyncset.done $0x0  }
0xf2: {  	[sflag:s29] =	ssyncadd.s32 $0xFFFFF800  }
0xf3: {  	_ =	swait.ge [sflag:s29], $0x800  }
0xf4: {  	[sflag:s29] =	ssyncset.done $0x0  }
0xf5: {  	[sflag:s29] =	ssyncadd.s32 $0xFFFFF800  }
0xf6: {  	_ =	swait.ge [sflag:s29], $0x800  }
0xf7: {  	[sflag:s29] =	ssyncset.done $0x0  }
0xf8: {  	[sflag:s29] =	ssyncadd.s32 $0xFFFFF800  }
0xf9: {  	s28 =	rddreg [dreg:$0x5];
	[bflag:$0x0] =	sbarrier.arrive $0xFFFF  }
0xfa: {  	s15 =	rddreg [dreg:$0xe]  }
0xfb: {  	s29 =	sadd.s32 s10, s28;
	s16 =	rddreg [dreg:$0xf]  }
0xfc: {  	[hbm:s29], [sflag:s15] =	dma.local [spmem:s16], $0x3100  }
0xfd: {  	_ =	swait.ge [sflag:s19], $0x3100  }
0xfe: {  	s5 =	sadd.s32 $0x1, s5;
	s30 =	rddreg [dreg:$0xd]  }
0xff: {  	p1 =	sne.s32 s5, s30  }
.Ltmp1:
0x100: {  	_ = 	snop;
	(pc) =	sbr.rel @!p1 .LBB2_9-.Ltmp1, $4  }
0x101: {  	_ = 	snop  }
0x102: {  	s8 =	simm.s32 $0x1200;
	s6 =	simm.s32 $0xA00;
	s17 =	simm.s32 $0x700  }
0x103: {  	s13 =	simm.s32 $0x2200;
	s25 =	simm.s32 $0x180;
	[sflag:s19] =	ssyncset.done $0x0  }
0x104: {  	s10 =	simm.s32 $0x1A00;
	s20 =	rddreg [dreg:$0x10];
	[sflag:s19] =	ssyncadd.s32 $0xFFFFCF00  }
.LBB2_1:
0x105: {  	[dreg:$0x11] =	wrdreg s5  }
0x106: {  	s11 =	rddreg [dreg:$0xa]  }
0x107: {  	[spmem:s16], [sflag:s15] =	dma.local [hbm:s11], $0x3100  }
.Ltmp2:
0x108: {  	_ =	swait.ge [sflag:s19], $0x3100;
	(pc) =	sbr.rel @!p0 .LBB2_2-.Ltmp2, $4  }
0x109: {  	[sflag:s19] =	ssyncset.done $0x0  }
0x10a: {  	[sflag:s19] =	ssyncadd.s32 $0xFFFFCF00  }
0x10b: {  	[bflag:$0x0] =	sbarrier.arrive $0xFFFF  }
0x10c: {  	s11 =	simm.s32 $0x0  }
0x10d: {  	s15 =	rddreg [dreg:$0x3]  }
0x10e: {  	[tilespmem:s11], [sflag:$0x5] =	stream.linear.gather [hbm4b:s15+s11], $0x280, $0x38;
	[tilespmem:$0x1E200] =	vst v63  }
0x10f: {  	_ =	swait.ge [sflag:s19], $0x280  }
0x110: {  	[sflag:s19] =	ssyncset.done $0x0  }
0x111: {  	s7 =	simm.s32 $0x500;
	[sflag:s19] =	ssyncadd.s32 $0xFFFFFD80  }
0x112: {  	[tilespmem:s7], [sflag:$0x5] =	stream.linear.gather [hbm4b:s20+s11], $0x280, $0x38;
	[tilespmem:$0x1E200] =	vst v63  }
0x113: {  	_ =	swait.ge [sflag:s19], $0x280  }
0x114: {  	[sflag:s19] =	ssyncset.done $0x0  }
0x115: {  	[sflag:s19] =	ssyncadd.s32 $0xFFFFFD80  }
0x116: {  	[tilespmem:s6], [sflag:$0x1] =	stream.indirect.gather [hbm4b:s4+s21], $0x10, s11, s21, $0xb8;
	[tilespmem:$0x1E200] =	vst v63  }
0x117: {  	_ = 	snop  }
0x118: {  	[tilespmem:s8], [sflag:$0x1] =	stream.indirect.gather [hbm4b:s4+s21], $0x10, s21, s21, $0xb8;
	[tilespmem:$0x1E200] =	vst v63  }
0x119: {  	p1 =	por $0x1, $0x1  }
0x11a: {  	[tilespmem:s10], [sflag:$0x1] =	stream.indirect.gather [hbm4b:s4+s21], $0x10, s31, s21, $0xb8;
	[tilespmem:$0x1E200] =	vst v63  }
0x11b: {  	p1 =	por p1, p1  }
0x11c: {  	[tilespmem:s13], [sflag:$0x1] =	stream.indirect.gather [hbm4b:s4+s21], $0x10, s25, s21, $0xb8;
	[tilespmem:$0x1E200] =	vst v63  }
0x11d: {  	s6 =	simm.s32 $0x2A00;
	s11 =	simm.s32 @!p1 $0x4  }
0x11e: {  	[tilespmem:s6], [sflag:$0x1] =	stream.indirect.gather [hbm4b:s4+s21], $0x10, s22, s21, $0xb8;
	[tilespmem:$0x1E200] =	vst v63  }
0x11f: {  	_ =	swait.ge @!p1 [sflag:s11], $0x800  }
0x120: {  	[sflag:s11] =	ssyncset.done @!p1 $0x0  }
0x121: {  	[sflag:s11] =	ssyncadd.s32 @!p1 $0xFFFFF800  }
0x122: {  	_ =	swait.ge @!p1 [sflag:s11], $0x800  }
0x123: {  	[sflag:s11] =	ssyncset.done @!p1 $0x0  }
0x124: {  	[sflag:s11] =	ssyncadd.s32 @!p1 $0xFFFFF800  }
0x125: {  	_ =	swait.ge @!p1 [sflag:s11], $0x800  }
0x126: {  	[sflag:s11] =	ssyncset.done @!p1 $0x0  }
0x127: {  	[sflag:s11] =	ssyncadd.s32 @!p1 $0xFFFFF800  }
0x128: {  	_ =	swait.ge @!p1 [sflag:s11], $0x800  }
0x129: {  	[sflag:s11] =	ssyncset.done @!p1 $0x0  }
0x12a: {  	[sflag:s11] =	ssyncadd.s32 @!p1 $0xFFFFF800  }
0x12b: {  	_ =	swait.ge @!p1 [sflag:s11], $0x800  }
0x12c: {  	s15 =	sadd.s32 $0x0, s15;
	[sflag:s11] =	ssyncset.done @!p1 $0x0  }
0x12d: {  	s0 =	simm.s32 $0x280;
	s9 =	sadd.s32 $0x50, s15;
	[sflag:s11] =	ssyncadd.s32 @!p1 $0xFFFFF800  }
0x12e: {  	[tilespmem:s0], [sflag:$0x5] =	stream.linear.gather [hbm4b:s9+s3], $0x280, $0x38;
	[tilespmem:$0x1E200] =	vst v63  }
0x12f: {  	_ =	swait.ge [sflag:s19], $0x280  }
0x130: {  	s11 =	sadd.s32 $0x0, s20;
	[sflag:s19] =	ssyncset.done $0x0  }
0x131: {  	s5 =	simm.s32 $0x780;
	s16 =	sadd.s32 $0x50, s11;
	[sflag:s19] =	ssyncadd.s32 $0xFFFFFD80  }
0x132: {  	[tilespmem:s5], [sflag:$0x5] =	stream.linear.gather [hbm4b:s16+s3], $0x280, $0x38;
	[tilespmem:$0x1E200] =	vst v63  }
0x133: {  	_ =	swait.ge [sflag:s19], $0x280  }
0x134: {  	[sflag:s19] =	ssyncset.done $0x0  }
0x135: {  	s9 =	simm.s32 $0x3200;
	[sflag:s19] =	ssyncadd.s32 $0xFFFFFD80  }
0x136: {  	[tilespmem:s9], [sflag:$0x2] =	stream.indirect.gather [hbm4b:s4+s21], $0x10, s0, s21, $0xb8;
	[tilespmem:$0x1E200] =	vst v63  }
0x137: {  	s1 =	simm.s32 $0x300;
	s14 =	simm.s32 $0x3A00  }
0x138: {  	[tilespmem:s14], [sflag:$0x2] =	stream.indirect.gather [hbm4b:s4+s21], $0x10, s1, s21, $0xb8;
	[tilespmem:$0x1E200] =	vst v63  }
0x139: {  	s10 =	simm.s32 $0x380;
	s16 =	simm.s32 $0x4200  }
0x13a: {  	[tilespmem:s16], [sflag:$0x2] =	stream.indirect.gather [hbm4b:s4+s21], $0x10, s10, s21, $0xb8;
	[tilespmem:$0x1E200] =	vst v63  }
0x13b: {  	s13 =	simm.s32 $0x400;
	s10 =	simm.s32 $0x4A00  }
0x13c: {  	[tilespmem:s10], [sflag:$0x2] =	stream.indirect.gather [hbm4b:s4+s21], $0x10, s13, s21, $0xb8;
	[tilespmem:$0x1E200] =	vst v63  }
0x13d: {  	s18 =	simm.s32 $0x480;
	s29 =	simm.s32 $0x5200  }
0x13e: {  	[tilespmem:s29], [sflag:$0x2] =	stream.indirect.gather [hbm4b:s4+s21], $0x10, s18, s21, $0xb8;
	[tilespmem:$0x1E200] =	vst v63  }
0x13f: {  	_ =	swait.ge [sflag:s12], $0x800  }
0x140: {  	[sflag:s12] =	ssyncset.done $0x0  }
0x141: {  	[sflag:s12] =	ssyncadd.s32 $0xFFFFF800  }
0x142: {  	_ =	swait.ge [sflag:s12], $0x800  }
0x143: {  	[sflag:s12] =	ssyncset.done $0x0  }
0x144: {  	[sflag:s12] =	ssyncadd.s32 $0xFFFFF800  }
0x145: {  	_ =	swait.ge [sflag:s12], $0x800  }
0x146: {  	[sflag:s12] =	ssyncset.done $0x0  }
0x147: {  	[sflag:s12] =	ssyncadd.s32 $0xFFFFF800  }
0x148: {  	_ =	swait.ge [sflag:s12], $0x800  }
0x149: {  	[sflag:s12] =	ssyncset.done $0x0  }
0x14a: {  	[sflag:s12] =	ssyncadd.s32 $0xFFFFF800  }
0x14b: {  	_ =	swait.ge [sflag:s12], $0x800  }
0x14c: {  	[sflag:s12] =	ssyncset.done $0x0  }
0x14d: {  	s23 =	simm.s32 $0xA00;
	[sflag:s12] =	ssyncadd.s32 $0xFFFFF800  }
0x14e: {  	[spmem:s2] =	stream.indirect.scatter.add.f32 [tilespmem:s23], [sflag:$0x3], $0x10, s7, s21, $0xb8;
	[tilespmem:$0x1E200] =	vst v63  }
0x14f: {  	s8 =	simm.s32 $0x1200;
	s13 =	simm.s32 $0x580  }
0x150: {  	[spmem:s2] =	stream.indirect.scatter.add.f32 [tilespmem:s8], [sflag:$0x3], $0x10, s13, s21, $0xb8;
	[tilespmem:$0x1E200] =	vst v63  }
0x151: {  	s28 =	simm.s32 $0x1A00;
	s18 =	simm.s32 $0x600  }
0x152: {  	[spmem:s2] =	stream.indirect.scatter.add.f32 [tilespmem:s28], [sflag:$0x3], $0x10, s18, s21, $0xb8;
	[tilespmem:$0x1E200] =	vst v63  }
0x153: {  	s30 =	simm.s32 $0x2200;
	s29 =	simm.s32 $0x680  }
0x154: {  	[spmem:s2] =	stream.indirect.scatter.add.f32 [tilespmem:s30], [sflag:$0x3], $0x10, s29, s21, $0xb8;
	[tilespmem:$0x1E200] =	vst v63  }
0x155: {  	_ = 	snop  }
0x156: {  	[spmem:s2] =	stream.indirect.scatter.add.f32 [tilespmem:s6], [sflag:$0x3], $0x10, s17, s21, $0xb8;
	[tilespmem:$0x1E200] =	vst v63  }
0x157: {  	_ =	swait.ge [sflag:s24], $0x800  }
0x158: {  	[sflag:s24] =	ssyncset.done $0x0  }
0x159: {  	[sflag:s24] =	ssyncadd.s32 $0xFFFFF800  }
0x15a: {  	_ =	swait.ge [sflag:s24], $0x800  }
0x15b: {  	[sflag:s24] =	ssyncset.done $0x0  }
0x15c: {  	[sflag:s24] =	ssyncadd.s32 $0xFFFFF800  }
0x15d: {  	_ =	swait.ge [sflag:s24], $0x800  }
0x15e: {  	[sflag:s24] =	ssyncset.done $0x0  }
0x15f: {  	[sflag:s24] =	ssyncadd.s32 $0xFFFFF800  }
0x160: {  	_ =	swait.ge [sflag:s24], $0x800  }
0x161: {  	[sflag:s24] =	ssyncset.done $0x0  }
0x162: {  	[sflag:s24] =	ssyncadd.s32 $0xFFFFF800  }
0x163: {  	_ =	swait.ge [sflag:s24], $0x800  }
0x164: {  	[sflag:s24] =	ssyncset.done $0x0  }
0x165: {  	s15 =	sadd.s32 $0xA0, s15;
	[sflag:s24] =	ssyncadd.s32 $0xFFFFF800  }
0x166: {  	[tilespmem:s3], [sflag:$0x5] =	stream.linear.gather [hbm4b:s15+s3], $0x280, $0x38;
	[tilespmem:$0x1E200] =	vst v63  }
0x167: {  	_ =	swait.ge [sflag:s19], $0x280  }
0x168: {  	[sflag:s19] =	ssyncset.done $0x0  }
0x169: {  	s11 =	sadd.s32 $0xA0, s11;
	[sflag:s19] =	ssyncadd.s32 $0xFFFFFD80  }
0x16a: {  	[tilespmem:s7], [sflag:$0x5] =	stream.linear.gather [hbm4b:s11+s3], $0x280, $0x38;
	[tilespmem:$0x1E200] =	vst v63  }
0x16b: {  	_ =	swait.ge [sflag:s19], $0x280  }
0x16c: {  	[sflag:s19] =	ssyncset.done $0x0  }
0x16d: {  	[sflag:s19] =	ssyncadd.s32 $0xFFFFFD80  }
0x16e: {  	[tilespmem:s23], [sflag:$0x1] =	stream.indirect.gather [hbm4b:s4+s21], $0x10, s3, s21, $0xb8;
	[tilespmem:$0x1E200] =	vst v63  }
0x16f: {  	_ = 	snop  }
0x170: {  	[tilespmem:s8], [sflag:$0x1] =	stream.indirect.gather [hbm4b:s4+s21], $0x10, s21, s21, $0xb8;
	[tilespmem:$0x1E200] =	vst v63  }
0x171: {  	_ = 	snop  }
0x172: {  	[tilespmem:s28], [sflag:$0x1] =	stream.indirect.gather [hbm4b:s4+s21], $0x10, s31, s21, $0xb8;
	[tilespmem:$0x1E200] =	vst v63  }
0x173: {  	_ = 	snop  }
0x174: {  	[tilespmem:s30], [sflag:$0x1] =	stream.indirect.gather [hbm4b:s4+s21], $0x10, s25, s21, $0xb8;
	[tilespmem:$0x1E200] =	vst v63  }
0x175: {  	_ = 	snop  }
0x176: {  	[tilespmem:s6], [sflag:$0x1] =	stream.indirect.gather [hbm4b:s4+s21], $0x10, s22, s21, $0xb8;
	[tilespmem:$0x1E200] =	vst v63  }
0x177: {  	_ =	swait.ge [sflag:s26], $0x800  }
0x178: {  	[sflag:s26] =	ssyncset.done $0x0  }
0x179: {  	[sflag:s26] =	ssyncadd.s32 $0xFFFFF800  }
0x17a: {  	_ =	swait.ge [sflag:s26], $0x800  }
0x17b: {  	[sflag:s26] =	ssyncset.done $0x0  }
0x17c: {  	[sflag:s26] =	ssyncadd.s32 $0xFFFFF800  }
0x17d: {  	_ =	swait.ge [sflag:s26], $0x800  }
0x17e: {  	[sflag:s26] =	ssyncset.done $0x0  }
0x17f: {  	[sflag:s26] =	ssyncadd.s32 $0xFFFFF800  }
0x180: {  	_ =	swait.ge [sflag:s26], $0x800  }
0x181: {  	[sflag:s26] =	ssyncset.done $0x0  }
0x182: {  	[sflag:s26] =	ssyncadd.s32 $0xFFFFF800  }
0x183: {  	_ =	swait.ge [sflag:s26], $0x800  }
0x184: {  	[sflag:s26] =	ssyncset.done $0x0  }
0x185: {  	p6 =	por $0x0, $0x0;
	[sflag:s26] =	ssyncadd.s32 $0xFFFFF800  }
0x186: {  	[spmem:s2] =	stream.indirect.scatter.add.f32 [tilespmem:s9], [sflag:$0x4], $0x10, s5, s21, $0xb8;
	[tilespmem:$0x1E200] =	vst v63  }
0x187: {  	p1 =	por p6, p6;
	s13 =	simm.s32 $0x800  }
0x188: {  	[spmem:s2] =	stream.indirect.scatter.add.f32 [tilespmem:s14], [sflag:$0x4], $0x10, s13, s21, $0xb8;
	[tilespmem:$0x1E200] =	vst v63  }
0x189: {  	s1 =	simm.s32 $0x900;
	s17 =	simm.s32 $0x140;
	s25 =	simm.s32 $0x880  }
0x18a: {  	[spmem:s2] =	stream.indirect.scatter.add.f32 [tilespmem:s16], [sflag:$0x4], $0x10, s25, s21, $0xb8;
	[tilespmem:$0x1E200] =	vst v63  }
0x18b: {  	s6 =	simm.s32 $0x700;
	s9 =	simm.s32 $0x980;
	s16 =	simm.s32 $0xA0  }
0x18c: {  	[spmem:s2] =	stream.indirect.scatter.add.f32 [tilespmem:s10], [sflag:$0x4], $0x10, s1, s21, $0xb8;
	[tilespmem:$0x1E200] =	vst v63  }
.LBB2_6:
0x18d: {  	s7 =	simm.s32 $0x5200;
	s11 =	simm.s32 @!p1 $0x4  }
0x18e: {  	[spmem:s2] =	stream.indirect.scatter.add.f32 [tilespmem:s7], [sflag:$0x4], $0x10, s9, s21, $0xb8;
	[tilespmem:$0x1E200] =	vst v63  }
0x18f: {  	_ =	swait.ge @!p1 [sflag:s11], $0x800  }
0x190: {  	[sflag:s11] =	ssyncset.done @!p1 $0x0  }
0x191: {  	[sflag:s11] =	ssyncadd.s32 @!p1 $0xFFFFF800  }
0x192: {  	_ =	swait.ge @!p1 [sflag:s11], $0x800  }
0x193: {  	[sflag:s11] =	ssyncset.done @!p1 $0x0  }
0x194: {  	[sflag:s11] =	ssyncadd.s32 @!p1 $0xFFFFF800  }
0x195: {  	_ =	swait.ge @!p1 [sflag:s11], $0x800  }
0x196: {  	[sflag:s11] =	ssyncset.done @!p1 $0x0  }
0x197: {  	[sflag:s11] =	ssyncadd.s32 @!p1 $0xFFFFF800  }
0x198: {  	_ =	swait.ge @!p1 [sflag:s11], $0x800  }
0x199: {  	[sflag:s11] =	ssyncset.done @!p1 $0x0  }
0x19a: {  	[sflag:s11] =	ssyncadd.s32 @!p1 $0xFFFFF800  }
0x19b: {  	_ =	swait.ge @!p1 [sflag:s11], $0x800  }
0x19c: {  	s18 =	rddreg [dreg:$0x3]  }
0x19d: {  	[sflag:s11] =	ssyncset.done @!p1 $0x0;
	s18 =	sadd.s32 s16, s18  }
0x19e: {  	[sflag:s11] =	ssyncadd.s32 @!p1 $0xFFFFF800;
	s22 =	sadd.s32 $0x50, s18  }
0x19f: {  	[tilespmem:s0], [sflag:$0x5] =	stream.linear.gather [hbm4b:s22+s3], $0x280, $0x38;
	[tilespmem:$0x1E200] =	vst v63  }
0x1a0: {  	_ =	swait.ge [sflag:s19], $0x280  }
0x1a1: {  	s11 =	sadd.s32 s16, s20;
	[sflag:s19] =	ssyncset.done $0x0  }
0x1a2: {  	s5 =	simm.s32 $0x780;
	s29 =	sadd.s32 $0x50, s11;
	[sflag:s19] =	ssyncadd.s32 $0xFFFFFD80  }
0x1a3: {  	[tilespmem:s5], [sflag:$0x5] =	stream.linear.gather [hbm4b:s29+s3], $0x280, $0x38;
	[tilespmem:$0x1E200] =	vst v63  }
0x1a4: {  	_ =	swait.ge [sflag:s19], $0x280  }
0x1a5: {  	[sflag:s19] =	ssyncset.done $0x0  }
0x1a6: {  	s14 =	simm.s32 $0x3200;
	[sflag:s19] =	ssyncadd.s32 $0xFFFFFD80  }
0x1a7: {  	[tilespmem:s14], [sflag:$0x2] =	stream.indirect.gather [hbm4b:s4+s21], $0x10, s0, s21, $0xb8;
	[tilespmem:$0x1E200] =	vst v63  }
0x1a8: {  	s31 =	simm.s32 $0x300;
	s29 =	simm.s32 $0x3A00  }
0x1a9: {  	[tilespmem:s29], [sflag:$0x2] =	stream.indirect.gather [hbm4b:s4+s21], $0x10, s31, s21, $0xb8;
	[tilespmem:$0x1E200] =	vst v63  }
0x1aa: {  	s10 =	simm.s32 $0x380;
	s31 =	simm.s32 $0x4200  }
0x1ab: {  	[tilespmem:s31], [sflag:$0x2] =	stream.indirect.gather [hbm4b:s4+s21], $0x10, s10, s21, $0xb8;
	[tilespmem:$0x1E200] =	vst v63  }
0x1ac: {  	s22 =	simm.s32 $0x400;
	s10 =	simm.s32 $0x4A00  }
0x1ad: {  	[tilespmem:s10], [sflag:$0x2] =	stream.indirect.gather [hbm4b:s4+s21], $0x10, s22, s21, $0xb8;
	[tilespmem:$0x1E200] =	vst v63  }
0x1ae: {  	s22 =	simm.s32 $0x480  }
0x1af: {  	[tilespmem:s7], [sflag:$0x2] =	stream.indirect.gather [hbm4b:s4+s21], $0x10, s22, s21, $0xb8;
	[tilespmem:$0x1E200] =	vst v63  }
0x1b0: {  	_ =	swait.ge [sflag:s12], $0x800  }
0x1b1: {  	[sflag:s12] =	ssyncset.done $0x0  }
0x1b2: {  	[sflag:s12] =	ssyncadd.s32 $0xFFFFF800  }
0x1b3: {  	_ =	swait.ge [sflag:s12], $0x800  }
0x1b4: {  	[sflag:s12] =	ssyncset.done $0x0  }
0x1b5: {  	[sflag:s12] =	ssyncadd.s32 $0xFFFFF800  }
0x1b6: {  	_ =	swait.ge [sflag:s12], $0x800  }
0x1b7: {  	[sflag:s12] =	ssyncset.done $0x0  }
0x1b8: {  	[sflag:s12] =	ssyncadd.s32 $0xFFFFF800  }
0x1b9: {  	_ =	swait.ge [sflag:s12], $0x800  }
0x1ba: {  	[sflag:s12] =	ssyncset.done $0x0  }
0x1bb: {  	[sflag:s12] =	ssyncadd.s32 $0xFFFFF800  }
0x1bc: {  	_ =	swait.ge [sflag:s12], $0x800  }
0x1bd: {  	[sflag:s12] =	ssyncset.done $0x0  }
0x1be: {  	s15 =	smov.u32 s17;
	s22 =	simm.s32 $0x500;
	[sflag:s12] =	ssyncadd.s32 $0xFFFFF800  }
0x1bf: {  	[spmem:s2] =	stream.indirect.scatter.add.f32 [tilespmem:s23], [sflag:$0x3], $0x10, s22, s21, $0xb8;
	[tilespmem:$0x1E200] =	vst v63  }
0x1c0: {  	p3 =	seq.s32 s15, $0x0;
	s16 =	smov.u32 s15;
	s15 =	simm.s32 $0x580  }
0x1c1: {  	[spmem:s2] =	stream.indirect.scatter.add.f32 [tilespmem:s8], [sflag:$0x3], $0x10, s15, s21, $0xb8;
	[tilespmem:$0x1E200] =	vst v63  }
0x1c2: {  	s15 =	simm.s32 $0x600  }
0x1c3: {  	[spmem:s2] =	stream.indirect.scatter.add.f32 [tilespmem:s28], [sflag:$0x3], $0x10, s15, s21, $0xb8;
	[tilespmem:$0x1E200] =	vst v63  }
0x1c4: {  	s15 =	simm.s32 $0x680  }
0x1c5: {  	[spmem:s2] =	stream.indirect.scatter.add.f32 [tilespmem:s30], [sflag:$0x3], $0x10, s15, s21, $0xb8;
	[tilespmem:$0x1E200] =	vst v63  }
0x1c6: {  	s7 =	simm.s32 $0x2A00  }
0x1c7: {  	[spmem:s2] =	stream.indirect.scatter.add.f32 [tilespmem:s7], [sflag:$0x3], $0x10, s6, s21, $0xb8;
	[tilespmem:$0x1E200] =	vst v63  }
0x1c8: {  	_ =	swait.ge [sflag:s24], $0x800  }
0x1c9: {  	[sflag:s24] =	ssyncset.done $0x0  }
0x1ca: {  	[sflag:s24] =	ssyncadd.s32 $0xFFFFF800  }
0x1cb: {  	_ =	swait.ge [sflag:s24], $0x800  }
0x1cc: {  	[sflag:s24] =	ssyncset.done $0x0  }
0x1cd: {  	[sflag:s24] =	ssyncadd.s32 $0xFFFFF800  }
0x1ce: {  	_ =	swait.ge [sflag:s24], $0x800  }
0x1cf: {  	[sflag:s24] =	ssyncset.done $0x0  }
0x1d0: {  	[sflag:s24] =	ssyncadd.s32 $0xFFFFF800  }
0x1d1: {  	_ =	swait.ge [sflag:s24], $0x800  }
0x1d2: {  	[sflag:s24] =	ssyncset.done $0x0  }
0x1d3: {  	[sflag:s24] =	ssyncadd.s32 $0xFFFFF800  }
0x1d4: {  	_ =	swait.ge [sflag:s24], $0x800  }
0x1d5: {  	[sflag:s24] =	ssyncset.done $0x0  }
0x1d6: {  	s15 =	sadd.s32 $0xA0, s18;
	[sflag:s24] =	ssyncadd.s32 $0xFFFFF800  }
0x1d7: {  	[tilespmem:s3], [sflag:$0x5] =	stream.linear.gather [hbm4b:s15+s3], $0x280, $0x38;
	[tilespmem:$0x1E200] =	vst v63  }
0x1d8: {  	s18 =	rddreg [dreg:$0x3];
	_ =	swait.ge [sflag:s19], $0x280  }
0x1d9: {  	[sflag:s19] =	ssyncset.done $0x0  }
0x1da: {  	s11 =	sadd.s32 $0xA0, s11;
	[sflag:s19] =	ssyncadd.s32 $0xFFFFFD80  }
0x1db: {  	[tilespmem:s22], [sflag:$0x5] =	stream.linear.gather [hbm4b:s11+s3], $0x280, $0x38;
	[tilespmem:$0x1E200] =	vst v63  }
0x1dc: {  	_ =	swait.ge [sflag:s19], $0x280  }
0x1dd: {  	[sflag:s19] =	ssyncset.done $0x0  }
0x1de: {  	[sflag:s19] =	ssyncadd.s32 $0xFFFFFD80  }
0x1df: {  	[tilespmem:s23], [sflag:$0x1] =	stream.indirect.gather [hbm4b:s4+s21], $0x10, s3, s21, $0xb8;
	[tilespmem:$0x1E200] =	vst v63  }
0x1e0: {  	_ = 	snop  }
0x1e1: {  	[tilespmem:s8], [sflag:$0x1] =	stream.indirect.gather [hbm4b:s4+s21], $0x10, s21, s21, $0xb8;
	[tilespmem:$0x1E200] =	vst v63  }
0x1e2: {  	s22 =	simm.s32 $0x100  }
0x1e3: {  	[tilespmem:s28], [sflag:$0x1] =	stream.indirect.gather [hbm4b:s4+s21], $0x10, s22, s21, $0xb8;
	[tilespmem:$0x1E200] =	vst v63  }
0x1e4: {  	s15 =	simm.s32 $0x180  }
0x1e5: {  	[tilespmem:s30], [sflag:$0x1] =	stream.indirect.gather [hbm4b:s4+s21], $0x10, s15, s21, $0xb8;
	[tilespmem:$0x1E200] =	vst v63  }
0x1e6: {  	s22 =	simm.s32 $0x200  }
0x1e7: {  	[tilespmem:s7], [sflag:$0x1] =	stream.indirect.gather [hbm4b:s4+s21], $0x10, s22, s21, $0xb8;
	[tilespmem:$0x1E200] =	vst v63  }
0x1e8: {  	_ =	swait.ge [sflag:s26], $0x800  }
0x1e9: {  	[sflag:s26] =	ssyncset.done $0x0  }
0x1ea: {  	[sflag:s26] =	ssyncadd.s32 $0xFFFFF800  }
0x1eb: {  	_ =	swait.ge [sflag:s26], $0x800  }
0x1ec: {  	[sflag:s26] =	ssyncset.done $0x0  }
0x1ed: {  	[sflag:s26] =	ssyncadd.s32 $0xFFFFF800  }
0x1ee: {  	_ =	swait.ge [sflag:s26], $0x800  }
0x1ef: {  	[sflag:s26] =	ssyncset.done $0x0  }
0x1f0: {  	[sflag:s26] =	ssyncadd.s32 $0xFFFFF800  }
0x1f1: {  	_ =	swait.ge [sflag:s26], $0x800  }
0x1f2: {  	[sflag:s26] =	ssyncset.done $0x0  }
0x1f3: {  	[sflag:s26] =	ssyncadd.s32 $0xFFFFF800  }
0x1f4: {  	_ =	swait.ge [sflag:s26], $0x800  }
0x1f5: {  	[sflag:s26] =	ssyncset.done $0x0  }
0x1f6: {  	s17 =	sadd.s32 $0xA0, s17;
	[sflag:s26] =	ssyncadd.s32 $0xFFFFF800  }
0x1f7: {  	[spmem:s2] =	stream.indirect.scatter.add.f32 [tilespmem:s14], [sflag:$0x4], $0x10, s5, s21, $0xb8;
	[tilespmem:$0x1E200] =	vst v63  }
0x1f8: {  	p2 =	sne.s32 s17, $0x33E0  }
0x1f9: {  	[spmem:s2] =	stream.indirect.scatter.add.f32 [tilespmem:s29], [sflag:$0x4], $0x10, s13, s21, $0xb8;
	[tilespmem:$0x1E200] =	vst v63  }
.Ltmp3:
0x1fa: {  	_ = 	snop;
	(pc) =	sbr.rel @p2 .LBB2_6-.Ltmp3, $4  }
0x1fb: {  	_ = 	snop  }
0x1fc: {  	[spmem:s2] =	stream.indirect.scatter.add.f32 [tilespmem:s31], [sflag:$0x4], $0x10, s25, s21, $0xb8;
	[tilespmem:$0x1E200] =	vst v63  }
0x1fd: {  	p1 =	por p3, p3  }
0x1fe: {  	[spmem:s2] =	stream.indirect.scatter.add.f32 [tilespmem:s10], [sflag:$0x4], $0x10, s1, s21, $0xb8;
	[tilespmem:$0x1E200] =	vst v63  }
.Ltmp4:
0x1ff: {  	_ = 	snop;
	(pc) =	sbr.rel .LBB2_7-.Ltmp4, $1  }
0x200: {  	_ =	sdelay $0x3  }
.LBB2_2:
0x201: {  	[tilespmem:s11], [sflag:$0x5] =	stream.linear.gather [hbm4b:s18+s11], $0x280, $0x38;
	[tilespmem:$0x1E200] =	vst v63  }
0x202: {  	_ =	swait.ge [sflag:s19], $0x280  }
0x203: {  	[sflag:s19] =	ssyncset.done $0x0  }
0x204: {  	s7 =	simm.s32 $0x500;
	[sflag:s19] =	ssyncadd.s32 $0xFFFFFD80  }
0x205: {  	[tilespmem:s7], [sflag:$0x5] =	stream.linear.gather [hbm4b:s20+s11], $0x280, $0x38;
	[tilespmem:$0x1E200] =	vst v63  }
0x206: {  	_ =	swait.ge [sflag:s19], $0x280  }
0x207: {  	[sflag:s19] =	ssyncset.done $0x0  }
0x208: {  	[sflag:s19] =	ssyncadd.s32 $0xFFFFFD80  }
0x209: {  	[tilespmem:s6], [sflag:$0x1] =	stream.indirect.gather [hbm4b:s4+s21], $0x10, s11, s21, $0xb8;
	[tilespmem:$0x1E200] =	vst v63  }
0x20a: {  	_ = 	snop  }
0x20b: {  	[tilespmem:s8], [sflag:$0x1] =	stream.indirect.gather [hbm4b:s4+s21], $0x10, s21, s21, $0xb8;
	[tilespmem:$0x1E200] =	vst v63  }
0x20c: {  	p1 =	por $0x1, $0x1  }
0x20d: {  	[tilespmem:s10], [sflag:$0x1] =	stream.indirect.gather [hbm4b:s4+s21], $0x10, s31, s21, $0xb8;
	[tilespmem:$0x1E200] =	vst v63  }
0x20e: {  	p1 =	por p1, p1  }
0x20f: {  	[tilespmem:s13], [sflag:$0x1] =	stream.indirect.gather [hbm4b:s4+s21], $0x10, s25, s21, $0xb8;
	[tilespmem:$0x1E200] =	vst v63  }
0x210: {  	s9 =	simm.s32 $0x2A00;
	s11 =	simm.s32 @!p1 $0x4  }
0x211: {  	[tilespmem:s9], [sflag:$0x1] =	stream.indirect.gather [hbm4b:s4+s21], $0x10, s22, s21, $0xb8;
	[tilespmem:$0x1E200] =	vst v63  }
0x212: {  	_ =	swait.ge @!p1 [sflag:s11], $0x800  }
0x213: {  	[sflag:s11] =	ssyncset.done @!p1 $0x0  }
0x214: {  	[sflag:s11] =	ssyncadd.s32 @!p1 $0xFFFFF800  }
0x215: {  	_ =	swait.ge @!p1 [sflag:s11], $0x800  }
0x216: {  	[sflag:s11] =	ssyncset.done @!p1 $0x0  }
0x217: {  	[sflag:s11] =	ssyncadd.s32 @!p1 $0xFFFFF800  }
0x218: {  	_ =	swait.ge @!p1 [sflag:s11], $0x800  }
0x219: {  	[sflag:s11] =	ssyncset.done @!p1 $0x0  }
0x21a: {  	[sflag:s11] =	ssyncadd.s32 @!p1 $0xFFFFF800  }
0x21b: {  	_ =	swait.ge @!p1 [sflag:s11], $0x800  }
0x21c: {  	[sflag:s11] =	ssyncset.done @!p1 $0x0  }
0x21d: {  	[sflag:s11] =	ssyncadd.s32 @!p1 $0xFFFFF800  }
0x21e: {  	_ =	swait.ge @!p1 [sflag:s11], $0x800  }
0x21f: {  	s16 =	sadd.s32 $0x0, s18;
	[sflag:s11] =	ssyncset.done @!p1 $0x0  }
0x220: {  	s0 =	simm.s32 $0x280;
	s8 =	sadd.s32 $0x50, s16;
	[sflag:s11] =	ssyncadd.s32 @!p1 $0xFFFFF800  }
0x221: {  	[tilespmem:s0], [sflag:$0x5] =	stream.linear.gather [hbm4b:s8+s3], $0x280, $0x38;
	[tilespmem:$0x1E200] =	vst v63  }
0x222: {  	_ =	swait.ge [sflag:s19], $0x280  }
0x223: {  	s11 =	sadd.s32 $0x0, s20;
	[sflag:s19] =	ssyncset.done $0x0  }
0x224: {  	s5 =	simm.s32 $0x780;
	s17 =	sadd.s32 $0x50, s11;
	[sflag:s19] =	ssyncadd.s32 $0xFFFFFD80  }
0x225: {  	[tilespmem:s5], [sflag:$0x5] =	stream.linear.gather [hbm4b:s17+s3], $0x280, $0x38;
	[tilespmem:$0x1E200] =	vst v63  }
0x226: {  	_ =	swait.ge [sflag:s19], $0x280  }
0x227: {  	[sflag:s19] =	ssyncset.done $0x0  }
0x228: {  	s13 =	simm.s32 $0x3200;
	[sflag:s19] =	ssyncadd.s32 $0xFFFFFD80  }
0x229: {  	[tilespmem:s13], [sflag:$0x2] =	stream.indirect.gather [hbm4b:s4+s21], $0x10, s0, s21, $0xb8;
	[tilespmem:$0x1E200] =	vst v63  }
0x22a: {  	s1 =	simm.s32 $0x300;
	s14 =	simm.s32 $0x3A00  }
0x22b: {  	[tilespmem:s14], [sflag:$0x2] =	stream.indirect.gather [hbm4b:s4+s21], $0x10, s1, s21, $0xb8;
	[tilespmem:$0x1E200] =	vst v63  }
0x22c: {  	s15 =	simm.s32 $0x4200;
	s10 =	simm.s32 $0x380  }
0x22d: {  	[tilespmem:s15], [sflag:$0x2] =	stream.indirect.gather [hbm4b:s4+s21], $0x10, s10, s21, $0xb8;
	[tilespmem:$0x1E200] =	vst v63  }
0x22e: {  	s17 =	simm.s32 $0x400;
	s10 =	simm.s32 $0x4A00  }
0x22f: {  	[tilespmem:s10], [sflag:$0x2] =	stream.indirect.gather [hbm4b:s4+s21], $0x10, s17, s21, $0xb8;
	[tilespmem:$0x1E200] =	vst v63  }
0x230: {  	s29 =	simm.s32 $0x480;
	s31 =	simm.s32 $0x5200  }
0x231: {  	[tilespmem:s31], [sflag:$0x2] =	stream.indirect.gather [hbm4b:s4+s21], $0x10, s29, s21, $0xb8;
	[tilespmem:$0x1E200] =	vst v63  }
0x232: {  	_ =	swait.ge [sflag:s12], $0x800  }
0x233: {  	[sflag:s12] =	ssyncset.done $0x0  }
0x234: {  	[sflag:s12] =	ssyncadd.s32 $0xFFFFF800  }
0x235: {  	_ =	swait.ge [sflag:s12], $0x800  }
0x236: {  	[sflag:s12] =	ssyncset.done $0x0  }
0x237: {  	[sflag:s12] =	ssyncadd.s32 $0xFFFFF800  }
0x238: {  	_ =	swait.ge [sflag:s12], $0x800  }
0x239: {  	[sflag:s12] =	ssyncset.done $0x0  }
0x23a: {  	[sflag:s12] =	ssyncadd.s32 $0xFFFFF800  }
0x23b: {  	_ =	swait.ge [sflag:s12], $0x800  }
0x23c: {  	[sflag:s12] =	ssyncset.done $0x0  }
0x23d: {  	[sflag:s12] =	ssyncadd.s32 $0xFFFFF800  }
0x23e: {  	_ =	swait.ge [sflag:s12], $0x800  }
0x23f: {  	[sflag:s12] =	ssyncset.done $0x0  }
0x240: {  	s23 =	simm.s32 $0xA00;
	[sflag:s12] =	ssyncadd.s32 $0xFFFFF800  }
0x241: {  	[spmem:s2] =	stream.indirect.scatter.add.f32 [tilespmem:s23], [sflag:$0x3], $0x10, s7, s21, $0xb8;
	[tilespmem:$0x1E200] =	vst v63  }
0x242: {  	s8 =	simm.s32 $0x1200;
	s17 =	simm.s32 $0x580  }
0x243: {  	[spmem:s2] =	stream.indirect.scatter.add.f32 [tilespmem:s8], [sflag:$0x3], $0x10, s17, s21, $0xb8;
	[tilespmem:$0x1E200] =	vst v63  }
0x244: {  	s28 =	simm.s32 $0x1A00;
	s29 =	simm.s32 $0x600  }
0x245: {  	[spmem:s2] =	stream.indirect.scatter.add.f32 [tilespmem:s28], [sflag:$0x3], $0x10, s29, s21, $0xb8;
	[tilespmem:$0x1E200] =	vst v63  }
0x246: {  	s30 =	simm.s32 $0x2200;
	s31 =	simm.s32 $0x680  }
0x247: {  	[spmem:s2] =	stream.indirect.scatter.add.f32 [tilespmem:s30], [sflag:$0x3], $0x10, s31, s21, $0xb8;
	[tilespmem:$0x1E200] =	vst v63  }
0x248: {  	s6 =	simm.s32 $0x700  }
0x249: {  	[spmem:s2] =	stream.indirect.scatter.add.f32 [tilespmem:s9], [sflag:$0x3], $0x10, s6, s21, $0xb8;
	[tilespmem:$0x1E200] =	vst v63  }
0x24a: {  	_ =	swait.ge [sflag:s24], $0x800  }
0x24b: {  	[sflag:s24] =	ssyncset.done $0x0  }
0x24c: {  	[sflag:s24] =	ssyncadd.s32 $0xFFFFF800  }
0x24d: {  	_ =	swait.ge [sflag:s24], $0x800  }
0x24e: {  	[sflag:s24] =	ssyncset.done $0x0  }
0x24f: {  	[sflag:s24] =	ssyncadd.s32 $0xFFFFF800  }
0x250: {  	_ =	swait.ge [sflag:s24], $0x800  }
0x251: {  	[sflag:s24] =	ssyncset.done $0x0  }
0x252: {  	[sflag:s24] =	ssyncadd.s32 $0xFFFFF800  }
0x253: {  	_ =	swait.ge [sflag:s24], $0x800  }
0x254: {  	[sflag:s24] =	ssyncset.done $0x0  }
0x255: {  	[sflag:s24] =	ssyncadd.s32 $0xFFFFF800  }
0x256: {  	_ =	swait.ge [sflag:s24], $0x800  }
0x257: {  	[sflag:s24] =	ssyncset.done $0x0  }
0x258: {  	s16 =	sadd.s32 $0xA0, s16;
	[sflag:s24] =	ssyncadd.s32 $0xFFFFF800  }
0x259: {  	[tilespmem:s3], [sflag:$0x5] =	stream.linear.gather [hbm4b:s16+s3], $0x280, $0x38;
	[tilespmem:$0x1E200] =	vst v63  }
0x25a: {  	_ =	swait.ge [sflag:s19], $0x280  }
0x25b: {  	[sflag:s19] =	ssyncset.done $0x0  }
0x25c: {  	s11 =	sadd.s32 $0xA0, s11;
	[sflag:s19] =	ssyncadd.s32 $0xFFFFFD80  }
0x25d: {  	[tilespmem:s7], [sflag:$0x5] =	stream.linear.gather [hbm4b:s11+s3], $0x280, $0x38;
	[tilespmem:$0x1E200] =	vst v63  }
0x25e: {  	_ =	swait.ge [sflag:s19], $0x280  }
0x25f: {  	[sflag:s19] =	ssyncset.done $0x0  }
0x260: {  	[sflag:s19] =	ssyncadd.s32 $0xFFFFFD80  }
0x261: {  	[tilespmem:s23], [sflag:$0x1] =	stream.indirect.gather [hbm4b:s4+s21], $0x10, s3, s21, $0xb8;
	[tilespmem:$0x1E200] =	vst v63  }
0x262: {  	_ = 	snop  }
0x263: {  	[tilespmem:s8], [sflag:$0x1] =	stream.indirect.gather [hbm4b:s4+s21], $0x10, s21, s21, $0xb8;
	[tilespmem:$0x1E200] =	vst v63  }
0x264: {  	s25 =	simm.s32 $0x100  }
0x265: {  	[tilespmem:s28], [sflag:$0x1] =	stream.indirect.gather [hbm4b:s4+s21], $0x10, s25, s21, $0xb8;
	[tilespmem:$0x1E200] =	vst v63  }
0x266: {  	s22 =	simm.s32 $0x180  }
0x267: {  	[tilespmem:s30], [sflag:$0x1] =	stream.indirect.gather [hbm4b:s4+s21], $0x10, s22, s21, $0xb8;
	[tilespmem:$0x1E200] =	vst v63  }
0x268: {  	s18 =	simm.s32 $0x200  }
0x269: {  	[tilespmem:s9], [sflag:$0x1] =	stream.indirect.gather [hbm4b:s4+s21], $0x10, s18, s21, $0xb8;
	[tilespmem:$0x1E200] =	vst v63  }
0x26a: {  	_ =	swait.ge [sflag:s26], $0x800  }
0x26b: {  	[sflag:s26] =	ssyncset.done $0x0  }
0x26c: {  	[sflag:s26] =	ssyncadd.s32 $0xFFFFF800  }
0x26d: {  	_ =	swait.ge [sflag:s26], $0x800  }
0x26e: {  	[sflag:s26] =	ssyncset.done $0x0  }
0x26f: {  	[sflag:s26] =	ssyncadd.s32 $0xFFFFF800  }
0x270: {  	_ =	swait.ge [sflag:s26], $0x800  }
0x271: {  	[sflag:s26] =	ssyncset.done $0x0  }
0x272: {  	[sflag:s26] =	ssyncadd.s32 $0xFFFFF800  }
0x273: {  	_ =	swait.ge [sflag:s26], $0x800  }
0x274: {  	[sflag:s26] =	ssyncset.done $0x0  }
0x275: {  	[sflag:s26] =	ssyncadd.s32 $0xFFFFF800  }
0x276: {  	_ =	swait.ge [sflag:s26], $0x800  }
0x277: {  	[sflag:s26] =	ssyncset.done $0x0  }
0x278: {  	[sflag:s26] =	ssyncadd.s32 $0xFFFFF800  }
0x279: {  	[spmem:s2] =	stream.indirect.scatter.add.f32 [tilespmem:s13], [sflag:$0x4], $0x10, s5, s21, $0xb8;
	[tilespmem:$0x1E200] =	vst v63  }
0x27a: {  	p6 =	por $0x0, $0x0;
	s13 =	simm.s32 $0x800  }
0x27b: {  	[spmem:s2] =	stream.indirect.scatter.add.f32 [tilespmem:s14], [sflag:$0x4], $0x10, s13, s21, $0xb8;
	[tilespmem:$0x1E200] =	vst v63  }
0x27c: {  	p1 =	por p6, p6;
	s1 =	simm.s32 $0x900;
	s25 =	simm.s32 $0x880  }
0x27d: {  	[spmem:s2] =	stream.indirect.scatter.add.f32 [tilespmem:s15], [sflag:$0x4], $0x10, s25, s21, $0xb8;
	[tilespmem:$0x1E200] =	vst v63  }
0x27e: {  	s17 =	simm.s32 $0x140;
	s16 =	simm.s32 $0xA0;
	s9 =	simm.s32 $0x980  }
0x27f: {  	[spmem:s2] =	stream.indirect.scatter.add.f32 [tilespmem:s10], [sflag:$0x4], $0x10, s1, s21, $0xb8;
	[tilespmem:$0x1E200] =	vst v63  }
.LBB2_3:
0x280: {  	s7 =	simm.s32 $0x5200;
	s11 =	simm.s32 @!p1 $0x4  }
0x281: {  	[spmem:s2] =	stream.indirect.scatter.add.f32 [tilespmem:s7], [sflag:$0x4], $0x10, s9, s21, $0xb8;
	[tilespmem:$0x1E200] =	vst v63  }
0x282: {  	_ =	swait.ge @!p1 [sflag:s11], $0x800  }
0x283: {  	[sflag:s11] =	ssyncset.done @!p1 $0x0  }
0x284: {  	[sflag:s11] =	ssyncadd.s32 @!p1 $0xFFFFF800  }
0x285: {  	_ =	swait.ge @!p1 [sflag:s11], $0x800  }
0x286: {  	[sflag:s11] =	ssyncset.done @!p1 $0x0  }
0x287: {  	[sflag:s11] =	ssyncadd.s32 @!p1 $0xFFFFF800  }
0x288: {  	_ =	swait.ge @!p1 [sflag:s11], $0x800  }
0x289: {  	[sflag:s11] =	ssyncset.done @!p1 $0x0  }
0x28a: {  	[sflag:s11] =	ssyncadd.s32 @!p1 $0xFFFFF800  }
0x28b: {  	_ =	swait.ge @!p1 [sflag:s11], $0x800  }
0x28c: {  	[sflag:s11] =	ssyncset.done @!p1 $0x0  }
0x28d: {  	[sflag:s11] =	ssyncadd.s32 @!p1 $0xFFFFF800  }
0x28e: {  	_ =	swait.ge @!p1 [sflag:s11], $0x800  }
0x28f: {  	s18 =	rddreg [dreg:$0x4]  }
0x290: {  	[sflag:s11] =	ssyncset.done @!p1 $0x0;
	s18 =	sadd.s32 s16, s18  }
0x291: {  	[sflag:s11] =	ssyncadd.s32 @!p1 $0xFFFFF800;
	s22 =	sadd.s32 $0x50, s18  }
0x292: {  	[tilespmem:s0], [sflag:$0x5] =	stream.linear.gather [hbm4b:s22+s3], $0x280, $0x38;
	[tilespmem:$0x1E200] =	vst v63  }
0x293: {  	_ =	swait.ge [sflag:s19], $0x280  }
0x294: {  	s11 =	sadd.s32 s16, s20;
	[sflag:s19] =	ssyncset.done $0x0  }
0x295: {  	s5 =	simm.s32 $0x780;
	s29 =	sadd.s32 $0x50, s11;
	[sflag:s19] =	ssyncadd.s32 $0xFFFFFD80  }
0x296: {  	[tilespmem:s5], [sflag:$0x5] =	stream.linear.gather [hbm4b:s29+s3], $0x280, $0x38;
	[tilespmem:$0x1E200] =	vst v63  }
0x297: {  	_ =	swait.ge [sflag:s19], $0x280  }
0x298: {  	[sflag:s19] =	ssyncset.done $0x0  }
0x299: {  	s14 =	simm.s32 $0x3200;
	[sflag:s19] =	ssyncadd.s32 $0xFFFFFD80  }
0x29a: {  	[tilespmem:s14], [sflag:$0x2] =	stream.indirect.gather [hbm4b:s4+s21], $0x10, s0, s21, $0xb8;
	[tilespmem:$0x1E200] =	vst v63  }
0x29b: {  	s31 =	simm.s32 $0x300;
	s29 =	simm.s32 $0x3A00  }
0x29c: {  	[tilespmem:s29], [sflag:$0x2] =	stream.indirect.gather [hbm4b:s4+s21], $0x10, s31, s21, $0xb8;
	[tilespmem:$0x1E200] =	vst v63  }
0x29d: {  	s10 =	simm.s32 $0x380;
	s31 =	simm.s32 $0x4200  }
0x29e: {  	[tilespmem:s31], [sflag:$0x2] =	stream.indirect.gather [hbm4b:s4+s21], $0x10, s10, s21, $0xb8;
	[tilespmem:$0x1E200] =	vst v63  }
0x29f: {  	s22 =	simm.s32 $0x400;
	s10 =	simm.s32 $0x4A00  }
0x2a0: {  	[tilespmem:s10], [sflag:$0x2] =	stream.indirect.gather [hbm4b:s4+s21], $0x10, s22, s21, $0xb8;
	[tilespmem:$0x1E200] =	vst v63  }
0x2a1: {  	s22 =	simm.s32 $0x480  }
0x2a2: {  	[tilespmem:s7], [sflag:$0x2] =	stream.indirect.gather [hbm4b:s4+s21], $0x10, s22, s21, $0xb8;
	[tilespmem:$0x1E200] =	vst v63  }
0x2a3: {  	_ =	swait.ge [sflag:s12], $0x800  }
0x2a4: {  	[sflag:s12] =	ssyncset.done $0x0  }
0x2a5: {  	[sflag:s12] =	ssyncadd.s32 $0xFFFFF800  }
0x2a6: {  	_ =	swait.ge [sflag:s12], $0x800  }
0x2a7: {  	[sflag:s12] =	ssyncset.done $0x0  }
0x2a8: {  	[sflag:s12] =	ssyncadd.s32 $0xFFFFF800  }
0x2a9: {  	_ =	swait.ge [sflag:s12], $0x800  }
0x2aa: {  	[sflag:s12] =	ssyncset.done $0x0  }
0x2ab: {  	[sflag:s12] =	ssyncadd.s32 $0xFFFFF800  }
0x2ac: {  	_ =	swait.ge [sflag:s12], $0x800  }
0x2ad: {  	[sflag:s12] =	ssyncset.done $0x0  }
0x2ae: {  	[sflag:s12] =	ssyncadd.s32 $0xFFFFF800  }
0x2af: {  	_ =	swait.ge [sflag:s12], $0x800  }
0x2b0: {  	[sflag:s12] =	ssyncset.done $0x0  }
0x2b1: {  	s15 =	smov.u32 s17;
	s22 =	simm.s32 $0x500;
	[sflag:s12] =	ssyncadd.s32 $0xFFFFF800  }
0x2b2: {  	[spmem:s2] =	stream.indirect.scatter.add.f32 [tilespmem:s23], [sflag:$0x3], $0x10, s22, s21, $0xb8;
	[tilespmem:$0x1E200] =	vst v63  }
0x2b3: {  	p3 =	seq.s32 s15, $0x0;
	s16 =	smov.u32 s15;
	s15 =	simm.s32 $0x580  }
0x2b4: {  	[spmem:s2] =	stream.indirect.scatter.add.f32 [tilespmem:s8], [sflag:$0x3], $0x10, s15, s21, $0xb8;
	[tilespmem:$0x1E200] =	vst v63  }
0x2b5: {  	s15 =	simm.s32 $0x600  }
0x2b6: {  	[spmem:s2] =	stream.indirect.scatter.add.f32 [tilespmem:s28], [sflag:$0x3], $0x10, s15, s21, $0xb8;
	[tilespmem:$0x1E200] =	vst v63  }
0x2b7: {  	s15 =	simm.s32 $0x680  }
0x2b8: {  	[spmem:s2] =	stream.indirect.scatter.add.f32 [tilespmem:s30], [sflag:$0x3], $0x10, s15, s21, $0xb8;
	[tilespmem:$0x1E200] =	vst v63  }
0x2b9: {  	s7 =	simm.s32 $0x2A00  }
0x2ba: {  	[spmem:s2] =	stream.indirect.scatter.add.f32 [tilespmem:s7], [sflag:$0x3], $0x10, s6, s21, $0xb8;
	[tilespmem:$0x1E200] =	vst v63  }
0x2bb: {  	_ =	swait.ge [sflag:s24], $0x800  }
0x2bc: {  	[sflag:s24] =	ssyncset.done $0x0  }
0x2bd: {  	[sflag:s24] =	ssyncadd.s32 $0xFFFFF800  }
0x2be: {  	_ =	swait.ge [sflag:s24], $0x800  }
0x2bf: {  	[sflag:s24] =	ssyncset.done $0x0  }
0x2c0: {  	[sflag:s24] =	ssyncadd.s32 $0xFFFFF800  }
0x2c1: {  	_ =	swait.ge [sflag:s24], $0x800  }
0x2c2: {  	[sflag:s24] =	ssyncset.done $0x0  }
0x2c3: {  	[sflag:s24] =	ssyncadd.s32 $0xFFFFF800  }
0x2c4: {  	_ =	swait.ge [sflag:s24], $0x800  }
0x2c5: {  	[sflag:s24] =	ssyncset.done $0x0  }
0x2c6: {  	[sflag:s24] =	ssyncadd.s32 $0xFFFFF800  }
0x2c7: {  	_ =	swait.ge [sflag:s24], $0x800  }
0x2c8: {  	[sflag:s24] =	ssyncset.done $0x0  }
0x2c9: {  	s15 =	sadd.s32 $0xA0, s18;
	[sflag:s24] =	ssyncadd.s32 $0xFFFFF800  }
0x2ca: {  	[tilespmem:s3], [sflag:$0x5] =	stream.linear.gather [hbm4b:s15+s3], $0x280, $0x38;
	[tilespmem:$0x1E200] =	vst v63  }
0x2cb: {  	s18 =	rddreg [dreg:$0x4];
	_ =	swait.ge [sflag:s19], $0x280  }
0x2cc: {  	[sflag:s19] =	ssyncset.done $0x0  }
0x2cd: {  	s11 =	sadd.s32 $0xA0, s11;
	[sflag:s19] =	ssyncadd.s32 $0xFFFFFD80  }
0x2ce: {  	[tilespmem:s22], [sflag:$0x5] =	stream.linear.gather [hbm4b:s11+s3], $0x280, $0x38;
	[tilespmem:$0x1E200] =	vst v63  }
0x2cf: {  	_ =	swait.ge [sflag:s19], $0x280  }
0x2d0: {  	[sflag:s19] =	ssyncset.done $0x0  }
0x2d1: {  	[sflag:s19] =	ssyncadd.s32 $0xFFFFFD80  }
0x2d2: {  	[tilespmem:s23], [sflag:$0x1] =	stream.indirect.gather [hbm4b:s4+s21], $0x10, s3, s21, $0xb8;
	[tilespmem:$0x1E200] =	vst v63  }
0x2d3: {  	_ = 	snop  }
0x2d4: {  	[tilespmem:s8], [sflag:$0x1] =	stream.indirect.gather [hbm4b:s4+s21], $0x10, s21, s21, $0xb8;
	[tilespmem:$0x1E200] =	vst v63  }
0x2d5: {  	s22 =	simm.s32 $0x100  }
0x2d6: {  	[tilespmem:s28], [sflag:$0x1] =	stream.indirect.gather [hbm4b:s4+s21], $0x10, s22, s21, $0xb8;
	[tilespmem:$0x1E200] =	vst v63  }
0x2d7: {  	s15 =	simm.s32 $0x180  }
0x2d8: {  	[tilespmem:s30], [sflag:$0x1] =	stream.indirect.gather [hbm4b:s4+s21], $0x10, s15, s21, $0xb8;
	[tilespmem:$0x1E200] =	vst v63  }
0x2d9: {  	s22 =	simm.s32 $0x200  }
0x2da: {  	[tilespmem:s7], [sflag:$0x1] =	stream.indirect.gather [hbm4b:s4+s21], $0x10, s22, s21, $0xb8;
	[tilespmem:$0x1E200] =	vst v63  }
0x2db: {  	_ =	swait.ge [sflag:s26], $0x800  }
0x2dc: {  	[sflag:s26] =	ssyncset.done $0x0  }
0x2dd: {  	[sflag:s26] =	ssyncadd.s32 $0xFFFFF800  }
0x2de: {  	_ =	swait.ge [sflag:s26], $0x800  }
0x2df: {  	[sflag:s26] =	ssyncset.done $0x0  }
0x2e0: {  	[sflag:s26] =	ssyncadd.s32 $0xFFFFF800  }
0x2e1: {  	_ =	swait.ge [sflag:s26], $0x800  }
0x2e2: {  	[sflag:s26] =	ssyncset.done $0x0  }
0x2e3: {  	[sflag:s26] =	ssyncadd.s32 $0xFFFFF800  }
0x2e4: {  	_ =	swait.ge [sflag:s26], $0x800  }
0x2e5: {  	[sflag:s26] =	ssyncset.done $0x0  }
0x2e6: {  	[sflag:s26] =	ssyncadd.s32 $0xFFFFF800  }
0x2e7: {  	_ =	swait.ge [sflag:s26], $0x800  }
0x2e8: {  	[sflag:s26] =	ssyncset.done $0x0  }
0x2e9: {  	s17 =	sadd.s32 $0xA0, s17;
	[sflag:s26] =	ssyncadd.s32 $0xFFFFF800  }
0x2ea: {  	[spmem:s2] =	stream.indirect.scatter.add.f32 [tilespmem:s14], [sflag:$0x4], $0x10, s5, s21, $0xb8;
	[tilespmem:$0x1E200] =	vst v63  }
0x2eb: {  	p2 =	seq.s32 s17, $0x33E0  }
0x2ec: {  	[spmem:s2] =	stream.indirect.scatter.add.f32 [tilespmem:s29], [sflag:$0x4], $0x10, s13, s21, $0xb8;
	[tilespmem:$0x1E200] =	vst v63  }
.Ltmp5:
0x2ed: {  	_ = 	snop;
	(pc) =	sbr.rel @!p2 .LBB2_3-.Ltmp5, $4  }
0x2ee: {  	_ = 	snop  }
0x2ef: {  	[spmem:s2] =	stream.indirect.scatter.add.f32 [tilespmem:s31], [sflag:$0x4], $0x10, s25, s21, $0xb8;
	[tilespmem:$0x1E200] =	vst v63  }
0x2f0: {  	p1 =	por p3, p3  }
0x2f1: {  	[spmem:s2] =	stream.indirect.scatter.add.f32 [tilespmem:s10], [sflag:$0x4], $0x10, s1, s21, $0xb8;
	[tilespmem:$0x1E200] =	vst v63  }
0x2f2: {  	s22 =	simm.s32 $0x5200;
	s11 =	simm.s32 @!p1 $0x4  }
0x2f3: {  	[spmem:s2] =	stream.indirect.scatter.add.f32 [tilespmem:s22], [sflag:$0x4], $0x10, s9, s21, $0xb8;
	[tilespmem:$0x1E200] =	vst v63  }
0x2f4: {  	_ =	swait.ge @!p1 [sflag:s11], $0x800  }
0x2f5: {  	[sflag:s11] =	ssyncset.done @!p1 $0x0  }
0x2f6: {  	[sflag:s11] =	ssyncadd.s32 @!p1 $0xFFFFF800  }
0x2f7: {  	_ =	swait.ge @!p1 [sflag:s11], $0x800  }
0x2f8: {  	[sflag:s11] =	ssyncset.done @!p1 $0x0  }
0x2f9: {  	[sflag:s11] =	ssyncadd.s32 @!p1 $0xFFFFF800  }
0x2fa: {  	_ =	swait.ge @!p1 [sflag:s11], $0x800  }
0x2fb: {  	[sflag:s11] =	ssyncset.done @!p1 $0x0  }
0x2fc: {  	[sflag:s11] =	ssyncadd.s32 @!p1 $0xFFFFF800  }
0x2fd: {  	_ =	swait.ge @!p1 [sflag:s11], $0x800  }
0x2fe: {  	[sflag:s11] =	ssyncset.done @!p1 $0x0  }
0x2ff: {  	[sflag:s11] =	ssyncadd.s32 @!p1 $0xFFFFF800  }
0x300: {  	_ =	swait.ge @!p1 [sflag:s11], $0x800  }
0x301: {  	s15 =	sadd.s32 s16, s18;
	[sflag:s11] =	ssyncset.done @!p1 $0x0  }
0x302: {  	s5 =	sadd.s32 $0x50, s15;
	[sflag:s11] =	ssyncadd.s32 @!p1 $0xFFFFF800  }
0x303: {  	[tilespmem:s0], [sflag:$0x5] =	stream.linear.gather [hbm4b:s5+s3], $0x280, $0x38;
	[tilespmem:$0x1E200] =	vst v63  }
0x304: {  	_ =	swait.ge [sflag:s19], $0x280  }
0x305: {  	s11 =	sadd.s32 s16, s20;
	[sflag:s19] =	ssyncset.done $0x0  }
0x306: {  	s16 =	sadd.s32 $0x50, s11;
	s5 =	simm.s32 $0x780;
	[sflag:s19] =	ssyncadd.s32 $0xFFFFFD80  }
0x307: {  	[tilespmem:s5], [sflag:$0x5] =	stream.linear.gather [hbm4b:s16+s3], $0x280, $0x38;
	[tilespmem:$0x1E200] =	vst v63  }
0x308: {  	_ =	swait.ge [sflag:s19], $0x280  }
0x309: {  	[sflag:s19] =	ssyncset.done $0x0  }
0x30a: {  	s14 =	simm.s32 $0x3200;
	[sflag:s19] =	ssyncadd.s32 $0xFFFFFD80  }
0x30b: {  	[tilespmem:s14], [sflag:$0x2] =	stream.indirect.gather [hbm4b:s4+s21], $0x10, s0, s21, $0xb8;
	[tilespmem:$0x1E200] =	vst v63  }
0x30c: {  	s7 =	simm.s32 $0x300;
	s17 =	simm.s32 $0x3A00  }
0x30d: {  	[tilespmem:s17], [sflag:$0x2] =	stream.indirect.gather [hbm4b:s4+s21], $0x10, s7, s21, $0xb8;
	[tilespmem:$0x1E200] =	vst v63  }
0x30e: {  	s10 =	simm.s32 $0x380;
	s20 =	simm.s32 $0x4200  }
0x30f: {  	[tilespmem:s20], [sflag:$0x2] =	stream.indirect.gather [hbm4b:s4+s21], $0x10, s10, s21, $0xb8;
	[tilespmem:$0x1E200] =	vst v63  }
0x310: {  	s29 =	simm.s32 $0x400;
	s10 =	simm.s32 $0x4A00  }
0x311: {  	[tilespmem:s10], [sflag:$0x2] =	stream.indirect.gather [hbm4b:s4+s21], $0x10, s29, s21, $0xb8;
	[tilespmem:$0x1E200] =	vst v63  }
0x312: {  	s7 =	simm.s32 $0x480  }
0x313: {  	[tilespmem:s22], [sflag:$0x2] =	stream.indirect.gather [hbm4b:s4+s21], $0x10, s7, s21, $0xb8;
	[tilespmem:$0x1E200] =	vst v63  }
0x314: {  	_ =	swait.ge [sflag:s12], $0x800  }
0x315: {  	[sflag:s12] =	ssyncset.done $0x0  }
0x316: {  	[sflag:s12] =	ssyncadd.s32 $0xFFFFF800  }
0x317: {  	_ =	swait.ge [sflag:s12], $0x800  }
0x318: {  	[sflag:s12] =	ssyncset.done $0x0  }
0x319: {  	[sflag:s12] =	ssyncadd.s32 $0xFFFFF800  }
0x31a: {  	_ =	swait.ge [sflag:s12], $0x800  }
0x31b: {  	[sflag:s12] =	ssyncset.done $0x0  }
0x31c: {  	[sflag:s12] =	ssyncadd.s32 $0xFFFFF800  }
0x31d: {  	_ =	swait.ge [sflag:s12], $0x800  }
0x31e: {  	[sflag:s12] =	ssyncset.done $0x0  }
0x31f: {  	[sflag:s12] =	ssyncadd.s32 $0xFFFFF800  }
0x320: {  	_ =	swait.ge [sflag:s12], $0x800  }
0x321: {  	[sflag:s12] =	ssyncset.done $0x0  }
0x322: {  	s16 =	simm.s32 $0x500;
	[sflag:s12] =	ssyncadd.s32 $0xFFFFF800  }
0x323: {  	[spmem:s2] =	stream.indirect.scatter.add.f32 [tilespmem:s23], [sflag:$0x3], $0x10, s16, s21, $0xb8;
	[tilespmem:$0x1E200] =	vst v63  }
0x324: {  	s7 =	simm.s32 $0x580  }
0x325: {  	[spmem:s2] =	stream.indirect.scatter.add.f32 [tilespmem:s8], [sflag:$0x3], $0x10, s7, s21, $0xb8;
	[tilespmem:$0x1E200] =	vst v63  }
0x326: {  	s29 =	simm.s32 $0x600  }
0x327: {  	[spmem:s2] =	stream.indirect.scatter.add.f32 [tilespmem:s28], [sflag:$0x3], $0x10, s29, s21, $0xb8;
	[tilespmem:$0x1E200] =	vst v63  }
0x328: {  	s29 =	simm.s32 $0x680  }
0x329: {  	[spmem:s2] =	stream.indirect.scatter.add.f32 [tilespmem:s30], [sflag:$0x3], $0x10, s29, s21, $0xb8;
	[tilespmem:$0x1E200] =	vst v63  }
0x32a: {  	s7 =	simm.s32 $0x2A00  }
0x32b: {  	[spmem:s2] =	stream.indirect.scatter.add.f32 [tilespmem:s7], [sflag:$0x3], $0x10, s6, s21, $0xb8;
	[tilespmem:$0x1E200] =	vst v63  }
0x32c: {  	_ =	swait.ge [sflag:s24], $0x800  }
0x32d: {  	[sflag:s24] =	ssyncset.done $0x0  }
0x32e: {  	[sflag:s24] =	ssyncadd.s32 $0xFFFFF800  }
0x32f: {  	_ =	swait.ge [sflag:s24], $0x800  }
0x330: {  	[sflag:s24] =	ssyncset.done $0x0  }
0x331: {  	[sflag:s24] =	ssyncadd.s32 $0xFFFFF800  }
0x332: {  	_ =	swait.ge [sflag:s24], $0x800  }
0x333: {  	[sflag:s24] =	ssyncset.done $0x0  }
0x334: {  	[sflag:s24] =	ssyncadd.s32 $0xFFFFF800  }
0x335: {  	_ =	swait.ge [sflag:s24], $0x800  }
0x336: {  	[sflag:s24] =	ssyncset.done $0x0  }
0x337: {  	[sflag:s24] =	ssyncadd.s32 $0xFFFFF800  }
0x338: {  	_ =	swait.ge [sflag:s24], $0x800  }
0x339: {  	[sflag:s24] =	ssyncset.done $0x0  }
0x33a: {  	s15 =	sadd.s32 $0xA0, s15;
	[sflag:s24] =	ssyncadd.s32 $0xFFFFF800  }
0x33b: {  	[tilespmem:s3], [sflag:$0x5] =	stream.linear.gather [hbm4b:s15+s3], $0x280, $0x38;
	[tilespmem:$0x1E200] =	vst v63  }
0x33c: {  	_ =	swait.ge [sflag:s19], $0x280  }
0x33d: {  	[sflag:s19] =	ssyncset.done $0x0  }
0x33e: {  	s11 =	sadd.s32 $0xA0, s11;
	[sflag:s19] =	ssyncadd.s32 $0xFFFFFD80  }
0x33f: {  	[tilespmem:s16], [sflag:$0x5] =	stream.linear.gather [hbm4b:s11+s3], $0x280, $0x38;
	[tilespmem:$0x1E200] =	vst v63  }
0x340: {  	_ =	swait.ge [sflag:s19], $0x280  }
0x341: {  	[sflag:s19] =	ssyncset.done $0x0  }
0x342: {  	[sflag:s19] =	ssyncadd.s32 $0xFFFFFD80  }
0x343: {  	[tilespmem:s23], [sflag:$0x1] =	stream.indirect.gather [hbm4b:s4+s21], $0x10, s3, s21, $0xb8;
	[tilespmem:$0x1E200] =	vst v63  }
0x344: {  	_ = 	snop  }
0x345: {  	[tilespmem:s8], [sflag:$0x1] =	stream.indirect.gather [hbm4b:s4+s21], $0x10, s21, s21, $0xb8;
	[tilespmem:$0x1E200] =	vst v63  }
0x346: {  	s15 =	simm.s32 $0x100  }
0x347: {  	[tilespmem:s28], [sflag:$0x1] =	stream.indirect.gather [hbm4b:s4+s21], $0x10, s15, s21, $0xb8;
	[tilespmem:$0x1E200] =	vst v63  }
0x348: {  	s16 =	simm.s32 $0x180  }
0x349: {  	[tilespmem:s30], [sflag:$0x1] =	stream.indirect.gather [hbm4b:s4+s21], $0x10, s16, s21, $0xb8;
	[tilespmem:$0x1E200] =	vst v63  }
0x34a: {  	s29 =	simm.s32 $0x200  }
0x34b: {  	[tilespmem:s7], [sflag:$0x1] =	stream.indirect.gather [hbm4b:s4+s21], $0x10, s29, s21, $0xb8;
	[tilespmem:$0x1E200] =	vst v63  }
0x34c: {  	_ =	swait.ge [sflag:s26], $0x800  }
0x34d: {  	[sflag:s26] =	ssyncset.done $0x0  }
0x34e: {  	[sflag:s26] =	ssyncadd.s32 $0xFFFFF800  }
0x34f: {  	_ =	swait.ge [sflag:s26], $0x800  }
0x350: {  	[sflag:s26] =	ssyncset.done $0x0  }
0x351: {  	[sflag:s26] =	ssyncadd.s32 $0xFFFFF800  }
0x352: {  	_ =	swait.ge [sflag:s26], $0x800  }
0x353: {  	[sflag:s26] =	ssyncset.done $0x0  }
0x354: {  	[sflag:s26] =	ssyncadd.s32 $0xFFFFF800  }
0x355: {  	_ =	swait.ge [sflag:s26], $0x800  }
0x356: {  	[sflag:s26] =	ssyncset.done $0x0  }
0x357: {  	[sflag:s26] =	ssyncadd.s32 $0xFFFFF800  }
0x358: {  	_ =	swait.ge [sflag:s26], $0x800  }
0x359: {  	[sflag:s26] =	ssyncset.done $0x0  }
0x35a: {  	[sflag:s26] =	ssyncadd.s32 $0xFFFFF800  }
0x35b: {  	[spmem:s2] =	stream.indirect.scatter.add.f32 [tilespmem:s14], [sflag:$0x4], $0x10, s5, s21, $0xb8;
	[tilespmem:$0x1E200] =	vst v63  }
0x35c: {  	_ = 	snop  }
0x35d: {  	[spmem:s2] =	stream.indirect.scatter.add.f32 [tilespmem:s17], [sflag:$0x4], $0x10, s13, s21, $0xb8;
	[tilespmem:$0x1E200] =	vst v63  }
0x35e: {  	s31 =	simm.s32 $0x100;
	s11 =	simm.s32 $0x780  }
0x35f: {  	[spmem:s2] =	stream.indirect.scatter.add.f32 [tilespmem:s20], [sflag:$0x4], $0x10, s25, s21, $0xb8;
	[tilespmem:$0x1E200] =	vst v63  }
.Ltmp6:
0x360: {  	s7 =	simm.s32 $0x3A00;
	s16 =	rddreg [dreg:$0x6];
	(pc) =	sbr.rel .LBB2_8-.Ltmp6, $4  }
0x361: {  	[spmem:s2] =	stream.indirect.scatter.add.f32 [tilespmem:s10], [sflag:$0x4], $0x10, s1, s21, $0xb8;
	[tilespmem:$0x1E200] =	vst v63  }
0x362: {  	s14 =	simm.s32 $0x4200;
	s5 =	rddreg [dreg:$0x11];
	s17 =	simm.s32 $0x3200  }
0x363: {  	[spmem:s2] =	stream.indirect.scatter.add.f32 [tilespmem:s22], [sflag:$0x4], $0x10, s9, s21, $0xb8;
	[tilespmem:$0x1E200] =	vst v63  }
0x364: {  	s20 =	simm.s32 $0x500;
	s10 =	rddreg [dreg:$0x8];
	s22 =	simm.s32 $0x200  }
.LBB2_9:
0x365: {  	_ =	sfence.sel $0x180000  }
0x366: {  	[bflag:$0x0] =	sbarrier.arrive $0xFFFF  }
0x367: {  	_ =	strace $0x90000047  }
0x368: {  	s0 =	stileid.u32;
	[bflag:$0x2] =	sbarrier.arrive $0xFFFF  }
0x369: {  	p0 =	sne.s32 s0, $0x0;
	s0 =	rddreg [dreg:$0x2]  }
0x36a: {  	s0 =	sadd.s32 @!p0 $0x100000, s0  }
0x36b: {  	[sflag:s0] =	ssyncadd.tile.s32 @!p0 $0x1;
	_ =	shalt  }
.Lfunc_end2:
_tile_overlayer_lowered:
.L_overlay_start_2:
0x36c: {  	(tag) =	ssettag $0x2  }
0x36d: {  	s0 =	rddreg [dreg:$0x0];
	s2 =	stileid.u32  }
0x36e: {  	s1 =	rddreg [dreg:$0x1];
	p0 =	sne.s32 s2, $0x0  }
0x36f: {  	s3 =	rddreg [dreg:$0x2];
	[bflag:$0x3] =	sbarrier.arrive $0xFFFF;
	s2 =	simm.s32 @!p0 $0x1C05  }
0x370: {  	[timem:s3], [sflag:s2] =	dma.local @!p0 [hbm:s0], s1  }
0x371: {  	s0 =	simm.s32 @!p0 $0x5  }
0x372: {  	_ =	swait.ge @!p0 [sflag:s0], s1  }
0x373: {  	s1 =	ssub.s32 @!p0 $0x0, s1;
	[sflag:s0] =	ssyncset.done @!p0 $0x0  }
0x374: {  	[sflag:s0] =	ssyncadd.s32 @!p0 s1  }
0x375: {  	[bflag:$0x3] =	sbarrier.arrive $0xFFFF  }
0x376: {  	_ =	shalt  }

</sc_bundles>
